<compile_context>
chip_gen: v7x
topology: tpu7x:2x2x1
jax: 0.10.2.dev20260603
libtpu: 0.0.44.dev20260713+nightly
codegen_flags: <defaults>
</compile_context>

<pallas_src>
import functools

import jax
import jax.numpy as jnp
from jax import lax
from jax.experimental import pallas as pl
from jax.experimental.pallas import tpu as pltpu
from jax.experimental.pallas import tpu_sc as plsc

N_NODES = 10000
N_EDGES = 320000
D_FEAT = 128
LANES = 16
NUM_CORES = 2
NUM_SUBCORES = 16
NUM_TILES = NUM_CORES * NUM_SUBCORES
DH = D_FEAT // 2
EDGES_PER_TILE = N_EDGES // NUM_TILES
CHUNK = 32
NCH = 314
EPT_PAD = NCH * CHUNK
PAD = EPT_PAD - EDGES_PER_TILE
ROWS_PER_TILE = 624
SLOPE = 0.5
HI_MASK = -65536


def _sc_body(row_hbm, col_hbm, val_hbm, emb_hbm, out_hbm,
             col0, col1, row0, row1, val0, val1, rows0, rows1, scl, semb, acc,
             gsem0, gsem1, isem0, isem1, csem0, csem1):
    c = lax.axis_index("c")
    s = lax.axis_index("s")
    wid = c * NUM_SUBCORES + s
    ebase = wid * EPT_PAD
    rows_b = (rows0, rows1)
    col_b = (col0, col1)
    row_b = (row0, row1)
    val_b = (val0, val1)
    gsem_b = (gsem0, gsem1)
    isem_b = (isem0, isem1)
    csem_b = (csem0, csem1)
    rbase = s * ROWS_PER_TILE
    body = NUM_SUBCORES * ROWS_PER_TILE
    rem = N_NODES - body
    last = NUM_SUBCORES - 1

    pltpu.sync_copy(emb_hbm.at[pl.ds(rbase, ROWS_PER_TILE)],
                    semb.at[pl.ds(rbase, ROWS_PER_TILE)])
    @pl.when(s == last)
    def _stage_rem():
        pltpu.sync_copy(emb_hbm.at[pl.ds(body, rem)], semb.at[pl.ds(body, rem)])

    def _zero_z(i, _):
        for j in range(D_FEAT // LANES):
            scl[i, pl.ds(j * LANES, LANES)] = jnp.zeros((LANES,), jnp.float32)
        return 0
    lax.fori_loop(0, CHUNK, _zero_z, 0)
    for t in range(ROWS_PER_TILE // CHUNK):
        pltpu.sync_copy(scl, acc.at[pl.ds(rbase + t * CHUNK, CHUNK)])
    t_rem = ROWS_PER_TILE - (ROWS_PER_TILE // CHUNK) * CHUNK
    pltpu.sync_copy(scl.at[pl.ds(0, t_rem)],
                    acc.at[pl.ds(rbase + ROWS_PER_TILE - t_rem, t_rem)])
    @pl.when(s == last)
    def _zero_rem():
        pltpu.sync_copy(scl.at[pl.ds(0, rem)], acc.at[pl.ds(body, rem)])
    plsc.subcore_barrier()

    def _issue_col(k, b):
        pltpu.async_copy(col_hbm.at[pl.ds(ebase + k * CHUNK, CHUNK)],
                         col_b[b], csem_b[b])

    def _wait_col(k, b):
        pltpu.make_async_copy(col_hbm.at[pl.ds(ebase + k * CHUNK, CHUNK)],
                              col_b[b], csem_b[b]).wait()

    def _issue(k, b):
        pltpu.async_copy(semb.at[col_b[b]], rows_b[b], gsem_b[b])
        pltpu.async_copy(row_hbm.at[pl.ds(ebase + k * CHUNK, CHUNK)],
                         row_b[b], isem_b[b])
        pltpu.async_copy(val_hbm.at[pl.ds(ebase + k * CHUNK, CHUNK)],
                         val_b[b], isem_b[b])

    def _wait(k, b):
        pltpu.make_async_copy(semb.at[col_b[b]], rows_b[b], gsem_b[b]).wait()
        pltpu.make_async_copy(row_hbm.at[pl.ds(ebase + k * CHUNK, CHUNK)],
                              row_b[b], isem_b[b]).wait()
        pltpu.make_async_copy(val_hbm.at[pl.ds(ebase + k * CHUNK, CHUNK)],
                              val_b[b], isem_b[b]).wait()

    def _unpack_scale(b):
        rowsb = rows_b[b]
        valb = val_b[b]

        def _group(g, _):
            val16 = valb[pl.ds(g * LANES, LANES)]
            for e_loc in range(LANES):
                bvec = jnp.take_along_axis(
                    val16, jnp.full((LANES,), e_loc, jnp.int32), axis=0)
                e = g * LANES + e_loc
                for j in range(DH // LANES):
                    w = rowsb[e, pl.ds(j * LANES, LANES)]
                    lo = lax.bitcast_convert_type(w << 16, jnp.float32)
                    hi = lax.bitcast_convert_type(w & jnp.int32(HI_MASK), jnp.float32)
                    scl[e, pl.ds(j * LANES, LANES)] = lo * bvec
                    scl[e, pl.ds(DH + j * LANES, LANES)] = hi * bvec
            return 0
        lax.fori_loop(0, CHUNK // LANES, _group, 0)

    _issue_col(0, 0)
    _issue_col(1, 1)
    _wait_col(0, 0)
    _issue(0, 0)

    def _pair(i, _):
        for b in range(2):
            k = i * 2 + b
            _wait(k, b)

            @pl.when(k + 2 < NCH)
            def _prefetch_col():
                _issue_col(k + 2, b)

            @pl.when(k + 1 < NCH)
            def _prefetch():
                _wait_col(k + 1, 1 - b)
                _issue(k + 1, 1 - b)
            _unpack_scale(b)
            pltpu.sync_copy(scl, acc.at[row_b[b]], add=True)
        return 0
    lax.fori_loop(0, NCH // 2, _pair, 0)
    plsc.subcore_barrier()

    pltpu.sync_copy(acc.at[pl.ds(rbase, ROWS_PER_TILE)],
                    out_hbm.at[c, pl.ds(rbase, ROWS_PER_TILE)])
    @pl.when(s == last)
    def _write_rem():
        pltpu.sync_copy(acc.at[pl.ds(body, rem)], out_hbm.at[c, pl.ds(body, rem)])


@functools.partial(
    pl.kernel,
    out_type=jax.ShapeDtypeStruct((NUM_CORES, N_NODES, D_FEAT), jnp.float32),
    mesh=plsc.VectorSubcoreMesh(core_axis_name="c", subcore_axis_name="s"),
    compiler_params=pltpu.CompilerParams(use_tc_tiling_on_sc=False),
    scratch_types=[
        pltpu.VMEM((CHUNK,), jnp.int32),
        pltpu.VMEM((CHUNK,), jnp.int32),
        pltpu.VMEM((CHUNK,), jnp.int32),
        pltpu.VMEM((CHUNK,), jnp.int32),
        pltpu.VMEM((CHUNK,), jnp.float32),
        pltpu.VMEM((CHUNK,), jnp.float32),
        pltpu.VMEM((CHUNK, DH), jnp.int32),
        pltpu.VMEM((CHUNK, DH), jnp.int32),
        pltpu.VMEM((CHUNK, D_FEAT), jnp.float32),
        pltpu.VMEM_SHARED((N_NODES, DH), jnp.int32),
        pltpu.VMEM_SHARED((N_NODES, D_FEAT), jnp.float32),
        pltpu.SemaphoreType.DMA,
        pltpu.SemaphoreType.DMA,
        pltpu.SemaphoreType.DMA,
        pltpu.SemaphoreType.DMA,
        pltpu.SemaphoreType.DMA,
        pltpu.SemaphoreType.DMA,
    ],
)
def _sc_spmm(row_hbm, col_hbm, val_hbm, emb_hbm, out_hbm, *scratch):
    _sc_body(row_hbm, col_hbm, val_hbm, emb_hbm, out_hbm, *scratch)


def _combine_body(p_ref, o_ref):
    x = p_ref[0] + p_ref[1]
    o_ref[...] = jnp.where(x >= 0, x, SLOPE * x)


def _combine(partials):
    blk = 1000
    return pl.pallas_call(
        _combine_body,
        grid=(N_NODES // blk,),
        in_specs=[pl.BlockSpec((NUM_CORES, blk, D_FEAT), lambda i: (0, i, 0))],
        out_specs=pl.BlockSpec((blk, D_FEAT), lambda i: (i, 0)),
        out_shape=jax.ShapeDtypeStruct((N_NODES, D_FEAT), jnp.float32),
    )(partials)


def kernel(adj_indices, adj_values, embeds):
    idx = adj_indices.astype(jnp.int32)
    pad2 = ((0, 0), (0, PAD))
    row1 = jnp.pad(idx[0].reshape(NUM_TILES, EDGES_PER_TILE), pad2).reshape(-1)
    col1 = jnp.pad(idx[1].reshape(NUM_TILES, EDGES_PER_TILE), pad2).reshape(-1)
    val1 = jnp.pad(adj_values.reshape(NUM_TILES, EDGES_PER_TILE), pad2).reshape(-1)
    embp = embeds.reshape(N_NODES, 2, DH).transpose(0, 2, 1).astype(jnp.bfloat16)
    embi = jax.lax.bitcast_convert_type(embp, jnp.int32)
    partials = _sc_spmm(row1, col1, val1, embi)
    return _combine(partials)

# --- scband reference (transcript-rebuilt; emitter-appended) ---
"""Pipeline reference for scband-gcnlayer-48541720379661 (READ-ONLY COPY).

The authoritative reference and input builder live on the scoring server;
editing this copy changes nothing except your own understanding.
"""

import jax, jax.numpy as jnp
import numpy as np

N_NODES = 10000
N_EDGES = 320000
D_FEAT = 128
LEAKY_SLOPE = 0.5


def setup_inputs(seed: int = 0) -> dict:
    key = jax.random.key(seed)
    k1, k2, k3 = jax.random.split(key, 3)
    adj_indices = jax.random.randint(k1, (2, N_EDGES), 0, N_NODES)
    adj_values = jax.random.uniform(k2, (N_EDGES,), dtype=jnp.float32)
    embeds = jax.random.normal(k3, (N_NODES, D_FEAT), dtype=jnp.float32)
    return {"adj_indices": adj_indices, "adj_values": adj_values, "embeds": embeds}


def reference(adj_indices, adj_values, embeds):
    # torch: index, value = coalesce(idxs, vals, m, n); spmm(index, value, m, n, embeds)
    # coalesce sums duplicate (row, col) entries; spmm then does
    #   out[r] += value[e] * embeds[col[e]] for each edge e with row[e] == r.
    # Summing duplicates first and then scatter-adding is identical to directly
    # scatter-adding every edge contribution, so segment_sum over raw edges is
    # mathematically faithful.
    row = adj_indices[0]
    col = adj_indices[1]
    gathered = jnp.take(embeds, col, axis=0) * adj_values[:, None]
    out = jax.ops.segment_sum(gathered, row, num_segments=embeds.shape[0])
    # LeakyReLU with negative_slope=0.5
    return jnp.where(out >= 0, out, LEAKY_SLOPE * out)

if __name__ == "__main__":
    import jax
    _d = setup_inputs()
    print(jax.jit(kernel)(*tuple(_d.values())))

</pallas_src>

<mosaic_0001>
#map = affine_map<(d0, d1) -> (0)>
#map1 = affine_map<(d0, d1) -> (0, 0)>
#map2 = affine_map<(d0, d1) -> (0, 0, 0)>
module attributes {stable_mosaic.version = 14 : i64} {
  func.func @_sc_spmm(%arg0: i32, %arg1: i32, %arg2: memref<321536xi32, #tpu.memory_space<hbm>>, %arg3: memref<321536xi32, #tpu.memory_space<hbm>>, %arg4: memref<321536xf32, #tpu.memory_space<hbm>>, %arg5: memref<10000x64xi32, #tpu.memory_space<hbm>>, %arg6: memref<2x10000x128xf32, #tpu.memory_space<hbm>>, %arg7: memref<32xi32, #tpu.memory_space<vmem>>, %arg8: memref<32xi32, #tpu.memory_space<vmem>>, %arg9: memref<32xi32, #tpu.memory_space<vmem>>, %arg10: memref<32xi32, #tpu.memory_space<vmem>>, %arg11: memref<32xf32, #tpu.memory_space<vmem>>, %arg12: memref<32xf32, #tpu.memory_space<vmem>>, %arg13: memref<32x64xi32, #tpu.memory_space<vmem>>, %arg14: memref<32x64xi32, #tpu.memory_space<vmem>>, %arg15: memref<32x128xf32, #tpu.memory_space<vmem>>, %arg16: memref<10000x64xi32, #tpu.memory_space<vmem_shared>>, %arg17: memref<10000x128xf32, #tpu.memory_space<vmem_shared>>, %arg18: memref<!tpu.dma_semaphore, #tpu.memory_space<semaphore_mem>>, %arg19: memref<!tpu.dma_semaphore, #tpu.memory_space<semaphore_mem>>, %arg20: memref<!tpu.dma_semaphore, #tpu.memory_space<semaphore_mem>>, %arg21: memref<!tpu.dma_semaphore, #tpu.memory_space<semaphore_mem>>, %arg22: memref<!tpu.dma_semaphore, #tpu.memory_space<semaphore_mem>>, %arg23: memref<!tpu.dma_semaphore, #tpu.memory_space<semaphore_mem>>) attributes {dimension_semantics = [#tpu.dimension_semantics<core_parallel>, #tpu.dimension_semantics<subcore_parallel>], iteration_bounds = array<i64: 2, 16>, scalar_prefetch = 0 : i64, scratch_operands = 17 : i64, tpu.core_type = #tpu.core_type<sc_vector_subcore>, window_params = [{transform_indices = #map}, {transform_indices = #map}, {transform_indices = #map}, {transform_indices = #map1}, {transform_indices = #map2}]} {
    %mul3A = arith.constant 16 : i32
    %mul3A_0 = arith.muli %arg0, %mul3A : i32
    %add3A = arith.addi %mul3A_0, %arg1 : i32
    %mul3A_1 = arith.constant 10048 : i32
    %mul3A_2 = arith.muli %add3A, %mul3A_1 : i32
    %mul3A_3 = arith.constant 624 : i32
    %mul3A_4 = arith.muli %arg1, %mul3A_3 : i32
    "tpu.region"() ({
      %run_scoped3A = tpu.sem_alloc : memref<!tpu.dma_semaphore, #tpu.memory_space<semaphore_mem>>
      %dma_start3A_93 = arith.constant 0 : i32
      %dma_start3A_94 = tpu.memref_slice %arg16[%mul3A_4, %dma_start3A_93] : memref<10000x64xi32, #tpu.memory_space<vmem_shared>> -> memref<624x64xi32, #tpu.memory_space<vmem_shared>>
      %dma_start3A_95 = arith.constant 0 : i32
      %dma_start3A_96 = tpu.memref_slice %arg5[%mul3A_4, %dma_start3A_95] : memref<10000x64xi32, #tpu.memory_space<hbm>> -> memref<624x64xi32, #tpu.memory_space<hbm>>
      tpu.enqueue_dma source(%dma_start3A_96 : memref<624x64xi32, #tpu.memory_space<hbm>>) target(%dma_start3A_94 : memref<624x64xi32, #tpu.memory_space<vmem_shared>>) target_semaphore(%run_scoped3A : memref<!tpu.dma_semaphore, #tpu.memory_space<semaphore_mem>>)
      %dma_wait3A_97 = arith.constant 0 : i32
      %dma_wait3A_98 = tpu.memref_slice %arg16[%mul3A_4, %dma_wait3A_97] : memref<10000x64xi32, #tpu.memory_space<vmem_shared>> -> memref<624x64xi32, #tpu.memory_space<vmem_shared>>
      %dma_wait3A_99 = arith.constant 0 : i32
      %dma_wait3A_100 = tpu.memref_slice %arg5[%mul3A_4, %dma_wait3A_99] : memref<10000x64xi32, #tpu.memory_space<hbm>> -> memref<624x64xi32, #tpu.memory_space<hbm>>
      tpu.wait_dma2 semaphore(%run_scoped3A : memref<!tpu.dma_semaphore, #tpu.memory_space<semaphore_mem>>) src(%dma_wait3A_100 : memref<624x64xi32, #tpu.memory_space<hbm>>) dst(%dma_wait3A_98 : memref<624x64xi32, #tpu.memory_space<vmem_shared>>)
      tpu.yield
    }) : () -> ()
    %eq3A = arith.constant 15 : i32
    %eq3A_5 = arith.cmpi eq, %arg1, %eq3A : i32
    %convert_element_type3A = arith.extui %eq3A_5 : i1 to i32
    %cond3A = arith.constant 0 : i32
    %cond3A_6 = arith.cmpi ne, %convert_element_type3A, %cond3A : i32
    scf.if %cond3A_6 {
      "tpu.region"() ({
        %run_scoped3A = tpu.sem_alloc : memref<!tpu.dma_semaphore, #tpu.memory_space<semaphore_mem>>
        %dma_start3A_93 = arith.constant 9984 : i32
        %dma_start3A_94 = arith.constant 0 : i32
        %dma_start3A_95 = tpu.memref_slice %arg16[%dma_start3A_93, %dma_start3A_94] : memref<10000x64xi32, #tpu.memory_space<vmem_shared>> -> memref<16x64xi32, #tpu.memory_space<vmem_shared>>
        %dma_start3A_96 = arith.constant 9984 : i32
        %dma_start3A_97 = arith.constant 0 : i32
        %dma_start3A_98 = tpu.memref_slice %arg5[%dma_start3A_96, %dma_start3A_97] : memref<10000x64xi32, #tpu.memory_space<hbm>> -> memref<16x64xi32, #tpu.memory_space<hbm>>
        tpu.enqueue_dma source(%dma_start3A_98 : memref<16x64xi32, #tpu.memory_space<hbm>>) target(%dma_start3A_95 : memref<16x64xi32, #tpu.memory_space<vmem_shared>>) target_semaphore(%run_scoped3A : memref<!tpu.dma_semaphore, #tpu.memory_space<semaphore_mem>>)
        %dma_wait3A_99 = arith.constant 9984 : i32
        %dma_wait3A_100 = arith.constant 0 : i32
        %dma_wait3A_101 = tpu.memref_slice %arg16[%dma_wait3A_99, %dma_wait3A_100] : memref<10000x64xi32, #tpu.memory_space<vmem_shared>> -> memref<16x64xi32, #tpu.memory_space<vmem_shared>>
        %dma_wait3A_102 = arith.constant 9984 : i32
        %dma_wait3A_103 = arith.constant 0 : i32
        %dma_wait3A_104 = tpu.memref_slice %arg5[%dma_wait3A_102, %dma_wait3A_103] : memref<10000x64xi32, #tpu.memory_space<hbm>> -> memref<16x64xi32, #tpu.memory_space<hbm>>
        tpu.wait_dma2 semaphore(%run_scoped3A : memref<!tpu.dma_semaphore, #tpu.memory_space<semaphore_mem>>) src(%dma_wait3A_104 : memref<16x64xi32, #tpu.memory_space<hbm>>) dst(%dma_wait3A_101 : memref<16x64xi32, #tpu.memory_space<vmem_shared>>)
        tpu.yield
      }) : () -> ()
    } else {
    }
    %scan3A = arith.constant 0 : i32
    %scan3A_7 = arith.constant 0 : i32
    %scan3A_8 = arith.constant 32 : i32
    %scan3A_9 = arith.addi %scan3A_7, %scan3A_8 : i32
    %scan3A_10 = arith.constant 1 : i32
    %scan3A_11 = scf.for %scan3A_93 = %scan3A_7 to %scan3A_9 step %scan3A_10 iter_args(%scan3A_94 = %scan3A) -> (i32)  : i32 {
      %broadcast_in_dim3A = arith.constant 0.000000e+00 : f32
      %broadcast_in_dim3A_95 = vector.broadcast %broadcast_in_dim3A : f32 to vector<16xf32>
      %swap3A = arith.index_cast %scan3A_93 : i32 to index
      %swap3A_96 = arith.constant 0 : index
      %swap3A_97 = tpu.vector_load %arg15[%swap3A, %swap3A_96] {strides = array<i32>} : memref<32x128xf32, #tpu.memory_space<vmem>>, vector<1x16xf32>,
      %swap3A_98 = vector.shape_cast %swap3A_97 : vector<1x16xf32> to vector<16xf32>
      %swap3A_99 = vector.shape_cast %broadcast_in_dim3A_95 : vector<16xf32> to vector<1x16xf32>
      tpu.vector_store %arg15[%swap3A, %swap3A_96], %swap3A_99 {strides = array<i32>} : memref<32x128xf32, #tpu.memory_space<vmem>>, vector<1x16xf32>,
      %broadcast_in_dim3A_100 = arith.constant 0.000000e+00 : f32
      %broadcast_in_dim3A_101 = vector.broadcast %broadcast_in_dim3A_100 : f32 to vector<16xf32>
      %swap3A_102 = arith.index_cast %scan3A_93 : i32 to index
      %swap3A_103 = arith.constant 16 : index
      %swap3A_104 = tpu.vector_load %arg15[%swap3A_102, %swap3A_103] {strides = array<i32>} : memref<32x128xf32, #tpu.memory_space<vmem>>, vector<1x16xf32>,
      %swap3A_105 = vector.shape_cast %swap3A_104 : vector<1x16xf32> to vector<16xf32>
      %swap3A_106 = vector.shape_cast %broadcast_in_dim3A_101 : vector<16xf32> to vector<1x16xf32>
      tpu.vector_store %arg15[%swap3A_102, %swap3A_103], %swap3A_106 {strides = array<i32>} : memref<32x128xf32, #tpu.memory_space<vmem>>, vector<1x16xf32>,
      %broadcast_in_dim3A_107 = arith.constant 0.000000e+00 : f32
      %broadcast_in_dim3A_108 = vector.broadcast %broadcast_in_dim3A_107 : f32 to vector<16xf32>
      %swap3A_109 = arith.index_cast %scan3A_93 : i32 to index
      %swap3A_110 = arith.constant 32 : index
      %swap3A_111 = tpu.vector_load %arg15[%swap3A_109, %swap3A_110] {strides = array<i32>} : memref<32x128xf32, #tpu.memory_space<vmem>>, vector<1x16xf32>,
      %swap3A_112 = vector.shape_cast %swap3A_111 : vector<1x16xf32> to vector<16xf32>
      %swap3A_113 = vector.shape_cast %broadcast_in_dim3A_108 : vector<16xf32> to vector<1x16xf32>
      tpu.vector_store %arg15[%swap3A_109, %swap3A_110], %swap3A_113 {strides = array<i32>} : memref<32x128xf32, #tpu.memory_space<vmem>>, vector<1x16xf32>,
      %broadcast_in_dim3A_114 = arith.constant 0.000000e+00 : f32
      %broadcast_in_dim3A_115 = vector.broadcast %broadcast_in_dim3A_114 : f32 to vector<16xf32>
      %swap3A_116 = arith.index_cast %scan3A_93 : i32 to index
      %swap3A_117 = arith.constant 48 : index
      %swap3A_118 = tpu.vector_load %arg15[%swap3A_116, %swap3A_117] {strides = array<i32>} : memref<32x128xf32, #tpu.memory_space<vmem>>, vector<1x16xf32>,
      %swap3A_119 = vector.shape_cast %swap3A_118 : vector<1x16xf32> to vector<16xf32>
      %swap3A_120 = vector.shape_cast %broadcast_in_dim3A_115 : vector<16xf32> to vector<1x16xf32>
      tpu.vector_store %arg15[%swap3A_116, %swap3A_117], %swap3A_120 {strides = array<i32>} : memref<32x128xf32, #tpu.memory_space<vmem>>, vector<1x16xf32>,
      %broadcast_in_dim3A_121 = arith.constant 0.000000e+00 : f32
      %broadcast_in_dim3A_122 = vector.broadcast %broadcast_in_dim3A_121 : f32 to vector<16xf32>
      %swap3A_123 = arith.index_cast %scan3A_93 : i32 to index
      %swap3A_124 = arith.constant 64 : index
      %swap3A_125 = tpu.vector_load %arg15[%swap3A_123, %swap3A_124] {strides = array<i32>} : memref<32x128xf32, #tpu.memory_space<vmem>>, vector<1x16xf32>,
      %swap3A_126 = vector.shape_cast %swap3A_125 : vector<1x16xf32> to vector<16xf32>
      %swap3A_127 = vector.shape_cast %broadcast_in_dim3A_122 : vector<16xf32> to vector<1x16xf32>
      tpu.vector_store %arg15[%swap3A_123, %swap3A_124], %swap3A_127 {strides = array<i32>} : memref<32x128xf32, #tpu.memory_space<vmem>>, vector<1x16xf32>,
      %broadcast_in_dim3A_128 = arith.constant 0.000000e+00 : f32
      %broadcast_in_dim3A_129 = vector.broadcast %broadcast_in_dim3A_128 : f32 to vector<16xf32>
      %swap3A_130 = arith.index_cast %scan3A_93 : i32 to index
      %swap3A_131 = arith.constant 80 : index
      %swap3A_132 = tpu.vector_load %arg15[%swap3A_130, %swap3A_131] {strides = array<i32>} : memref<32x128xf32, #tpu.memory_space<vmem>>, vector<1x16xf32>,
      %swap3A_133 = vector.shape_cast %swap3A_132 : vector<1x16xf32> to vector<16xf32>
      %swap3A_134 = vector.shape_cast %broadcast_in_dim3A_129 : vector<16xf32> to vector<1x16xf32>
      tpu.vector_store %arg15[%swap3A_130, %swap3A_131], %swap3A_134 {strides = array<i32>} : memref<32x128xf32, #tpu.memory_space<vmem>>, vector<1x16xf32>,
      %broadcast_in_dim3A_135 = arith.constant 0.000000e+00 : f32
      %broadcast_in_dim3A_136 = vector.broadcast %broadcast_in_dim3A_135 : f32 to vector<16xf32>
      %swap3A_137 = arith.index_cast %scan3A_93 : i32 to index
      %swap3A_138 = arith.constant 96 : index
      %swap3A_139 = tpu.vector_load %arg15[%swap3A_137, %swap3A_138] {strides = array<i32>} : memref<32x128xf32, #tpu.memory_space<vmem>>, vector<1x16xf32>,
      %swap3A_140 = vector.shape_cast %swap3A_139 : vector<1x16xf32> to vector<16xf32>
      %swap3A_141 = vector.shape_cast %broadcast_in_dim3A_136 : vector<16xf32> to vector<1x16xf32>
      tpu.vector_store %arg15[%swap3A_137, %swap3A_138], %swap3A_141 {strides = array<i32>} : memref<32x128xf32, #tpu.memory_space<vmem>>, vector<1x16xf32>,
      %broadcast_in_dim3A_142 = arith.constant 0.000000e+00 : f32
      %broadcast_in_dim3A_143 = vector.broadcast %broadcast_in_dim3A_142 : f32 to vector<16xf32>
      %swap3A_144 = arith.index_cast %scan3A_93 : i32 to index
      %swap3A_145 = arith.constant 112 : index
      %swap3A_146 = tpu.vector_load %arg15[%swap3A_144, %swap3A_145] {strides = array<i32>} : memref<32x128xf32, #tpu.memory_space<vmem>>, vector<1x16xf32>,
      %swap3A_147 = vector.shape_cast %swap3A_146 : vector<1x16xf32> to vector<16xf32>
      %swap3A_148 = vector.shape_cast %broadcast_in_dim3A_143 : vector<16xf32> to vector<1x16xf32>
      tpu.vector_store %arg15[%swap3A_144, %swap3A_145], %swap3A_148 {strides = array<i32>} : memref<32x128xf32, #tpu.memory_space<vmem>>, vector<1x16xf32>,
      %scan3A_149 = arith.constant 0 : i32
      scf.yield %scan3A_149 : i32
    }
    %scan3A_12 = arith.constant 32 : i32
    %add3A_13 = arith.constant 0 : i32
    %add3A_14 = arith.addi %mul3A_4, %add3A_13 : i32
    "tpu.region"() ({
      %run_scoped3A = tpu.sem_alloc : memref<!tpu.dma_semaphore, #tpu.memory_space<semaphore_mem>>
      %dma_start3A_93 = arith.constant 0 : i32
      %dma_start3A_94 = tpu.memref_slice %arg17[%add3A_14, %dma_start3A_93] : memref<10000x128xf32, #tpu.memory_space<vmem_shared>> -> memref<32x128xf32, #tpu.memory_space<vmem_shared>>
      %dma_start3A_95 = arith.constant 0 : i32
      %dma_start3A_96 = tpu.memref_slice %arg17[%add3A_14, %dma_start3A_95] : memref<10000x128xf32, #tpu.memory_space<vmem_shared>> -> memref<32x128xf32, #tpu.memory_space<vmem_shared>>
      tpu.enqueue_dma source(%arg15 : memref<32x128xf32, #tpu.memory_space<vmem>>) target(%dma_start3A_96 : memref<32x128xf32, #tpu.memory_space<vmem_shared>>) target_semaphore(%run_scoped3A : memref<!tpu.dma_semaphore, #tpu.memory_space<semaphore_mem>>)
      %dma_wait3A_97 = arith.constant 0 : i32
      %dma_wait3A_98 = tpu.memref_slice %arg17[%add3A_14, %dma_wait3A_97] : memref<10000x128xf32, #tpu.memory_space<vmem_shared>> -> memref<32x128xf32, #tpu.memory_space<vmem_shared>>
      %dma_wait3A_99 = arith.constant 0 : i32
      %dma_wait3A_100 = tpu.memref_slice %arg17[%add3A_14, %dma_wait3A_99] : memref<10000x128xf32, #tpu.memory_space<vmem_shared>> -> memref<32x128xf32, #tpu.memory_space<vmem_shared>>
      tpu.wait_dma2 semaphore(%run_scoped3A : memref<!tpu.dma_semaphore, #tpu.memory_space<semaphore_mem>>) src(%arg15 : memref<32x128xf32, #tpu.memory_space<vmem>>) dst(%dma_wait3A_100 : memref<32x128xf32, #tpu.memory_space<vmem_shared>>)
      tpu.yield
    }) : () -> ()
    %add3A_15 = arith.constant 32 : i32
    %add3A_16 = arith.addi %mul3A_4, %add3A_15 : i32
    "tpu.region"() ({
      %run_scoped3A = tpu.sem_alloc : memref<!tpu.dma_semaphore, #tpu.memory_space<semaphore_mem>>
      %dma_start3A_93 = arith.constant 0 : i32
      %dma_start3A_94 = tpu.memref_slice %arg17[%add3A_16, %dma_start3A_93] : memref<10000x128xf32, #tpu.memory_space<vmem_shared>> -> memref<32x128xf32, #tpu.memory_space<vmem_shared>>
      %dma_start3A_95 = arith.constant 0 : i32
      %dma_start3A_96 = tpu.memref_slice %arg17[%add3A_16, %dma_start3A_95] : memref<10000x128xf32, #tpu.memory_space<vmem_shared>> -> memref<32x128xf32, #tpu.memory_space<vmem_shared>>
      tpu.enqueue_dma source(%arg15 : memref<32x128xf32, #tpu.memory_space<vmem>>) target(%dma_start3A_96 : memref<32x128xf32, #tpu.memory_space<vmem_shared>>) target_semaphore(%run_scoped3A : memref<!tpu.dma_semaphore, #tpu.memory_space<semaphore_mem>>)
      %dma_wait3A_97 = arith.constant 0 : i32
      %dma_wait3A_98 = tpu.memref_slice %arg17[%add3A_16, %dma_wait3A_97] : memref<10000x128xf32, #tpu.memory_space<vmem_shared>> -> memref<32x128xf32, #tpu.memory_space<vmem_shared>>
      %dma_wait3A_99 = arith.constant 0 : i32
      %dma_wait3A_100 = tpu.memref_slice %arg17[%add3A_16, %dma_wait3A_99] : memref<10000x128xf32, #tpu.memory_space<vmem_shared>> -> memref<32x128xf32, #tpu.memory_space<vmem_shared>>
      tpu.wait_dma2 semaphore(%run_scoped3A : memref<!tpu.dma_semaphore, #tpu.memory_space<semaphore_mem>>) src(%arg15 : memref<32x128xf32, #tpu.memory_space<vmem>>) dst(%dma_wait3A_100 : memref<32x128xf32, #tpu.memory_space<vmem_shared>>)
      tpu.yield
    }) : () -> ()
    %add3A_17 = arith.constant 64 : i32
    %add3A_18 = arith.addi %mul3A_4, %add3A_17 : i32
    "tpu.region"() ({
      %run_scoped3A = tpu.sem_alloc : memref<!tpu.dma_semaphore, #tpu.memory_space<semaphore_mem>>
      %dma_start3A_93 = arith.constant 0 : i32
      %dma_start3A_94 = tpu.memref_slice %arg17[%add3A_18, %dma_start3A_93] : memref<10000x128xf32, #tpu.memory_space<vmem_shared>> -> memref<32x128xf32, #tpu.memory_space<vmem_shared>>
      %dma_start3A_95 = arith.constant 0 : i32
      %dma_start3A_96 = tpu.memref_slice %arg17[%add3A_18, %dma_start3A_95] : memref<10000x128xf32, #tpu.memory_space<vmem_shared>> -> memref<32x128xf32, #tpu.memory_space<vmem_shared>>
      tpu.enqueue_dma source(%arg15 : memref<32x128xf32, #tpu.memory_space<vmem>>) target(%dma_start3A_96 : memref<32x128xf32, #tpu.memory_space<vmem_shared>>) target_semaphore(%run_scoped3A : memref<!tpu.dma_semaphore, #tpu.memory_space<semaphore_mem>>)
      %dma_wait3A_97 = arith.constant 0 : i32
      %dma_wait3A_98 = tpu.memref_slice %arg17[%add3A_18, %dma_wait3A_97] : memref<10000x128xf32, #tpu.memory_space<vmem_shared>> -> memref<32x128xf32, #tpu.memory_space<vmem_shared>>
      %dma_wait3A_99 = arith.constant 0 : i32
      %dma_wait3A_100 = tpu.memref_slice %arg17[%add3A_18, %dma_wait3A_99] : memref<10000x128xf32, #tpu.memory_space<vmem_shared>> -> memref<32x128xf32, #tpu.memory_space<vmem_shared>>
      tpu.wait_dma2 semaphore(%run_scoped3A : memref<!tpu.dma_semaphore, #tpu.memory_space<semaphore_mem>>) src(%arg15 : memref<32x128xf32, #tpu.memory_space<vmem>>) dst(%dma_wait3A_100 : memref<32x128xf32, #tpu.memory_space<vmem_shared>>)
      tpu.yield
    }) : () -> ()
    %add3A_19 = arith.constant 96 : i32
    %add3A_20 = arith.addi %mul3A_4, %add3A_19 : i32
    "tpu.region"() ({
      %run_scoped3A = tpu.sem_alloc : memref<!tpu.dma_semaphore, #tpu.memory_space<semaphore_mem>>
      %dma_start3A_93 = arith.constant 0 : i32
      %dma_start3A_94 = tpu.memref_slice %arg17[%add3A_20, %dma_start3A_93] : memref<10000x128xf32, #tpu.memory_space<vmem_shared>> -> memref<32x128xf32, #tpu.memory_space<vmem_shared>>
      %dma_start3A_95 = arith.constant 0 : i32
      %dma_start3A_96 = tpu.memref_slice %arg17[%add3A_20, %dma_start3A_95] : memref<10000x128xf32, #tpu.memory_space<vmem_shared>> -> memref<32x128xf32, #tpu.memory_space<vmem_shared>>
      tpu.enqueue_dma source(%arg15 : memref<32x128xf32, #tpu.memory_space<vmem>>) target(%dma_start3A_96 : memref<32x128xf32, #tpu.memory_space<vmem_shared>>) target_semaphore(%run_scoped3A : memref<!tpu.dma_semaphore, #tpu.memory_space<semaphore_mem>>)
      %dma_wait3A_97 = arith.constant 0 : i32
      %dma_wait3A_98 = tpu.memref_slice %arg17[%add3A_20, %dma_wait3A_97] : memref<10000x128xf32, #tpu.memory_space<vmem_shared>> -> memref<32x128xf32, #tpu.memory_space<vmem_shared>>
      %dma_wait3A_99 = arith.constant 0 : i32
      %dma_wait3A_100 = tpu.memref_slice %arg17[%add3A_20, %dma_wait3A_99] : memref<10000x128xf32, #tpu.memory_space<vmem_shared>> -> memref<32x128xf32, #tpu.memory_space<vmem_shared>>
      tpu.wait_dma2 semaphore(%run_scoped3A : memref<!tpu.dma_semaphore, #tpu.memory_space<semaphore_mem>>) src(%arg15 : memref<32x128xf32, #tpu.memory_space<vmem>>) dst(%dma_wait3A_100 : memref<32x128xf32, #tpu.memory_space<vmem_shared>>)
      tpu.yield
    }) : () -> ()
    %add3A_21 = arith.constant 128 : i32
    %add3A_22 = arith.addi %mul3A_4, %add3A_21 : i32
    "tpu.region"() ({
      %run_scoped3A = tpu.sem_alloc : memref<!tpu.dma_semaphore, #tpu.memory_space<semaphore_mem>>
      %dma_start3A_93 = arith.constant 0 : i32
      %dma_start3A_94 = tpu.memref_slice %arg17[%add3A_22, %dma_start3A_93] : memref<10000x128xf32, #tpu.memory_space<vmem_shared>> -> memref<32x128xf32, #tpu.memory_space<vmem_shared>>
      %dma_start3A_95 = arith.constant 0 : i32
      %dma_start3A_96 = tpu.memref_slice %arg17[%add3A_22, %dma_start3A_95] : memref<10000x128xf32, #tpu.memory_space<vmem_shared>> -> memref<32x128xf32, #tpu.memory_space<vmem_shared>>
      tpu.enqueue_dma source(%arg15 : memref<32x128xf32, #tpu.memory_space<vmem>>) target(%dma_start3A_96 : memref<32x128xf32, #tpu.memory_space<vmem_shared>>) target_semaphore(%run_scoped3A : memref<!tpu.dma_semaphore, #tpu.memory_space<semaphore_mem>>)
      %dma_wait3A_97 = arith.constant 0 : i32
      %dma_wait3A_98 = tpu.memref_slice %arg17[%add3A_22, %dma_wait3A_97] : memref<10000x128xf32, #tpu.memory_space<vmem_shared>> -> memref<32x128xf32, #tpu.memory_space<vmem_shared>>
      %dma_wait3A_99 = arith.constant 0 : i32
      %dma_wait3A_100 = tpu.memref_slice %arg17[%add3A_22, %dma_wait3A_99] : memref<10000x128xf32, #tpu.memory_space<vmem_shared>> -> memref<32x128xf32, #tpu.memory_space<vmem_shared>>
      tpu.wait_dma2 semaphore(%run_scoped3A : memref<!tpu.dma_semaphore, #tpu.memory_space<semaphore_mem>>) src(%arg15 : memref<32x128xf32, #tpu.memory_space<vmem>>) dst(%dma_wait3A_100 : memref<32x128xf32, #tpu.memory_space<vmem_shared>>)
      tpu.yield
    }) : () -> ()
    %add3A_23 = arith.constant 160 : i32
    %add3A_24 = arith.addi %mul3A_4, %add3A_23 : i32
    "tpu.region"() ({
      %run_scoped3A = tpu.sem_alloc : memref<!tpu.dma_semaphore, #tpu.memory_space<semaphore_mem>>
      %dma_start3A_93 = arith.constant 0 : i32
      %dma_start3A_94 = tpu.memref_slice %arg17[%add3A_24, %dma_start3A_93] : memref<10000x128xf32, #tpu.memory_space<vmem_shared>> -> memref<32x128xf32, #tpu.memory_space<vmem_shared>>
      %dma_start3A_95 = arith.constant 0 : i32
      %dma_start3A_96 = tpu.memref_slice %arg17[%add3A_24, %dma_start3A_95] : memref<10000x128xf32, #tpu.memory_space<vmem_shared>> -> memref<32x128xf32, #tpu.memory_space<vmem_shared>>
      tpu.enqueue_dma source(%arg15 : memref<32x128xf32, #tpu.memory_space<vmem>>) target(%dma_start3A_96 : memref<32x128xf32, #tpu.memory_space<vmem_shared>>) target_semaphore(%run_scoped3A : memref<!tpu.dma_semaphore, #tpu.memory_space<semaphore_mem>>)
      %dma_wait3A_97 = arith.constant 0 : i32
      %dma_wait3A_98 = tpu.memref_slice %arg17[%add3A_24, %dma_wait3A_97] : memref<10000x128xf32, #tpu.memory_space<vmem_shared>> -> memref<32x128xf32, #tpu.memory_space<vmem_shared>>
      %dma_wait3A_99 = arith.constant 0 : i32
      %dma_wait3A_100 = tpu.memref_slice %arg17[%add3A_24, %dma_wait3A_99] : memref<10000x128xf32, #tpu.memory_space<vmem_shared>> -> memref<32x128xf32, #tpu.memory_space<vmem_shared>>
      tpu.wait_dma2 semaphore(%run_scoped3A : memref<!tpu.dma_semaphore, #tpu.memory_space<semaphore_mem>>) src(%arg15 : memref<32x128xf32, #tpu.memory_space<vmem>>) dst(%dma_wait3A_100 : memref<32x128xf32, #tpu.memory_space<vmem_shared>>)
      tpu.yield
    }) : () -> ()
    %add3A_25 = arith.constant 192 : i32
    %add3A_26 = arith.addi %mul3A_4, %add3A_25 : i32
    "tpu.region"() ({
      %run_scoped3A = tpu.sem_alloc : memref<!tpu.dma_semaphore, #tpu.memory_space<semaphore_mem>>
      %dma_start3A_93 = arith.constant 0 : i32
      %dma_start3A_94 = tpu.memref_slice %arg17[%add3A_26, %dma_start3A_93] : memref<10000x128xf32, #tpu.memory_space<vmem_shared>> -> memref<32x128xf32, #tpu.memory_space<vmem_shared>>
      %dma_start3A_95 = arith.constant 0 : i32
      %dma_start3A_96 = tpu.memref_slice %arg17[%add3A_26, %dma_start3A_95] : memref<10000x128xf32, #tpu.memory_space<vmem_shared>> -> memref<32x128xf32, #tpu.memory_space<vmem_shared>>
      tpu.enqueue_dma source(%arg15 : memref<32x128xf32, #tpu.memory_space<vmem>>) target(%dma_start3A_96 : memref<32x128xf32, #tpu.memory_space<vmem_shared>>) target_semaphore(%run_scoped3A : memref<!tpu.dma_semaphore, #tpu.memory_space<semaphore_mem>>)
      %dma_wait3A_97 = arith.constant 0 : i32
      %dma_wait3A_98 = tpu.memref_slice %arg17[%add3A_26, %dma_wait3A_97] : memref<10000x128xf32, #tpu.memory_space<vmem_shared>> -> memref<32x128xf32, #tpu.memory_space<vmem_shared>>
      %dma_wait3A_99 = arith.constant 0 : i32
      %dma_wait3A_100 = tpu.memref_slice %arg17[%add3A_26, %dma_wait3A_99] : memref<10000x128xf32, #tpu.memory_space<vmem_shared>> -> memref<32x128xf32, #tpu.memory_space<vmem_shared>>
      tpu.wait_dma2 semaphore(%run_scoped3A : memref<!tpu.dma_semaphore, #tpu.memory_space<semaphore_mem>>) src(%arg15 : memref<32x128xf32, #tpu.memory_space<vmem>>) dst(%dma_wait3A_100 : memref<32x128xf32, #tpu.memory_space<vmem_shared>>)
      tpu.yield
    }) : () -> ()
    %add3A_27 = arith.constant 224 : i32
    %add3A_28 = arith.addi %mul3A_4, %add3A_27 : i32
    "tpu.region"() ({
      %run_scoped3A = tpu.sem_alloc : memref<!tpu.dma_semaphore, #tpu.memory_space<semaphore_mem>>
      %dma_start3A_93 = arith.constant 0 : i32
      %dma_start3A_94 = tpu.memref_slice %arg17[%add3A_28, %dma_start3A_93] : memref<10000x128xf32, #tpu.memory_space<vmem_shared>> -> memref<32x128xf32, #tpu.memory_space<vmem_shared>>
      %dma_start3A_95 = arith.constant 0 : i32
      %dma_start3A_96 = tpu.memref_slice %arg17[%add3A_28, %dma_start3A_95] : memref<10000x128xf32, #tpu.memory_space<vmem_shared>> -> memref<32x128xf32, #tpu.memory_space<vmem_shared>>
      tpu.enqueue_dma source(%arg15 : memref<32x128xf32, #tpu.memory_space<vmem>>) target(%dma_start3A_96 : memref<32x128xf32, #tpu.memory_space<vmem_shared>>) target_semaphore(%run_scoped3A : memref<!tpu.dma_semaphore, #tpu.memory_space<semaphore_mem>>)
      %dma_wait3A_97 = arith.constant 0 : i32
      %dma_wait3A_98 = tpu.memref_slice %arg17[%add3A_28, %dma_wait3A_97] : memref<10000x128xf32, #tpu.memory_space<vmem_shared>> -> memref<32x128xf32, #tpu.memory_space<vmem_shared>>
      %dma_wait3A_99 = arith.constant 0 : i32
      %dma_wait3A_100 = tpu.memref_slice %arg17[%add3A_28, %dma_wait3A_99] : memref<10000x128xf32, #tpu.memory_space<vmem_shared>> -> memref<32x128xf32, #tpu.memory_space<vmem_shared>>
      tpu.wait_dma2 semaphore(%run_scoped3A : memref<!tpu.dma_semaphore, #tpu.memory_space<semaphore_mem>>) src(%arg15 : memref<32x128xf32, #tpu.memory_space<vmem>>) dst(%dma_wait3A_100 : memref<32x128xf32, #tpu.memory_space<vmem_shared>>)
      tpu.yield
    }) : () -> ()
    %add3A_29 = arith.constant 256 : i32
    %add3A_30 = arith.addi %mul3A_4, %add3A_29 : i32
    "tpu.region"() ({
      %run_scoped3A = tpu.sem_alloc : memref<!tpu.dma_semaphore, #tpu.memory_space<semaphore_mem>>
      %dma_start3A_93 = arith.constant 0 : i32
      %dma_start3A_94 = tpu.memref_slice %arg17[%add3A_30, %dma_start3A_93] : memref<10000x128xf32, #tpu.memory_space<vmem_shared>> -> memref<32x128xf32, #tpu.memory_space<vmem_shared>>
      %dma_start3A_95 = arith.constant 0 : i32
      %dma_start3A_96 = tpu.memref_slice %arg17[%add3A_30, %dma_start3A_95] : memref<10000x128xf32, #tpu.memory_space<vmem_shared>> -> memref<32x128xf32, #tpu.memory_space<vmem_shared>>
      tpu.enqueue_dma source(%arg15 : memref<32x128xf32, #tpu.memory_space<vmem>>) target(%dma_start3A_96 : memref<32x128xf32, #tpu.memory_space<vmem_shared>>) target_semaphore(%run_scoped3A : memref<!tpu.dma_semaphore, #tpu.memory_space<semaphore_mem>>)
      %dma_wait3A_97 = arith.constant 0 : i32
      %dma_wait3A_98 = tpu.memref_slice %arg17[%add3A_30, %dma_wait3A_97] : memref<10000x128xf32, #tpu.memory_space<vmem_shared>> -> memref<32x128xf32, #tpu.memory_space<vmem_shared>>
      %dma_wait3A_99 = arith.constant 0 : i32
      %dma_wait3A_100 = tpu.memref_slice %arg17[%add3A_30, %dma_wait3A_99] : memref<10000x128xf32, #tpu.memory_space<vmem_shared>> -> memref<32x128xf32, #tpu.memory_space<vmem_shared>>
      tpu.wait_dma2 semaphore(%run_scoped3A : memref<!tpu.dma_semaphore, #tpu.memory_space<semaphore_mem>>) src(%arg15 : memref<32x128xf32, #tpu.memory_space<vmem>>) dst(%dma_wait3A_100 : memref<32x128xf32, #tpu.memory_space<vmem_shared>>)
      tpu.yield
    }) : () -> ()
    %add3A_31 = arith.constant 288 : i32
    %add3A_32 = arith.addi %mul3A_4, %add3A_31 : i32
    "tpu.region"() ({
      %run_scoped3A = tpu.sem_alloc : memref<!tpu.dma_semaphore, #tpu.memory_space<semaphore_mem>>
      %dma_start3A_93 = arith.constant 0 : i32
      %dma_start3A_94 = tpu.memref_slice %arg17[%add3A_32, %dma_start3A_93] : memref<10000x128xf32, #tpu.memory_space<vmem_shared>> -> memref<32x128xf32, #tpu.memory_space<vmem_shared>>
      %dma_start3A_95 = arith.constant 0 : i32
      %dma_start3A_96 = tpu.memref_slice %arg17[%add3A_32, %dma_start3A_95] : memref<10000x128xf32, #tpu.memory_space<vmem_shared>> -> memref<32x128xf32, #tpu.memory_space<vmem_shared>>
      tpu.enqueue_dma source(%arg15 : memref<32x128xf32, #tpu.memory_space<vmem>>) target(%dma_start3A_96 : memref<32x128xf32, #tpu.memory_space<vmem_shared>>) target_semaphore(%run_scoped3A : memref<!tpu.dma_semaphore, #tpu.memory_space<semaphore_mem>>)
      %dma_wait3A_97 = arith.constant 0 : i32
      %dma_wait3A_98 = tpu.memref_slice %arg17[%add3A_32, %dma_wait3A_97] : memref<10000x128xf32, #tpu.memory_space<vmem_shared>> -> memref<32x128xf32, #tpu.memory_space<vmem_shared>>
      %dma_wait3A_99 = arith.constant 0 : i32
      %dma_wait3A_100 = tpu.memref_slice %arg17[%add3A_32, %dma_wait3A_99] : memref<10000x128xf32, #tpu.memory_space<vmem_shared>> -> memref<32x128xf32, #tpu.memory_space<vmem_shared>>
      tpu.wait_dma2 semaphore(%run_scoped3A : memref<!tpu.dma_semaphore, #tpu.memory_space<semaphore_mem>>) src(%arg15 : memref<32x128xf32, #tpu.memory_space<vmem>>) dst(%dma_wait3A_100 : memref<32x128xf32, #tpu.memory_space<vmem_shared>>)
      tpu.yield
    }) : () -> ()
    %add3A_33 = arith.constant 320 : i32
    %add3A_34 = arith.addi %mul3A_4, %add3A_33 : i32
    "tpu.region"() ({
      %run_scoped3A = tpu.sem_alloc : memref<!tpu.dma_semaphore, #tpu.memory_space<semaphore_mem>>
      %dma_start3A_93 = arith.constant 0 : i32
      %dma_start3A_94 = tpu.memref_slice %arg17[%add3A_34, %dma_start3A_93] : memref<10000x128xf32, #tpu.memory_space<vmem_shared>> -> memref<32x128xf32, #tpu.memory_space<vmem_shared>>
      %dma_start3A_95 = arith.constant 0 : i32
      %dma_start3A_96 = tpu.memref_slice %arg17[%add3A_34, %dma_start3A_95] : memref<10000x128xf32, #tpu.memory_space<vmem_shared>> -> memref<32x128xf32, #tpu.memory_space<vmem_shared>>
      tpu.enqueue_dma source(%arg15 : memref<32x128xf32, #tpu.memory_space<vmem>>) target(%dma_start3A_96 : memref<32x128xf32, #tpu.memory_space<vmem_shared>>) target_semaphore(%run_scoped3A : memref<!tpu.dma_semaphore, #tpu.memory_space<semaphore_mem>>)
      %dma_wait3A_97 = arith.constant 0 : i32
      %dma_wait3A_98 = tpu.memref_slice %arg17[%add3A_34, %dma_wait3A_97] : memref<10000x128xf32, #tpu.memory_space<vmem_shared>> -> memref<32x128xf32, #tpu.memory_space<vmem_shared>>
      %dma_wait3A_99 = arith.constant 0 : i32
      %dma_wait3A_100 = tpu.memref_slice %arg17[%add3A_34, %dma_wait3A_99] : memref<10000x128xf32, #tpu.memory_space<vmem_shared>> -> memref<32x128xf32, #tpu.memory_space<vmem_shared>>
      tpu.wait_dma2 semaphore(%run_scoped3A : memref<!tpu.dma_semaphore, #tpu.memory_space<semaphore_mem>>) src(%arg15 : memref<32x128xf32, #tpu.memory_space<vmem>>) dst(%dma_wait3A_100 : memref<32x128xf32, #tpu.memory_space<vmem_shared>>)
      tpu.yield
    }) : () -> ()
    %add3A_35 = arith.constant 352 : i32
    %add3A_36 = arith.addi %mul3A_4, %add3A_35 : i32
    "tpu.region"() ({
      %run_scoped3A = tpu.sem_alloc : memref<!tpu.dma_semaphore, #tpu.memory_space<semaphore_mem>>
      %dma_start3A_93 = arith.constant 0 : i32
      %dma_start3A_94 = tpu.memref_slice %arg17[%add3A_36, %dma_start3A_93] : memref<10000x128xf32, #tpu.memory_space<vmem_shared>> -> memref<32x128xf32, #tpu.memory_space<vmem_shared>>
      %dma_start3A_95 = arith.constant 0 : i32
      %dma_start3A_96 = tpu.memref_slice %arg17[%add3A_36, %dma_start3A_95] : memref<10000x128xf32, #tpu.memory_space<vmem_shared>> -> memref<32x128xf32, #tpu.memory_space<vmem_shared>>
      tpu.enqueue_dma source(%arg15 : memref<32x128xf32, #tpu.memory_space<vmem>>) target(%dma_start3A_96 : memref<32x128xf32, #tpu.memory_space<vmem_shared>>) target_semaphore(%run_scoped3A : memref<!tpu.dma_semaphore, #tpu.memory_space<semaphore_mem>>)
      %dma_wait3A_97 = arith.constant 0 : i32
      %dma_wait3A_98 = tpu.memref_slice %arg17[%add3A_36, %dma_wait3A_97] : memref<10000x128xf32, #tpu.memory_space<vmem_shared>> -> memref<32x128xf32, #tpu.memory_space<vmem_shared>>
      %dma_wait3A_99 = arith.constant 0 : i32
      %dma_wait3A_100 = tpu.memref_slice %arg17[%add3A_36, %dma_wait3A_99] : memref<10000x128xf32, #tpu.memory_space<vmem_shared>> -> memref<32x128xf32, #tpu.memory_space<vmem_shared>>
      tpu.wait_dma2 semaphore(%run_scoped3A : memref<!tpu.dma_semaphore, #tpu.memory_space<semaphore_mem>>) src(%arg15 : memref<32x128xf32, #tpu.memory_space<vmem>>) dst(%dma_wait3A_100 : memref<32x128xf32, #tpu.memory_space<vmem_shared>>)
      tpu.yield
    }) : () -> ()
    %add3A_37 = arith.constant 384 : i32
    %add3A_38 = arith.addi %mul3A_4, %add3A_37 : i32
    "tpu.region"() ({
      %run_scoped3A = tpu.sem_alloc : memref<!tpu.dma_semaphore, #tpu.memory_space<semaphore_mem>>
      %dma_start3A_93 = arith.constant 0 : i32
      %dma_start3A_94 = tpu.memref_slice %arg17[%add3A_38, %dma_start3A_93] : memref<10000x128xf32, #tpu.memory_space<vmem_shared>> -> memref<32x128xf32, #tpu.memory_space<vmem_shared>>
      %dma_start3A_95 = arith.constant 0 : i32
      %dma_start3A_96 = tpu.memref_slice %arg17[%add3A_38, %dma_start3A_95] : memref<10000x128xf32, #tpu.memory_space<vmem_shared>> -> memref<32x128xf32, #tpu.memory_space<vmem_shared>>
      tpu.enqueue_dma source(%arg15 : memref<32x128xf32, #tpu.memory_space<vmem>>) target(%dma_start3A_96 : memref<32x128xf32, #tpu.memory_space<vmem_shared>>) target_semaphore(%run_scoped3A : memref<!tpu.dma_semaphore, #tpu.memory_space<semaphore_mem>>)
      %dma_wait3A_97 = arith.constant 0 : i32
      %dma_wait3A_98 = tpu.memref_slice %arg17[%add3A_38, %dma_wait3A_97] : memref<10000x128xf32, #tpu.memory_space<vmem_shared>> -> memref<32x128xf32, #tpu.memory_space<vmem_shared>>
      %dma_wait3A_99 = arith.constant 0 : i32
      %dma_wait3A_100 = tpu.memref_slice %arg17[%add3A_38, %dma_wait3A_99] : memref<10000x128xf32, #tpu.memory_space<vmem_shared>> -> memref<32x128xf32, #tpu.memory_space<vmem_shared>>
      tpu.wait_dma2 semaphore(%run_scoped3A : memref<!tpu.dma_semaphore, #tpu.memory_space<semaphore_mem>>) src(%arg15 : memref<32x128xf32, #tpu.memory_space<vmem>>) dst(%dma_wait3A_100 : memref<32x128xf32, #tpu.memory_space<vmem_shared>>)
      tpu.yield
    }) : () -> ()
    %add3A_39 = arith.constant 416 : i32
    %add3A_40 = arith.addi %mul3A_4, %add3A_39 : i32
    "tpu.region"() ({
      %run_scoped3A = tpu.sem_alloc : memref<!tpu.dma_semaphore, #tpu.memory_space<semaphore_mem>>
      %dma_start3A_93 = arith.constant 0 : i32
      %dma_start3A_94 = tpu.memref_slice %arg17[%add3A_40, %dma_start3A_93] : memref<10000x128xf32, #tpu.memory_space<vmem_shared>> -> memref<32x128xf32, #tpu.memory_space<vmem_shared>>
      %dma_start3A_95 = arith.constant 0 : i32
      %dma_start3A_96 = tpu.memref_slice %arg17[%add3A_40, %dma_start3A_95] : memref<10000x128xf32, #tpu.memory_space<vmem_shared>> -> memref<32x128xf32, #tpu.memory_space<vmem_shared>>
      tpu.enqueue_dma source(%arg15 : memref<32x128xf32, #tpu.memory_space<vmem>>) target(%dma_start3A_96 : memref<32x128xf32, #tpu.memory_space<vmem_shared>>) target_semaphore(%run_scoped3A : memref<!tpu.dma_semaphore, #tpu.memory_space<semaphore_mem>>)
      %dma_wait3A_97 = arith.constant 0 : i32
      %dma_wait3A_98 = tpu.memref_slice %arg17[%add3A_40, %dma_wait3A_97] : memref<10000x128xf32, #tpu.memory_space<vmem_shared>> -> memref<32x128xf32, #tpu.memory_space<vmem_shared>>
      %dma_wait3A_99 = arith.constant 0 : i32
      %dma_wait3A_100 = tpu.memref_slice %arg17[%add3A_40, %dma_wait3A_99] : memref<10000x128xf32, #tpu.memory_space<vmem_shared>> -> memref<32x128xf32, #tpu.memory_space<vmem_shared>>
      tpu.wait_dma2 semaphore(%run_scoped3A : memref<!tpu.dma_semaphore, #tpu.memory_space<semaphore_mem>>) src(%arg15 : memref<32x128xf32, #tpu.memory_space<vmem>>) dst(%dma_wait3A_100 : memref<32x128xf32, #tpu.memory_space<vmem_shared>>)
      tpu.yield
    }) : () -> ()
    %add3A_41 = arith.constant 448 : i32
    %add3A_42 = arith.addi %mul3A_4, %add3A_41 : i32
    "tpu.region"() ({
      %run_scoped3A = tpu.sem_alloc : memref<!tpu.dma_semaphore, #tpu.memory_space<semaphore_mem>>
      %dma_start3A_93 = arith.constant 0 : i32
      %dma_start3A_94 = tpu.memref_slice %arg17[%add3A_42, %dma_start3A_93] : memref<10000x128xf32, #tpu.memory_space<vmem_shared>> -> memref<32x128xf32, #tpu.memory_space<vmem_shared>>
      %dma_start3A_95 = arith.constant 0 : i32
      %dma_start3A_96 = tpu.memref_slice %arg17[%add3A_42, %dma_start3A_95] : memref<10000x128xf32, #tpu.memory_space<vmem_shared>> -> memref<32x128xf32, #tpu.memory_space<vmem_shared>>
      tpu.enqueue_dma source(%arg15 : memref<32x128xf32, #tpu.memory_space<vmem>>) target(%dma_start3A_96 : memref<32x128xf32, #tpu.memory_space<vmem_shared>>) target_semaphore(%run_scoped3A : memref<!tpu.dma_semaphore, #tpu.memory_space<semaphore_mem>>)
      %dma_wait3A_97 = arith.constant 0 : i32
      %dma_wait3A_98 = tpu.memref_slice %arg17[%add3A_42, %dma_wait3A_97] : memref<10000x128xf32, #tpu.memory_space<vmem_shared>> -> memref<32x128xf32, #tpu.memory_space<vmem_shared>>
      %dma_wait3A_99 = arith.constant 0 : i32
      %dma_wait3A_100 = tpu.memref_slice %arg17[%add3A_42, %dma_wait3A_99] : memref<10000x128xf32, #tpu.memory_space<vmem_shared>> -> memref<32x128xf32, #tpu.memory_space<vmem_shared>>
      tpu.wait_dma2 semaphore(%run_scoped3A : memref<!tpu.dma_semaphore, #tpu.memory_space<semaphore_mem>>) src(%arg15 : memref<32x128xf32, #tpu.memory_space<vmem>>) dst(%dma_wait3A_100 : memref<32x128xf32, #tpu.memory_space<vmem_shared>>)
      tpu.yield
    }) : () -> ()
    %add3A_43 = arith.constant 480 : i32
    %add3A_44 = arith.addi %mul3A_4, %add3A_43 : i32
    "tpu.region"() ({
      %run_scoped3A = tpu.sem_alloc : memref<!tpu.dma_semaphore, #tpu.memory_space<semaphore_mem>>
      %dma_start3A_93 = arith.constant 0 : i32
      %dma_start3A_94 = tpu.memref_slice %arg17[%add3A_44, %dma_start3A_93] : memref<10000x128xf32, #tpu.memory_space<vmem_shared>> -> memref<32x128xf32, #tpu.memory_space<vmem_shared>>
      %dma_start3A_95 = arith.constant 0 : i32
      %dma_start3A_96 = tpu.memref_slice %arg17[%add3A_44, %dma_start3A_95] : memref<10000x128xf32, #tpu.memory_space<vmem_shared>> -> memref<32x128xf32, #tpu.memory_space<vmem_shared>>
      tpu.enqueue_dma source(%arg15 : memref<32x128xf32, #tpu.memory_space<vmem>>) target(%dma_start3A_96 : memref<32x128xf32, #tpu.memory_space<vmem_shared>>) target_semaphore(%run_scoped3A : memref<!tpu.dma_semaphore, #tpu.memory_space<semaphore_mem>>)
      %dma_wait3A_97 = arith.constant 0 : i32
      %dma_wait3A_98 = tpu.memref_slice %arg17[%add3A_44, %dma_wait3A_97] : memref<10000x128xf32, #tpu.memory_space<vmem_shared>> -> memref<32x128xf32, #tpu.memory_space<vmem_shared>>
      %dma_wait3A_99 = arith.constant 0 : i32
      %dma_wait3A_100 = tpu.memref_slice %arg17[%add3A_44, %dma_wait3A_99] : memref<10000x128xf32, #tpu.memory_space<vmem_shared>> -> memref<32x128xf32, #tpu.memory_space<vmem_shared>>
      tpu.wait_dma2 semaphore(%run_scoped3A : memref<!tpu.dma_semaphore, #tpu.memory_space<semaphore_mem>>) src(%arg15 : memref<32x128xf32, #tpu.memory_space<vmem>>) dst(%dma_wait3A_100 : memref<32x128xf32, #tpu.memory_space<vmem_shared>>)
      tpu.yield
    }) : () -> ()
    %add3A_45 = arith.constant 512 : i32
    %add3A_46 = arith.addi %mul3A_4, %add3A_45 : i32
    "tpu.region"() ({
      %run_scoped3A = tpu.sem_alloc : memref<!tpu.dma_semaphore, #tpu.memory_space<semaphore_mem>>
      %dma_start3A_93 = arith.constant 0 : i32
      %dma_start3A_94 = tpu.memref_slice %arg17[%add3A_46, %dma_start3A_93] : memref<10000x128xf32, #tpu.memory_space<vmem_shared>> -> memref<32x128xf32, #tpu.memory_space<vmem_shared>>
      %dma_start3A_95 = arith.constant 0 : i32
      %dma_start3A_96 = tpu.memref_slice %arg17[%add3A_46, %dma_start3A_95] : memref<10000x128xf32, #tpu.memory_space<vmem_shared>> -> memref<32x128xf32, #tpu.memory_space<vmem_shared>>
      tpu.enqueue_dma source(%arg15 : memref<32x128xf32, #tpu.memory_space<vmem>>) target(%dma_start3A_96 : memref<32x128xf32, #tpu.memory_space<vmem_shared>>) target_semaphore(%run_scoped3A : memref<!tpu.dma_semaphore, #tpu.memory_space<semaphore_mem>>)
      %dma_wait3A_97 = arith.constant 0 : i32
      %dma_wait3A_98 = tpu.memref_slice %arg17[%add3A_46, %dma_wait3A_97] : memref<10000x128xf32, #tpu.memory_space<vmem_shared>> -> memref<32x128xf32, #tpu.memory_space<vmem_shared>>
      %dma_wait3A_99 = arith.constant 0 : i32
      %dma_wait3A_100 = tpu.memref_slice %arg17[%add3A_46, %dma_wait3A_99] : memref<10000x128xf32, #tpu.memory_space<vmem_shared>> -> memref<32x128xf32, #tpu.memory_space<vmem_shared>>
      tpu.wait_dma2 semaphore(%run_scoped3A : memref<!tpu.dma_semaphore, #tpu.memory_space<semaphore_mem>>) src(%arg15 : memref<32x128xf32, #tpu.memory_space<vmem>>) dst(%dma_wait3A_100 : memref<32x128xf32, #tpu.memory_space<vmem_shared>>)
      tpu.yield
    }) : () -> ()
    %add3A_47 = arith.constant 544 : i32
    %add3A_48 = arith.addi %mul3A_4, %add3A_47 : i32
    "tpu.region"() ({
      %run_scoped3A = tpu.sem_alloc : memref<!tpu.dma_semaphore, #tpu.memory_space<semaphore_mem>>
      %dma_start3A_93 = arith.constant 0 : i32
      %dma_start3A_94 = tpu.memref_slice %arg17[%add3A_48, %dma_start3A_93] : memref<10000x128xf32, #tpu.memory_space<vmem_shared>> -> memref<32x128xf32, #tpu.memory_space<vmem_shared>>
      %dma_start3A_95 = arith.constant 0 : i32
      %dma_start3A_96 = tpu.memref_slice %arg17[%add3A_48, %dma_start3A_95] : memref<10000x128xf32, #tpu.memory_space<vmem_shared>> -> memref<32x128xf32, #tpu.memory_space<vmem_shared>>
      tpu.enqueue_dma source(%arg15 : memref<32x128xf32, #tpu.memory_space<vmem>>) target(%dma_start3A_96 : memref<32x128xf32, #tpu.memory_space<vmem_shared>>) target_semaphore(%run_scoped3A : memref<!tpu.dma_semaphore, #tpu.memory_space<semaphore_mem>>)
      %dma_wait3A_97 = arith.constant 0 : i32
      %dma_wait3A_98 = tpu.memref_slice %arg17[%add3A_48, %dma_wait3A_97] : memref<10000x128xf32, #tpu.memory_space<vmem_shared>> -> memref<32x128xf32, #tpu.memory_space<vmem_shared>>
      %dma_wait3A_99 = arith.constant 0 : i32
      %dma_wait3A_100 = tpu.memref_slice %arg17[%add3A_48, %dma_wait3A_99] : memref<10000x128xf32, #tpu.memory_space<vmem_shared>> -> memref<32x128xf32, #tpu.memory_space<vmem_shared>>
      tpu.wait_dma2 semaphore(%run_scoped3A : memref<!tpu.dma_semaphore, #tpu.memory_space<semaphore_mem>>) src(%arg15 : memref<32x128xf32, #tpu.memory_space<vmem>>) dst(%dma_wait3A_100 : memref<32x128xf32, #tpu.memory_space<vmem_shared>>)
      tpu.yield
    }) : () -> ()
    %add3A_49 = arith.constant 576 : i32
    %add3A_50 = arith.addi %mul3A_4, %add3A_49 : i32
    "tpu.region"() ({
      %run_scoped3A = tpu.sem_alloc : memref<!tpu.dma_semaphore, #tpu.memory_space<semaphore_mem>>
      %dma_start3A_93 = arith.constant 0 : i32
      %dma_start3A_94 = tpu.memref_slice %arg17[%add3A_50, %dma_start3A_93] : memref<10000x128xf32, #tpu.memory_space<vmem_shared>> -> memref<32x128xf32, #tpu.memory_space<vmem_shared>>
      %dma_start3A_95 = arith.constant 0 : i32
      %dma_start3A_96 = tpu.memref_slice %arg17[%add3A_50, %dma_start3A_95] : memref<10000x128xf32, #tpu.memory_space<vmem_shared>> -> memref<32x128xf32, #tpu.memory_space<vmem_shared>>
      tpu.enqueue_dma source(%arg15 : memref<32x128xf32, #tpu.memory_space<vmem>>) target(%dma_start3A_96 : memref<32x128xf32, #tpu.memory_space<vmem_shared>>) target_semaphore(%run_scoped3A : memref<!tpu.dma_semaphore, #tpu.memory_space<semaphore_mem>>)
      %dma_wait3A_97 = arith.constant 0 : i32
      %dma_wait3A_98 = tpu.memref_slice %arg17[%add3A_50, %dma_wait3A_97] : memref<10000x128xf32, #tpu.memory_space<vmem_shared>> -> memref<32x128xf32, #tpu.memory_space<vmem_shared>>
      %dma_wait3A_99 = arith.constant 0 : i32
      %dma_wait3A_100 = tpu.memref_slice %arg17[%add3A_50, %dma_wait3A_99] : memref<10000x128xf32, #tpu.memory_space<vmem_shared>> -> memref<32x128xf32, #tpu.memory_space<vmem_shared>>
      tpu.wait_dma2 semaphore(%run_scoped3A : memref<!tpu.dma_semaphore, #tpu.memory_space<semaphore_mem>>) src(%arg15 : memref<32x128xf32, #tpu.memory_space<vmem>>) dst(%dma_wait3A_100 : memref<32x128xf32, #tpu.memory_space<vmem_shared>>)
      tpu.yield
    }) : () -> ()
    %add3A_51 = arith.constant 624 : i32
    %add3A_52 = arith.addi %mul3A_4, %add3A_51 : i32
    %sub3A = arith.constant 16 : i32
    %sub3A_53 = arith.subi %add3A_52, %sub3A : i32
    "tpu.region"() ({
      %run_scoped3A = tpu.sem_alloc : memref<!tpu.dma_semaphore, #tpu.memory_space<semaphore_mem>>
      %dma_start3A_93 = arith.constant 0 : i32
      %dma_start3A_94 = arith.constant 0 : i32
      %dma_start3A_95 = tpu.memref_slice %arg15[%dma_start3A_93, %dma_start3A_94] : memref<32x128xf32, #tpu.memory_space<vmem>> -> memref<16x128xf32, #tpu.memory_space<vmem>>
      %dma_start3A_96 = arith.constant 0 : i32
      %dma_start3A_97 = tpu.memref_slice %arg17[%sub3A_53, %dma_start3A_96] : memref<10000x128xf32, #tpu.memory_space<vmem_shared>> -> memref<16x128xf32, #tpu.memory_space<vmem_shared>>
      %dma_start3A_98 = arith.constant 0 : i32
      %dma_start3A_99 = tpu.memref_slice %arg17[%sub3A_53, %dma_start3A_98] : memref<10000x128xf32, #tpu.memory_space<vmem_shared>> -> memref<16x128xf32, #tpu.memory_space<vmem_shared>>
      %dma_start3A_100 = arith.constant 0 : i32
      %dma_start3A_101 = arith.constant 0 : i32
      %dma_start3A_102 = tpu.memref_slice %arg15[%dma_start3A_100, %dma_start3A_101] : memref<32x128xf32, #tpu.memory_space<vmem>> -> memref<16x128xf32, #tpu.memory_space<vmem>>
      tpu.enqueue_dma source(%dma_start3A_102 : memref<16x128xf32, #tpu.memory_space<vmem>>) target(%dma_start3A_99 : memref<16x128xf32, #tpu.memory_space<vmem_shared>>) target_semaphore(%run_scoped3A : memref<!tpu.dma_semaphore, #tpu.memory_space<semaphore_mem>>)
      %dma_wait3A_103 = arith.constant 0 : i32
      %dma_wait3A_104 = arith.constant 0 : i32
      %dma_wait3A_105 = tpu.memref_slice %arg15[%dma_wait3A_103, %dma_wait3A_104] : memref<32x128xf32, #tpu.memory_space<vmem>> -> memref<16x128xf32, #tpu.memory_space<vmem>>
      %dma_wait3A_106 = arith.constant 0 : i32
      %dma_wait3A_107 = tpu.memref_slice %arg17[%sub3A_53, %dma_wait3A_106] : memref<10000x128xf32, #tpu.memory_space<vmem_shared>> -> memref<16x128xf32, #tpu.memory_space<vmem_shared>>
      %dma_wait3A_108 = arith.constant 0 : i32
      %dma_wait3A_109 = tpu.memref_slice %arg17[%sub3A_53, %dma_wait3A_108] : memref<10000x128xf32, #tpu.memory_space<vmem_shared>> -> memref<16x128xf32, #tpu.memory_space<vmem_shared>>
      %dma_wait3A_110 = arith.constant 0 : i32
      %dma_wait3A_111 = arith.constant 0 : i32
      %dma_wait3A_112 = tpu.memref_slice %arg15[%dma_wait3A_110, %dma_wait3A_111] : memref<32x128xf32, #tpu.memory_space<vmem>> -> memref<16x128xf32, #tpu.memory_space<vmem>>
      tpu.wait_dma2 semaphore(%run_scoped3A : memref<!tpu.dma_semaphore, #tpu.memory_space<semaphore_mem>>) src(%dma_wait3A_112 : memref<16x128xf32, #tpu.memory_space<vmem>>) dst(%dma_wait3A_109 : memref<16x128xf32, #tpu.memory_space<vmem_shared>>)
      tpu.yield
    }) : () -> ()
    %eq3A_54 = arith.constant 15 : i32
    %eq3A_55 = arith.cmpi eq, %arg1, %eq3A_54 : i32
    %convert_element_type3A_56 = arith.extui %eq3A_55 : i1 to i32
    %cond3A_57 = arith.constant 0 : i32
    %cond3A_58 = arith.cmpi ne, %convert_element_type3A_56, %cond3A_57 : i32
    scf.if %cond3A_58 {
      "tpu.region"() ({
        %run_scoped3A = tpu.sem_alloc : memref<!tpu.dma_semaphore, #tpu.memory_space<semaphore_mem>>
        %dma_start3A_93 = arith.constant 0 : i32
        %dma_start3A_94 = arith.constant 0 : i32
        %dma_start3A_95 = tpu.memref_slice %arg15[%dma_start3A_93, %dma_start3A_94] : memref<32x128xf32, #tpu.memory_space<vmem>> -> memref<16x128xf32, #tpu.memory_space<vmem>>
        %dma_start3A_96 = arith.constant 9984 : i32
        %dma_start3A_97 = arith.constant 0 : i32
        %dma_start3A_98 = tpu.memref_slice %arg17[%dma_start3A_96, %dma_start3A_97] : memref<10000x128xf32, #tpu.memory_space<vmem_shared>> -> memref<16x128xf32, #tpu.memory_space<vmem_shared>>
        %dma_start3A_99 = arith.constant 9984 : i32
        %dma_start3A_100 = arith.constant 0 : i32
        %dma_start3A_101 = tpu.memref_slice %arg17[%dma_start3A_99, %dma_start3A_100] : memref<10000x128xf32, #tpu.memory_space<vmem_shared>> -> memref<16x128xf32, #tpu.memory_space<vmem_shared>>
        %dma_start3A_102 = arith.constant 0 : i32
        %dma_start3A_103 = arith.constant 0 : i32
        %dma_start3A_104 = tpu.memref_slice %arg15[%dma_start3A_102, %dma_start3A_103] : memref<32x128xf32, #tpu.memory_space<vmem>> -> memref<16x128xf32, #tpu.memory_space<vmem>>
        tpu.enqueue_dma source(%dma_start3A_104 : memref<16x128xf32, #tpu.memory_space<vmem>>) target(%dma_start3A_101 : memref<16x128xf32, #tpu.memory_space<vmem_shared>>) target_semaphore(%run_scoped3A : memref<!tpu.dma_semaphore, #tpu.memory_space<semaphore_mem>>)
        %dma_wait3A_105 = arith.constant 0 : i32
        %dma_wait3A_106 = arith.constant 0 : i32
        %dma_wait3A_107 = tpu.memref_slice %arg15[%dma_wait3A_105, %dma_wait3A_106] : memref<32x128xf32, #tpu.memory_space<vmem>> -> memref<16x128xf32, #tpu.memory_space<vmem>>
        %dma_wait3A_108 = arith.constant 9984 : i32
        %dma_wait3A_109 = arith.constant 0 : i32
        %dma_wait3A_110 = tpu.memref_slice %arg17[%dma_wait3A_108, %dma_wait3A_109] : memref<10000x128xf32, #tpu.memory_space<vmem_shared>> -> memref<16x128xf32, #tpu.memory_space<vmem_shared>>
        %dma_wait3A_111 = arith.constant 9984 : i32
        %dma_wait3A_112 = arith.constant 0 : i32
        %dma_wait3A_113 = tpu.memref_slice %arg17[%dma_wait3A_111, %dma_wait3A_112] : memref<10000x128xf32, #tpu.memory_space<vmem_shared>> -> memref<16x128xf32, #tpu.memory_space<vmem_shared>>
        %dma_wait3A_114 = arith.constant 0 : i32
        %dma_wait3A_115 = arith.constant 0 : i32
        %dma_wait3A_116 = tpu.memref_slice %arg15[%dma_wait3A_114, %dma_wait3A_115] : memref<32x128xf32, #tpu.memory_space<vmem>> -> memref<16x128xf32, #tpu.memory_space<vmem>>
        tpu.wait_dma2 semaphore(%run_scoped3A : memref<!tpu.dma_semaphore, #tpu.memory_space<semaphore_mem>>) src(%dma_wait3A_116 : memref<16x128xf32, #tpu.memory_space<vmem>>) dst(%dma_wait3A_113 : memref<16x128xf32, #tpu.memory_space<vmem_shared>>)
        tpu.yield
      }) : () -> ()
    } else {
    }
    %barrier3A = arith.constant 0 : index
    tpu.barrier barrier_id(%barrier3A)
    %add3A_59 = arith.constant 0 : i32
    %add3A_60 = arith.addi %mul3A_2, %add3A_59 : i32
    %dma_start3A = tpu.memref_slice %arg3[%add3A_60] : memref<321536xi32, #tpu.memory_space<hbm>> -> memref<32xi32, #tpu.memory_space<hbm>>
    %dma_start3A_61 = tpu.memref_slice %arg3[%add3A_60] : memref<321536xi32, #tpu.memory_space<hbm>> -> memref<32xi32, #tpu.memory_space<hbm>>
    tpu.enqueue_dma source(%dma_start3A_61 : memref<32xi32, #tpu.memory_space<hbm>>) target(%arg7 : memref<32xi32, #tpu.memory_space<vmem>>) target_semaphore(%arg22 : memref<!tpu.dma_semaphore, #tpu.memory_space<semaphore_mem>>)
    %add3A_62 = arith.constant 32 : i32
    %add3A_63 = arith.addi %mul3A_2, %add3A_62 : i32
    %dma_start3A_64 = tpu.memref_slice %arg3[%add3A_63] : memref<321536xi32, #tpu.memory_space<hbm>> -> memref<32xi32, #tpu.memory_space<hbm>>
    %dma_start3A_65 = tpu.memref_slice %arg3[%add3A_63] : memref<321536xi32, #tpu.memory_space<hbm>> -> memref<32xi32, #tpu.memory_space<hbm>>
    tpu.enqueue_dma source(%dma_start3A_65 : memref<32xi32, #tpu.memory_space<hbm>>) target(%arg8 : memref<32xi32, #tpu.memory_space<vmem>>) target_semaphore(%arg23 : memref<!tpu.dma_semaphore, #tpu.memory_space<semaphore_mem>>)
    %add3A_66 = arith.constant 0 : i32
    %add3A_67 = arith.addi %mul3A_2, %add3A_66 : i32
    %dma_wait3A = tpu.memref_slice %arg3[%add3A_67] : memref<321536xi32, #tpu.memory_space<hbm>> -> memref<32xi32, #tpu.memory_space<hbm>>
    %dma_wait3A_68 = tpu.memref_slice %arg3[%add3A_67] : memref<321536xi32, #tpu.memory_space<hbm>> -> memref<32xi32, #tpu.memory_space<hbm>>
    tpu.wait_dma2 semaphore(%arg22 : memref<!tpu.dma_semaphore, #tpu.memory_space<semaphore_mem>>) src(%dma_wait3A_68 : memref<32xi32, #tpu.memory_space<hbm>>) dst(%arg7 : memref<32xi32, #tpu.memory_space<vmem>>)
    %dma_start3A_69 = arith.constant 0 : i32
    %dma_start3A_70 = arith.constant 0 : i32
    %dma_start3A_71 = tpu.memref_slice %arg16[%dma_start3A_69, %dma_start3A_70] : memref<10000x64xi32, #tpu.memory_space<vmem_shared>> -> memref<10000x64xi32, #tpu.memory_space<vmem_shared>>
    tpu.enqueue_indirect_dma source(%dma_start3A_71 : memref<10000x64xi32, #tpu.memory_space<vmem_shared>>) target(%arg13 : memref<32x64xi32, #tpu.memory_space<vmem>>) offsets(%arg7 : memref<32xi32, #tpu.memory_space<vmem>>) semaphore(%arg18 : memref<!tpu.dma_semaphore, #tpu.memory_space<semaphore_mem>>)
    %add3A_72 = arith.constant 0 : i32
    %add3A_73 = arith.addi %mul3A_2, %add3A_72 : i32
    %dma_start3A_74 = tpu.memref_slice %arg2[%add3A_73] : memref<321536xi32, #tpu.memory_space<hbm>> -> memref<32xi32, #tpu.memory_space<hbm>>
    %dma_start3A_75 = tpu.memref_slice %arg2[%add3A_73] : memref<321536xi32, #tpu.memory_space<hbm>> -> memref<32xi32, #tpu.memory_space<hbm>>
    tpu.enqueue_dma source(%dma_start3A_75 : memref<32xi32, #tpu.memory_space<hbm>>) target(%arg9 : memref<32xi32, #tpu.memory_space<vmem>>) target_semaphore(%arg20 : memref<!tpu.dma_semaphore, #tpu.memory_space<semaphore_mem>>)
    %add3A_76 = arith.constant 0 : i32
    %add3A_77 = arith.addi %mul3A_2, %add3A_76 : i32
    %dma_start3A_78 = tpu.memref_slice %arg4[%add3A_77] : memref<321536xf32, #tpu.memory_space<hbm>> -> memref<32xf32, #tpu.memory_space<hbm>>
    %dma_start3A_79 = tpu.memref_slice %arg4[%add3A_77] : memref<321536xf32, #tpu.memory_space<hbm>> -> memref<32xf32, #tpu.memory_space<hbm>>
    tpu.enqueue_dma source(%dma_start3A_79 : memref<32xf32, #tpu.memory_space<hbm>>) target(%arg11 : memref<32xf32, #tpu.memory_space<vmem>>) target_semaphore(%arg20 : memref<!tpu.dma_semaphore, #tpu.memory_space<semaphore_mem>>)
    %scan3A_80 = arith.constant 0 : i32
    %scan3A_81 = arith.constant 0 : i32
    %scan3A_82 = arith.constant 157 : i32
    %scan3A_83 = arith.addi %scan3A_81, %scan3A_82 : i32
    %scan3A_84 = arith.constant 1 : i32
    %scan3A_85 = scf.for %scan3A_93 = %scan3A_81 to %scan3A_83 step %scan3A_84 iter_args(%scan3A_94 = %scan3A_80) -> (i32)  : i32 {
      %mul3A_95 = arith.constant 2 : i32
      %mul3A_96 = arith.muli %scan3A_93, %mul3A_95 : i32
      %add3A_97 = arith.constant 0 : i32
      %add3A_98 = arith.addi %mul3A_96, %add3A_97 : i32
      %dma_wait3A_99 = arith.constant 0 : i32
      %dma_wait3A_100 = arith.constant 0 : i32
      %dma_wait3A_101 = tpu.memref_slice %arg16[%dma_wait3A_99, %dma_wait3A_100] : memref<10000x64xi32, #tpu.memory_space<vmem_shared>> -> memref<10000x64xi32, #tpu.memory_space<vmem_shared>>
      tpu.wait_indirect_dma semaphore(%arg18 : memref<!tpu.dma_semaphore, #tpu.memory_space<semaphore_mem>>) src(%dma_wait3A_101 : memref<10000x64xi32, #tpu.memory_space<vmem_shared>>) dst(%arg13 : memref<32x64xi32, #tpu.memory_space<vmem>>)
      %mul3A_102 = arith.constant 32 : i32
      %mul3A_103 = arith.muli %add3A_98, %mul3A_102 : i32
      %add3A_104 = arith.addi %mul3A_2, %mul3A_103 : i32
      %dma_wait3A_105 = tpu.memref_slice %arg2[%add3A_104] : memref<321536xi32, #tpu.memory_space<hbm>> -> memref<32xi32, #tpu.memory_space<hbm>>
      %dma_wait3A_106 = tpu.memref_slice %arg2[%add3A_104] : memref<321536xi32, #tpu.memory_space<hbm>> -> memref<32xi32, #tpu.memory_space<hbm>>
      tpu.wait_dma2 semaphore(%arg20 : memref<!tpu.dma_semaphore, #tpu.memory_space<semaphore_mem>>) src(%dma_wait3A_106 : memref<32xi32, #tpu.memory_space<hbm>>) dst(%arg9 : memref<32xi32, #tpu.memory_space<vmem>>)
      %mul3A_107 = arith.constant 32 : i32
      %mul3A_108 = arith.muli %add3A_98, %mul3A_107 : i32
      %add3A_109 = arith.addi %mul3A_2, %mul3A_108 : i32
      %dma_wait3A_110 = tpu.memref_slice %arg4[%add3A_109] : memref<321536xf32, #tpu.memory_space<hbm>> -> memref<32xf32, #tpu.memory_space<hbm>>
      %dma_wait3A_111 = tpu.memref_slice %arg4[%add3A_109] : memref<321536xf32, #tpu.memory_space<hbm>> -> memref<32xf32, #tpu.memory_space<hbm>>
      tpu.wait_dma2 semaphore(%arg20 : memref<!tpu.dma_semaphore, #tpu.memory_space<semaphore_mem>>) src(%dma_wait3A_111 : memref<32xf32, #tpu.memory_space<hbm>>) dst(%arg11 : memref<32xf32, #tpu.memory_space<vmem>>)
      %add3A_112 = arith.constant 2 : i32
      %add3A_113 = arith.addi %add3A_98, %add3A_112 : i32
      %lt3A = arith.constant 314 : i32
      %lt3A_114 = arith.cmpi slt, %add3A_113, %lt3A : i32
      %convert_element_type3A_115 = arith.extui %lt3A_114 : i1 to i32
      %cond3A_116 = arith.constant 0 : i32
      %cond3A_117 = arith.cmpi ne, %convert_element_type3A_115, %cond3A_116 : i32
      scf.if %cond3A_117 {
        %add3A_171 = arith.constant 2 : i32
        %add3A_172 = arith.addi %add3A_98, %add3A_171 : i32
        %mul3A_173 = arith.constant 32 : i32
        %mul3A_174 = arith.muli %add3A_172, %mul3A_173 : i32
        %add3A_175 = arith.addi %mul3A_2, %mul3A_174 : i32
        %dma_start3A_176 = tpu.memref_slice %arg3[%add3A_175] : memref<321536xi32, #tpu.memory_space<hbm>> -> memref<32xi32, #tpu.memory_space<hbm>>
        %dma_start3A_177 = tpu.memref_slice %arg3[%add3A_175] : memref<321536xi32, #tpu.memory_space<hbm>> -> memref<32xi32, #tpu.memory_space<hbm>>
        tpu.enqueue_dma source(%dma_start3A_177 : memref<32xi32, #tpu.memory_space<hbm>>) target(%arg7 : memref<32xi32, #tpu.memory_space<vmem>>) target_semaphore(%arg22 : memref<!tpu.dma_semaphore, #tpu.memory_space<semaphore_mem>>)
      } else {
      }
      %add3A_118 = arith.constant 1 : i32
      %add3A_119 = arith.addi %add3A_98, %add3A_118 : i32
      %lt3A_120 = arith.constant 314 : i32
      %lt3A_121 = arith.cmpi slt, %add3A_119, %lt3A_120 : i32
      %convert_element_type3A_122 = arith.extui %lt3A_121 : i1 to i32
      %cond3A_123 = arith.constant 0 : i32
      %cond3A_124 = arith.cmpi ne, %convert_element_type3A_122, %cond3A_123 : i32
      scf.if %cond3A_124 {
        %add3A_171 = arith.constant 1 : i32
        %add3A_172 = arith.addi %add3A_98, %add3A_171 : i32
        %mul3A_173 = arith.constant 32 : i32
        %mul3A_174 = arith.muli %add3A_172, %mul3A_173 : i32
        %add3A_175 = arith.addi %mul3A_2, %mul3A_174 : i32
        %dma_wait3A_176 = tpu.memref_slice %arg3[%add3A_175] : memref<321536xi32, #tpu.memory_space<hbm>> -> memref<32xi32, #tpu.memory_space<hbm>>
        %dma_wait3A_177 = tpu.memref_slice %arg3[%add3A_175] : memref<321536xi32, #tpu.memory_space<hbm>> -> memref<32xi32, #tpu.memory_space<hbm>>
        tpu.wait_dma2 semaphore(%arg23 : memref<!tpu.dma_semaphore, #tpu.memory_space<semaphore_mem>>) src(%dma_wait3A_177 : memref<32xi32, #tpu.memory_space<hbm>>) dst(%arg8 : memref<32xi32, #tpu.memory_space<vmem>>)
        %add3A_178 = arith.constant 1 : i32
        %add3A_179 = arith.addi %add3A_98, %add3A_178 : i32
        %dma_start3A_180 = arith.constant 0 : i32
        %dma_start3A_181 = arith.constant 0 : i32
        %dma_start3A_182 = tpu.memref_slice %arg16[%dma_start3A_180, %dma_start3A_181] : memref<10000x64xi32, #tpu.memory_space<vmem_shared>> -> memref<10000x64xi32, #tpu.memory_space<vmem_shared>>
        tpu.enqueue_indirect_dma source(%dma_start3A_182 : memref<10000x64xi32, #tpu.memory_space<vmem_shared>>) target(%arg14 : memref<32x64xi32, #tpu.memory_space<vmem>>) offsets(%arg8 : memref<32xi32, #tpu.memory_space<vmem>>) semaphore(%arg19 : memref<!tpu.dma_semaphore, #tpu.memory_space<semaphore_mem>>)
        %mul3A_183 = arith.constant 32 : i32
        %mul3A_184 = arith.muli %add3A_179, %mul3A_183 : i32
        %add3A_185 = arith.addi %mul3A_2, %mul3A_184 : i32
        %dma_start3A_186 = tpu.memref_slice %arg2[%add3A_185] : memref<321536xi32, #tpu.memory_space<hbm>> -> memref<32xi32, #tpu.memory_space<hbm>>
        %dma_start3A_187 = tpu.memref_slice %arg2[%add3A_185] : memref<321536xi32, #tpu.memory_space<hbm>> -> memref<32xi32, #tpu.memory_space<hbm>>
        tpu.enqueue_dma source(%dma_start3A_187 : memref<32xi32, #tpu.memory_space<hbm>>) target(%arg10 : memref<32xi32, #tpu.memory_space<vmem>>) target_semaphore(%arg21 : memref<!tpu.dma_semaphore, #tpu.memory_space<semaphore_mem>>)
        %mul3A_188 = arith.constant 32 : i32
        %mul3A_189 = arith.muli %add3A_179, %mul3A_188 : i32
        %add3A_190 = arith.addi %mul3A_2, %mul3A_189 : i32
        %dma_start3A_191 = tpu.memref_slice %arg4[%add3A_190] : memref<321536xf32, #tpu.memory_space<hbm>> -> memref<32xf32, #tpu.memory_space<hbm>>
        %dma_start3A_192 = tpu.memref_slice %arg4[%add3A_190] : memref<321536xf32, #tpu.memory_space<hbm>> -> memref<32xf32, #tpu.memory_space<hbm>>
        tpu.enqueue_dma source(%dma_start3A_192 : memref<32xf32, #tpu.memory_space<hbm>>) target(%arg12 : memref<32xf32, #tpu.memory_space<vmem>>) target_semaphore(%arg21 : memref<!tpu.dma_semaphore, #tpu.memory_space<semaphore_mem>>)
      } else {
      }
      %scan3A_125 = arith.constant 0 : i32
      %scan3A_126 = arith.constant 0 : i32
      %scan3A_127 = arith.constant 2 : i32
      %scan3A_128 = arith.addi %scan3A_126, %scan3A_127 : i32
      %scan3A_129 = arith.constant 1 : i32
      %scan3A_130 = scf.for %scan3A_171 = %scan3A_126 to %scan3A_128 step %scan3A_129 iter_args(%scan3A_172 = %scan3A_125) -> (i32)  : i32 {
        %mul3A_173 = arith.constant 16 : i32
        %mul3A_174 = arith.muli %scan3A_171, %mul3A_173 : i32
        %get3A = arith.index_cast %mul3A_174 : i32 to index
        %get3A_175 = tpu.vector_load %arg11[%get3A] {strides = array<i32>} : memref<32xf32, #tpu.memory_space<vmem>>, vector<16xf32>,
        %get3A_176 = vector.shape_cast %get3A_175 : vector<16xf32> to vector<16xf32>
        %broadcast_in_dim3A = arith.constant 0 : i32
        %broadcast_in_dim3A_177 = vector.broadcast %broadcast_in_dim3A : i32 to vector<16xi32>
        %lt3A_178 = arith.constant 0 : i32
        %lt3A_179 = vector.broadcast %lt3A_178 : i32 to vector<16xi32>
        %lt3A_180 = arith.cmpi slt, %broadcast_in_dim3A_177, %lt3A_179 : vector<16xi32>
        %add3A_181 = arith.constant 16 : i32
        %add3A_182 = vector.broadcast %add3A_181 : i32 to vector<16xi32>
        %add3A_183 = arith.addi %broadcast_in_dim3A_177, %add3A_182 : vector<16xi32>
        %select_n3A = arith.select %lt3A_180, %add3A_183, %broadcast_in_dim3A_177 : vector<16xi1>, vector<16xi32>
        %reshape3A = vector.shape_cast %select_n3A : vector<16xi32> to vector<16x1xi32>
        %gather3A = vector.shape_cast %reshape3A : vector<16x1xi32> to vector<16xi32>
        %gather3A_184 = tpu.dynamic_gather %get3A_176[%gather3A] in [0] : vector<16xf32>, vector<16xi32> -> vector<16xf32>
        %mul3A_185 = arith.constant 16 : i32
        %mul3A_186 = arith.muli %scan3A_171, %mul3A_185 : i32
        %add3A_187 = arith.constant 0 : i32
        %add3A_188 = arith.addi %mul3A_186, %add3A_187 : i32
        %get3A_189 = arith.index_cast %add3A_188 : i32 to index
        %get3A_190 = arith.constant 0 : index
        %get3A_191 = tpu.vector_load %arg13[%get3A_189, %get3A_190] {strides = array<i32>} : memref<32x64xi32, #tpu.memory_space<vmem>>, vector<1x16xi32>,
        %get3A_192 = vector.shape_cast %get3A_191 : vector<1x16xi32> to vector<16xi32>
        %shift_left3A = arith.constant 16 : i32
        %shift_left3A_193 = vector.broadcast %shift_left3A : i32 to vector<16xi32>
        %shift_left3A_194 = arith.shli %get3A_192, %shift_left3A_193 : vector<16xi32>
        %bitcast_convert_type3A = tpu.bitcast %shift_left3A_194 : vector<16xi32> -> vector<16xf32>
        %and3A = arith.constant -65536 : i32
        %and3A_195 = vector.broadcast %and3A : i32 to vector<16xi32>
        %and3A_196 = arith.andi %get3A_192, %and3A_195 : vector<16xi32>
        %bitcast_convert_type3A_197 = tpu.bitcast %and3A_196 : vector<16xi32> -> vector<16xf32>
        %mul3A_198 = arith.mulf %bitcast_convert_type3A, %gather3A_184 : vector<16xf32>
        %swap3A = arith.index_cast %add3A_188 : i32 to index
        %swap3A_199 = arith.constant 0 : index
        %swap3A_200 = tpu.vector_load %arg15[%swap3A, %swap3A_199] {strides = array<i32>} : memref<32x128xf32, #tpu.memory_space<vmem>>, vector<1x16xf32>,
        %swap3A_201 = vector.shape_cast %swap3A_200 : vector<1x16xf32> to vector<16xf32>
        %swap3A_202 = vector.shape_cast %mul3A_198 : vector<16xf32> to vector<1x16xf32>
        tpu.vector_store %arg15[%swap3A, %swap3A_199], %swap3A_202 {strides = array<i32>} : memref<32x128xf32, #tpu.memory_space<vmem>>, vector<1x16xf32>,
        %mul3A_203 = arith.mulf %bitcast_convert_type3A_197, %gather3A_184 : vector<16xf32>
        %swap3A_204 = arith.index_cast %add3A_188 : i32 to index
        %swap3A_205 = arith.constant 64 : index
        %swap3A_206 = tpu.vector_load %arg15[%swap3A_204, %swap3A_205] {strides = array<i32>} : memref<32x128xf32, #tpu.memory_space<vmem>>, vector<1x16xf32>,
        %swap3A_207 = vector.shape_cast %swap3A_206 : vector<1x16xf32> to vector<16xf32>
        %swap3A_208 = vector.shape_cast %mul3A_203 : vector<16xf32> to vector<1x16xf32>
        tpu.vector_store %arg15[%swap3A_204, %swap3A_205], %swap3A_208 {strides = array<i32>} : memref<32x128xf32, #tpu.memory_space<vmem>>, vector<1x16xf32>,
        %get3A_209 = arith.index_cast %add3A_188 : i32 to index
        %get3A_210 = arith.constant 16 : index
        %get3A_211 = tpu.vector_load %arg13[%get3A_209, %get3A_210] {strides = array<i32>} : memref<32x64xi32, #tpu.memory_space<vmem>>, vector<1x16xi32>,
        %get3A_212 = vector.shape_cast %get3A_211 : vector<1x16xi32> to vector<16xi32>
        %shift_left3A_213 = arith.constant 16 : i32
        %shift_left3A_214 = vector.broadcast %shift_left3A_213 : i32 to vector<16xi32>
        %shift_left3A_215 = arith.shli %get3A_212, %shift_left3A_214 : vector<16xi32>
        %bitcast_convert_type3A_216 = tpu.bitcast %shift_left3A_215 : vector<16xi32> -> vector<16xf32>
        %and3A_217 = arith.constant -65536 : i32
        %and3A_218 = vector.broadcast %and3A_217 : i32 to vector<16xi32>
        %and3A_219 = arith.andi %get3A_212, %and3A_218 : vector<16xi32>
        %bitcast_convert_type3A_220 = tpu.bitcast %and3A_219 : vector<16xi32> -> vector<16xf32>
        %mul3A_221 = arith.mulf %bitcast_convert_type3A_216, %gather3A_184 : vector<16xf32>
        %swap3A_222 = arith.index_cast %add3A_188 : i32 to index
        %swap3A_223 = arith.constant 16 : index
        %swap3A_224 = tpu.vector_load %arg15[%swap3A_222, %swap3A_223] {strides = array<i32>} : memref<32x128xf32, #tpu.memory_space<vmem>>, vector<1x16xf32>,
        %swap3A_225 = vector.shape_cast %swap3A_224 : vector<1x16xf32> to vector<16xf32>
        %swap3A_226 = vector.shape_cast %mul3A_221 : vector<16xf32> to vector<1x16xf32>
        tpu.vector_store %arg15[%swap3A_222, %swap3A_223], %swap3A_226 {strides = array<i32>} : memref<32x128xf32, #tpu.memory_space<vmem>>, vector<1x16xf32>,
        %mul3A_227 = arith.mulf %bitcast_convert_type3A_220, %gather3A_184 : vector<16xf32>
        %swap3A_228 = arith.index_cast %add3A_188 : i32 to index
        %swap3A_229 = arith.constant 80 : index
        %swap3A_230 = tpu.vector_load %arg15[%swap3A_228, %swap3A_229] {strides = array<i32>} : memref<32x128xf32, #tpu.memory_space<vmem>>, vector<1x16xf32>,
        %swap3A_231 = vector.shape_cast %swap3A_230 : vector<1x16xf32> to vector<16xf32>
        %swap3A_232 = vector.shape_cast %mul3A_227 : vector<16xf32> to vector<1x16xf32>
        tpu.vector_store %arg15[%swap3A_228, %swap3A_229], %swap3A_232 {strides = array<i32>} : memref<32x128xf32, #tpu.memory_space<vmem>>, vector<1x16xf32>,
        %get3A_233 = arith.index_cast %add3A_188 : i32 to index
        %get3A_234 = arith.constant 32 : index
        %get3A_235 = tpu.vector_load %arg13[%get3A_233, %get3A_234] {strides = array<i32>} : memref<32x64xi32, #tpu.memory_space<vmem>>, vector<1x16xi32>,
        %get3A_236 = vector.shape_cast %get3A_235 : vector<1x16xi32> to vector<16xi32>
        %shift_left3A_237 = arith.constant 16 : i32
        %shift_left3A_238 = vector.broadcast %shift_left3A_237 : i32 to vector<16xi32>
        %shift_left3A_239 = arith.shli %get3A_236, %shift_left3A_238 : vector<16xi32>
        %bitcast_convert_type3A_240 = tpu.bitcast %shift_left3A_239 : vector<16xi32> -> vector<16xf32>
        %and3A_241 = arith.constant -65536 : i32
        %and3A_242 = vector.broadcast %and3A_241 : i32 to vector<16xi32>
        %and3A_243 = arith.andi %get3A_236, %and3A_242 : vector<16xi32>
        %bitcast_convert_type3A_244 = tpu.bitcast %and3A_243 : vector<16xi32> -> vector<16xf32>
        %mul3A_245 = arith.mulf %bitcast_convert_type3A_240, %gather3A_184 : vector<16xf32>
        %swap3A_246 = arith.index_cast %add3A_188 : i32 to index
        %swap3A_247 = arith.constant 32 : index
        %swap3A_248 = tpu.vector_load %arg15[%swap3A_246, %swap3A_247] {strides = array<i32>} : memref<32x128xf32, #tpu.memory_space<vmem>>, vector<1x16xf32>,
        %swap3A_249 = vector.shape_cast %swap3A_248 : vector<1x16xf32> to vector<16xf32>
        %swap3A_250 = vector.shape_cast %mul3A_245 : vector<16xf32> to vector<1x16xf32>
        tpu.vector_store %arg15[%swap3A_246, %swap3A_247], %swap3A_250 {strides = array<i32>} : memref<32x128xf32, #tpu.memory_space<vmem>>, vector<1x16xf32>,
        %mul3A_251 = arith.mulf %bitcast_convert_type3A_244, %gather3A_184 : vector<16xf32>
        %swap3A_252 = arith.index_cast %add3A_188 : i32 to index
        %swap3A_253 = arith.constant 96 : index
        %swap3A_254 = tpu.vector_load %arg15[%swap3A_252, %swap3A_253] {strides = array<i32>} : memref<32x128xf32, #tpu.memory_space<vmem>>, vector<1x16xf32>,
        %swap3A_255 = vector.shape_cast %swap3A_254 : vector<1x16xf32> to vector<16xf32>
        %swap3A_256 = vector.shape_cast %mul3A_251 : vector<16xf32> to vector<1x16xf32>
        tpu.vector_store %arg15[%swap3A_252, %swap3A_253], %swap3A_256 {strides = array<i32>} : memref<32x128xf32, #tpu.memory_space<vmem>>, vector<1x16xf32>,
        %get3A_257 = arith.index_cast %add3A_188 : i32 to index
        %get3A_258 = arith.constant 48 : index
        %get3A_259 = tpu.vector_load %arg13[%get3A_257, %get3A_258] {strides = array<i32>} : memref<32x64xi32, #tpu.memory_space<vmem>>, vector<1x16xi32>,
        %get3A_260 = vector.shape_cast %get3A_259 : vector<1x16xi32> to vector<16xi32>
        %shift_left3A_261 = arith.constant 16 : i32
        %shift_left3A_262 = vector.broadcast %shift_left3A_261 : i32 to vector<16xi32>
        %shift_left3A_263 = arith.shli %get3A_260, %shift_left3A_262 : vector<16xi32>
        %bitcast_convert_type3A_264 = tpu.bitcast %shift_left3A_263 : vector<16xi32> -> vector<16xf32>
        %and3A_265 = arith.constant -65536 : i32
        %and3A_266 = vector.broadcast %and3A_265 : i32 to vector<16xi32>
        %and3A_267 = arith.andi %get3A_260, %and3A_266 : vector<16xi32>
        %bitcast_convert_type3A_268 = tpu.bitcast %and3A_267 : vector<16xi32> -> vector<16xf32>
        %mul3A_269 = arith.mulf %bitcast_convert_type3A_264, %gather3A_184 : vector<16xf32>
        %swap3A_270 = arith.index_cast %add3A_188 : i32 to index
        %swap3A_271 = arith.constant 48 : index
        %swap3A_272 = tpu.vector_load %arg15[%swap3A_270, %swap3A_271] {strides = array<i32>} : memref<32x128xf32, #tpu.memory_space<vmem>>, vector<1x16xf32>,
        %swap3A_273 = vector.shape_cast %swap3A_272 : vector<1x16xf32> to vector<16xf32>
        %swap3A_274 = vector.shape_cast %mul3A_269 : vector<16xf32> to vector<1x16xf32>
        tpu.vector_store %arg15[%swap3A_270, %swap3A_271], %swap3A_274 {strides = array<i32>} : memref<32x128xf32, #tpu.memory_space<vmem>>, vector<1x16xf32>,
        %mul3A_275 = arith.mulf %bitcast_convert_type3A_268, %gather3A_184 : vector<16xf32>
        %swap3A_276 = arith.index_cast %add3A_188 : i32 to index
        %swap3A_277 = arith.constant 112 : index
        %swap3A_278 = tpu.vector_load %arg15[%swap3A_276, %swap3A_277] {strides = array<i32>} : memref<32x128xf32, #tpu.memory_space<vmem>>, vector<1x16xf32>,
        %swap3A_279 = vector.shape_cast %swap3A_278 : vector<1x16xf32> to vector<16xf32>
        %swap3A_280 = vector.shape_cast %mul3A_275 : vector<16xf32> to vector<1x16xf32>
        tpu.vector_store %arg15[%swap3A_276, %swap3A_277], %swap3A_280 {strides = array<i32>} : memref<32x128xf32, #tpu.memory_space<vmem>>, vector<1x16xf32>,
        %broadcast_in_dim3A_281 = arith.constant 1 : i32
        %broadcast_in_dim3A_282 = vector.broadcast %broadcast_in_dim3A_281 : i32 to vector<16xi32>
        %lt3A_283 = arith.constant 0 : i32
        %lt3A_284 = vector.broadcast %lt3A_283 : i32 to vector<16xi32>
        %lt3A_285 = arith.cmpi slt, %broadcast_in_dim3A_282, %lt3A_284 : vector<16xi32>
        %add3A_286 = arith.constant 16 : i32
        %add3A_287 = vector.broadcast %add3A_286 : i32 to vector<16xi32>
        %add3A_288 = arith.addi %broadcast_in_dim3A_282, %add3A_287 : vector<16xi32>
        %select_n3A_289 = arith.select %lt3A_285, %add3A_288, %broadcast_in_dim3A_282 : vector<16xi1>, vector<16xi32>
        %reshape3A_290 = vector.shape_cast %select_n3A_289 : vector<16xi32> to vector<16x1xi32>
        %gather3A_291 = vector.shape_cast %reshape3A_290 : vector<16x1xi32> to vector<16xi32>
        %gather3A_292 = tpu.dynamic_gather %get3A_176[%gather3A_291] in [0] : vector<16xf32>, vector<16xi32> -> vector<16xf32>
        %mul3A_293 = arith.constant 16 : i32
        %mul3A_294 = arith.muli %scan3A_171, %mul3A_293 : i32
        %add3A_295 = arith.constant 1 : i32
        %add3A_296 = arith.addi %mul3A_294, %add3A_295 : i32
        %get3A_297 = arith.index_cast %add3A_296 : i32 to index
        %get3A_298 = arith.constant 0 : index
        %get3A_299 = tpu.vector_load %arg13[%get3A_297, %get3A_298] {strides = array<i32>} : memref<32x64xi32, #tpu.memory_space<vmem>>, vector<1x16xi32>,
        %get3A_300 = vector.shape_cast %get3A_299 : vector<1x16xi32> to vector<16xi32>
        %shift_left3A_301 = arith.constant 16 : i32
        %shift_left3A_302 = vector.broadcast %shift_left3A_301 : i32 to vector<16xi32>
        %shift_left3A_303 = arith.shli %get3A_300, %shift_left3A_302 : vector<16xi32>
        %bitcast_convert_type3A_304 = tpu.bitcast %shift_left3A_303 : vector<16xi32> -> vector<16xf32>
        %and3A_305 = arith.constant -65536 : i32
        %and3A_306 = vector.broadcast %and3A_305 : i32 to vector<16xi32>
        %and3A_307 = arith.andi %get3A_300, %and3A_306 : vector<16xi32>
        %bitcast_convert_type3A_308 = tpu.bitcast %and3A_307 : vector<16xi32> -> vector<16xf32>
        %mul3A_309 = arith.mulf %bitcast_convert_type3A_304, %gather3A_292 : vector<16xf32>
        %swap3A_310 = arith.index_cast %add3A_296 : i32 to index
        %swap3A_311 = arith.constant 0 : index
        %swap3A_312 = tpu.vector_load %arg15[%swap3A_310, %swap3A_311] {strides = array<i32>} : memref<32x128xf32, #tpu.memory_space<vmem>>, vector<1x16xf32>,
        %swap3A_313 = vector.shape_cast %swap3A_312 : vector<1x16xf32> to vector<16xf32>
        %swap3A_314 = vector.shape_cast %mul3A_309 : vector<16xf32> to vector<1x16xf32>
        tpu.vector_store %arg15[%swap3A_310, %swap3A_311], %swap3A_314 {strides = array<i32>} : memref<32x128xf32, #tpu.memory_space<vmem>>, vector<1x16xf32>,
        %mul3A_315 = arith.mulf %bitcast_convert_type3A_308, %gather3A_292 : vector<16xf32>
        %swap3A_316 = arith.index_cast %add3A_296 : i32 to index
        %swap3A_317 = arith.constant 64 : index
        %swap3A_318 = tpu.vector_load %arg15[%swap3A_316, %swap3A_317] {strides = array<i32>} : memref<32x128xf32, #tpu.memory_space<vmem>>, vector<1x16xf32>,
        %swap3A_319 = vector.shape_cast %swap3A_318 : vector<1x16xf32> to vector<16xf32>
        %swap3A_320 = vector.shape_cast %mul3A_315 : vector<16xf32> to vector<1x16xf32>
        tpu.vector_store %arg15[%swap3A_316, %swap3A_317], %swap3A_320 {strides = array<i32>} : memref<32x128xf32, #tpu.memory_space<vmem>>, vector<1x16xf32>,
        %get3A_321 = arith.index_cast %add3A_296 : i32 to index
        %get3A_322 = arith.constant 16 : index
        %get3A_323 = tpu.vector_load %arg13[%get3A_321, %get3A_322] {strides = array<i32>} : memref<32x64xi32, #tpu.memory_space<vmem>>, vector<1x16xi32>,
        %get3A_324 = vector.shape_cast %get3A_323 : vector<1x16xi32> to vector<16xi32>
        %shift_left3A_325 = arith.constant 16 : i32
        %shift_left3A_326 = vector.broadcast %shift_left3A_325 : i32 to vector<16xi32>
        %shift_left3A_327 = arith.shli %get3A_324, %shift_left3A_326 : vector<16xi32>
        %bitcast_convert_type3A_328 = tpu.bitcast %shift_left3A_327 : vector<16xi32> -> vector<16xf32>
        %and3A_329 = arith.constant -65536 : i32
        %and3A_330 = vector.broadcast %and3A_329 : i32 to vector<16xi32>
        %and3A_331 = arith.andi %get3A_324, %and3A_330 : vector<16xi32>
        %bitcast_convert_type3A_332 = tpu.bitcast %and3A_331 : vector<16xi32> -> vector<16xf32>
        %mul3A_333 = arith.mulf %bitcast_convert_type3A_328, %gather3A_292 : vector<16xf32>
        %swap3A_334 = arith.index_cast %add3A_296 : i32 to index
        %swap3A_335 = arith.constant 16 : index
        %swap3A_336 = tpu.vector_load %arg15[%swap3A_334, %swap3A_335] {strides = array<i32>} : memref<32x128xf32, #tpu.memory_space<vmem>>, vector<1x16xf32>,
        %swap3A_337 = vector.shape_cast %swap3A_336 : vector<1x16xf32> to vector<16xf32>
        %swap3A_338 = vector.shape_cast %mul3A_333 : vector<16xf32> to vector<1x16xf32>
        tpu.vector_store %arg15[%swap3A_334, %swap3A_335], %swap3A_338 {strides = array<i32>} : memref<32x128xf32, #tpu.memory_space<vmem>>, vector<1x16xf32>,
        %mul3A_339 = arith.mulf %bitcast_convert_type3A_332, %gather3A_292 : vector<16xf32>
        %swap3A_340 = arith.index_cast %add3A_296 : i32 to index
        %swap3A_341 = arith.constant 80 : index
        %swap3A_342 = tpu.vector_load %arg15[%swap3A_340, %swap3A_341] {strides = array<i32>} : memref<32x128xf32, #tpu.memory_space<vmem>>, vector<1x16xf32>,
        %swap3A_343 = vector.shape_cast %swap3A_342 : vector<1x16xf32> to vector<16xf32>
        %swap3A_344 = vector.shape_cast %mul3A_339 : vector<16xf32> to vector<1x16xf32>
        tpu.vector_store %arg15[%swap3A_340, %swap3A_341], %swap3A_344 {strides = array<i32>} : memref<32x128xf32, #tpu.memory_space<vmem>>, vector<1x16xf32>,
        %get3A_345 = arith.index_cast %add3A_296 : i32 to index
        %get3A_346 = arith.constant 32 : index
        %get3A_347 = tpu.vector_load %arg13[%get3A_345, %get3A_346] {strides = array<i32>} : memref<32x64xi32, #tpu.memory_space<vmem>>, vector<1x16xi32>,
        %get3A_348 = vector.shape_cast %get3A_347 : vector<1x16xi32> to vector<16xi32>
        %shift_left3A_349 = arith.constant 16 : i32
        %shift_left3A_350 = vector.broadcast %shift_left3A_349 : i32 to vector<16xi32>
        %shift_left3A_351 = arith.shli %get3A_348, %shift_left3A_350 : vector<16xi32>
        %bitcast_convert_type3A_352 = tpu.bitcast %shift_left3A_351 : vector<16xi32> -> vector<16xf32>
        %and3A_353 = arith.constant -65536 : i32
        %and3A_354 = vector.broadcast %and3A_353 : i32 to vector<16xi32>
        %and3A_355 = arith.andi %get3A_348, %and3A_354 : vector<16xi32>
        %bitcast_convert_type3A_356 = tpu.bitcast %and3A_355 : vector<16xi32> -> vector<16xf32>
        %mul3A_357 = arith.mulf %bitcast_convert_type3A_352, %gather3A_292 : vector<16xf32>
        %swap3A_358 = arith.index_cast %add3A_296 : i32 to index
        %swap3A_359 = arith.constant 32 : index
        %swap3A_360 = tpu.vector_load %arg15[%swap3A_358, %swap3A_359] {strides = array<i32>} : memref<32x128xf32, #tpu.memory_space<vmem>>, vector<1x16xf32>,
        %swap3A_361 = vector.shape_cast %swap3A_360 : vector<1x16xf32> to vector<16xf32>
        %swap3A_362 = vector.shape_cast %mul3A_357 : vector<16xf32> to vector<1x16xf32>
        tpu.vector_store %arg15[%swap3A_358, %swap3A_359], %swap3A_362 {strides = array<i32>} : memref<32x128xf32, #tpu.memory_space<vmem>>, vector<1x16xf32>,
        %mul3A_363 = arith.mulf %bitcast_convert_type3A_356, %gather3A_292 : vector<16xf32>
        %swap3A_364 = arith.index_cast %add3A_296 : i32 to index
        %swap3A_365 = arith.constant 96 : index
        %swap3A_366 = tpu.vector_load %arg15[%swap3A_364, %swap3A_365] {strides = array<i32>} : memref<32x128xf32, #tpu.memory_space<vmem>>, vector<1x16xf32>,
        %swap3A_367 = vector.shape_cast %swap3A_366 : vector<1x16xf32> to vector<16xf32>
        %swap3A_368 = vector.shape_cast %mul3A_363 : vector<16xf32> to vector<1x16xf32>
        tpu.vector_store %arg15[%swap3A_364, %swap3A_365], %swap3A_368 {strides = array<i32>} : memref<32x128xf32, #tpu.memory_space<vmem>>, vector<1x16xf32>,
        %get3A_369 = arith.index_cast %add3A_296 : i32 to index
        %get3A_370 = arith.constant 48 : index
        %get3A_371 = tpu.vector_load %arg13[%get3A_369, %get3A_370] {strides = array<i32>} : memref<32x64xi32, #tpu.memory_space<vmem>>, vector<1x16xi32>,
        %get3A_372 = vector.shape_cast %get3A_371 : vector<1x16xi32> to vector<16xi32>
        %shift_left3A_373 = arith.constant 16 : i32
        %shift_left3A_374 = vector.broadcast %shift_left3A_373 : i32 to vector<16xi32>
        %shift_left3A_375 = arith.shli %get3A_372, %shift_left3A_374 : vector<16xi32>
        %bitcast_convert_type3A_376 = tpu.bitcast %shift_left3A_375 : vector<16xi32> -> vector<16xf32>
        %and3A_377 = arith.constant -65536 : i32
        %and3A_378 = vector.broadcast %and3A_377 : i32 to vector<16xi32>
        %and3A_379 = arith.andi %get3A_372, %and3A_378 : vector<16xi32>
        %bitcast_convert_type3A_380 = tpu.bitcast %and3A_379 : vector<16xi32> -> vector<16xf32>
        %mul3A_381 = arith.mulf %bitcast_convert_type3A_376, %gather3A_292 : vector<16xf32>
        %swap3A_382 = arith.index_cast %add3A_296 : i32 to index
        %swap3A_383 = arith.constant 48 : index
        %swap3A_384 = tpu.vector_load %arg15[%swap3A_382, %swap3A_383] {strides = array<i32>} : memref<32x128xf32, #tpu.memory_space<vmem>>, vector<1x16xf32>,
        %swap3A_385 = vector.shape_cast %swap3A_384 : vector<1x16xf32> to vector<16xf32>
        %swap3A_386 = vector.shape_cast %mul3A_381 : vector<16xf32> to vector<1x16xf32>
        tpu.vector_store %arg15[%swap3A_382, %swap3A_383], %swap3A_386 {strides = array<i32>} : memref<32x128xf32, #tpu.memory_space<vmem>>, vector<1x16xf32>,
        %mul3A_387 = arith.mulf %bitcast_convert_type3A_380, %gather3A_292 : vector<16xf32>
        %swap3A_388 = arith.index_cast %add3A_296 : i32 to index
        %swap3A_389 = arith.constant 112 : index
        %swap3A_390 = tpu.vector_load %arg15[%swap3A_388, %swap3A_389] {strides = array<i32>} : memref<32x128xf32, #tpu.memory_space<vmem>>, vector<1x16xf32>,
        %swap3A_391 = vector.shape_cast %swap3A_390 : vector<1x16xf32> to vector<16xf32>
        %swap3A_392 = vector.shape_cast %mul3A_387 : vector<16xf32> to vector<1x16xf32>
        tpu.vector_store %arg15[%swap3A_388, %swap3A_389], %swap3A_392 {strides = array<i32>} : memref<32x128xf32, #tpu.memory_space<vmem>>, vector<1x16xf32>,
        %broadcast_in_dim3A_393 = arith.constant 2 : i32
        %broadcast_in_dim3A_394 = vector.broadcast %broadcast_in_dim3A_393 : i32 to vector<16xi32>
        %lt3A_395 = arith.constant 0 : i32
        %lt3A_396 = vector.broadcast %lt3A_395 : i32 to vector<16xi32>
        %lt3A_397 = arith.cmpi slt, %broadcast_in_dim3A_394, %lt3A_396 : vector<16xi32>
        %add3A_398 = arith.constant 16 : i32
        %add3A_399 = vector.broadcast %add3A_398 : i32 to vector<16xi32>
        %add3A_400 = arith.addi %broadcast_in_dim3A_394, %add3A_399 : vector<16xi32>
        %select_n3A_401 = arith.select %lt3A_397, %add3A_400, %broadcast_in_dim3A_394 : vector<16xi1>, vector<16xi32>
        %reshape3A_402 = vector.shape_cast %select_n3A_401 : vector<16xi32> to vector<16x1xi32>
        %gather3A_403 = vector.shape_cast %reshape3A_402 : vector<16x1xi32> to vector<16xi32>
        %gather3A_404 = tpu.dynamic_gather %get3A_176[%gather3A_403] in [0] : vector<16xf32>, vector<16xi32> -> vector<16xf32>
        %mul3A_405 = arith.constant 16 : i32
        %mul3A_406 = arith.muli %scan3A_171, %mul3A_405 : i32
        %add3A_407 = arith.constant 2 : i32
        %add3A_408 = arith.addi %mul3A_406, %add3A_407 : i32
        %get3A_409 = arith.index_cast %add3A_408 : i32 to index
        %get3A_410 = arith.constant 0 : index
        %get3A_411 = tpu.vector_load %arg13[%get3A_409, %get3A_410] {strides = array<i32>} : memref<32x64xi32, #tpu.memory_space<vmem>>, vector<1x16xi32>,
        %get3A_412 = vector.shape_cast %get3A_411 : vector<1x16xi32> to vector<16xi32>
        %shift_left3A_413 = arith.constant 16 : i32
        %shift_left3A_414 = vector.broadcast %shift_left3A_413 : i32 to vector<16xi32>
        %shift_left3A_415 = arith.shli %get3A_412, %shift_left3A_414 : vector<16xi32>
        %bitcast_convert_type3A_416 = tpu.bitcast %shift_left3A_415 : vector<16xi32> -> vector<16xf32>
        %and3A_417 = arith.constant -65536 : i32
        %and3A_418 = vector.broadcast %and3A_417 : i32 to vector<16xi32>
        %and3A_419 = arith.andi %get3A_412, %and3A_418 : vector<16xi32>
        %bitcast_convert_type3A_420 = tpu.bitcast %and3A_419 : vector<16xi32> -> vector<16xf32>
        %mul3A_421 = arith.mulf %bitcast_convert_type3A_416, %gather3A_404 : vector<16xf32>
        %swap3A_422 = arith.index_cast %add3A_408 : i32 to index
        %swap3A_423 = arith.constant 0 : index
        %swap3A_424 = tpu.vector_load %arg15[%swap3A_422, %swap3A_423] {strides = array<i32>} : memref<32x128xf32, #tpu.memory_space<vmem>>, vector<1x16xf32>,
        %swap3A_425 = vector.shape_cast %swap3A_424 : vector<1x16xf32> to vector<16xf32>
        %swap3A_426 = vector.shape_cast %mul3A_421 : vector<16xf32> to vector<1x16xf32>
        tpu.vector_store %arg15[%swap3A_422, %swap3A_423], %swap3A_426 {strides = array<i32>} : memref<32x128xf32, #tpu.memory_space<vmem>>, vector<1x16xf32>,
        %mul3A_427 = arith.mulf %bitcast_convert_type3A_420, %gather3A_404 : vector<16xf32>
        %swap3A_428 = arith.index_cast %add3A_408 : i32 to index
        %swap3A_429 = arith.constant 64 : index
        %swap3A_430 = tpu.vector_load %arg15[%swap3A_428, %swap3A_429] {strides = array<i32>} : memref<32x128xf32, #tpu.memory_space<vmem>>, vector<1x16xf32>,
        %swap3A_431 = vector.shape_cast %swap3A_430 : vector<1x16xf32> to vector<16xf32>
        %swap3A_432 = vector.shape_cast %mul3A_427 : vector<16xf32> to vector<1x16xf32>
        tpu.vector_store %arg15[%swap3A_428, %swap3A_429], %swap3A_432 {strides = array<i32>} : memref<32x128xf32, #tpu.memory_space<vmem>>, vector<1x16xf32>,
        %get3A_433 = arith.index_cast %add3A_408 : i32 to index
        %get3A_434 = arith.constant 16 : index
        %get3A_435 = tpu.vector_load %arg13[%get3A_433, %get3A_434] {strides = array<i32>} : memref<32x64xi32, #tpu.memory_space<vmem>>, vector<1x16xi32>,
        %get3A_436 = vector.shape_cast %get3A_435 : vector<1x16xi32> to vector<16xi32>
        %shift_left3A_437 = arith.constant 16 : i32
        %shift_left3A_438 = vector.broadcast %shift_left3A_437 : i32 to vector<16xi32>
        %shift_left3A_439 = arith.shli %get3A_436, %shift_left3A_438 : vector<16xi32>
        %bitcast_convert_type3A_440 = tpu.bitcast %shift_left3A_439 : vector<16xi32> -> vector<16xf32>
        %and3A_441 = arith.constant -65536 : i32
        %and3A_442 = vector.broadcast %and3A_441 : i32 to vector<16xi32>
        %and3A_443 = arith.andi %get3A_436, %and3A_442 : vector<16xi32>
        %bitcast_convert_type3A_444 = tpu.bitcast %and3A_443 : vector<16xi32> -> vector<16xf32>
        %mul3A_445 = arith.mulf %bitcast_convert_type3A_440, %gather3A_404 : vector<16xf32>
        %swap3A_446 = arith.index_cast %add3A_408 : i32 to index
        %swap3A_447 = arith.constant 16 : index
        %swap3A_448 = tpu.vector_load %arg15[%swap3A_446, %swap3A_447] {strides = array<i32>} : memref<32x128xf32, #tpu.memory_space<vmem>>, vector<1x16xf32>,
        %swap3A_449 = vector.shape_cast %swap3A_448 : vector<1x16xf32> to vector<16xf32>
        %swap3A_450 = vector.shape_cast %mul3A_445 : vector<16xf32> to vector<1x16xf32>
        tpu.vector_store %arg15[%swap3A_446, %swap3A_447], %swap3A_450 {strides = array<i32>} : memref<32x128xf32, #tpu.memory_space<vmem>>, vector<1x16xf32>,
        %mul3A_451 = arith.mulf %bitcast_convert_type3A_444, %gather3A_404 : vector<16xf32>
        %swap3A_452 = arith.index_cast %add3A_408 : i32 to index
        %swap3A_453 = arith.constant 80 : index
        %swap3A_454 = tpu.vector_load %arg15[%swap3A_452, %swap3A_453] {strides = array<i32>} : memref<32x128xf32, #tpu.memory_space<vmem>>, vector<1x16xf32>,
        %swap3A_455 = vector.shape_cast %swap3A_454 : vector<1x16xf32> to vector<16xf32>
        %swap3A_456 = vector.shape_cast %mul3A_451 : vector<16xf32> to vector<1x16xf32>
        tpu.vector_store %arg15[%swap3A_452, %swap3A_453], %swap3A_456 {strides = array<i32>} : memref<32x128xf32, #tpu.memory_space<vmem>>, vector<1x16xf32>,
        %get3A_457 = arith.index_cast %add3A_408 : i32 to index
        %get3A_458 = arith.constant 32 : index
        %get3A_459 = tpu.vector_load %arg13[%get3A_457, %get3A_458] {strides = array<i32>} : memref<32x64xi32, #tpu.memory_space<vmem>>, vector<1x16xi32>,
        %get3A_460 = vector.shape_cast %get3A_459 : vector<1x16xi32> to vector<16xi32>
        %shift_left3A_461 = arith.constant 16 : i32
        %shift_left3A_462 = vector.broadcast %shift_left3A_461 : i32 to vector<16xi32>
        %shift_left3A_463 = arith.shli %get3A_460, %shift_left3A_462 : vector<16xi32>
        %bitcast_convert_type3A_464 = tpu.bitcast %shift_left3A_463 : vector<16xi32> -> vector<16xf32>
        %and3A_465 = arith.constant -65536 : i32
        %and3A_466 = vector.broadcast %and3A_465 : i32 to vector<16xi32>
        %and3A_467 = arith.andi %get3A_460, %and3A_466 : vector<16xi32>
        %bitcast_convert_type3A_468 = tpu.bitcast %and3A_467 : vector<16xi32> -> vector<16xf32>
        %mul3A_469 = arith.mulf %bitcast_convert_type3A_464, %gather3A_404 : vector<16xf32>
        %swap3A_470 = arith.index_cast %add3A_408 : i32 to index
        %swap3A_471 = arith.constant 32 : index
        %swap3A_472 = tpu.vector_load %arg15[%swap3A_470, %swap3A_471] {strides = array<i32>} : memref<32x128xf32, #tpu.memory_space<vmem>>, vector<1x16xf32>,
        %swap3A_473 = vector.shape_cast %swap3A_472 : vector<1x16xf32> to vector<16xf32>
        %swap3A_474 = vector.shape_cast %mul3A_469 : vector<16xf32> to vector<1x16xf32>
        tpu.vector_store %arg15[%swap3A_470, %swap3A_471], %swap3A_474 {strides = array<i32>} : memref<32x128xf32, #tpu.memory_space<vmem>>, vector<1x16xf32>,
        %mul3A_475 = arith.mulf %bitcast_convert_type3A_468, %gather3A_404 : vector<16xf32>
        %swap3A_476 = arith.index_cast %add3A_408 : i32 to index
        %swap3A_477 = arith.constant 96 : index
        %swap3A_478 = tpu.vector_load %arg15[%swap3A_476, %swap3A_477] {strides = array<i32>} : memref<32x128xf32, #tpu.memory_space<vmem>>, vector<1x16xf32>,
        %swap3A_479 = vector.shape_cast %swap3A_478 : vector<1x16xf32> to vector<16xf32>
        %swap3A_480 = vector.shape_cast %mul3A_475 : vector<16xf32> to vector<1x16xf32>
        tpu.vector_store %arg15[%swap3A_476, %swap3A_477], %swap3A_480 {strides = array<i32>} : memref<32x128xf32, #tpu.memory_space<vmem>>, vector<1x16xf32>,
        %get3A_481 = arith.index_cast %add3A_408 : i32 to index
        %get3A_482 = arith.constant 48 : index
        %get3A_483 = tpu.vector_load %arg13[%get3A_481, %get3A_482] {strides = array<i32>} : memref<32x64xi32, #tpu.memory_space<vmem>>, vector<1x16xi32>,
        %get3A_484 = vector.shape_cast %get3A_483 : vector<1x16xi32> to vector<16xi32>
        %shift_left3A_485 = arith.constant 16 : i32
        %shift_left3A_486 = vector.broadcast %shift_left3A_485 : i32 to vector<16xi32>
        %shift_left3A_487 = arith.shli %get3A_484, %shift_left3A_486 : vector<16xi32>
        %bitcast_convert_type3A_488 = tpu.bitcast %shift_left3A_487 : vector<16xi32> -> vector<16xf32>
        %and3A_489 = arith.constant -65536 : i32
        %and3A_490 = vector.broadcast %and3A_489 : i32 to vector<16xi32>
        %and3A_491 = arith.andi %get3A_484, %and3A_490 : vector<16xi32>
        %bitcast_convert_type3A_492 = tpu.bitcast %and3A_491 : vector<16xi32> -> vector<16xf32>
        %mul3A_493 = arith.mulf %bitcast_convert_type3A_488, %gather3A_404 : vector<16xf32>
        %swap3A_494 = arith.index_cast %add3A_408 : i32 to index
        %swap3A_495 = arith.constant 48 : index
        %swap3A_496 = tpu.vector_load %arg15[%swap3A_494, %swap3A_495] {strides = array<i32>} : memref<32x128xf32, #tpu.memory_space<vmem>>, vector<1x16xf32>,
        %swap3A_497 = vector.shape_cast %swap3A_496 : vector<1x16xf32> to vector<16xf32>
        %swap3A_498 = vector.shape_cast %mul3A_493 : vector<16xf32> to vector<1x16xf32>
        tpu.vector_store %arg15[%swap3A_494, %swap3A_495], %swap3A_498 {strides = array<i32>} : memref<32x128xf32, #tpu.memory_space<vmem>>, vector<1x16xf32>,
        %mul3A_499 = arith.mulf %bitcast_convert_type3A_492, %gather3A_404 : vector<16xf32>
        %swap3A_500 = arith.index_cast %add3A_408 : i32 to index
        %swap3A_501 = arith.constant 112 : index
        %swap3A_502 = tpu.vector_load %arg15[%swap3A_500, %swap3A_501] {strides = array<i32>} : memref<32x128xf32, #tpu.memory_space<vmem>>, vector<1x16xf32>,
        %swap3A_503 = vector.shape_cast %swap3A_502 : vector<1x16xf32> to vector<16xf32>
        %swap3A_504 = vector.shape_cast %mul3A_499 : vector<16xf32> to vector<1x16xf32>
        tpu.vector_store %arg15[%swap3A_500, %swap3A_501], %swap3A_504 {strides = array<i32>} : memref<32x128xf32, #tpu.memory_space<vmem>>, vector<1x16xf32>,
        %broadcast_in_dim3A_505 = arith.constant 3 : i32
        %broadcast_in_dim3A_506 = vector.broadcast %broadcast_in_dim3A_505 : i32 to vector<16xi32>
        %lt3A_507 = arith.constant 0 : i32
        %lt3A_508 = vector.broadcast %lt3A_507 : i32 to vector<16xi32>
        %lt3A_509 = arith.cmpi slt, %broadcast_in_dim3A_506, %lt3A_508 : vector<16xi32>
        %add3A_510 = arith.constant 16 : i32
        %add3A_511 = vector.broadcast %add3A_510 : i32 to vector<16xi32>
        %add3A_512 = arith.addi %broadcast_in_dim3A_506, %add3A_511 : vector<16xi32>
        %select_n3A_513 = arith.select %lt3A_509, %add3A_512, %broadcast_in_dim3A_506 : vector<16xi1>, vector<16xi32>
        %reshape3A_514 = vector.shape_cast %select_n3A_513 : vector<16xi32> to vector<16x1xi32>
        %gather3A_515 = vector.shape_cast %reshape3A_514 : vector<16x1xi32> to vector<16xi32>
        %gather3A_516 = tpu.dynamic_gather %get3A_176[%gather3A_515] in [0] : vector<16xf32>, vector<16xi32> -> vector<16xf32>
        %mul3A_517 = arith.constant 16 : i32
        %mul3A_518 = arith.muli %scan3A_171, %mul3A_517 : i32
        %add3A_519 = arith.constant 3 : i32
        %add3A_520 = arith.addi %mul3A_518, %add3A_519 : i32
        %get3A_521 = arith.index_cast %add3A_520 : i32 to index
        %get3A_522 = arith.constant 0 : index
        %get3A_523 = tpu.vector_load %arg13[%get3A_521, %get3A_522] {strides = array<i32>} : memref<32x64xi32, #tpu.memory_space<vmem>>, vector<1x16xi32>,
        %get3A_524 = vector.shape_cast %get3A_523 : vector<1x16xi32> to vector<16xi32>
        %shift_left3A_525 = arith.constant 16 : i32
        %shift_left3A_526 = vector.broadcast %shift_left3A_525 : i32 to vector<16xi32>
        %shift_left3A_527 = arith.shli %get3A_524, %shift_left3A_526 : vector<16xi32>
        %bitcast_convert_type3A_528 = tpu.bitcast %shift_left3A_527 : vector<16xi32> -> vector<16xf32>
        %and3A_529 = arith.constant -65536 : i32
        %and3A_530 = vector.broadcast %and3A_529 : i32 to vector<16xi32>
        %and3A_531 = arith.andi %get3A_524, %and3A_530 : vector<16xi32>
        %bitcast_convert_type3A_532 = tpu.bitcast %and3A_531 : vector<16xi32> -> vector<16xf32>
        %mul3A_533 = arith.mulf %bitcast_convert_type3A_528, %gather3A_516 : vector<16xf32>
        %swap3A_534 = arith.index_cast %add3A_520 : i32 to index
        %swap3A_535 = arith.constant 0 : index
        %swap3A_536 = tpu.vector_load %arg15[%swap3A_534, %swap3A_535] {strides = array<i32>} : memref<32x128xf32, #tpu.memory_space<vmem>>, vector<1x16xf32>,
        %swap3A_537 = vector.shape_cast %swap3A_536 : vector<1x16xf32> to vector<16xf32>
        %swap3A_538 = vector.shape_cast %mul3A_533 : vector<16xf32> to vector<1x16xf32>
        tpu.vector_store %arg15[%swap3A_534, %swap3A_535], %swap3A_538 {strides = array<i32>} : memref<32x128xf32, #tpu.memory_space<vmem>>, vector<1x16xf32>,
        %mul3A_539 = arith.mulf %bitcast_convert_type3A_532, %gather3A_516 : vector<16xf32>
        %swap3A_540 = arith.index_cast %add3A_520 : i32 to index
        %swap3A_541 = arith.constant 64 : index
        %swap3A_542 = tpu.vector_load %arg15[%swap3A_540, %swap3A_541] {strides = array<i32>} : memref<32x128xf32, #tpu.memory_space<vmem>>, vector<1x16xf32>,
        %swap3A_543 = vector.shape_cast %swap3A_542 : vector<1x16xf32> to vector<16xf32>
        %swap3A_544 = vector.shape_cast %mul3A_539 : vector<16xf32> to vector<1x16xf32>
        tpu.vector_store %arg15[%swap3A_540, %swap3A_541], %swap3A_544 {strides = array<i32>} : memref<32x128xf32, #tpu.memory_space<vmem>>, vector<1x16xf32>,
        %get3A_545 = arith.index_cast %add3A_520 : i32 to index
        %get3A_546 = arith.constant 16 : index
        %get3A_547 = tpu.vector_load %arg13[%get3A_545, %get3A_546] {strides = array<i32>} : memref<32x64xi32, #tpu.memory_space<vmem>>, vector<1x16xi32>,
        %get3A_548 = vector.shape_cast %get3A_547 : vector<1x16xi32> to vector<16xi32>
        %shift_left3A_549 = arith.constant 16 : i32
        %shift_left3A_550 = vector.broadcast %shift_left3A_549 : i32 to vector<16xi32>
        %shift_left3A_551 = arith.shli %get3A_548, %shift_left3A_550 : vector<16xi32>
        %bitcast_convert_type3A_552 = tpu.bitcast %shift_left3A_551 : vector<16xi32> -> vector<16xf32>
        %and3A_553 = arith.constant -65536 : i32
        %and3A_554 = vector.broadcast %and3A_553 : i32 to vector<16xi32>
        %and3A_555 = arith.andi %get3A_548, %and3A_554 : vector<16xi32>
        %bitcast_convert_type3A_556 = tpu.bitcast %and3A_555 : vector<16xi32> -> vector<16xf32>
        %mul3A_557 = arith.mulf %bitcast_convert_type3A_552, %gather3A_516 : vector<16xf32>
        %swap3A_558 = arith.index_cast %add3A_520 : i32 to index
        %swap3A_559 = arith.constant 16 : index
        %swap3A_560 = tpu.vector_load %arg15[%swap3A_558, %swap3A_559] {strides = array<i32>} : memref<32x128xf32, #tpu.memory_space<vmem>>, vector<1x16xf32>,
        %swap3A_561 = vector.shape_cast %swap3A_560 : vector<1x16xf32> to vector<16xf32>
        %swap3A_562 = vector.shape_cast %mul3A_557 : vector<16xf32> to vector<1x16xf32>
        tpu.vector_store %arg15[%swap3A_558, %swap3A_559], %swap3A_562 {strides = array<i32>} : memref<32x128xf32, #tpu.memory_space<vmem>>, vector<1x16xf32>,
        %mul3A_563 = arith.mulf %bitcast_convert_type3A_556, %gather3A_516 : vector<16xf32>
        %swap3A_564 = arith.index_cast %add3A_520 : i32 to index
        %swap3A_565 = arith.constant 80 : index
        %swap3A_566 = tpu.vector_load %arg15[%swap3A_564, %swap3A_565] {strides = array<i32>} : memref<32x128xf32, #tpu.memory_space<vmem>>, vector<1x16xf32>,
        %swap3A_567 = vector.shape_cast %swap3A_566 : vector<1x16xf32> to vector<16xf32>
        %swap3A_568 = vector.shape_cast %mul3A_563 : vector<16xf32> to vector<1x16xf32>
        tpu.vector_store %arg15[%swap3A_564, %swap3A_565], %swap3A_568 {strides = array<i32>} : memref<32x128xf32, #tpu.memory_space<vmem>>, vector<1x16xf32>,
        %get3A_569 = arith.index_cast %add3A_520 : i32 to index
        %get3A_570 = arith.constant 32 : index
        %get3A_571 = tpu.vector_load %arg13[%get3A_569, %get3A_570] {strides = array<i32>} : memref<32x64xi32, #tpu.memory_space<vmem>>, vector<1x16xi32>,
        %get3A_572 = vector.shape_cast %get3A_571 : vector<1x16xi32> to vector<16xi32>
        %shift_left3A_573 = arith.constant 16 : i32
        %shift_left3A_574 = vector.broadcast %shift_left3A_573 : i32 to vector<16xi32>
        %shift_left3A_575 = arith.shli %get3A_572, %shift_left3A_574 : vector<16xi32>
        %bitcast_convert_type3A_576 = tpu.bitcast %shift_left3A_575 : vector<16xi32> -> vector<16xf32>
        %and3A_577 = arith.constant -65536 : i32
        %and3A_578 = vector.broadcast %and3A_577 : i32 to vector<16xi32>
        %and3A_579 = arith.andi %get3A_572, %and3A_578 : vector<16xi32>
        %bitcast_convert_type3A_580 = tpu.bitcast %and3A_579 : vector<16xi32> -> vector<16xf32>
        %mul3A_581 = arith.mulf %bitcast_convert_type3A_576, %gather3A_516 : vector<16xf32>
        %swap3A_582 = arith.index_cast %add3A_520 : i32 to index
        %swap3A_583 = arith.constant 32 : index
        %swap3A_584 = tpu.vector_load %arg15[%swap3A_582, %swap3A_583] {strides = array<i32>} : memref<32x128xf32, #tpu.memory_space<vmem>>, vector<1x16xf32>,
        %swap3A_585 = vector.shape_cast %swap3A_584 : vector<1x16xf32> to vector<16xf32>
        %swap3A_586 = vector.shape_cast %mul3A_581 : vector<16xf32> to vector<1x16xf32>
        tpu.vector_store %arg15[%swap3A_582, %swap3A_583], %swap3A_586 {strides = array<i32>} : memref<32x128xf32, #tpu.memory_space<vmem>>, vector<1x16xf32>,
        %mul3A_587 = arith.mulf %bitcast_convert_type3A_580, %gather3A_516 : vector<16xf32>
        %swap3A_588 = arith.index_cast %add3A_520 : i32 to index
        %swap3A_589 = arith.constant 96 : index
        %swap3A_590 = tpu.vector_load %arg15[%swap3A_588, %swap3A_589] {strides = array<i32>} : memref<32x128xf32, #tpu.memory_space<vmem>>, vector<1x16xf32>,
        %swap3A_591 = vector.shape_cast %swap3A_590 : vector<1x16xf32> to vector<16xf32>
        %swap3A_592 = vector.shape_cast %mul3A_587 : vector<16xf32> to vector<1x16xf32>
        tpu.vector_store %arg15[%swap3A_588, %swap3A_589], %swap3A_592 {strides = array<i32>} : memref<32x128xf32, #tpu.memory_space<vmem>>, vector<1x16xf32>,
        %get3A_593 = arith.index_cast %add3A_520 : i32 to index
        %get3A_594 = arith.constant 48 : index
        %get3A_595 = tpu.vector_load %arg13[%get3A_593, %get3A_594] {strides = array<i32>} : memref<32x64xi32, #tpu.memory_space<vmem>>, vector<1x16xi32>,
        %get3A_596 = vector.shape_cast %get3A_595 : vector<1x16xi32> to vector<16xi32>
        %shift_left3A_597 = arith.constant 16 : i32
        %shift_left3A_598 = vector.broadcast %shift_left3A_597 : i32 to vector<16xi32>
        %shift_left3A_599 = arith.shli %get3A_596, %shift_left3A_598 : vector<16xi32>
        %bitcast_convert_type3A_600 = tpu.bitcast %shift_left3A_599 : vector<16xi32> -> vector<16xf32>
        %and3A_601 = arith.constant -65536 : i32
        %and3A_602 = vector.broadcast %and3A_601 : i32 to vector<16xi32>
        %and3A_603 = arith.andi %get3A_596, %and3A_602 : vector<16xi32>
        %bitcast_convert_type3A_604 = tpu.bitcast %and3A_603 : vector<16xi32> -> vector<16xf32>
        %mul3A_605 = arith.mulf %bitcast_convert_type3A_600, %gather3A_516 : vector<16xf32>
        %swap3A_606 = arith.index_cast %add3A_520 : i32 to index
        %swap3A_607 = arith.constant 48 : index
        %swap3A_608 = tpu.vector_load %arg15[%swap3A_606, %swap3A_607] {strides = array<i32>} : memref<32x128xf32, #tpu.memory_space<vmem>>, vector<1x16xf32>,
        %swap3A_609 = vector.shape_cast %swap3A_608 : vector<1x16xf32> to vector<16xf32>
        %swap3A_610 = vector.shape_cast %mul3A_605 : vector<16xf32> to vector<1x16xf32>
        tpu.vector_store %arg15[%swap3A_606, %swap3A_607], %swap3A_610 {strides = array<i32>} : memref<32x128xf32, #tpu.memory_space<vmem>>, vector<1x16xf32>,
        %mul3A_611 = arith.mulf %bitcast_convert_type3A_604, %gather3A_516 : vector<16xf32>
        %swap3A_612 = arith.index_cast %add3A_520 : i32 to index
        %swap3A_613 = arith.constant 112 : index
        %swap3A_614 = tpu.vector_load %arg15[%swap3A_612, %swap3A_613] {strides = array<i32>} : memref<32x128xf32, #tpu.memory_space<vmem>>, vector<1x16xf32>,
        %swap3A_615 = vector.shape_cast %swap3A_614 : vector<1x16xf32> to vector<16xf32>
        %swap3A_616 = vector.shape_cast %mul3A_611 : vector<16xf32> to vector<1x16xf32>
        tpu.vector_store %arg15[%swap3A_612, %swap3A_613], %swap3A_616 {strides = array<i32>} : memref<32x128xf32, #tpu.memory_space<vmem>>, vector<1x16xf32>,
        %broadcast_in_dim3A_617 = arith.constant 4 : i32
        %broadcast_in_dim3A_618 = vector.broadcast %broadcast_in_dim3A_617 : i32 to vector<16xi32>
        %lt3A_619 = arith.constant 0 : i32
        %lt3A_620 = vector.broadcast %lt3A_619 : i32 to vector<16xi32>
        %lt3A_621 = arith.cmpi slt, %broadcast_in_dim3A_618, %lt3A_620 : vector<16xi32>
        %add3A_622 = arith.constant 16 : i32
        %add3A_623 = vector.broadcast %add3A_622 : i32 to vector<16xi32>
        %add3A_624 = arith.addi %broadcast_in_dim3A_618, %add3A_623 : vector<16xi32>
        %select_n3A_625 = arith.select %lt3A_621, %add3A_624, %broadcast_in_dim3A_618 : vector<16xi1>, vector<16xi32>
        %reshape3A_626 = vector.shape_cast %select_n3A_625 : vector<16xi32> to vector<16x1xi32>
        %gather3A_627 = vector.shape_cast %reshape3A_626 : vector<16x1xi32> to vector<16xi32>
        %gather3A_628 = tpu.dynamic_gather %get3A_176[%gather3A_627] in [0] : vector<16xf32>, vector<16xi32> -> vector<16xf32>
        %mul3A_629 = arith.constant 16 : i32
        %mul3A_630 = arith.muli %scan3A_171, %mul3A_629 : i32
        %add3A_631 = arith.constant 4 : i32
        %add3A_632 = arith.addi %mul3A_630, %add3A_631 : i32
        %get3A_633 = arith.index_cast %add3A_632 : i32 to index
        %get3A_634 = arith.constant 0 : index
        %get3A_635 = tpu.vector_load %arg13[%get3A_633, %get3A_634] {strides = array<i32>} : memref<32x64xi32, #tpu.memory_space<vmem>>, vector<1x16xi32>,
        %get3A_636 = vector.shape_cast %get3A_635 : vector<1x16xi32> to vector<16xi32>
        %shift_left3A_637 = arith.constant 16 : i32
        %shift_left3A_638 = vector.broadcast %shift_left3A_637 : i32 to vector<16xi32>
        %shift_left3A_639 = arith.shli %get3A_636, %shift_left3A_638 : vector<16xi32>
        %bitcast_convert_type3A_640 = tpu.bitcast %shift_left3A_639 : vector<16xi32> -> vector<16xf32>
        %and3A_641 = arith.constant -65536 : i32
        %and3A_642 = vector.broadcast %and3A_641 : i32 to vector<16xi32>
        %and3A_643 = arith.andi %get3A_636, %and3A_642 : vector<16xi32>
        %bitcast_convert_type3A_644 = tpu.bitcast %and3A_643 : vector<16xi32> -> vector<16xf32>
        %mul3A_645 = arith.mulf %bitcast_convert_type3A_640, %gather3A_628 : vector<16xf32>
        %swap3A_646 = arith.index_cast %add3A_632 : i32 to index
        %swap3A_647 = arith.constant 0 : index
        %swap3A_648 = tpu.vector_load %arg15[%swap3A_646, %swap3A_647] {strides = array<i32>} : memref<32x128xf32, #tpu.memory_space<vmem>>, vector<1x16xf32>,
        %swap3A_649 = vector.shape_cast %swap3A_648 : vector<1x16xf32> to vector<16xf32>
        %swap3A_650 = vector.shape_cast %mul3A_645 : vector<16xf32> to vector<1x16xf32>
        tpu.vector_store %arg15[%swap3A_646, %swap3A_647], %swap3A_650 {strides = array<i32>} : memref<32x128xf32, #tpu.memory_space<vmem>>, vector<1x16xf32>,
        %mul3A_651 = arith.mulf %bitcast_convert_type3A_644, %gather3A_628 : vector<16xf32>
        %swap3A_652 = arith.index_cast %add3A_632 : i32 to index
        %swap3A_653 = arith.constant 64 : index
        %swap3A_654 = tpu.vector_load %arg15[%swap3A_652, %swap3A_653] {strides = array<i32>} : memref<32x128xf32, #tpu.memory_space<vmem>>, vector<1x16xf32>,
        %swap3A_655 = vector.shape_cast %swap3A_654 : vector<1x16xf32> to vector<16xf32>
        %swap3A_656 = vector.shape_cast %mul3A_651 : vector<16xf32> to vector<1x16xf32>
        tpu.vector_store %arg15[%swap3A_652, %swap3A_653], %swap3A_656 {strides = array<i32>} : memref<32x128xf32, #tpu.memory_space<vmem>>, vector<1x16xf32>,
        %get3A_657 = arith.index_cast %add3A_632 : i32 to index
        %get3A_658 = arith.constant 16 : index
        %get3A_659 = tpu.vector_load %arg13[%get3A_657, %get3A_658] {strides = array<i32>} : memref<32x64xi32, #tpu.memory_space<vmem>>, vector<1x16xi32>,
        %get3A_660 = vector.shape_cast %get3A_659 : vector<1x16xi32> to vector<16xi32>
        %shift_left3A_661 = arith.constant 16 : i32
        %shift_left3A_662 = vector.broadcast %shift_left3A_661 : i32 to vector<16xi32>
        %shift_left3A_663 = arith.shli %get3A_660, %shift_left3A_662 : vector<16xi32>
        %bitcast_convert_type3A_664 = tpu.bitcast %shift_left3A_663 : vector<16xi32> -> vector<16xf32>
        %and3A_665 = arith.constant -65536 : i32
        %and3A_666 = vector.broadcast %and3A_665 : i32 to vector<16xi32>
        %and3A_667 = arith.andi %get3A_660, %and3A_666 : vector<16xi32>
        %bitcast_convert_type3A_668 = tpu.bitcast %and3A_667 : vector<16xi32> -> vector<16xf32>
        %mul3A_669 = arith.mulf %bitcast_convert_type3A_664, %gather3A_628 : vector<16xf32>
        %swap3A_670 = arith.index_cast %add3A_632 : i32 to index
        %swap3A_671 = arith.constant 16 : index
        %swap3A_672 = tpu.vector_load %arg15[%swap3A_670, %swap3A_671] {strides = array<i32>} : memref<32x128xf32, #tpu.memory_space<vmem>>, vector<1x16xf32>,
        %swap3A_673 = vector.shape_cast %swap3A_672 : vector<1x16xf32> to vector<16xf32>
        %swap3A_674 = vector.shape_cast %mul3A_669 : vector<16xf32> to vector<1x16xf32>
        tpu.vector_store %arg15[%swap3A_670, %swap3A_671], %swap3A_674 {strides = array<i32>} : memref<32x128xf32, #tpu.memory_space<vmem>>, vector<1x16xf32>,
        %mul3A_675 = arith.mulf %bitcast_convert_type3A_668, %gather3A_628 : vector<16xf32>
        %swap3A_676 = arith.index_cast %add3A_632 : i32 to index
        %swap3A_677 = arith.constant 80 : index
        %swap3A_678 = tpu.vector_load %arg15[%swap3A_676, %swap3A_677] {strides = array<i32>} : memref<32x128xf32, #tpu.memory_space<vmem>>, vector<1x16xf32>,
        %swap3A_679 = vector.shape_cast %swap3A_678 : vector<1x16xf32> to vector<16xf32>
        %swap3A_680 = vector.shape_cast %mul3A_675 : vector<16xf32> to vector<1x16xf32>
        tpu.vector_store %arg15[%swap3A_676, %swap3A_677], %swap3A_680 {strides = array<i32>} : memref<32x128xf32, #tpu.memory_space<vmem>>, vector<1x16xf32>,
        %get3A_681 = arith.index_cast %add3A_632 : i32 to index
        %get3A_682 = arith.constant 32 : index
        %get3A_683 = tpu.vector_load %arg13[%get3A_681, %get3A_682] {strides = array<i32>} : memref<32x64xi32, #tpu.memory_space<vmem>>, vector<1x16xi32>,
        %get3A_684 = vector.shape_cast %get3A_683 : vector<1x16xi32> to vector<16xi32>
        %shift_left3A_685 = arith.constant 16 : i32
        %shift_left3A_686 = vector.broadcast %shift_left3A_685 : i32 to vector<16xi32>
        %shift_left3A_687 = arith.shli %get3A_684, %shift_left3A_686 : vector<16xi32>
        %bitcast_convert_type3A_688 = tpu.bitcast %shift_left3A_687 : vector<16xi32> -> vector<16xf32>
        %and3A_689 = arith.constant -65536 : i32
        %and3A_690 = vector.broadcast %and3A_689 : i32 to vector<16xi32>
        %and3A_691 = arith.andi %get3A_684, %and3A_690 : vector<16xi32>
        %bitcast_convert_type3A_692 = tpu.bitcast %and3A_691 : vector<16xi32> -> vector<16xf32>
        %mul3A_693 = arith.mulf %bitcast_convert_type3A_688, %gather3A_628 : vector<16xf32>
        %swap3A_694 = arith.index_cast %add3A_632 : i32 to index
        %swap3A_695 = arith.constant 32 : index
        %swap3A_696 = tpu.vector_load %arg15[%swap3A_694, %swap3A_695] {strides = array<i32>} : memref<32x128xf32, #tpu.memory_space<vmem>>, vector<1x16xf32>,
        %swap3A_697 = vector.shape_cast %swap3A_696 : vector<1x16xf32> to vector<16xf32>
        %swap3A_698 = vector.shape_cast %mul3A_693 : vector<16xf32> to vector<1x16xf32>
        tpu.vector_store %arg15[%swap3A_694, %swap3A_695], %swap3A_698 {strides = array<i32>} : memref<32x128xf32, #tpu.memory_space<vmem>>, vector<1x16xf32>,
        %mul3A_699 = arith.mulf %bitcast_convert_type3A_692, %gather3A_628 : vector<16xf32>
        %swap3A_700 = arith.index_cast %add3A_632 : i32 to index
        %swap3A_701 = arith.constant 96 : index
        %swap3A_702 = tpu.vector_load %arg15[%swap3A_700, %swap3A_701] {strides = array<i32>} : memref<32x128xf32, #tpu.memory_space<vmem>>, vector<1x16xf32>,
        %swap3A_703 = vector.shape_cast %swap3A_702 : vector<1x16xf32> to vector<16xf32>
        %swap3A_704 = vector.shape_cast %mul3A_699 : vector<16xf32> to vector<1x16xf32>
        tpu.vector_store %arg15[%swap3A_700, %swap3A_701], %swap3A_704 {strides = array<i32>} : memref<32x128xf32, #tpu.memory_space<vmem>>, vector<1x16xf32>,
        %get3A_705 = arith.index_cast %add3A_632 : i32 to index
        %get3A_706 = arith.constant 48 : index
        %get3A_707 = tpu.vector_load %arg13[%get3A_705, %get3A_706] {strides = array<i32>} : memref<32x64xi32, #tpu.memory_space<vmem>>, vector<1x16xi32>,
        %get3A_708 = vector.shape_cast %get3A_707 : vector<1x16xi32> to vector<16xi32>
        %shift_left3A_709 = arith.constant 16 : i32
        %shift_left3A_710 = vector.broadcast %shift_left3A_709 : i32 to vector<16xi32>
        %shift_left3A_711 = arith.shli %get3A_708, %shift_left3A_710 : vector<16xi32>
        %bitcast_convert_type3A_712 = tpu.bitcast %shift_left3A_711 : vector<16xi32> -> vector<16xf32>
        %and3A_713 = arith.constant -65536 : i32
        %and3A_714 = vector.broadcast %and3A_713 : i32 to vector<16xi32>
        %and3A_715 = arith.andi %get3A_708, %and3A_714 : vector<16xi32>
        %bitcast_convert_type3A_716 = tpu.bitcast %and3A_715 : vector<16xi32> -> vector<16xf32>
        %mul3A_717 = arith.mulf %bitcast_convert_type3A_712, %gather3A_628 : vector<16xf32>
        %swap3A_718 = arith.index_cast %add3A_632 : i32 to index
        %swap3A_719 = arith.constant 48 : index
        %swap3A_720 = tpu.vector_load %arg15[%swap3A_718, %swap3A_719] {strides = array<i32>} : memref<32x128xf32, #tpu.memory_space<vmem>>, vector<1x16xf32>,
        %swap3A_721 = vector.shape_cast %swap3A_720 : vector<1x16xf32> to vector<16xf32>
        %swap3A_722 = vector.shape_cast %mul3A_717 : vector<16xf32> to vector<1x16xf32>
        tpu.vector_store %arg15[%swap3A_718, %swap3A_719], %swap3A_722 {strides = array<i32>} : memref<32x128xf32, #tpu.memory_space<vmem>>, vector<1x16xf32>,
        %mul3A_723 = arith.mulf %bitcast_convert_type3A_716, %gather3A_628 : vector<16xf32>
        %swap3A_724 = arith.index_cast %add3A_632 : i32 to index
        %swap3A_725 = arith.constant 112 : index
        %swap3A_726 = tpu.vector_load %arg15[%swap3A_724, %swap3A_725] {strides = array<i32>} : memref<32x128xf32, #tpu.memory_space<vmem>>, vector<1x16xf32>,
        %swap3A_727 = vector.shape_cast %swap3A_726 : vector<1x16xf32> to vector<16xf32>
        %swap3A_728 = vector.shape_cast %mul3A_723 : vector<16xf32> to vector<1x16xf32>
        tpu.vector_store %arg15[%swap3A_724, %swap3A_725], %swap3A_728 {strides = array<i32>} : memref<32x128xf32, #tpu.memory_space<vmem>>, vector<1x16xf32>,
        %broadcast_in_dim3A_729 = arith.constant 5 : i32
        %broadcast_in_dim3A_730 = vector.broadcast %broadcast_in_dim3A_729 : i32 to vector<16xi32>
        %lt3A_731 = arith.constant 0 : i32
        %lt3A_732 = vector.broadcast %lt3A_731 : i32 to vector<16xi32>
        %lt3A_733 = arith.cmpi slt, %broadcast_in_dim3A_730, %lt3A_732 : vector<16xi32>
        %add3A_734 = arith.constant 16 : i32
        %add3A_735 = vector.broadcast %add3A_734 : i32 to vector<16xi32>
        %add3A_736 = arith.addi %broadcast_in_dim3A_730, %add3A_735 : vector<16xi32>
        %select_n3A_737 = arith.select %lt3A_733, %add3A_736, %broadcast_in_dim3A_730 : vector<16xi1>, vector<16xi32>
        %reshape3A_738 = vector.shape_cast %select_n3A_737 : vector<16xi32> to vector<16x1xi32>
        %gather3A_739 = vector.shape_cast %reshape3A_738 : vector<16x1xi32> to vector<16xi32>
        %gather3A_740 = tpu.dynamic_gather %get3A_176[%gather3A_739] in [0] : vector<16xf32>, vector<16xi32> -> vector<16xf32>
        %mul3A_741 = arith.constant 16 : i32
        %mul3A_742 = arith.muli %scan3A_171, %mul3A_741 : i32
        %add3A_743 = arith.constant 5 : i32
        %add3A_744 = arith.addi %mul3A_742, %add3A_743 : i32
        %get3A_745 = arith.index_cast %add3A_744 : i32 to index
        %get3A_746 = arith.constant 0 : index
        %get3A_747 = tpu.vector_load %arg13[%get3A_745, %get3A_746] {strides = array<i32>} : memref<32x64xi32, #tpu.memory_space<vmem>>, vector<1x16xi32>,
        %get3A_748 = vector.shape_cast %get3A_747 : vector<1x16xi32> to vector<16xi32>
        %shift_left3A_749 = arith.constant 16 : i32
        %shift_left3A_750 = vector.broadcast %shift_left3A_749 : i32 to vector<16xi32>
        %shift_left3A_751 = arith.shli %get3A_748, %shift_left3A_750 : vector<16xi32>
        %bitcast_convert_type3A_752 = tpu.bitcast %shift_left3A_751 : vector<16xi32> -> vector<16xf32>
        %and3A_753 = arith.constant -65536 : i32
        %and3A_754 = vector.broadcast %and3A_753 : i32 to vector<16xi32>
        %and3A_755 = arith.andi %get3A_748, %and3A_754 : vector<16xi32>
        %bitcast_convert_type3A_756 = tpu.bitcast %and3A_755 : vector<16xi32> -> vector<16xf32>
        %mul3A_757 = arith.mulf %bitcast_convert_type3A_752, %gather3A_740 : vector<16xf32>
        %swap3A_758 = arith.index_cast %add3A_744 : i32 to index
        %swap3A_759 = arith.constant 0 : index
        %swap3A_760 = tpu.vector_load %arg15[%swap3A_758, %swap3A_759] {strides = array<i32>} : memref<32x128xf32, #tpu.memory_space<vmem>>, vector<1x16xf32>,
        %swap3A_761 = vector.shape_cast %swap3A_760 : vector<1x16xf32> to vector<16xf32>
        %swap3A_762 = vector.shape_cast %mul3A_757 : vector<16xf32> to vector<1x16xf32>
        tpu.vector_store %arg15[%swap3A_758, %swap3A_759], %swap3A_762 {strides = array<i32>} : memref<32x128xf32, #tpu.memory_space<vmem>>, vector<1x16xf32>,
        %mul3A_763 = arith.mulf %bitcast_convert_type3A_756, %gather3A_740 : vector<16xf32>
        %swap3A_764 = arith.index_cast %add3A_744 : i32 to index
        %swap3A_765 = arith.constant 64 : index
        %swap3A_766 = tpu.vector_load %arg15[%swap3A_764, %swap3A_765] {strides = array<i32>} : memref<32x128xf32, #tpu.memory_space<vmem>>, vector<1x16xf32>,
        %swap3A_767 = vector.shape_cast %swap3A_766 : vector<1x16xf32> to vector<16xf32>
        %swap3A_768 = vector.shape_cast %mul3A_763 : vector<16xf32> to vector<1x16xf32>
        tpu.vector_store %arg15[%swap3A_764, %swap3A_765], %swap3A_768 {strides = array<i32>} : memref<32x128xf32, #tpu.memory_space<vmem>>, vector<1x16xf32>,
        %get3A_769 = arith.index_cast %add3A_744 : i32 to index
        %get3A_770 = arith.constant 16 : index
        %get3A_771 = tpu.vector_load %arg13[%get3A_769, %get3A_770] {strides = array<i32>} : memref<32x64xi32, #tpu.memory_space<vmem>>, vector<1x16xi32>,
        %get3A_772 = vector.shape_cast %get3A_771 : vector<1x16xi32> to vector<16xi32>
        %shift_left3A_773 = arith.constant 16 : i32
        %shift_left3A_774 = vector.broadcast %shift_left3A_773 : i32 to vector<16xi32>
        %shift_left3A_775 = arith.shli %get3A_772, %shift_left3A_774 : vector<16xi32>
        %bitcast_convert_type3A_776 = tpu.bitcast %shift_left3A_775 : vector<16xi32> -> vector<16xf32>
        %and3A_777 = arith.constant -65536 : i32
        %and3A_778 = vector.broadcast %and3A_777 : i32 to vector<16xi32>
        %and3A_779 = arith.andi %get3A_772, %and3A_778 : vector<16xi32>
        %bitcast_convert_type3A_780 = tpu.bitcast %and3A_779 : vector<16xi32> -> vector<16xf32>
        %mul3A_781 = arith.mulf %bitcast_convert_type3A_776, %gather3A_740 : vector<16xf32>
        %swap3A_782 = arith.index_cast %add3A_744 : i32 to index
        %swap3A_783 = arith.constant 16 : index
        %swap3A_784 = tpu.vector_load %arg15[%swap3A_782, %swap3A_783] {strides = array<i32>} : memref<32x128xf32, #tpu.memory_space<vmem>>, vector<1x16xf32>,
        %swap3A_785 = vector.shape_cast %swap3A_784 : vector<1x16xf32> to vector<16xf32>
        %swap3A_786 = vector.shape_cast %mul3A_781 : vector<16xf32> to vector<1x16xf32>
        tpu.vector_store %arg15[%swap3A_782, %swap3A_783], %swap3A_786 {strides = array<i32>} : memref<32x128xf32, #tpu.memory_space<vmem>>, vector<1x16xf32>,
        %mul3A_787 = arith.mulf %bitcast_convert_type3A_780, %gather3A_740 : vector<16xf32>
        %swap3A_788 = arith.index_cast %add3A_744 : i32 to index
        %swap3A_789 = arith.constant 80 : index
        %swap3A_790 = tpu.vector_load %arg15[%swap3A_788, %swap3A_789] {strides = array<i32>} : memref<32x128xf32, #tpu.memory_space<vmem>>, vector<1x16xf32>,
        %swap3A_791 = vector.shape_cast %swap3A_790 : vector<1x16xf32> to vector<16xf32>
        %swap3A_792 = vector.shape_cast %mul3A_787 : vector<16xf32> to vector<1x16xf32>
        tpu.vector_store %arg15[%swap3A_788, %swap3A_789], %swap3A_792 {strides = array<i32>} : memref<32x128xf32, #tpu.memory_space<vmem>>, vector<1x16xf32>,
        %get3A_793 = arith.index_cast %add3A_744 : i32 to index
        %get3A_794 = arith.constant 32 : index
        %get3A_795 = tpu.vector_load %arg13[%get3A_793, %get3A_794] {strides = array<i32>} : memref<32x64xi32, #tpu.memory_space<vmem>>, vector<1x16xi32>,
        %get3A_796 = vector.shape_cast %get3A_795 : vector<1x16xi32> to vector<16xi32>
        %shift_left3A_797 = arith.constant 16 : i32
        %shift_left3A_798 = vector.broadcast %shift_left3A_797 : i32 to vector<16xi32>
        %shift_left3A_799 = arith.shli %get3A_796, %shift_left3A_798 : vector<16xi32>
        %bitcast_convert_type3A_800 = tpu.bitcast %shift_left3A_799 : vector<16xi32> -> vector<16xf32>
        %and3A_801 = arith.constant -65536 : i32
        %and3A_802 = vector.broadcast %and3A_801 : i32 to vector<16xi32>
        %and3A_803 = arith.andi %get3A_796, %and3A_802 : vector<16xi32>
        %bitcast_convert_type3A_804 = tpu.bitcast %and3A_803 : vector<16xi32> -> vector<16xf32>
        %mul3A_805 = arith.mulf %bitcast_convert_type3A_800, %gather3A_740 : vector<16xf32>
        %swap3A_806 = arith.index_cast %add3A_744 : i32 to index
        %swap3A_807 = arith.constant 32 : index
        %swap3A_808 = tpu.vector_load %arg15[%swap3A_806, %swap3A_807] {strides = array<i32>} : memref<32x128xf32, #tpu.memory_space<vmem>>, vector<1x16xf32>,
        %swap3A_809 = vector.shape_cast %swap3A_808 : vector<1x16xf32> to vector<16xf32>
        %swap3A_810 = vector.shape_cast %mul3A_805 : vector<16xf32> to vector<1x16xf32>
        tpu.vector_store %arg15[%swap3A_806, %swap3A_807], %swap3A_810 {strides = array<i32>} : memref<32x128xf32, #tpu.memory_space<vmem>>, vector<1x16xf32>,
        %mul3A_811 = arith.mulf %bitcast_convert_type3A_804, %gather3A_740 : vector<16xf32>
        %swap3A_812 = arith.index_cast %add3A_744 : i32 to index
        %swap3A_813 = arith.constant 96 : index
        %swap3A_814 = tpu.vector_load %arg15[%swap3A_812, %swap3A_813] {strides = array<i32>} : memref<32x128xf32, #tpu.memory_space<vmem>>, vector<1x16xf32>,
        %swap3A_815 = vector.shape_cast %swap3A_814 : vector<1x16xf32> to vector<16xf32>
        %swap3A_816 = vector.shape_cast %mul3A_811 : vector<16xf32> to vector<1x16xf32>
        tpu.vector_store %arg15[%swap3A_812, %swap3A_813], %swap3A_816 {strides = array<i32>} : memref<32x128xf32, #tpu.memory_space<vmem>>, vector<1x16xf32>,
        %get3A_817 = arith.index_cast %add3A_744 : i32 to index
        %get3A_818 = arith.constant 48 : index
        %get3A_819 = tpu.vector_load %arg13[%get3A_817, %get3A_818] {strides = array<i32>} : memref<32x64xi32, #tpu.memory_space<vmem>>, vector<1x16xi32>,
        %get3A_820 = vector.shape_cast %get3A_819 : vector<1x16xi32> to vector<16xi32>
        %shift_left3A_821 = arith.constant 16 : i32
        %shift_left3A_822 = vector.broadcast %shift_left3A_821 : i32 to vector<16xi32>
        %shift_left3A_823 = arith.shli %get3A_820, %shift_left3A_822 : vector<16xi32>
        %bitcast_convert_type3A_824 = tpu.bitcast %shift_left3A_823 : vector<16xi32> -> vector<16xf32>
        %and3A_825 = arith.constant -65536 : i32
        %and3A_826 = vector.broadcast %and3A_825 : i32 to vector<16xi32>
        %and3A_827 = arith.andi %get3A_820, %and3A_826 : vector<16xi32>
        %bitcast_convert_type3A_828 = tpu.bitcast %and3A_827 : vector<16xi32> -> vector<16xf32>
        %mul3A_829 = arith.mulf %bitcast_convert_type3A_824, %gather3A_740 : vector<16xf32>
        %swap3A_830 = arith.index_cast %add3A_744 : i32 to index
        %swap3A_831 = arith.constant 48 : index
        %swap3A_832 = tpu.vector_load %arg15[%swap3A_830, %swap3A_831] {strides = array<i32>} : memref<32x128xf32, #tpu.memory_space<vmem>>, vector<1x16xf32>,
        %swap3A_833 = vector.shape_cast %swap3A_832 : vector<1x16xf32> to vector<16xf32>
        %swap3A_834 = vector.shape_cast %mul3A_829 : vector<16xf32> to vector<1x16xf32>
        tpu.vector_store %arg15[%swap3A_830, %swap3A_831], %swap3A_834 {strides = array<i32>} : memref<32x128xf32, #tpu.memory_space<vmem>>, vector<1x16xf32>,
        %mul3A_835 = arith.mulf %bitcast_convert_type3A_828, %gather3A_740 : vector<16xf32>
        %swap3A_836 = arith.index_cast %add3A_744 : i32 to index
        %swap3A_837 = arith.constant 112 : index
        %swap3A_838 = tpu.vector_load %arg15[%swap3A_836, %swap3A_837] {strides = array<i32>} : memref<32x128xf32, #tpu.memory_space<vmem>>, vector<1x16xf32>,
        %swap3A_839 = vector.shape_cast %swap3A_838 : vector<1x16xf32> to vector<16xf32>
        %swap3A_840 = vector.shape_cast %mul3A_835 : vector<16xf32> to vector<1x16xf32>
        tpu.vector_store %arg15[%swap3A_836, %swap3A_837], %swap3A_840 {strides = array<i32>} : memref<32x128xf32, #tpu.memory_space<vmem>>, vector<1x16xf32>,
        %broadcast_in_dim3A_841 = arith.constant 6 : i32
        %broadcast_in_dim3A_842 = vector.broadcast %broadcast_in_dim3A_841 : i32 to vector<16xi32>
        %lt3A_843 = arith.constant 0 : i32
        %lt3A_844 = vector.broadcast %lt3A_843 : i32 to vector<16xi32>
        %lt3A_845 = arith.cmpi slt, %broadcast_in_dim3A_842, %lt3A_844 : vector<16xi32>
        %add3A_846 = arith.constant 16 : i32
        %add3A_847 = vector.broadcast %add3A_846 : i32 to vector<16xi32>
        %add3A_848 = arith.addi %broadcast_in_dim3A_842, %add3A_847 : vector<16xi32>
        %select_n3A_849 = arith.select %lt3A_845, %add3A_848, %broadcast_in_dim3A_842 : vector<16xi1>, vector<16xi32>
        %reshape3A_850 = vector.shape_cast %select_n3A_849 : vector<16xi32> to vector<16x1xi32>
        %gather3A_851 = vector.shape_cast %reshape3A_850 : vector<16x1xi32> to vector<16xi32>
        %gather3A_852 = tpu.dynamic_gather %get3A_176[%gather3A_851] in [0] : vector<16xf32>, vector<16xi32> -> vector<16xf32>
        %mul3A_853 = arith.constant 16 : i32
        %mul3A_854 = arith.muli %scan3A_171, %mul3A_853 : i32
        %add3A_855 = arith.constant 6 : i32
        %add3A_856 = arith.addi %mul3A_854, %add3A_855 : i32
        %get3A_857 = arith.index_cast %add3A_856 : i32 to index
        %get3A_858 = arith.constant 0 : index
        %get3A_859 = tpu.vector_load %arg13[%get3A_857, %get3A_858] {strides = array<i32>} : memref<32x64xi32, #tpu.memory_space<vmem>>, vector<1x16xi32>,
        %get3A_860 = vector.shape_cast %get3A_859 : vector<1x16xi32> to vector<16xi32>
        %shift_left3A_861 = arith.constant 16 : i32
        %shift_left3A_862 = vector.broadcast %shift_left3A_861 : i32 to vector<16xi32>
        %shift_left3A_863 = arith.shli %get3A_860, %shift_left3A_862 : vector<16xi32>
        %bitcast_convert_type3A_864 = tpu.bitcast %shift_left3A_863 : vector<16xi32> -> vector<16xf32>
        %and3A_865 = arith.constant -65536 : i32
        %and3A_866 = vector.broadcast %and3A_865 : i32 to vector<16xi32>
        %and3A_867 = arith.andi %get3A_860, %and3A_866 : vector<16xi32>
        %bitcast_convert_type3A_868 = tpu.bitcast %and3A_867 : vector<16xi32> -> vector<16xf32>
        %mul3A_869 = arith.mulf %bitcast_convert_type3A_864, %gather3A_852 : vector<16xf32>
        %swap3A_870 = arith.index_cast %add3A_856 : i32 to index
        %swap3A_871 = arith.constant 0 : index
        %swap3A_872 = tpu.vector_load %arg15[%swap3A_870, %swap3A_871] {strides = array<i32>} : memref<32x128xf32, #tpu.memory_space<vmem>>, vector<1x16xf32>,
        %swap3A_873 = vector.shape_cast %swap3A_872 : vector<1x16xf32> to vector<16xf32>
        %swap3A_874 = vector.shape_cast %mul3A_869 : vector<16xf32> to vector<1x16xf32>
        tpu.vector_store %arg15[%swap3A_870, %swap3A_871], %swap3A_874 {strides = array<i32>} : memref<32x128xf32, #tpu.memory_space<vmem>>, vector<1x16xf32>,
        %mul3A_875 = arith.mulf %bitcast_convert_type3A_868, %gather3A_852 : vector<16xf32>
        %swap3A_876 = arith.index_cast %add3A_856 : i32 to index
        %swap3A_877 = arith.constant 64 : index
        %swap3A_878 = tpu.vector_load %arg15[%swap3A_876, %swap3A_877] {strides = array<i32>} : memref<32x128xf32, #tpu.memory_space<vmem>>, vector<1x16xf32>,
        %swap3A_879 = vector.shape_cast %swap3A_878 : vector<1x16xf32> to vector<16xf32>
        %swap3A_880 = vector.shape_cast %mul3A_875 : vector<16xf32> to vector<1x16xf32>
        tpu.vector_store %arg15[%swap3A_876, %swap3A_877], %swap3A_880 {strides = array<i32>} : memref<32x128xf32, #tpu.memory_space<vmem>>, vector<1x16xf32>,
        %get3A_881 = arith.index_cast %add3A_856 : i32 to index
        %get3A_882 = arith.constant 16 : index
        %get3A_883 = tpu.vector_load %arg13[%get3A_881, %get3A_882] {strides = array<i32>} : memref<32x64xi32, #tpu.memory_space<vmem>>, vector<1x16xi32>,
        %get3A_884 = vector.shape_cast %get3A_883 : vector<1x16xi32> to vector<16xi32>
        %shift_left3A_885 = arith.constant 16 : i32
        %shift_left3A_886 = vector.broadcast %shift_left3A_885 : i32 to vector<16xi32>
        %shift_left3A_887 = arith.shli %get3A_884, %shift_left3A_886 : vector<16xi32>
        %bitcast_convert_type3A_888 = tpu.bitcast %shift_left3A_887 : vector<16xi32> -> vector<16xf32>
        %and3A_889 = arith.constant -65536 : i32
        %and3A_890 = vector.broadcast %and3A_889 : i32 to vector<16xi32>
        %and3A_891 = arith.andi %get3A_884, %and3A_890 : vector<16xi32>
        %bitcast_convert_type3A_892 = tpu.bitcast %and3A_891 : vector<16xi32> -> vector<16xf32>
        %mul3A_893 = arith.mulf %bitcast_convert_type3A_888, %gather3A_852 : vector<16xf32>
        %swap3A_894 = arith.index_cast %add3A_856 : i32 to index
        %swap3A_895 = arith.constant 16 : index
        %swap3A_896 = tpu.vector_load %arg15[%swap3A_894, %swap3A_895] {strides = array<i32>} : memref<32x128xf32, #tpu.memory_space<vmem>>, vector<1x16xf32>,
        %swap3A_897 = vector.shape_cast %swap3A_896 : vector<1x16xf32> to vector<16xf32>
        %swap3A_898 = vector.shape_cast %mul3A_893 : vector<16xf32> to vector<1x16xf32>
        tpu.vector_store %arg15[%swap3A_894, %swap3A_895], %swap3A_898 {strides = array<i32>} : memref<32x128xf32, #tpu.memory_space<vmem>>, vector<1x16xf32>,
        %mul3A_899 = arith.mulf %bitcast_convert_type3A_892, %gather3A_852 : vector<16xf32>
        %swap3A_900 = arith.index_cast %add3A_856 : i32 to index
        %swap3A_901 = arith.constant 80 : index
        %swap3A_902 = tpu.vector_load %arg15[%swap3A_900, %swap3A_901] {strides = array<i32>} : memref<32x128xf32, #tpu.memory_space<vmem>>, vector<1x16xf32>,
        %swap3A_903 = vector.shape_cast %swap3A_902 : vector<1x16xf32> to vector<16xf32>
        %swap3A_904 = vector.shape_cast %mul3A_899 : vector<16xf32> to vector<1x16xf32>
        tpu.vector_store %arg15[%swap3A_900, %swap3A_901], %swap3A_904 {strides = array<i32>} : memref<32x128xf32, #tpu.memory_space<vmem>>, vector<1x16xf32>,
        %get3A_905 = arith.index_cast %add3A_856 : i32 to index
        %get3A_906 = arith.constant 32 : index
        %get3A_907 = tpu.vector_load %arg13[%get3A_905, %get3A_906] {strides = array<i32>} : memref<32x64xi32, #tpu.memory_space<vmem>>, vector<1x16xi32>,
        %get3A_908 = vector.shape_cast %get3A_907 : vector<1x16xi32> to vector<16xi32>
        %shift_left3A_909 = arith.constant 16 : i32
        %shift_left3A_910 = vector.broadcast %shift_left3A_909 : i32 to vector<16xi32>
        %shift_left3A_911 = arith.shli %get3A_908, %shift_left3A_910 : vector<16xi32>
        %bitcast_convert_type3A_912 = tpu.bitcast %shift_left3A_911 : vector<16xi32> -> vector<16xf32>
        %and3A_913 = arith.constant -65536 : i32
        %and3A_914 = vector.broadcast %and3A_913 : i32 to vector<16xi32>
        %and3A_915 = arith.andi %get3A_908, %and3A_914 : vector<16xi32>
        %bitcast_convert_type3A_916 = tpu.bitcast %and3A_915 : vector<16xi32> -> vector<16xf32>
        %mul3A_917 = arith.mulf %bitcast_convert_type3A_912, %gather3A_852 : vector<16xf32>
        %swap3A_918 = arith.index_cast %add3A_856 : i32 to index
        %swap3A_919 = arith.constant 32 : index
        %swap3A_920 = tpu.vector_load %arg15[%swap3A_918, %swap3A_919] {strides = array<i32>} : memref<32x128xf32, #tpu.memory_space<vmem>>, vector<1x16xf32>,
        %swap3A_921 = vector.shape_cast %swap3A_920 : vector<1x16xf32> to vector<16xf32>
        %swap3A_922 = vector.shape_cast %mul3A_917 : vector<16xf32> to vector<1x16xf32>
        tpu.vector_store %arg15[%swap3A_918, %swap3A_919], %swap3A_922 {strides = array<i32>} : memref<32x128xf32, #tpu.memory_space<vmem>>, vector<1x16xf32>,
        %mul3A_923 = arith.mulf %bitcast_convert_type3A_916, %gather3A_852 : vector<16xf32>
        %swap3A_924 = arith.index_cast %add3A_856 : i32 to index
        %swap3A_925 = arith.constant 96 : index
        %swap3A_926 = tpu.vector_load %arg15[%swap3A_924, %swap3A_925] {strides = array<i32>} : memref<32x128xf32, #tpu.memory_space<vmem>>, vector<1x16xf32>,
        %swap3A_927 = vector.shape_cast %swap3A_926 : vector<1x16xf32> to vector<16xf32>
        %swap3A_928 = vector.shape_cast %mul3A_923 : vector<16xf32> to vector<1x16xf32>
        tpu.vector_store %arg15[%swap3A_924, %swap3A_925], %swap3A_928 {strides = array<i32>} : memref<32x128xf32, #tpu.memory_space<vmem>>, vector<1x16xf32>,
        %get3A_929 = arith.index_cast %add3A_856 : i32 to index
        %get3A_930 = arith.constant 48 : index
        %get3A_931 = tpu.vector_load %arg13[%get3A_929, %get3A_930] {strides = array<i32>} : memref<32x64xi32, #tpu.memory_space<vmem>>, vector<1x16xi32>,
        %get3A_932 = vector.shape_cast %get3A_931 : vector<1x16xi32> to vector<16xi32>
        %shift_left3A_933 = arith.constant 16 : i32
        %shift_left3A_934 = vector.broadcast %shift_left3A_933 : i32 to vector<16xi32>
        %shift_left3A_935 = arith.shli %get3A_932, %shift_left3A_934 : vector<16xi32>
        %bitcast_convert_type3A_936 = tpu.bitcast %shift_left3A_935 : vector<16xi32> -> vector<16xf32>
        %and3A_937 = arith.constant -65536 : i32
        %and3A_938 = vector.broadcast %and3A_937 : i32 to vector<16xi32>
        %and3A_939 = arith.andi %get3A_932, %and3A_938 : vector<16xi32>
        %bitcast_convert_type3A_940 = tpu.bitcast %and3A_939 : vector<16xi32> -> vector<16xf32>
        %mul3A_941 = arith.mulf %bitcast_convert_type3A_936, %gather3A_852 : vector<16xf32>
        %swap3A_942 = arith.index_cast %add3A_856 : i32 to index
        %swap3A_943 = arith.constant 48 : index
        %swap3A_944 = tpu.vector_load %arg15[%swap3A_942, %swap3A_943] {strides = array<i32>} : memref<32x128xf32, #tpu.memory_space<vmem>>, vector<1x16xf32>,
        %swap3A_945 = vector.shape_cast %swap3A_944 : vector<1x16xf32> to vector<16xf32>
        %swap3A_946 = vector.shape_cast %mul3A_941 : vector<16xf32> to vector<1x16xf32>
        tpu.vector_store %arg15[%swap3A_942, %swap3A_943], %swap3A_946 {strides = array<i32>} : memref<32x128xf32, #tpu.memory_space<vmem>>, vector<1x16xf32>,
        %mul3A_947 = arith.mulf %bitcast_convert_type3A_940, %gather3A_852 : vector<16xf32>
        %swap3A_948 = arith.index_cast %add3A_856 : i32 to index
        %swap3A_949 = arith.constant 112 : index
        %swap3A_950 = tpu.vector_load %arg15[%swap3A_948, %swap3A_949] {strides = array<i32>} : memref<32x128xf32, #tpu.memory_space<vmem>>, vector<1x16xf32>,
        %swap3A_951 = vector.shape_cast %swap3A_950 : vector<1x16xf32> to vector<16xf32>
        %swap3A_952 = vector.shape_cast %mul3A_947 : vector<16xf32> to vector<1x16xf32>
        tpu.vector_store %arg15[%swap3A_948, %swap3A_949], %swap3A_952 {strides = array<i32>} : memref<32x128xf32, #tpu.memory_space<vmem>>, vector<1x16xf32>,
        %broadcast_in_dim3A_953 = arith.constant 7 : i32
        %broadcast_in_dim3A_954 = vector.broadcast %broadcast_in_dim3A_953 : i32 to vector<16xi32>
        %lt3A_955 = arith.constant 0 : i32
        %lt3A_956 = vector.broadcast %lt3A_955 : i32 to vector<16xi32>
        %lt3A_957 = arith.cmpi slt, %broadcast_in_dim3A_954, %lt3A_956 : vector<16xi32>
        %add3A_958 = arith.constant 16 : i32
        %add3A_959 = vector.broadcast %add3A_958 : i32 to vector<16xi32>
        %add3A_960 = arith.addi %broadcast_in_dim3A_954, %add3A_959 : vector<16xi32>
        %select_n3A_961 = arith.select %lt3A_957, %add3A_960, %broadcast_in_dim3A_954 : vector<16xi1>, vector<16xi32>
        %reshape3A_962 = vector.shape_cast %select_n3A_961 : vector<16xi32> to vector<16x1xi32>
        %gather3A_963 = vector.shape_cast %reshape3A_962 : vector<16x1xi32> to vector<16xi32>
        %gather3A_964 = tpu.dynamic_gather %get3A_176[%gather3A_963] in [0] : vector<16xf32>, vector<16xi32> -> vector<16xf32>
        %mul3A_965 = arith.constant 16 : i32
        %mul3A_966 = arith.muli %scan3A_171, %mul3A_965 : i32
        %add3A_967 = arith.constant 7 : i32
        %add3A_968 = arith.addi %mul3A_966, %add3A_967 : i32
        %get3A_969 = arith.index_cast %add3A_968 : i32 to index
        %get3A_970 = arith.constant 0 : index
        %get3A_971 = tpu.vector_load %arg13[%get3A_969, %get3A_970] {strides = array<i32>} : memref<32x64xi32, #tpu.memory_space<vmem>>, vector<1x16xi32>,
        %get3A_972 = vector.shape_cast %get3A_971 : vector<1x16xi32> to vector<16xi32>
        %shift_left3A_973 = arith.constant 16 : i32
        %shift_left3A_974 = vector.broadcast %shift_left3A_973 : i32 to vector<16xi32>
        %shift_left3A_975 = arith.shli %get3A_972, %shift_left3A_974 : vector<16xi32>
        %bitcast_convert_type3A_976 = tpu.bitcast %shift_left3A_975 : vector<16xi32> -> vector<16xf32>
        %and3A_977 = arith.constant -65536 : i32
        %and3A_978 = vector.broadcast %and3A_977 : i32 to vector<16xi32>
        %and3A_979 = arith.andi %get3A_972, %and3A_978 : vector<16xi32>
        %bitcast_convert_type3A_980 = tpu.bitcast %and3A_979 : vector<16xi32> -> vector<16xf32>
        %mul3A_981 = arith.mulf %bitcast_convert_type3A_976, %gather3A_964 : vector<16xf32>
        %swap3A_982 = arith.index_cast %add3A_968 : i32 to index
        %swap3A_983 = arith.constant 0 : index
        %swap3A_984 = tpu.vector_load %arg15[%swap3A_982, %swap3A_983] {strides = array<i32>} : memref<32x128xf32, #tpu.memory_space<vmem>>, vector<1x16xf32>,
        %swap3A_985 = vector.shape_cast %swap3A_984 : vector<1x16xf32> to vector<16xf32>
        %swap3A_986 = vector.shape_cast %mul3A_981 : vector<16xf32> to vector<1x16xf32>
        tpu.vector_store %arg15[%swap3A_982, %swap3A_983], %swap3A_986 {strides = array<i32>} : memref<32x128xf32, #tpu.memory_space<vmem>>, vector<1x16xf32>,
        %mul3A_987 = arith.mulf %bitcast_convert_type3A_980, %gather3A_964 : vector<16xf32>
        %swap3A_988 = arith.index_cast %add3A_968 : i32 to index
        %swap3A_989 = arith.constant 64 : index
        %swap3A_990 = tpu.vector_load %arg15[%swap3A_988, %swap3A_989] {strides = array<i32>} : memref<32x128xf32, #tpu.memory_space<vmem>>, vector<1x16xf32>,
        %swap3A_991 = vector.shape_cast %swap3A_990 : vector<1x16xf32> to vector<16xf32>
        %swap3A_992 = vector.shape_cast %mul3A_987 : vector<16xf32> to vector<1x16xf32>
        tpu.vector_store %arg15[%swap3A_988, %swap3A_989], %swap3A_992 {strides = array<i32>} : memref<32x128xf32, #tpu.memory_space<vmem>>, vector<1x16xf32>,
        %get3A_993 = arith.index_cast %add3A_968 : i32 to index
        %get3A_994 = arith.constant 16 : index
        %get3A_995 = tpu.vector_load %arg13[%get3A_993, %get3A_994] {strides = array<i32>} : memref<32x64xi32, #tpu.memory_space<vmem>>, vector<1x16xi32>,
        %get3A_996 = vector.shape_cast %get3A_995 : vector<1x16xi32> to vector<16xi32>
        %shift_left3A_997 = arith.constant 16 : i32
        %shift_left3A_998 = vector.broadcast %shift_left3A_997 : i32 to vector<16xi32>
        %shift_left3A_999 = arith.shli %get3A_996, %shift_left3A_998 : vector<16xi32>
        %bitcast_convert_type3A_1000 = tpu.bitcast %shift_left3A_999 : vector<16xi32> -> vector<16xf32>
        %and3A_1001 = arith.constant -65536 : i32
        %and3A_1002 = vector.broadcast %and3A_1001 : i32 to vector<16xi32>
        %and3A_1003 = arith.andi %get3A_996, %and3A_1002 : vector<16xi32>
        %bitcast_convert_type3A_1004 = tpu.bitcast %and3A_1003 : vector<16xi32> -> vector<16xf32>
        %mul3A_1005 = arith.mulf %bitcast_convert_type3A_1000, %gather3A_964 : vector<16xf32>
        %swap3A_1006 = arith.index_cast %add3A_968 : i32 to index
        %swap3A_1007 = arith.constant 16 : index
        %swap3A_1008 = tpu.vector_load %arg15[%swap3A_1006, %swap3A_1007] {strides = array<i32>} : memref<32x128xf32, #tpu.memory_space<vmem>>, vector<1x16xf32>,
        %swap3A_1009 = vector.shape_cast %swap3A_1008 : vector<1x16xf32> to vector<16xf32>
        %swap3A_1010 = vector.shape_cast %mul3A_1005 : vector<16xf32> to vector<1x16xf32>
        tpu.vector_store %arg15[%swap3A_1006, %swap3A_1007], %swap3A_1010 {strides = array<i32>} : memref<32x128xf32, #tpu.memory_space<vmem>>, vector<1x16xf32>,
        %mul3A_1011 = arith.mulf %bitcast_convert_type3A_1004, %gather3A_964 : vector<16xf32>
        %swap3A_1012 = arith.index_cast %add3A_968 : i32 to index
        %swap3A_1013 = arith.constant 80 : index
        %swap3A_1014 = tpu.vector_load %arg15[%swap3A_1012, %swap3A_1013] {strides = array<i32>} : memref<32x128xf32, #tpu.memory_space<vmem>>, vector<1x16xf32>,
        %swap3A_1015 = vector.shape_cast %swap3A_1014 : vector<1x16xf32> to vector<16xf32>
        %swap3A_1016 = vector.shape_cast %mul3A_1011 : vector<16xf32> to vector<1x16xf32>
        tpu.vector_store %arg15[%swap3A_1012, %swap3A_1013], %swap3A_1016 {strides = array<i32>} : memref<32x128xf32, #tpu.memory_space<vmem>>, vector<1x16xf32>,
        %get3A_1017 = arith.index_cast %add3A_968 : i32 to index
        %get3A_1018 = arith.constant 32 : index
        %get3A_1019 = tpu.vector_load %arg13[%get3A_1017, %get3A_1018] {strides = array<i32>} : memref<32x64xi32, #tpu.memory_space<vmem>>, vector<1x16xi32>,
        %get3A_1020 = vector.shape_cast %get3A_1019 : vector<1x16xi32> to vector<16xi32>
        %shift_left3A_1021 = arith.constant 16 : i32
        %shift_left3A_1022 = vector.broadcast %shift_left3A_1021 : i32 to vector<16xi32>
        %shift_left3A_1023 = arith.shli %get3A_1020, %shift_left3A_1022 : vector<16xi32>
        %bitcast_convert_type3A_1024 = tpu.bitcast %shift_left3A_1023 : vector<16xi32> -> vector<16xf32>
        %and3A_1025 = arith.constant -65536 : i32
        %and3A_1026 = vector.broadcast %and3A_1025 : i32 to vector<16xi32>
        %and3A_1027 = arith.andi %get3A_1020, %and3A_1026 : vector<16xi32>
        %bitcast_convert_type3A_1028 = tpu.bitcast %and3A_1027 : vector<16xi32> -> vector<16xf32>
        %mul3A_1029 = arith.mulf %bitcast_convert_type3A_1024, %gather3A_964 : vector<16xf32>
        %swap3A_1030 = arith.index_cast %add3A_968 : i32 to index
        %swap3A_1031 = arith.constant 32 : index
        %swap3A_1032 = tpu.vector_load %arg15[%swap3A_1030, %swap3A_1031] {strides = array<i32>} : memref<32x128xf32, #tpu.memory_space<vmem>>, vector<1x16xf32>,
        %swap3A_1033 = vector.shape_cast %swap3A_1032 : vector<1x16xf32> to vector<16xf32>
        %swap3A_1034 = vector.shape_cast %mul3A_1029 : vector<16xf32> to vector<1x16xf32>
        tpu.vector_store %arg15[%swap3A_1030, %swap3A_1031], %swap3A_1034 {strides = array<i32>} : memref<32x128xf32, #tpu.memory_space<vmem>>, vector<1x16xf32>,
        %mul3A_1035 = arith.mulf %bitcast_convert_type3A_1028, %gather3A_964 : vector<16xf32>
        %swap3A_1036 = arith.index_cast %add3A_968 : i32 to index
        %swap3A_1037 = arith.constant 96 : index
        %swap3A_1038 = tpu.vector_load %arg15[%swap3A_1036, %swap3A_1037] {strides = array<i32>} : memref<32x128xf32, #tpu.memory_space<vmem>>, vector<1x16xf32>,
        %swap3A_1039 = vector.shape_cast %swap3A_1038 : vector<1x16xf32> to vector<16xf32>
        %swap3A_1040 = vector.shape_cast %mul3A_1035 : vector<16xf32> to vector<1x16xf32>
        tpu.vector_store %arg15[%swap3A_1036, %swap3A_1037], %swap3A_1040 {strides = array<i32>} : memref<32x128xf32, #tpu.memory_space<vmem>>, vector<1x16xf32>,
        %get3A_1041 = arith.index_cast %add3A_968 : i32 to index
        %get3A_1042 = arith.constant 48 : index
        %get3A_1043 = tpu.vector_load %arg13[%get3A_1041, %get3A_1042] {strides = array<i32>} : memref<32x64xi32, #tpu.memory_space<vmem>>, vector<1x16xi32>,
        %get3A_1044 = vector.shape_cast %get3A_1043 : vector<1x16xi32> to vector<16xi32>
        %shift_left3A_1045 = arith.constant 16 : i32
        %shift_left3A_1046 = vector.broadcast %shift_left3A_1045 : i32 to vector<16xi32>
        %shift_left3A_1047 = arith.shli %get3A_1044, %shift_left3A_1046 : vector<16xi32>
        %bitcast_convert_type3A_1048 = tpu.bitcast %shift_left3A_1047 : vector<16xi32> -> vector<16xf32>
        %and3A_1049 = arith.constant -65536 : i32
        %and3A_1050 = vector.broadcast %and3A_1049 : i32 to vector<16xi32>
        %and3A_1051 = arith.andi %get3A_1044, %and3A_1050 : vector<16xi32>
        %bitcast_convert_type3A_1052 = tpu.bitcast %and3A_1051 : vector<16xi32> -> vector<16xf32>
        %mul3A_1053 = arith.mulf %bitcast_convert_type3A_1048, %gather3A_964 : vector<16xf32>
        %swap3A_1054 = arith.index_cast %add3A_968 : i32 to index
        %swap3A_1055 = arith.constant 48 : index
        %swap3A_1056 = tpu.vector_load %arg15[%swap3A_1054, %swap3A_1055] {strides = array<i32>} : memref<32x128xf32, #tpu.memory_space<vmem>>, vector<1x16xf32>,
        %swap3A_1057 = vector.shape_cast %swap3A_1056 : vector<1x16xf32> to vector<16xf32>
        %swap3A_1058 = vector.shape_cast %mul3A_1053 : vector<16xf32> to vector<1x16xf32>
        tpu.vector_store %arg15[%swap3A_1054, %swap3A_1055], %swap3A_1058 {strides = array<i32>} : memref<32x128xf32, #tpu.memory_space<vmem>>, vector<1x16xf32>,
        %mul3A_1059 = arith.mulf %bitcast_convert_type3A_1052, %gather3A_964 : vector<16xf32>
        %swap3A_1060 = arith.index_cast %add3A_968 : i32 to index
        %swap3A_1061 = arith.constant 112 : index
        %swap3A_1062 = tpu.vector_load %arg15[%swap3A_1060, %swap3A_1061] {strides = array<i32>} : memref<32x128xf32, #tpu.memory_space<vmem>>, vector<1x16xf32>,
        %swap3A_1063 = vector.shape_cast %swap3A_1062 : vector<1x16xf32> to vector<16xf32>
        %swap3A_1064 = vector.shape_cast %mul3A_1059 : vector<16xf32> to vector<1x16xf32>
        tpu.vector_store %arg15[%swap3A_1060, %swap3A_1061], %swap3A_1064 {strides = array<i32>} : memref<32x128xf32, #tpu.memory_space<vmem>>, vector<1x16xf32>,
        %broadcast_in_dim3A_1065 = arith.constant 8 : i32
        %broadcast_in_dim3A_1066 = vector.broadcast %broadcast_in_dim3A_1065 : i32 to vector<16xi32>
        %lt3A_1067 = arith.constant 0 : i32
        %lt3A_1068 = vector.broadcast %lt3A_1067 : i32 to vector<16xi32>
        %lt3A_1069 = arith.cmpi slt, %broadcast_in_dim3A_1066, %lt3A_1068 : vector<16xi32>
        %add3A_1070 = arith.constant 16 : i32
        %add3A_1071 = vector.broadcast %add3A_1070 : i32 to vector<16xi32>
        %add3A_1072 = arith.addi %broadcast_in_dim3A_1066, %add3A_1071 : vector<16xi32>
        %select_n3A_1073 = arith.select %lt3A_1069, %add3A_1072, %broadcast_in_dim3A_1066 : vector<16xi1>, vector<16xi32>
        %reshape3A_1074 = vector.shape_cast %select_n3A_1073 : vector<16xi32> to vector<16x1xi32>
        %gather3A_1075 = vector.shape_cast %reshape3A_1074 : vector<16x1xi32> to vector<16xi32>
        %gather3A_1076 = tpu.dynamic_gather %get3A_176[%gather3A_1075] in [0] : vector<16xf32>, vector<16xi32> -> vector<16xf32>
        %mul3A_1077 = arith.constant 16 : i32
        %mul3A_1078 = arith.muli %scan3A_171, %mul3A_1077 : i32
        %add3A_1079 = arith.constant 8 : i32
        %add3A_1080 = arith.addi %mul3A_1078, %add3A_1079 : i32
        %get3A_1081 = arith.index_cast %add3A_1080 : i32 to index
        %get3A_1082 = arith.constant 0 : index
        %get3A_1083 = tpu.vector_load %arg13[%get3A_1081, %get3A_1082] {strides = array<i32>} : memref<32x64xi32, #tpu.memory_space<vmem>>, vector<1x16xi32>,
        %get3A_1084 = vector.shape_cast %get3A_1083 : vector<1x16xi32> to vector<16xi32>
        %shift_left3A_1085 = arith.constant 16 : i32
        %shift_left3A_1086 = vector.broadcast %shift_left3A_1085 : i32 to vector<16xi32>
        %shift_left3A_1087 = arith.shli %get3A_1084, %shift_left3A_1086 : vector<16xi32>
        %bitcast_convert_type3A_1088 = tpu.bitcast %shift_left3A_1087 : vector<16xi32> -> vector<16xf32>
        %and3A_1089 = arith.constant -65536 : i32
        %and3A_1090 = vector.broadcast %and3A_1089 : i32 to vector<16xi32>
        %and3A_1091 = arith.andi %get3A_1084, %and3A_1090 : vector<16xi32>
        %bitcast_convert_type3A_1092 = tpu.bitcast %and3A_1091 : vector<16xi32> -> vector<16xf32>
        %mul3A_1093 = arith.mulf %bitcast_convert_type3A_1088, %gather3A_1076 : vector<16xf32>
        %swap3A_1094 = arith.index_cast %add3A_1080 : i32 to index
        %swap3A_1095 = arith.constant 0 : index
        %swap3A_1096 = tpu.vector_load %arg15[%swap3A_1094, %swap3A_1095] {strides = array<i32>} : memref<32x128xf32, #tpu.memory_space<vmem>>, vector<1x16xf32>,
        %swap3A_1097 = vector.shape_cast %swap3A_1096 : vector<1x16xf32> to vector<16xf32>
        %swap3A_1098 = vector.shape_cast %mul3A_1093 : vector<16xf32> to vector<1x16xf32>
        tpu.vector_store %arg15[%swap3A_1094, %swap3A_1095], %swap3A_1098 {strides = array<i32>} : memref<32x128xf32, #tpu.memory_space<vmem>>, vector<1x16xf32>,
        %mul3A_1099 = arith.mulf %bitcast_convert_type3A_1092, %gather3A_1076 : vector<16xf32>
        %swap3A_1100 = arith.index_cast %add3A_1080 : i32 to index
        %swap3A_1101 = arith.constant 64 : index
        %swap3A_1102 = tpu.vector_load %arg15[%swap3A_1100, %swap3A_1101] {strides = array<i32>} : memref<32x128xf32, #tpu.memory_space<vmem>>, vector<1x16xf32>,
        %swap3A_1103 = vector.shape_cast %swap3A_1102 : vector<1x16xf32> to vector<16xf32>
        %swap3A_1104 = vector.shape_cast %mul3A_1099 : vector<16xf32> to vector<1x16xf32>
        tpu.vector_store %arg15[%swap3A_1100, %swap3A_1101], %swap3A_1104 {strides = array<i32>} : memref<32x128xf32, #tpu.memory_space<vmem>>, vector<1x16xf32>,
        %get3A_1105 = arith.index_cast %add3A_1080 : i32 to index
        %get3A_1106 = arith.constant 16 : index
        %get3A_1107 = tpu.vector_load %arg13[%get3A_1105, %get3A_1106] {strides = array<i32>} : memref<32x64xi32, #tpu.memory_space<vmem>>, vector<1x16xi32>,
        %get3A_1108 = vector.shape_cast %get3A_1107 : vector<1x16xi32> to vector<16xi32>
        %shift_left3A_1109 = arith.constant 16 : i32
        %shift_left3A_1110 = vector.broadcast %shift_left3A_1109 : i32 to vector<16xi32>
        %shift_left3A_1111 = arith.shli %get3A_1108, %shift_left3A_1110 : vector<16xi32>
        %bitcast_convert_type3A_1112 = tpu.bitcast %shift_left3A_1111 : vector<16xi32> -> vector<16xf32>
        %and3A_1113 = arith.constant -65536 : i32
        %and3A_1114 = vector.broadcast %and3A_1113 : i32 to vector<16xi32>
        %and3A_1115 = arith.andi %get3A_1108, %and3A_1114 : vector<16xi32>
        %bitcast_convert_type3A_1116 = tpu.bitcast %and3A_1115 : vector<16xi32> -> vector<16xf32>
        %mul3A_1117 = arith.mulf %bitcast_convert_type3A_1112, %gather3A_1076 : vector<16xf32>
        %swap3A_1118 = arith.index_cast %add3A_1080 : i32 to index
        %swap3A_1119 = arith.constant 16 : index
        %swap3A_1120 = tpu.vector_load %arg15[%swap3A_1118, %swap3A_1119] {strides = array<i32>} : memref<32x128xf32, #tpu.memory_space<vmem>>, vector<1x16xf32>,
        %swap3A_1121 = vector.shape_cast %swap3A_1120 : vector<1x16xf32> to vector<16xf32>
        %swap3A_1122 = vector.shape_cast %mul3A_1117 : vector<16xf32> to vector<1x16xf32>
        tpu.vector_store %arg15[%swap3A_1118, %swap3A_1119], %swap3A_1122 {strides = array<i32>} : memref<32x128xf32, #tpu.memory_space<vmem>>, vector<1x16xf32>,
        %mul3A_1123 = arith.mulf %bitcast_convert_type3A_1116, %gather3A_1076 : vector<16xf32>
        %swap3A_1124 = arith.index_cast %add3A_1080 : i32 to index
        %swap3A_1125 = arith.constant 80 : index
        %swap3A_1126 = tpu.vector_load %arg15[%swap3A_1124, %swap3A_1125] {strides = array<i32>} : memref<32x128xf32, #tpu.memory_space<vmem>>, vector<1x16xf32>,
        %swap3A_1127 = vector.shape_cast %swap3A_1126 : vector<1x16xf32> to vector<16xf32>
        %swap3A_1128 = vector.shape_cast %mul3A_1123 : vector<16xf32> to vector<1x16xf32>
        tpu.vector_store %arg15[%swap3A_1124, %swap3A_1125], %swap3A_1128 {strides = array<i32>} : memref<32x128xf32, #tpu.memory_space<vmem>>, vector<1x16xf32>,
        %get3A_1129 = arith.index_cast %add3A_1080 : i32 to index
        %get3A_1130 = arith.constant 32 : index
        %get3A_1131 = tpu.vector_load %arg13[%get3A_1129, %get3A_1130] {strides = array<i32>} : memref<32x64xi32, #tpu.memory_space<vmem>>, vector<1x16xi32>,
        %get3A_1132 = vector.shape_cast %get3A_1131 : vector<1x16xi32> to vector<16xi32>
        %shift_left3A_1133 = arith.constant 16 : i32
        %shift_left3A_1134 = vector.broadcast %shift_left3A_1133 : i32 to vector<16xi32>
        %shift_left3A_1135 = arith.shli %get3A_1132, %shift_left3A_1134 : vector<16xi32>
        %bitcast_convert_type3A_1136 = tpu.bitcast %shift_left3A_1135 : vector<16xi32> -> vector<16xf32>
        %and3A_1137 = arith.constant -65536 : i32
        %and3A_1138 = vector.broadcast %and3A_1137 : i32 to vector<16xi32>
        %and3A_1139 = arith.andi %get3A_1132, %and3A_1138 : vector<16xi32>
        %bitcast_convert_type3A_1140 = tpu.bitcast %and3A_1139 : vector<16xi32> -> vector<16xf32>
        %mul3A_1141 = arith.mulf %bitcast_convert_type3A_1136, %gather3A_1076 : vector<16xf32>
        %swap3A_1142 = arith.index_cast %add3A_1080 : i32 to index
        %swap3A_1143 = arith.constant 32 : index
        %swap3A_1144 = tpu.vector_load %arg15[%swap3A_1142, %swap3A_1143] {strides = array<i32>} : memref<32x128xf32, #tpu.memory_space<vmem>>, vector<1x16xf32>,
        %swap3A_1145 = vector.shape_cast %swap3A_1144 : vector<1x16xf32> to vector<16xf32>
        %swap3A_1146 = vector.shape_cast %mul3A_1141 : vector<16xf32> to vector<1x16xf32>
        tpu.vector_store %arg15[%swap3A_1142, %swap3A_1143], %swap3A_1146 {strides = array<i32>} : memref<32x128xf32, #tpu.memory_space<vmem>>, vector<1x16xf32>,
        %mul3A_1147 = arith.mulf %bitcast_convert_type3A_1140, %gather3A_1076 : vector<16xf32>
        %swap3A_1148 = arith.index_cast %add3A_1080 : i32 to index
        %swap3A_1149 = arith.constant 96 : index
        %swap3A_1150 = tpu.vector_load %arg15[%swap3A_1148, %swap3A_1149] {strides = array<i32>} : memref<32x128xf32, #tpu.memory_space<vmem>>, vector<1x16xf32>,
        %swap3A_1151 = vector.shape_cast %swap3A_1150 : vector<1x16xf32> to vector<16xf32>
        %swap3A_1152 = vector.shape_cast %mul3A_1147 : vector<16xf32> to vector<1x16xf32>
        tpu.vector_store %arg15[%swap3A_1148, %swap3A_1149], %swap3A_1152 {strides = array<i32>} : memref<32x128xf32, #tpu.memory_space<vmem>>, vector<1x16xf32>,
        %get3A_1153 = arith.index_cast %add3A_1080 : i32 to index
        %get3A_1154 = arith.constant 48 : index
        %get3A_1155 = tpu.vector_load %arg13[%get3A_1153, %get3A_1154] {strides = array<i32>} : memref<32x64xi32, #tpu.memory_space<vmem>>, vector<1x16xi32>,
        %get3A_1156 = vector.shape_cast %get3A_1155 : vector<1x16xi32> to vector<16xi32>
        %shift_left3A_1157 = arith.constant 16 : i32
        %shift_left3A_1158 = vector.broadcast %shift_left3A_1157 : i32 to vector<16xi32>
        %shift_left3A_1159 = arith.shli %get3A_1156, %shift_left3A_1158 : vector<16xi32>
        %bitcast_convert_type3A_1160 = tpu.bitcast %shift_left3A_1159 : vector<16xi32> -> vector<16xf32>
        %and3A_1161 = arith.constant -65536 : i32
        %and3A_1162 = vector.broadcast %and3A_1161 : i32 to vector<16xi32>
        %and3A_1163 = arith.andi %get3A_1156, %and3A_1162 : vector<16xi32>
        %bitcast_convert_type3A_1164 = tpu.bitcast %and3A_1163 : vector<16xi32> -> vector<16xf32>
        %mul3A_1165 = arith.mulf %bitcast_convert_type3A_1160, %gather3A_1076 : vector<16xf32>
        %swap3A_1166 = arith.index_cast %add3A_1080 : i32 to index
        %swap3A_1167 = arith.constant 48 : index
        %swap3A_1168 = tpu.vector_load %arg15[%swap3A_1166, %swap3A_1167] {strides = array<i32>} : memref<32x128xf32, #tpu.memory_space<vmem>>, vector<1x16xf32>,
        %swap3A_1169 = vector.shape_cast %swap3A_1168 : vector<1x16xf32> to vector<16xf32>
        %swap3A_1170 = vector.shape_cast %mul3A_1165 : vector<16xf32> to vector<1x16xf32>
        tpu.vector_store %arg15[%swap3A_1166, %swap3A_1167], %swap3A_1170 {strides = array<i32>} : memref<32x128xf32, #tpu.memory_space<vmem>>, vector<1x16xf32>,
        %mul3A_1171 = arith.mulf %bitcast_convert_type3A_1164, %gather3A_1076 : vector<16xf32>
        %swap3A_1172 = arith.index_cast %add3A_1080 : i32 to index
        %swap3A_1173 = arith.constant 112 : index
        %swap3A_1174 = tpu.vector_load %arg15[%swap3A_1172, %swap3A_1173] {strides = array<i32>} : memref<32x128xf32, #tpu.memory_space<vmem>>, vector<1x16xf32>,
        %swap3A_1175 = vector.shape_cast %swap3A_1174 : vector<1x16xf32> to vector<16xf32>
        %swap3A_1176 = vector.shape_cast %mul3A_1171 : vector<16xf32> to vector<1x16xf32>
        tpu.vector_store %arg15[%swap3A_1172, %swap3A_1173], %swap3A_1176 {strides = array<i32>} : memref<32x128xf32, #tpu.memory_space<vmem>>, vector<1x16xf32>,
        %broadcast_in_dim3A_1177 = arith.constant 9 : i32
        %broadcast_in_dim3A_1178 = vector.broadcast %broadcast_in_dim3A_1177 : i32 to vector<16xi32>
        %lt3A_1179 = arith.constant 0 : i32
        %lt3A_1180 = vector.broadcast %lt3A_1179 : i32 to vector<16xi32>
        %lt3A_1181 = arith.cmpi slt, %broadcast_in_dim3A_1178, %lt3A_1180 : vector<16xi32>
        %add3A_1182 = arith.constant 16 : i32
        %add3A_1183 = vector.broadcast %add3A_1182 : i32 to vector<16xi32>
        %add3A_1184 = arith.addi %broadcast_in_dim3A_1178, %add3A_1183 : vector<16xi32>
        %select_n3A_1185 = arith.select %lt3A_1181, %add3A_1184, %broadcast_in_dim3A_1178 : vector<16xi1>, vector<16xi32>
        %reshape3A_1186 = vector.shape_cast %select_n3A_1185 : vector<16xi32> to vector<16x1xi32>
        %gather3A_1187 = vector.shape_cast %reshape3A_1186 : vector<16x1xi32> to vector<16xi32>
        %gather3A_1188 = tpu.dynamic_gather %get3A_176[%gather3A_1187] in [0] : vector<16xf32>, vector<16xi32> -> vector<16xf32>
        %mul3A_1189 = arith.constant 16 : i32
        %mul3A_1190 = arith.muli %scan3A_171, %mul3A_1189 : i32
        %add3A_1191 = arith.constant 9 : i32
        %add3A_1192 = arith.addi %mul3A_1190, %add3A_1191 : i32
        %get3A_1193 = arith.index_cast %add3A_1192 : i32 to index
        %get3A_1194 = arith.constant 0 : index
        %get3A_1195 = tpu.vector_load %arg13[%get3A_1193, %get3A_1194] {strides = array<i32>} : memref<32x64xi32, #tpu.memory_space<vmem>>, vector<1x16xi32>,
        %get3A_1196 = vector.shape_cast %get3A_1195 : vector<1x16xi32> to vector<16xi32>
        %shift_left3A_1197 = arith.constant 16 : i32
        %shift_left3A_1198 = vector.broadcast %shift_left3A_1197 : i32 to vector<16xi32>
        %shift_left3A_1199 = arith.shli %get3A_1196, %shift_left3A_1198 : vector<16xi32>
        %bitcast_convert_type3A_1200 = tpu.bitcast %shift_left3A_1199 : vector<16xi32> -> vector<16xf32>
        %and3A_1201 = arith.constant -65536 : i32
        %and3A_1202 = vector.broadcast %and3A_1201 : i32 to vector<16xi32>
        %and3A_1203 = arith.andi %get3A_1196, %and3A_1202 : vector<16xi32>
        %bitcast_convert_type3A_1204 = tpu.bitcast %and3A_1203 : vector<16xi32> -> vector<16xf32>
        %mul3A_1205 = arith.mulf %bitcast_convert_type3A_1200, %gather3A_1188 : vector<16xf32>
        %swap3A_1206 = arith.index_cast %add3A_1192 : i32 to index
        %swap3A_1207 = arith.constant 0 : index
        %swap3A_1208 = tpu.vector_load %arg15[%swap3A_1206, %swap3A_1207] {strides = array<i32>} : memref<32x128xf32, #tpu.memory_space<vmem>>, vector<1x16xf32>,
        %swap3A_1209 = vector.shape_cast %swap3A_1208 : vector<1x16xf32> to vector<16xf32>
        %swap3A_1210 = vector.shape_cast %mul3A_1205 : vector<16xf32> to vector<1x16xf32>
        tpu.vector_store %arg15[%swap3A_1206, %swap3A_1207], %swap3A_1210 {strides = array<i32>} : memref<32x128xf32, #tpu.memory_space<vmem>>, vector<1x16xf32>,
        %mul3A_1211 = arith.mulf %bitcast_convert_type3A_1204, %gather3A_1188 : vector<16xf32>
        %swap3A_1212 = arith.index_cast %add3A_1192 : i32 to index
        %swap3A_1213 = arith.constant 64 : index
        %swap3A_1214 = tpu.vector_load %arg15[%swap3A_1212, %swap3A_1213] {strides = array<i32>} : memref<32x128xf32, #tpu.memory_space<vmem>>, vector<1x16xf32>,
        %swap3A_1215 = vector.shape_cast %swap3A_1214 : vector<1x16xf32> to vector<16xf32>
        %swap3A_1216 = vector.shape_cast %mul3A_1211 : vector<16xf32> to vector<1x16xf32>
        tpu.vector_store %arg15[%swap3A_1212, %swap3A_1213], %swap3A_1216 {strides = array<i32>} : memref<32x128xf32, #tpu.memory_space<vmem>>, vector<1x16xf32>,
        %get3A_1217 = arith.index_cast %add3A_1192 : i32 to index
        %get3A_1218 = arith.constant 16 : index
        %get3A_1219 = tpu.vector_load %arg13[%get3A_1217, %get3A_1218] {strides = array<i32>} : memref<32x64xi32, #tpu.memory_space<vmem>>, vector<1x16xi32>,
        %get3A_1220 = vector.shape_cast %get3A_1219 : vector<1x16xi32> to vector<16xi32>
        %shift_left3A_1221 = arith.constant 16 : i32
        %shift_left3A_1222 = vector.broadcast %shift_left3A_1221 : i32 to vector<16xi32>
        %shift_left3A_1223 = arith.shli %get3A_1220, %shift_left3A_1222 : vector<16xi32>
        %bitcast_convert_type3A_1224 = tpu.bitcast %shift_left3A_1223 : vector<16xi32> -> vector<16xf32>
        %and3A_1225 = arith.constant -65536 : i32
        %and3A_1226 = vector.broadcast %and3A_1225 : i32 to vector<16xi32>
        %and3A_1227 = arith.andi %get3A_1220, %and3A_1226 : vector<16xi32>
        %bitcast_convert_type3A_1228 = tpu.bitcast %and3A_1227 : vector<16xi32> -> vector<16xf32>
        %mul3A_1229 = arith.mulf %bitcast_convert_type3A_1224, %gather3A_1188 : vector<16xf32>
        %swap3A_1230 = arith.index_cast %add3A_1192 : i32 to index
        %swap3A_1231 = arith.constant 16 : index
        %swap3A_1232 = tpu.vector_load %arg15[%swap3A_1230, %swap3A_1231] {strides = array<i32>} : memref<32x128xf32, #tpu.memory_space<vmem>>, vector<1x16xf32>,
        %swap3A_1233 = vector.shape_cast %swap3A_1232 : vector<1x16xf32> to vector<16xf32>
        %swap3A_1234 = vector.shape_cast %mul3A_1229 : vector<16xf32> to vector<1x16xf32>
        tpu.vector_store %arg15[%swap3A_1230, %swap3A_1231], %swap3A_1234 {strides = array<i32>} : memref<32x128xf32, #tpu.memory_space<vmem>>, vector<1x16xf32>,
        %mul3A_1235 = arith.mulf %bitcast_convert_type3A_1228, %gather3A_1188 : vector<16xf32>
        %swap3A_1236 = arith.index_cast %add3A_1192 : i32 to index
        %swap3A_1237 = arith.constant 80 : index
        %swap3A_1238 = tpu.vector_load %arg15[%swap3A_1236, %swap3A_1237] {strides = array<i32>} : memref<32x128xf32, #tpu.memory_space<vmem>>, vector<1x16xf32>,
        %swap3A_1239 = vector.shape_cast %swap3A_1238 : vector<1x16xf32> to vector<16xf32>
        %swap3A_1240 = vector.shape_cast %mul3A_1235 : vector<16xf32> to vector<1x16xf32>
        tpu.vector_store %arg15[%swap3A_1236, %swap3A_1237], %swap3A_1240 {strides = array<i32>} : memref<32x128xf32, #tpu.memory_space<vmem>>, vector<1x16xf32>,
        %get3A_1241 = arith.index_cast %add3A_1192 : i32 to index
        %get3A_1242 = arith.constant 32 : index
        %get3A_1243 = tpu.vector_load %arg13[%get3A_1241, %get3A_1242] {strides = array<i32>} : memref<32x64xi32, #tpu.memory_space<vmem>>, vector<1x16xi32>,
        %get3A_1244 = vector.shape_cast %get3A_1243 : vector<1x16xi32> to vector<16xi32>
        %shift_left3A_1245 = arith.constant 16 : i32
        %shift_left3A_1246 = vector.broadcast %shift_left3A_1245 : i32 to vector<16xi32>
        %shift_left3A_1247 = arith.shli %get3A_1244, %shift_left3A_1246 : vector<16xi32>
        %bitcast_convert_type3A_1248 = tpu.bitcast %shift_left3A_1247 : vector<16xi32> -> vector<16xf32>
        %and3A_1249 = arith.constant -65536 : i32
        %and3A_1250 = vector.broadcast %and3A_1249 : i32 to vector<16xi32>
        %and3A_1251 = arith.andi %get3A_1244, %and3A_1250 : vector<16xi32>
        %bitcast_convert_type3A_1252 = tpu.bitcast %and3A_1251 : vector<16xi32> -> vector<16xf32>
        %mul3A_1253 = arith.mulf %bitcast_convert_type3A_1248, %gather3A_1188 : vector<16xf32>
        %swap3A_1254 = arith.index_cast %add3A_1192 : i32 to index
        %swap3A_1255 = arith.constant 32 : index
        %swap3A_1256 = tpu.vector_load %arg15[%swap3A_1254, %swap3A_1255] {strides = array<i32>} : memref<32x128xf32, #tpu.memory_space<vmem>>, vector<1x16xf32>,
        %swap3A_1257 = vector.shape_cast %swap3A_1256 : vector<1x16xf32> to vector<16xf32>
        %swap3A_1258 = vector.shape_cast %mul3A_1253 : vector<16xf32> to vector<1x16xf32>
        tpu.vector_store %arg15[%swap3A_1254, %swap3A_1255], %swap3A_1258 {strides = array<i32>} : memref<32x128xf32, #tpu.memory_space<vmem>>, vector<1x16xf32>,
        %mul3A_1259 = arith.mulf %bitcast_convert_type3A_1252, %gather3A_1188 : vector<16xf32>
        %swap3A_1260 = arith.index_cast %add3A_1192 : i32 to index
        %swap3A_1261 = arith.constant 96 : index
        %swap3A_1262 = tpu.vector_load %arg15[%swap3A_1260, %swap3A_1261] {strides = array<i32>} : memref<32x128xf32, #tpu.memory_space<vmem>>, vector<1x16xf32>,
        %swap3A_1263 = vector.shape_cast %swap3A_1262 : vector<1x16xf32> to vector<16xf32>
        %swap3A_1264 = vector.shape_cast %mul3A_1259 : vector<16xf32> to vector<1x16xf32>
        tpu.vector_store %arg15[%swap3A_1260, %swap3A_1261], %swap3A_1264 {strides = array<i32>} : memref<32x128xf32, #tpu.memory_space<vmem>>, vector<1x16xf32>,
        %get3A_1265 = arith.index_cast %add3A_1192 : i32 to index
        %get3A_1266 = arith.constant 48 : index
        %get3A_1267 = tpu.vector_load %arg13[%get3A_1265, %get3A_1266] {strides = array<i32>} : memref<32x64xi32, #tpu.memory_space<vmem>>, vector<1x16xi32>,
        %get3A_1268 = vector.shape_cast %get3A_1267 : vector<1x16xi32> to vector<16xi32>
        %shift_left3A_1269 = arith.constant 16 : i32
        %shift_left3A_1270 = vector.broadcast %shift_left3A_1269 : i32 to vector<16xi32>
        %shift_left3A_1271 = arith.shli %get3A_1268, %shift_left3A_1270 : vector<16xi32>
        %bitcast_convert_type3A_1272 = tpu.bitcast %shift_left3A_1271 : vector<16xi32> -> vector<16xf32>
        %and3A_1273 = arith.constant -65536 : i32
        %and3A_1274 = vector.broadcast %and3A_1273 : i32 to vector<16xi32>
        %and3A_1275 = arith.andi %get3A_1268, %and3A_1274 : vector<16xi32>
        %bitcast_convert_type3A_1276 = tpu.bitcast %and3A_1275 : vector<16xi32> -> vector<16xf32>
        %mul3A_1277 = arith.mulf %bitcast_convert_type3A_1272, %gather3A_1188 : vector<16xf32>
        %swap3A_1278 = arith.index_cast %add3A_1192 : i32 to index
        %swap3A_1279 = arith.constant 48 : index
        %swap3A_1280 = tpu.vector_load %arg15[%swap3A_1278, %swap3A_1279] {strides = array<i32>} : memref<32x128xf32, #tpu.memory_space<vmem>>, vector<1x16xf32>,
        %swap3A_1281 = vector.shape_cast %swap3A_1280 : vector<1x16xf32> to vector<16xf32>
        %swap3A_1282 = vector.shape_cast %mul3A_1277 : vector<16xf32> to vector<1x16xf32>
        tpu.vector_store %arg15[%swap3A_1278, %swap3A_1279], %swap3A_1282 {strides = array<i32>} : memref<32x128xf32, #tpu.memory_space<vmem>>, vector<1x16xf32>,
        %mul3A_1283 = arith.mulf %bitcast_convert_type3A_1276, %gather3A_1188 : vector<16xf32>
        %swap3A_1284 = arith.index_cast %add3A_1192 : i32 to index
        %swap3A_1285 = arith.constant 112 : index
        %swap3A_1286 = tpu.vector_load %arg15[%swap3A_1284, %swap3A_1285] {strides = array<i32>} : memref<32x128xf32, #tpu.memory_space<vmem>>, vector<1x16xf32>,
        %swap3A_1287 = vector.shape_cast %swap3A_1286 : vector<1x16xf32> to vector<16xf32>
        %swap3A_1288 = vector.shape_cast %mul3A_1283 : vector<16xf32> to vector<1x16xf32>
        tpu.vector_store %arg15[%swap3A_1284, %swap3A_1285], %swap3A_1288 {strides = array<i32>} : memref<32x128xf32, #tpu.memory_space<vmem>>, vector<1x16xf32>,
        %broadcast_in_dim3A_1289 = arith.constant 10 : i32
        %broadcast_in_dim3A_1290 = vector.broadcast %broadcast_in_dim3A_1289 : i32 to vector<16xi32>
        %lt3A_1291 = arith.constant 0 : i32
        %lt3A_1292 = vector.broadcast %lt3A_1291 : i32 to vector<16xi32>
        %lt3A_1293 = arith.cmpi slt, %broadcast_in_dim3A_1290, %lt3A_1292 : vector<16xi32>
        %add3A_1294 = arith.constant 16 : i32
        %add3A_1295 = vector.broadcast %add3A_1294 : i32 to vector<16xi32>
        %add3A_1296 = arith.addi %broadcast_in_dim3A_1290, %add3A_1295 : vector<16xi32>
        %select_n3A_1297 = arith.select %lt3A_1293, %add3A_1296, %broadcast_in_dim3A_1290 : vector<16xi1>, vector<16xi32>
        %reshape3A_1298 = vector.shape_cast %select_n3A_1297 : vector<16xi32> to vector<16x1xi32>
        %gather3A_1299 = vector.shape_cast %reshape3A_1298 : vector<16x1xi32> to vector<16xi32>
        %gather3A_1300 = tpu.dynamic_gather %get3A_176[%gather3A_1299] in [0] : vector<16xf32>, vector<16xi32> -> vector<16xf32>
        %mul3A_1301 = arith.constant 16 : i32
        %mul3A_1302 = arith.muli %scan3A_171, %mul3A_1301 : i32
        %add3A_1303 = arith.constant 10 : i32
        %add3A_1304 = arith.addi %mul3A_1302, %add3A_1303 : i32
        %get3A_1305 = arith.index_cast %add3A_1304 : i32 to index
        %get3A_1306 = arith.constant 0 : index
        %get3A_1307 = tpu.vector_load %arg13[%get3A_1305, %get3A_1306] {strides = array<i32>} : memref<32x64xi32, #tpu.memory_space<vmem>>, vector<1x16xi32>,
        %get3A_1308 = vector.shape_cast %get3A_1307 : vector<1x16xi32> to vector<16xi32>
        %shift_left3A_1309 = arith.constant 16 : i32
        %shift_left3A_1310 = vector.broadcast %shift_left3A_1309 : i32 to vector<16xi32>
        %shift_left3A_1311 = arith.shli %get3A_1308, %shift_left3A_1310 : vector<16xi32>
        %bitcast_convert_type3A_1312 = tpu.bitcast %shift_left3A_1311 : vector<16xi32> -> vector<16xf32>
        %and3A_1313 = arith.constant -65536 : i32
        %and3A_1314 = vector.broadcast %and3A_1313 : i32 to vector<16xi32>
        %and3A_1315 = arith.andi %get3A_1308, %and3A_1314 : vector<16xi32>
        %bitcast_convert_type3A_1316 = tpu.bitcast %and3A_1315 : vector<16xi32> -> vector<16xf32>
        %mul3A_1317 = arith.mulf %bitcast_convert_type3A_1312, %gather3A_1300 : vector<16xf32>
        %swap3A_1318 = arith.index_cast %add3A_1304 : i32 to index
        %swap3A_1319 = arith.constant 0 : index
        %swap3A_1320 = tpu.vector_load %arg15[%swap3A_1318, %swap3A_1319] {strides = array<i32>} : memref<32x128xf32, #tpu.memory_space<vmem>>, vector<1x16xf32>,
        %swap3A_1321 = vector.shape_cast %swap3A_1320 : vector<1x16xf32> to vector<16xf32>
        %swap3A_1322 = vector.shape_cast %mul3A_1317 : vector<16xf32> to vector<1x16xf32>
        tpu.vector_store %arg15[%swap3A_1318, %swap3A_1319], %swap3A_1322 {strides = array<i32>} : memref<32x128xf32, #tpu.memory_space<vmem>>, vector<1x16xf32>,
        %mul3A_1323 = arith.mulf %bitcast_convert_type3A_1316, %gather3A_1300 : vector<16xf32>
        %swap3A_1324 = arith.index_cast %add3A_1304 : i32 to index
        %swap3A_1325 = arith.constant 64 : index
        %swap3A_1326 = tpu.vector_load %arg15[%swap3A_1324, %swap3A_1325] {strides = array<i32>} : memref<32x128xf32, #tpu.memory_space<vmem>>, vector<1x16xf32>,
        %swap3A_1327 = vector.shape_cast %swap3A_1326 : vector<1x16xf32> to vector<16xf32>
        %swap3A_1328 = vector.shape_cast %mul3A_1323 : vector<16xf32> to vector<1x16xf32>
        tpu.vector_store %arg15[%swap3A_1324, %swap3A_1325], %swap3A_1328 {strides = array<i32>} : memref<32x128xf32, #tpu.memory_space<vmem>>, vector<1x16xf32>,
        %get3A_1329 = arith.index_cast %add3A_1304 : i32 to index
        %get3A_1330 = arith.constant 16 : index
        %get3A_1331 = tpu.vector_load %arg13[%get3A_1329, %get3A_1330] {strides = array<i32>} : memref<32x64xi32, #tpu.memory_space<vmem>>, vector<1x16xi32>,
        %get3A_1332 = vector.shape_cast %get3A_1331 : vector<1x16xi32> to vector<16xi32>
        %shift_left3A_1333 = arith.constant 16 : i32
        %shift_left3A_1334 = vector.broadcast %shift_left3A_1333 : i32 to vector<16xi32>
        %shift_left3A_1335 = arith.shli %get3A_1332, %shift_left3A_1334 : vector<16xi32>
        %bitcast_convert_type3A_1336 = tpu.bitcast %shift_left3A_1335 : vector<16xi32> -> vector<16xf32>
        %and3A_1337 = arith.constant -65536 : i32
        %and3A_1338 = vector.broadcast %and3A_1337 : i32 to vector<16xi32>
        %and3A_1339 = arith.andi %get3A_1332, %and3A_1338 : vector<16xi32>
        %bitcast_convert_type3A_1340 = tpu.bitcast %and3A_1339 : vector<16xi32> -> vector<16xf32>
        %mul3A_1341 = arith.mulf %bitcast_convert_type3A_1336, %gather3A_1300 : vector<16xf32>
        %swap3A_1342 = arith.index_cast %add3A_1304 : i32 to index
        %swap3A_1343 = arith.constant 16 : index
        %swap3A_1344 = tpu.vector_load %arg15[%swap3A_1342, %swap3A_1343] {strides = array<i32>} : memref<32x128xf32, #tpu.memory_space<vmem>>, vector<1x16xf32>,
        %swap3A_1345 = vector.shape_cast %swap3A_1344 : vector<1x16xf32> to vector<16xf32>
        %swap3A_1346 = vector.shape_cast %mul3A_1341 : vector<16xf32> to vector<1x16xf32>
        tpu.vector_store %arg15[%swap3A_1342, %swap3A_1343], %swap3A_1346 {strides = array<i32>} : memref<32x128xf32, #tpu.memory_space<vmem>>, vector<1x16xf32>,
        %mul3A_1347 = arith.mulf %bitcast_convert_type3A_1340, %gather3A_1300 : vector<16xf32>
        %swap3A_1348 = arith.index_cast %add3A_1304 : i32 to index
        %swap3A_1349 = arith.constant 80 : index
        %swap3A_1350 = tpu.vector_load %arg15[%swap3A_1348, %swap3A_1349] {strides = array<i32>} : memref<32x128xf32, #tpu.memory_space<vmem>>, vector<1x16xf32>,
        %swap3A_1351 = vector.shape_cast %swap3A_1350 : vector<1x16xf32> to vector<16xf32>
        %swap3A_1352 = vector.shape_cast %mul3A_1347 : vector<16xf32> to vector<1x16xf32>
        tpu.vector_store %arg15[%swap3A_1348, %swap3A_1349], %swap3A_1352 {strides = array<i32>} : memref<32x128xf32, #tpu.memory_space<vmem>>, vector<1x16xf32>,
        %get3A_1353 = arith.index_cast %add3A_1304 : i32 to index
        %get3A_1354 = arith.constant 32 : index
        %get3A_1355 = tpu.vector_load %arg13[%get3A_1353, %get3A_1354] {strides = array<i32>} : memref<32x64xi32, #tpu.memory_space<vmem>>, vector<1x16xi32>,
        %get3A_1356 = vector.shape_cast %get3A_1355 : vector<1x16xi32> to vector<16xi32>
        %shift_left3A_1357 = arith.constant 16 : i32
        %shift_left3A_1358 = vector.broadcast %shift_left3A_1357 : i32 to vector<16xi32>
        %shift_left3A_1359 = arith.shli %get3A_1356, %shift_left3A_1358 : vector<16xi32>
        %bitcast_convert_type3A_1360 = tpu.bitcast %shift_left3A_1359 : vector<16xi32> -> vector<16xf32>
        %and3A_1361 = arith.constant -65536 : i32
        %and3A_1362 = vector.broadcast %and3A_1361 : i32 to vector<16xi32>
        %and3A_1363 = arith.andi %get3A_1356, %and3A_1362 : vector<16xi32>
        %bitcast_convert_type3A_1364 = tpu.bitcast %and3A_1363 : vector<16xi32> -> vector<16xf32>
        %mul3A_1365 = arith.mulf %bitcast_convert_type3A_1360, %gather3A_1300 : vector<16xf32>
        %swap3A_1366 = arith.index_cast %add3A_1304 : i32 to index
        %swap3A_1367 = arith.constant 32 : index
        %swap3A_1368 = tpu.vector_load %arg15[%swap3A_1366, %swap3A_1367] {strides = array<i32>} : memref<32x128xf32, #tpu.memory_space<vmem>>, vector<1x16xf32>,
        %swap3A_1369 = vector.shape_cast %swap3A_1368 : vector<1x16xf32> to vector<16xf32>
        %swap3A_1370 = vector.shape_cast %mul3A_1365 : vector<16xf32> to vector<1x16xf32>
        tpu.vector_store %arg15[%swap3A_1366, %swap3A_1367], %swap3A_1370 {strides = array<i32>} : memref<32x128xf32, #tpu.memory_space<vmem>>, vector<1x16xf32>,
        %mul3A_1371 = arith.mulf %bitcast_convert_type3A_1364, %gather3A_1300 : vector<16xf32>
        %swap3A_1372 = arith.index_cast %add3A_1304 : i32 to index
        %swap3A_1373 = arith.constant 96 : index
        %swap3A_1374 = tpu.vector_load %arg15[%swap3A_1372, %swap3A_1373] {strides = array<i32>} : memref<32x128xf32, #tpu.memory_space<vmem>>, vector<1x16xf32>,
        %swap3A_1375 = vector.shape_cast %swap3A_1374 : vector<1x16xf32> to vector<16xf32>
        %swap3A_1376 = vector.shape_cast %mul3A_1371 : vector<16xf32> to vector<1x16xf32>
        tpu.vector_store %arg15[%swap3A_1372, %swap3A_1373], %swap3A_1376 {strides = array<i32>} : memref<32x128xf32, #tpu.memory_space<vmem>>, vector<1x16xf32>,
        %get3A_1377 = arith.index_cast %add3A_1304 : i32 to index
        %get3A_1378 = arith.constant 48 : index
        %get3A_1379 = tpu.vector_load %arg13[%get3A_1377, %get3A_1378] {strides = array<i32>} : memref<32x64xi32, #tpu.memory_space<vmem>>, vector<1x16xi32>,
        %get3A_1380 = vector.shape_cast %get3A_1379 : vector<1x16xi32> to vector<16xi32>
        %shift_left3A_1381 = arith.constant 16 : i32
        %shift_left3A_1382 = vector.broadcast %shift_left3A_1381 : i32 to vector<16xi32>
        %shift_left3A_1383 = arith.shli %get3A_1380, %shift_left3A_1382 : vector<16xi32>
        %bitcast_convert_type3A_1384 = tpu.bitcast %shift_left3A_1383 : vector<16xi32> -> vector<16xf32>
        %and3A_1385 = arith.constant -65536 : i32
        %and3A_1386 = vector.broadcast %and3A_1385 : i32 to vector<16xi32>
        %and3A_1387 = arith.andi %get3A_1380, %and3A_1386 : vector<16xi32>
        %bitcast_convert_type3A_1388 = tpu.bitcast %and3A_1387 : vector<16xi32> -> vector<16xf32>
        %mul3A_1389 = arith.mulf %bitcast_convert_type3A_1384, %gather3A_1300 : vector<16xf32>
        %swap3A_1390 = arith.index_cast %add3A_1304 : i32 to index
        %swap3A_1391 = arith.constant 48 : index
        %swap3A_1392 = tpu.vector_load %arg15[%swap3A_1390, %swap3A_1391] {strides = array<i32>} : memref<32x128xf32, #tpu.memory_space<vmem>>, vector<1x16xf32>,
        %swap3A_1393 = vector.shape_cast %swap3A_1392 : vector<1x16xf32> to vector<16xf32>
        %swap3A_1394 = vector.shape_cast %mul3A_1389 : vector<16xf32> to vector<1x16xf32>
        tpu.vector_store %arg15[%swap3A_1390, %swap3A_1391], %swap3A_1394 {strides = array<i32>} : memref<32x128xf32, #tpu.memory_space<vmem>>, vector<1x16xf32>,
        %mul3A_1395 = arith.mulf %bitcast_convert_type3A_1388, %gather3A_1300 : vector<16xf32>
        %swap3A_1396 = arith.index_cast %add3A_1304 : i32 to index
        %swap3A_1397 = arith.constant 112 : index
        %swap3A_1398 = tpu.vector_load %arg15[%swap3A_1396, %swap3A_1397] {strides = array<i32>} : memref<32x128xf32, #tpu.memory_space<vmem>>, vector<1x16xf32>,
        %swap3A_1399 = vector.shape_cast %swap3A_1398 : vector<1x16xf32> to vector<16xf32>
        %swap3A_1400 = vector.shape_cast %mul3A_1395 : vector<16xf32> to vector<1x16xf32>
        tpu.vector_store %arg15[%swap3A_1396, %swap3A_1397], %swap3A_1400 {strides = array<i32>} : memref<32x128xf32, #tpu.memory_space<vmem>>, vector<1x16xf32>,
        %broadcast_in_dim3A_1401 = arith.constant 11 : i32
        %broadcast_in_dim3A_1402 = vector.broadcast %broadcast_in_dim3A_1401 : i32 to vector<16xi32>
        %lt3A_1403 = arith.constant 0 : i32
        %lt3A_1404 = vector.broadcast %lt3A_1403 : i32 to vector<16xi32>
        %lt3A_1405 = arith.cmpi slt, %broadcast_in_dim3A_1402, %lt3A_1404 : vector<16xi32>
        %add3A_1406 = arith.constant 16 : i32
        %add3A_1407 = vector.broadcast %add3A_1406 : i32 to vector<16xi32>
        %add3A_1408 = arith.addi %broadcast_in_dim3A_1402, %add3A_1407 : vector<16xi32>
        %select_n3A_1409 = arith.select %lt3A_1405, %add3A_1408, %broadcast_in_dim3A_1402 : vector<16xi1>, vector<16xi32>
        %reshape3A_1410 = vector.shape_cast %select_n3A_1409 : vector<16xi32> to vector<16x1xi32>
        %gather3A_1411 = vector.shape_cast %reshape3A_1410 : vector<16x1xi32> to vector<16xi32>
        %gather3A_1412 = tpu.dynamic_gather %get3A_176[%gather3A_1411] in [0] : vector<16xf32>, vector<16xi32> -> vector<16xf32>
        %mul3A_1413 = arith.constant 16 : i32
        %mul3A_1414 = arith.muli %scan3A_171, %mul3A_1413 : i32
        %add3A_1415 = arith.constant 11 : i32
        %add3A_1416 = arith.addi %mul3A_1414, %add3A_1415 : i32
        %get3A_1417 = arith.index_cast %add3A_1416 : i32 to index
        %get3A_1418 = arith.constant 0 : index
        %get3A_1419 = tpu.vector_load %arg13[%get3A_1417, %get3A_1418] {strides = array<i32>} : memref<32x64xi32, #tpu.memory_space<vmem>>, vector<1x16xi32>,
        %get3A_1420 = vector.shape_cast %get3A_1419 : vector<1x16xi32> to vector<16xi32>
        %shift_left3A_1421 = arith.constant 16 : i32
        %shift_left3A_1422 = vector.broadcast %shift_left3A_1421 : i32 to vector<16xi32>
        %shift_left3A_1423 = arith.shli %get3A_1420, %shift_left3A_1422 : vector<16xi32>
        %bitcast_convert_type3A_1424 = tpu.bitcast %shift_left3A_1423 : vector<16xi32> -> vector<16xf32>
        %and3A_1425 = arith.constant -65536 : i32
        %and3A_1426 = vector.broadcast %and3A_1425 : i32 to vector<16xi32>
        %and3A_1427 = arith.andi %get3A_1420, %and3A_1426 : vector<16xi32>
        %bitcast_convert_type3A_1428 = tpu.bitcast %and3A_1427 : vector<16xi32> -> vector<16xf32>
        %mul3A_1429 = arith.mulf %bitcast_convert_type3A_1424, %gather3A_1412 : vector<16xf32>
        %swap3A_1430 = arith.index_cast %add3A_1416 : i32 to index
        %swap3A_1431 = arith.constant 0 : index
        %swap3A_1432 = tpu.vector_load %arg15[%swap3A_1430, %swap3A_1431] {strides = array<i32>} : memref<32x128xf32, #tpu.memory_space<vmem>>, vector<1x16xf32>,
        %swap3A_1433 = vector.shape_cast %swap3A_1432 : vector<1x16xf32> to vector<16xf32>
        %swap3A_1434 = vector.shape_cast %mul3A_1429 : vector<16xf32> to vector<1x16xf32>
        tpu.vector_store %arg15[%swap3A_1430, %swap3A_1431], %swap3A_1434 {strides = array<i32>} : memref<32x128xf32, #tpu.memory_space<vmem>>, vector<1x16xf32>,
        %mul3A_1435 = arith.mulf %bitcast_convert_type3A_1428, %gather3A_1412 : vector<16xf32>
        %swap3A_1436 = arith.index_cast %add3A_1416 : i32 to index
        %swap3A_1437 = arith.constant 64 : index
        %swap3A_1438 = tpu.vector_load %arg15[%swap3A_1436, %swap3A_1437] {strides = array<i32>} : memref<32x128xf32, #tpu.memory_space<vmem>>, vector<1x16xf32>,
        %swap3A_1439 = vector.shape_cast %swap3A_1438 : vector<1x16xf32> to vector<16xf32>
        %swap3A_1440 = vector.shape_cast %mul3A_1435 : vector<16xf32> to vector<1x16xf32>
        tpu.vector_store %arg15[%swap3A_1436, %swap3A_1437], %swap3A_1440 {strides = array<i32>} : memref<32x128xf32, #tpu.memory_space<vmem>>, vector<1x16xf32>,
        %get3A_1441 = arith.index_cast %add3A_1416 : i32 to index
        %get3A_1442 = arith.constant 16 : index
        %get3A_1443 = tpu.vector_load %arg13[%get3A_1441, %get3A_1442] {strides = array<i32>} : memref<32x64xi32, #tpu.memory_space<vmem>>, vector<1x16xi32>,
        %get3A_1444 = vector.shape_cast %get3A_1443 : vector<1x16xi32> to vector<16xi32>
        %shift_left3A_1445 = arith.constant 16 : i32
        %shift_left3A_1446 = vector.broadcast %shift_left3A_1445 : i32 to vector<16xi32>
        %shift_left3A_1447 = arith.shli %get3A_1444, %shift_left3A_1446 : vector<16xi32>
        %bitcast_convert_type3A_1448 = tpu.bitcast %shift_left3A_1447 : vector<16xi32> -> vector<16xf32>
        %and3A_1449 = arith.constant -65536 : i32
        %and3A_1450 = vector.broadcast %and3A_1449 : i32 to vector<16xi32>
        %and3A_1451 = arith.andi %get3A_1444, %and3A_1450 : vector<16xi32>
        %bitcast_convert_type3A_1452 = tpu.bitcast %and3A_1451 : vector<16xi32> -> vector<16xf32>
        %mul3A_1453 = arith.mulf %bitcast_convert_type3A_1448, %gather3A_1412 : vector<16xf32>
        %swap3A_1454 = arith.index_cast %add3A_1416 : i32 to index
        %swap3A_1455 = arith.constant 16 : index
        %swap3A_1456 = tpu.vector_load %arg15[%swap3A_1454, %swap3A_1455] {strides = array<i32>} : memref<32x128xf32, #tpu.memory_space<vmem>>, vector<1x16xf32>,
        %swap3A_1457 = vector.shape_cast %swap3A_1456 : vector<1x16xf32> to vector<16xf32>
        %swap3A_1458 = vector.shape_cast %mul3A_1453 : vector<16xf32> to vector<1x16xf32>
        tpu.vector_store %arg15[%swap3A_1454, %swap3A_1455], %swap3A_1458 {strides = array<i32>} : memref<32x128xf32, #tpu.memory_space<vmem>>, vector<1x16xf32>,
        %mul3A_1459 = arith.mulf %bitcast_convert_type3A_1452, %gather3A_1412 : vector<16xf32>
        %swap3A_1460 = arith.index_cast %add3A_1416 : i32 to index
        %swap3A_1461 = arith.constant 80 : index
        %swap3A_1462 = tpu.vector_load %arg15[%swap3A_1460, %swap3A_1461] {strides = array<i32>} : memref<32x128xf32, #tpu.memory_space<vmem>>, vector<1x16xf32>,
        %swap3A_1463 = vector.shape_cast %swap3A_1462 : vector<1x16xf32> to vector<16xf32>
        %swap3A_1464 = vector.shape_cast %mul3A_1459 : vector<16xf32> to vector<1x16xf32>
        tpu.vector_store %arg15[%swap3A_1460, %swap3A_1461], %swap3A_1464 {strides = array<i32>} : memref<32x128xf32, #tpu.memory_space<vmem>>, vector<1x16xf32>,
        %get3A_1465 = arith.index_cast %add3A_1416 : i32 to index
        %get3A_1466 = arith.constant 32 : index
        %get3A_1467 = tpu.vector_load %arg13[%get3A_1465, %get3A_1466] {strides = array<i32>} : memref<32x64xi32, #tpu.memory_space<vmem>>, vector<1x16xi32>,
        %get3A_1468 = vector.shape_cast %get3A_1467 : vector<1x16xi32> to vector<16xi32>
        %shift_left3A_1469 = arith.constant 16 : i32
        %shift_left3A_1470 = vector.broadcast %shift_left3A_1469 : i32 to vector<16xi32>
        %shift_left3A_1471 = arith.shli %get3A_1468, %shift_left3A_1470 : vector<16xi32>
        %bitcast_convert_type3A_1472 = tpu.bitcast %shift_left3A_1471 : vector<16xi32> -> vector<16xf32>
        %and3A_1473 = arith.constant -65536 : i32
        %and3A_1474 = vector.broadcast %and3A_1473 : i32 to vector<16xi32>
        %and3A_1475 = arith.andi %get3A_1468, %and3A_1474 : vector<16xi32>
        %bitcast_convert_type3A_1476 = tpu.bitcast %and3A_1475 : vector<16xi32> -> vector<16xf32>
        %mul3A_1477 = arith.mulf %bitcast_convert_type3A_1472, %gather3A_1412 : vector<16xf32>
        %swap3A_1478 = arith.index_cast %add3A_1416 : i32 to index
        %swap3A_1479 = arith.constant 32 : index
        %swap3A_1480 = tpu.vector_load %arg15[%swap3A_1478, %swap3A_1479] {strides = array<i32>} : memref<32x128xf32, #tpu.memory_space<vmem>>, vector<1x16xf32>,
        %swap3A_1481 = vector.shape_cast %swap3A_1480 : vector<1x16xf32> to vector<16xf32>
        %swap3A_1482 = vector.shape_cast %mul3A_1477 : vector<16xf32> to vector<1x16xf32>
        tpu.vector_store %arg15[%swap3A_1478, %swap3A_1479], %swap3A_1482 {strides = array<i32>} : memref<32x128xf32, #tpu.memory_space<vmem>>, vector<1x16xf32>,
        %mul3A_1483 = arith.mulf %bitcast_convert_type3A_1476, %gather3A_1412 : vector<16xf32>
        %swap3A_1484 = arith.index_cast %add3A_1416 : i32 to index
        %swap3A_1485 = arith.constant 96 : index
        %swap3A_1486 = tpu.vector_load %arg15[%swap3A_1484, %swap3A_1485] {strides = array<i32>} : memref<32x128xf32, #tpu.memory_space<vmem>>, vector<1x16xf32>,
        %swap3A_1487 = vector.shape_cast %swap3A_1486 : vector<1x16xf32> to vector<16xf32>
        %swap3A_1488 = vector.shape_cast %mul3A_1483 : vector<16xf32> to vector<1x16xf32>
        tpu.vector_store %arg15[%swap3A_1484, %swap3A_1485], %swap3A_1488 {strides = array<i32>} : memref<32x128xf32, #tpu.memory_space<vmem>>, vector<1x16xf32>,
        %get3A_1489 = arith.index_cast %add3A_1416 : i32 to index
        %get3A_1490 = arith.constant 48 : index
        %get3A_1491 = tpu.vector_load %arg13[%get3A_1489, %get3A_1490] {strides = array<i32>} : memref<32x64xi32, #tpu.memory_space<vmem>>, vector<1x16xi32>,
        %get3A_1492 = vector.shape_cast %get3A_1491 : vector<1x16xi32> to vector<16xi32>
        %shift_left3A_1493 = arith.constant 16 : i32
        %shift_left3A_1494 = vector.broadcast %shift_left3A_1493 : i32 to vector<16xi32>
        %shift_left3A_1495 = arith.shli %get3A_1492, %shift_left3A_1494 : vector<16xi32>
        %bitcast_convert_type3A_1496 = tpu.bitcast %shift_left3A_1495 : vector<16xi32> -> vector<16xf32>
        %and3A_1497 = arith.constant -65536 : i32
        %and3A_1498 = vector.broadcast %and3A_1497 : i32 to vector<16xi32>
        %and3A_1499 = arith.andi %get3A_1492, %and3A_1498 : vector<16xi32>
        %bitcast_convert_type3A_1500 = tpu.bitcast %and3A_1499 : vector<16xi32> -> vector<16xf32>
        %mul3A_1501 = arith.mulf %bitcast_convert_type3A_1496, %gather3A_1412 : vector<16xf32>
        %swap3A_1502 = arith.index_cast %add3A_1416 : i32 to index
        %swap3A_1503 = arith.constant 48 : index
        %swap3A_1504 = tpu.vector_load %arg15[%swap3A_1502, %swap3A_1503] {strides = array<i32>} : memref<32x128xf32, #tpu.memory_space<vmem>>, vector<1x16xf32>,
        %swap3A_1505 = vector.shape_cast %swap3A_1504 : vector<1x16xf32> to vector<16xf32>
        %swap3A_1506 = vector.shape_cast %mul3A_1501 : vector<16xf32> to vector<1x16xf32>
        tpu.vector_store %arg15[%swap3A_1502, %swap3A_1503], %swap3A_1506 {strides = array<i32>} : memref<32x128xf32, #tpu.memory_space<vmem>>, vector<1x16xf32>,
        %mul3A_1507 = arith.mulf %bitcast_convert_type3A_1500, %gather3A_1412 : vector<16xf32>
        %swap3A_1508 = arith.index_cast %add3A_1416 : i32 to index
        %swap3A_1509 = arith.constant 112 : index
        %swap3A_1510 = tpu.vector_load %arg15[%swap3A_1508, %swap3A_1509] {strides = array<i32>} : memref<32x128xf32, #tpu.memory_space<vmem>>, vector<1x16xf32>,
        %swap3A_1511 = vector.shape_cast %swap3A_1510 : vector<1x16xf32> to vector<16xf32>
        %swap3A_1512 = vector.shape_cast %mul3A_1507 : vector<16xf32> to vector<1x16xf32>
        tpu.vector_store %arg15[%swap3A_1508, %swap3A_1509], %swap3A_1512 {strides = array<i32>} : memref<32x128xf32, #tpu.memory_space<vmem>>, vector<1x16xf32>,
        %broadcast_in_dim3A_1513 = arith.constant 12 : i32
        %broadcast_in_dim3A_1514 = vector.broadcast %broadcast_in_dim3A_1513 : i32 to vector<16xi32>
        %lt3A_1515 = arith.constant 0 : i32
        %lt3A_1516 = vector.broadcast %lt3A_1515 : i32 to vector<16xi32>
        %lt3A_1517 = arith.cmpi slt, %broadcast_in_dim3A_1514, %lt3A_1516 : vector<16xi32>
        %add3A_1518 = arith.constant 16 : i32
        %add3A_1519 = vector.broadcast %add3A_1518 : i32 to vector<16xi32>
        %add3A_1520 = arith.addi %broadcast_in_dim3A_1514, %add3A_1519 : vector<16xi32>
        %select_n3A_1521 = arith.select %lt3A_1517, %add3A_1520, %broadcast_in_dim3A_1514 : vector<16xi1>, vector<16xi32>
        %reshape3A_1522 = vector.shape_cast %select_n3A_1521 : vector<16xi32> to vector<16x1xi32>
        %gather3A_1523 = vector.shape_cast %reshape3A_1522 : vector<16x1xi32> to vector<16xi32>
        %gather3A_1524 = tpu.dynamic_gather %get3A_176[%gather3A_1523] in [0] : vector<16xf32>, vector<16xi32> -> vector<16xf32>
        %mul3A_1525 = arith.constant 16 : i32
        %mul3A_1526 = arith.muli %scan3A_171, %mul3A_1525 : i32
        %add3A_1527 = arith.constant 12 : i32
        %add3A_1528 = arith.addi %mul3A_1526, %add3A_1527 : i32
        %get3A_1529 = arith.index_cast %add3A_1528 : i32 to index
        %get3A_1530 = arith.constant 0 : index
        %get3A_1531 = tpu.vector_load %arg13[%get3A_1529, %get3A_1530] {strides = array<i32>} : memref<32x64xi32, #tpu.memory_space<vmem>>, vector<1x16xi32>,
        %get3A_1532 = vector.shape_cast %get3A_1531 : vector<1x16xi32> to vector<16xi32>
        %shift_left3A_1533 = arith.constant 16 : i32
        %shift_left3A_1534 = vector.broadcast %shift_left3A_1533 : i32 to vector<16xi32>
        %shift_left3A_1535 = arith.shli %get3A_1532, %shift_left3A_1534 : vector<16xi32>
        %bitcast_convert_type3A_1536 = tpu.bitcast %shift_left3A_1535 : vector<16xi32> -> vector<16xf32>
        %and3A_1537 = arith.constant -65536 : i32
        %and3A_1538 = vector.broadcast %and3A_1537 : i32 to vector<16xi32>
        %and3A_1539 = arith.andi %get3A_1532, %and3A_1538 : vector<16xi32>
        %bitcast_convert_type3A_1540 = tpu.bitcast %and3A_1539 : vector<16xi32> -> vector<16xf32>
        %mul3A_1541 = arith.mulf %bitcast_convert_type3A_1536, %gather3A_1524 : vector<16xf32>
        %swap3A_1542 = arith.index_cast %add3A_1528 : i32 to index
        %swap3A_1543 = arith.constant 0 : index
        %swap3A_1544 = tpu.vector_load %arg15[%swap3A_1542, %swap3A_1543] {strides = array<i32>} : memref<32x128xf32, #tpu.memory_space<vmem>>, vector<1x16xf32>,
        %swap3A_1545 = vector.shape_cast %swap3A_1544 : vector<1x16xf32> to vector<16xf32>
        %swap3A_1546 = vector.shape_cast %mul3A_1541 : vector<16xf32> to vector<1x16xf32>
        tpu.vector_store %arg15[%swap3A_1542, %swap3A_1543], %swap3A_1546 {strides = array<i32>} : memref<32x128xf32, #tpu.memory_space<vmem>>, vector<1x16xf32>,
        %mul3A_1547 = arith.mulf %bitcast_convert_type3A_1540, %gather3A_1524 : vector<16xf32>
        %swap3A_1548 = arith.index_cast %add3A_1528 : i32 to index
        %swap3A_1549 = arith.constant 64 : index
        %swap3A_1550 = tpu.vector_load %arg15[%swap3A_1548, %swap3A_1549] {strides = array<i32>} : memref<32x128xf32, #tpu.memory_space<vmem>>, vector<1x16xf32>,
        %swap3A_1551 = vector.shape_cast %swap3A_1550 : vector<1x16xf32> to vector<16xf32>
        %swap3A_1552 = vector.shape_cast %mul3A_1547 : vector<16xf32> to vector<1x16xf32>
        tpu.vector_store %arg15[%swap3A_1548, %swap3A_1549], %swap3A_1552 {strides = array<i32>} : memref<32x128xf32, #tpu.memory_space<vmem>>, vector<1x16xf32>,
        %get3A_1553 = arith.index_cast %add3A_1528 : i32 to index
        %get3A_1554 = arith.constant 16 : index
        %get3A_1555 = tpu.vector_load %arg13[%get3A_1553, %get3A_1554] {strides = array<i32>} : memref<32x64xi32, #tpu.memory_space<vmem>>, vector<1x16xi32>,
        %get3A_1556 = vector.shape_cast %get3A_1555 : vector<1x16xi32> to vector<16xi32>
        %shift_left3A_1557 = arith.constant 16 : i32
        %shift_left3A_1558 = vector.broadcast %shift_left3A_1557 : i32 to vector<16xi32>
        %shift_left3A_1559 = arith.shli %get3A_1556, %shift_left3A_1558 : vector<16xi32>
        %bitcast_convert_type3A_1560 = tpu.bitcast %shift_left3A_1559 : vector<16xi32> -> vector<16xf32>
        %and3A_1561 = arith.constant -65536 : i32
        %and3A_1562 = vector.broadcast %and3A_1561 : i32 to vector<16xi32>
        %and3A_1563 = arith.andi %get3A_1556, %and3A_1562 : vector<16xi32>
        %bitcast_convert_type3A_1564 = tpu.bitcast %and3A_1563 : vector<16xi32> -> vector<16xf32>
        %mul3A_1565 = arith.mulf %bitcast_convert_type3A_1560, %gather3A_1524 : vector<16xf32>
        %swap3A_1566 = arith.index_cast %add3A_1528 : i32 to index
        %swap3A_1567 = arith.constant 16 : index
        %swap3A_1568 = tpu.vector_load %arg15[%swap3A_1566, %swap3A_1567] {strides = array<i32>} : memref<32x128xf32, #tpu.memory_space<vmem>>, vector<1x16xf32>,
        %swap3A_1569 = vector.shape_cast %swap3A_1568 : vector<1x16xf32> to vector<16xf32>
        %swap3A_1570 = vector.shape_cast %mul3A_1565 : vector<16xf32> to vector<1x16xf32>
        tpu.vector_store %arg15[%swap3A_1566, %swap3A_1567], %swap3A_1570 {strides = array<i32>} : memref<32x128xf32, #tpu.memory_space<vmem>>, vector<1x16xf32>,
        %mul3A_1571 = arith.mulf %bitcast_convert_type3A_1564, %gather3A_1524 : vector<16xf32>
        %swap3A_1572 = arith.index_cast %add3A_1528 : i32 to index
        %swap3A_1573 = arith.constant 80 : index
        %swap3A_1574 = tpu.vector_load %arg15[%swap3A_1572, %swap3A_1573] {strides = array<i32>} : memref<32x128xf32, #tpu.memory_space<vmem>>, vector<1x16xf32>,
        %swap3A_1575 = vector.shape_cast %swap3A_1574 : vector<1x16xf32> to vector<16xf32>
        %swap3A_1576 = vector.shape_cast %mul3A_1571 : vector<16xf32> to vector<1x16xf32>
        tpu.vector_store %arg15[%swap3A_1572, %swap3A_1573], %swap3A_1576 {strides = array<i32>} : memref<32x128xf32, #tpu.memory_space<vmem>>, vector<1x16xf32>,
        %get3A_1577 = arith.index_cast %add3A_1528 : i32 to index
        %get3A_1578 = arith.constant 32 : index
        %get3A_1579 = tpu.vector_load %arg13[%get3A_1577, %get3A_1578] {strides = array<i32>} : memref<32x64xi32, #tpu.memory_space<vmem>>, vector<1x16xi32>,
        %get3A_1580 = vector.shape_cast %get3A_1579 : vector<1x16xi32> to vector<16xi32>
        %shift_left3A_1581 = arith.constant 16 : i32
        %shift_left3A_1582 = vector.broadcast %shift_left3A_1581 : i32 to vector<16xi32>
        %shift_left3A_1583 = arith.shli %get3A_1580, %shift_left3A_1582 : vector<16xi32>
        %bitcast_convert_type3A_1584 = tpu.bitcast %shift_left3A_1583 : vector<16xi32> -> vector<16xf32>
        %and3A_1585 = arith.constant -65536 : i32
        %and3A_1586 = vector.broadcast %and3A_1585 : i32 to vector<16xi32>
        %and3A_1587 = arith.andi %get3A_1580, %and3A_1586 : vector<16xi32>
        %bitcast_convert_type3A_1588 = tpu.bitcast %and3A_1587 : vector<16xi32> -> vector<16xf32>
        %mul3A_1589 = arith.mulf %bitcast_convert_type3A_1584, %gather3A_1524 : vector<16xf32>
        %swap3A_1590 = arith.index_cast %add3A_1528 : i32 to index
        %swap3A_1591 = arith.constant 32 : index
        %swap3A_1592 = tpu.vector_load %arg15[%swap3A_1590, %swap3A_1591] {strides = array<i32>} : memref<32x128xf32, #tpu.memory_space<vmem>>, vector<1x16xf32>,
        %swap3A_1593 = vector.shape_cast %swap3A_1592 : vector<1x16xf32> to vector<16xf32>
        %swap3A_1594 = vector.shape_cast %mul3A_1589 : vector<16xf32> to vector<1x16xf32>
        tpu.vector_store %arg15[%swap3A_1590, %swap3A_1591], %swap3A_1594 {strides = array<i32>} : memref<32x128xf32, #tpu.memory_space<vmem>>, vector<1x16xf32>,
        %mul3A_1595 = arith.mulf %bitcast_convert_type3A_1588, %gather3A_1524 : vector<16xf32>
        %swap3A_1596 = arith.index_cast %add3A_1528 : i32 to index
        %swap3A_1597 = arith.constant 96 : index
        %swap3A_1598 = tpu.vector_load %arg15[%swap3A_1596, %swap3A_1597] {strides = array<i32>} : memref<32x128xf32, #tpu.memory_space<vmem>>, vector<1x16xf32>,
        %swap3A_1599 = vector.shape_cast %swap3A_1598 : vector<1x16xf32> to vector<16xf32>
        %swap3A_1600 = vector.shape_cast %mul3A_1595 : vector<16xf32> to vector<1x16xf32>
        tpu.vector_store %arg15[%swap3A_1596, %swap3A_1597], %swap3A_1600 {strides = array<i32>} : memref<32x128xf32, #tpu.memory_space<vmem>>, vector<1x16xf32>,
        %get3A_1601 = arith.index_cast %add3A_1528 : i32 to index
        %get3A_1602 = arith.constant 48 : index
        %get3A_1603 = tpu.vector_load %arg13[%get3A_1601, %get3A_1602] {strides = array<i32>} : memref<32x64xi32, #tpu.memory_space<vmem>>, vector<1x16xi32>,
        %get3A_1604 = vector.shape_cast %get3A_1603 : vector<1x16xi32> to vector<16xi32>
        %shift_left3A_1605 = arith.constant 16 : i32
        %shift_left3A_1606 = vector.broadcast %shift_left3A_1605 : i32 to vector<16xi32>
        %shift_left3A_1607 = arith.shli %get3A_1604, %shift_left3A_1606 : vector<16xi32>
        %bitcast_convert_type3A_1608 = tpu.bitcast %shift_left3A_1607 : vector<16xi32> -> vector<16xf32>
        %and3A_1609 = arith.constant -65536 : i32
        %and3A_1610 = vector.broadcast %and3A_1609 : i32 to vector<16xi32>
        %and3A_1611 = arith.andi %get3A_1604, %and3A_1610 : vector<16xi32>
        %bitcast_convert_type3A_1612 = tpu.bitcast %and3A_1611 : vector<16xi32> -> vector<16xf32>
        %mul3A_1613 = arith.mulf %bitcast_convert_type3A_1608, %gather3A_1524 : vector<16xf32>
        %swap3A_1614 = arith.index_cast %add3A_1528 : i32 to index
        %swap3A_1615 = arith.constant 48 : index
        %swap3A_1616 = tpu.vector_load %arg15[%swap3A_1614, %swap3A_1615] {strides = array<i32>} : memref<32x128xf32, #tpu.memory_space<vmem>>, vector<1x16xf32>,
        %swap3A_1617 = vector.shape_cast %swap3A_1616 : vector<1x16xf32> to vector<16xf32>
        %swap3A_1618 = vector.shape_cast %mul3A_1613 : vector<16xf32> to vector<1x16xf32>
        tpu.vector_store %arg15[%swap3A_1614, %swap3A_1615], %swap3A_1618 {strides = array<i32>} : memref<32x128xf32, #tpu.memory_space<vmem>>, vector<1x16xf32>,
        %mul3A_1619 = arith.mulf %bitcast_convert_type3A_1612, %gather3A_1524 : vector<16xf32>
        %swap3A_1620 = arith.index_cast %add3A_1528 : i32 to index
        %swap3A_1621 = arith.constant 112 : index
        %swap3A_1622 = tpu.vector_load %arg15[%swap3A_1620, %swap3A_1621] {strides = array<i32>} : memref<32x128xf32, #tpu.memory_space<vmem>>, vector<1x16xf32>,
        %swap3A_1623 = vector.shape_cast %swap3A_1622 : vector<1x16xf32> to vector<16xf32>
        %swap3A_1624 = vector.shape_cast %mul3A_1619 : vector<16xf32> to vector<1x16xf32>
        tpu.vector_store %arg15[%swap3A_1620, %swap3A_1621], %swap3A_1624 {strides = array<i32>} : memref<32x128xf32, #tpu.memory_space<vmem>>, vector<1x16xf32>,
        %broadcast_in_dim3A_1625 = arith.constant 13 : i32
        %broadcast_in_dim3A_1626 = vector.broadcast %broadcast_in_dim3A_1625 : i32 to vector<16xi32>
        %lt3A_1627 = arith.constant 0 : i32
        %lt3A_1628 = vector.broadcast %lt3A_1627 : i32 to vector<16xi32>
        %lt3A_1629 = arith.cmpi slt, %broadcast_in_dim3A_1626, %lt3A_1628 : vector<16xi32>
        %add3A_1630 = arith.constant 16 : i32
        %add3A_1631 = vector.broadcast %add3A_1630 : i32 to vector<16xi32>
        %add3A_1632 = arith.addi %broadcast_in_dim3A_1626, %add3A_1631 : vector<16xi32>
        %select_n3A_1633 = arith.select %lt3A_1629, %add3A_1632, %broadcast_in_dim3A_1626 : vector<16xi1>, vector<16xi32>
        %reshape3A_1634 = vector.shape_cast %select_n3A_1633 : vector<16xi32> to vector<16x1xi32>
        %gather3A_1635 = vector.shape_cast %reshape3A_1634 : vector<16x1xi32> to vector<16xi32>
        %gather3A_1636 = tpu.dynamic_gather %get3A_176[%gather3A_1635] in [0] : vector<16xf32>, vector<16xi32> -> vector<16xf32>
        %mul3A_1637 = arith.constant 16 : i32
        %mul3A_1638 = arith.muli %scan3A_171, %mul3A_1637 : i32
        %add3A_1639 = arith.constant 13 : i32
        %add3A_1640 = arith.addi %mul3A_1638, %add3A_1639 : i32
        %get3A_1641 = arith.index_cast %add3A_1640 : i32 to index
        %get3A_1642 = arith.constant 0 : index
        %get3A_1643 = tpu.vector_load %arg13[%get3A_1641, %get3A_1642] {strides = array<i32>} : memref<32x64xi32, #tpu.memory_space<vmem>>, vector<1x16xi32>,
        %get3A_1644 = vector.shape_cast %get3A_1643 : vector<1x16xi32> to vector<16xi32>
        %shift_left3A_1645 = arith.constant 16 : i32
        %shift_left3A_1646 = vector.broadcast %shift_left3A_1645 : i32 to vector<16xi32>
        %shift_left3A_1647 = arith.shli %get3A_1644, %shift_left3A_1646 : vector<16xi32>
        %bitcast_convert_type3A_1648 = tpu.bitcast %shift_left3A_1647 : vector<16xi32> -> vector<16xf32>
        %and3A_1649 = arith.constant -65536 : i32
        %and3A_1650 = vector.broadcast %and3A_1649 : i32 to vector<16xi32>
        %and3A_1651 = arith.andi %get3A_1644, %and3A_1650 : vector<16xi32>
        %bitcast_convert_type3A_1652 = tpu.bitcast %and3A_1651 : vector<16xi32> -> vector<16xf32>
        %mul3A_1653 = arith.mulf %bitcast_convert_type3A_1648, %gather3A_1636 : vector<16xf32>
        %swap3A_1654 = arith.index_cast %add3A_1640 : i32 to index
        %swap3A_1655 = arith.constant 0 : index
        %swap3A_1656 = tpu.vector_load %arg15[%swap3A_1654, %swap3A_1655] {strides = array<i32>} : memref<32x128xf32, #tpu.memory_space<vmem>>, vector<1x16xf32>,
        %swap3A_1657 = vector.shape_cast %swap3A_1656 : vector<1x16xf32> to vector<16xf32>
        %swap3A_1658 = vector.shape_cast %mul3A_1653 : vector<16xf32> to vector<1x16xf32>
        tpu.vector_store %arg15[%swap3A_1654, %swap3A_1655], %swap3A_1658 {strides = array<i32>} : memref<32x128xf32, #tpu.memory_space<vmem>>, vector<1x16xf32>,
        %mul3A_1659 = arith.mulf %bitcast_convert_type3A_1652, %gather3A_1636 : vector<16xf32>
        %swap3A_1660 = arith.index_cast %add3A_1640 : i32 to index
        %swap3A_1661 = arith.constant 64 : index
        %swap3A_1662 = tpu.vector_load %arg15[%swap3A_1660, %swap3A_1661] {strides = array<i32>} : memref<32x128xf32, #tpu.memory_space<vmem>>, vector<1x16xf32>,
        %swap3A_1663 = vector.shape_cast %swap3A_1662 : vector<1x16xf32> to vector<16xf32>
        %swap3A_1664 = vector.shape_cast %mul3A_1659 : vector<16xf32> to vector<1x16xf32>
        tpu.vector_store %arg15[%swap3A_1660, %swap3A_1661], %swap3A_1664 {strides = array<i32>} : memref<32x128xf32, #tpu.memory_space<vmem>>, vector<1x16xf32>,
        %get3A_1665 = arith.index_cast %add3A_1640 : i32 to index
        %get3A_1666 = arith.constant 16 : index
        %get3A_1667 = tpu.vector_load %arg13[%get3A_1665, %get3A_1666] {strides = array<i32>} : memref<32x64xi32, #tpu.memory_space<vmem>>, vector<1x16xi32>,
        %get3A_1668 = vector.shape_cast %get3A_1667 : vector<1x16xi32> to vector<16xi32>
        %shift_left3A_1669 = arith.constant 16 : i32
        %shift_left3A_1670 = vector.broadcast %shift_left3A_1669 : i32 to vector<16xi32>
        %shift_left3A_1671 = arith.shli %get3A_1668, %shift_left3A_1670 : vector<16xi32>
        %bitcast_convert_type3A_1672 = tpu.bitcast %shift_left3A_1671 : vector<16xi32> -> vector<16xf32>
        %and3A_1673 = arith.constant -65536 : i32
        %and3A_1674 = vector.broadcast %and3A_1673 : i32 to vector<16xi32>
        %and3A_1675 = arith.andi %get3A_1668, %and3A_1674 : vector<16xi32>
        %bitcast_convert_type3A_1676 = tpu.bitcast %and3A_1675 : vector<16xi32> -> vector<16xf32>
        %mul3A_1677 = arith.mulf %bitcast_convert_type3A_1672, %gather3A_1636 : vector<16xf32>
        %swap3A_1678 = arith.index_cast %add3A_1640 : i32 to index
        %swap3A_1679 = arith.constant 16 : index
        %swap3A_1680 = tpu.vector_load %arg15[%swap3A_1678, %swap3A_1679] {strides = array<i32>} : memref<32x128xf32, #tpu.memory_space<vmem>>, vector<1x16xf32>,
        %swap3A_1681 = vector.shape_cast %swap3A_1680 : vector<1x16xf32> to vector<16xf32>
        %swap3A_1682 = vector.shape_cast %mul3A_1677 : vector<16xf32> to vector<1x16xf32>
        tpu.vector_store %arg15[%swap3A_1678, %swap3A_1679], %swap3A_1682 {strides = array<i32>} : memref<32x128xf32, #tpu.memory_space<vmem>>, vector<1x16xf32>,
        %mul3A_1683 = arith.mulf %bitcast_convert_type3A_1676, %gather3A_1636 : vector<16xf32>
        %swap3A_1684 = arith.index_cast %add3A_1640 : i32 to index
        %swap3A_1685 = arith.constant 80 : index
        %swap3A_1686 = tpu.vector_load %arg15[%swap3A_1684, %swap3A_1685] {strides = array<i32>} : memref<32x128xf32, #tpu.memory_space<vmem>>, vector<1x16xf32>,
        %swap3A_1687 = vector.shape_cast %swap3A_1686 : vector<1x16xf32> to vector<16xf32>
        %swap3A_1688 = vector.shape_cast %mul3A_1683 : vector<16xf32> to vector<1x16xf32>
        tpu.vector_store %arg15[%swap3A_1684, %swap3A_1685], %swap3A_1688 {strides = array<i32>} : memref<32x128xf32, #tpu.memory_space<vmem>>, vector<1x16xf32>,
        %get3A_1689 = arith.index_cast %add3A_1640 : i32 to index
        %get3A_1690 = arith.constant 32 : index
        %get3A_1691 = tpu.vector_load %arg13[%get3A_1689, %get3A_1690] {strides = array<i32>} : memref<32x64xi32, #tpu.memory_space<vmem>>, vector<1x16xi32>,
        %get3A_1692 = vector.shape_cast %get3A_1691 : vector<1x16xi32> to vector<16xi32>
        %shift_left3A_1693 = arith.constant 16 : i32
        %shift_left3A_1694 = vector.broadcast %shift_left3A_1693 : i32 to vector<16xi32>
        %shift_left3A_1695 = arith.shli %get3A_1692, %shift_left3A_1694 : vector<16xi32>
        %bitcast_convert_type3A_1696 = tpu.bitcast %shift_left3A_1695 : vector<16xi32> -> vector<16xf32>
        %and3A_1697 = arith.constant -65536 : i32
        %and3A_1698 = vector.broadcast %and3A_1697 : i32 to vector<16xi32>
        %and3A_1699 = arith.andi %get3A_1692, %and3A_1698 : vector<16xi32>
        %bitcast_convert_type3A_1700 = tpu.bitcast %and3A_1699 : vector<16xi32> -> vector<16xf32>
        %mul3A_1701 = arith.mulf %bitcast_convert_type3A_1696, %gather3A_1636 : vector<16xf32>
        %swap3A_1702 = arith.index_cast %add3A_1640 : i32 to index
        %swap3A_1703 = arith.constant 32 : index
        %swap3A_1704 = tpu.vector_load %arg15[%swap3A_1702, %swap3A_1703] {strides = array<i32>} : memref<32x128xf32, #tpu.memory_space<vmem>>, vector<1x16xf32>,
        %swap3A_1705 = vector.shape_cast %swap3A_1704 : vector<1x16xf32> to vector<16xf32>
        %swap3A_1706 = vector.shape_cast %mul3A_1701 : vector<16xf32> to vector<1x16xf32>
        tpu.vector_store %arg15[%swap3A_1702, %swap3A_1703], %swap3A_1706 {strides = array<i32>} : memref<32x128xf32, #tpu.memory_space<vmem>>, vector<1x16xf32>,
        %mul3A_1707 = arith.mulf %bitcast_convert_type3A_1700, %gather3A_1636 : vector<16xf32>
        %swap3A_1708 = arith.index_cast %add3A_1640 : i32 to index
        %swap3A_1709 = arith.constant 96 : index
        %swap3A_1710 = tpu.vector_load %arg15[%swap3A_1708, %swap3A_1709] {strides = array<i32>} : memref<32x128xf32, #tpu.memory_space<vmem>>, vector<1x16xf32>,
        %swap3A_1711 = vector.shape_cast %swap3A_1710 : vector<1x16xf32> to vector<16xf32>
        %swap3A_1712 = vector.shape_cast %mul3A_1707 : vector<16xf32> to vector<1x16xf32>
        tpu.vector_store %arg15[%swap3A_1708, %swap3A_1709], %swap3A_1712 {strides = array<i32>} : memref<32x128xf32, #tpu.memory_space<vmem>>, vector<1x16xf32>,
        %get3A_1713 = arith.index_cast %add3A_1640 : i32 to index
        %get3A_1714 = arith.constant 48 : index
        %get3A_1715 = tpu.vector_load %arg13[%get3A_1713, %get3A_1714] {strides = array<i32>} : memref<32x64xi32, #tpu.memory_space<vmem>>, vector<1x16xi32>,
        %get3A_1716 = vector.shape_cast %get3A_1715 : vector<1x16xi32> to vector<16xi32>
        %shift_left3A_1717 = arith.constant 16 : i32
        %shift_left3A_1718 = vector.broadcast %shift_left3A_1717 : i32 to vector<16xi32>
        %shift_left3A_1719 = arith.shli %get3A_1716, %shift_left3A_1718 : vector<16xi32>
        %bitcast_convert_type3A_1720 = tpu.bitcast %shift_left3A_1719 : vector<16xi32> -> vector<16xf32>
        %and3A_1721 = arith.constant -65536 : i32
        %and3A_1722 = vector.broadcast %and3A_1721 : i32 to vector<16xi32>
        %and3A_1723 = arith.andi %get3A_1716, %and3A_1722 : vector<16xi32>
        %bitcast_convert_type3A_1724 = tpu.bitcast %and3A_1723 : vector<16xi32> -> vector<16xf32>
        %mul3A_1725 = arith.mulf %bitcast_convert_type3A_1720, %gather3A_1636 : vector<16xf32>
        %swap3A_1726 = arith.index_cast %add3A_1640 : i32 to index
        %swap3A_1727 = arith.constant 48 : index
        %swap3A_1728 = tpu.vector_load %arg15[%swap3A_1726, %swap3A_1727] {strides = array<i32>} : memref<32x128xf32, #tpu.memory_space<vmem>>, vector<1x16xf32>,
        %swap3A_1729 = vector.shape_cast %swap3A_1728 : vector<1x16xf32> to vector<16xf32>
        %swap3A_1730 = vector.shape_cast %mul3A_1725 : vector<16xf32> to vector<1x16xf32>
        tpu.vector_store %arg15[%swap3A_1726, %swap3A_1727], %swap3A_1730 {strides = array<i32>} : memref<32x128xf32, #tpu.memory_space<vmem>>, vector<1x16xf32>,
        %mul3A_1731 = arith.mulf %bitcast_convert_type3A_1724, %gather3A_1636 : vector<16xf32>
        %swap3A_1732 = arith.index_cast %add3A_1640 : i32 to index
        %swap3A_1733 = arith.constant 112 : index
        %swap3A_1734 = tpu.vector_load %arg15[%swap3A_1732, %swap3A_1733] {strides = array<i32>} : memref<32x128xf32, #tpu.memory_space<vmem>>, vector<1x16xf32>,
        %swap3A_1735 = vector.shape_cast %swap3A_1734 : vector<1x16xf32> to vector<16xf32>
        %swap3A_1736 = vector.shape_cast %mul3A_1731 : vector<16xf32> to vector<1x16xf32>
        tpu.vector_store %arg15[%swap3A_1732, %swap3A_1733], %swap3A_1736 {strides = array<i32>} : memref<32x128xf32, #tpu.memory_space<vmem>>, vector<1x16xf32>,
        %broadcast_in_dim3A_1737 = arith.constant 14 : i32
        %broadcast_in_dim3A_1738 = vector.broadcast %broadcast_in_dim3A_1737 : i32 to vector<16xi32>
        %lt3A_1739 = arith.constant 0 : i32
        %lt3A_1740 = vector.broadcast %lt3A_1739 : i32 to vector<16xi32>
        %lt3A_1741 = arith.cmpi slt, %broadcast_in_dim3A_1738, %lt3A_1740 : vector<16xi32>
        %add3A_1742 = arith.constant 16 : i32
        %add3A_1743 = vector.broadcast %add3A_1742 : i32 to vector<16xi32>
        %add3A_1744 = arith.addi %broadcast_in_dim3A_1738, %add3A_1743 : vector<16xi32>
        %select_n3A_1745 = arith.select %lt3A_1741, %add3A_1744, %broadcast_in_dim3A_1738 : vector<16xi1>, vector<16xi32>
        %reshape3A_1746 = vector.shape_cast %select_n3A_1745 : vector<16xi32> to vector<16x1xi32>
        %gather3A_1747 = vector.shape_cast %reshape3A_1746 : vector<16x1xi32> to vector<16xi32>
        %gather3A_1748 = tpu.dynamic_gather %get3A_176[%gather3A_1747] in [0] : vector<16xf32>, vector<16xi32> -> vector<16xf32>
        %mul3A_1749 = arith.constant 16 : i32
        %mul3A_1750 = arith.muli %scan3A_171, %mul3A_1749 : i32
        %add3A_1751 = arith.constant 14 : i32
        %add3A_1752 = arith.addi %mul3A_1750, %add3A_1751 : i32
        %get3A_1753 = arith.index_cast %add3A_1752 : i32 to index
        %get3A_1754 = arith.constant 0 : index
        %get3A_1755 = tpu.vector_load %arg13[%get3A_1753, %get3A_1754] {strides = array<i32>} : memref<32x64xi32, #tpu.memory_space<vmem>>, vector<1x16xi32>,
        %get3A_1756 = vector.shape_cast %get3A_1755 : vector<1x16xi32> to vector<16xi32>
        %shift_left3A_1757 = arith.constant 16 : i32
        %shift_left3A_1758 = vector.broadcast %shift_left3A_1757 : i32 to vector<16xi32>
        %shift_left3A_1759 = arith.shli %get3A_1756, %shift_left3A_1758 : vector<16xi32>
        %bitcast_convert_type3A_1760 = tpu.bitcast %shift_left3A_1759 : vector<16xi32> -> vector<16xf32>
        %and3A_1761 = arith.constant -65536 : i32
        %and3A_1762 = vector.broadcast %and3A_1761 : i32 to vector<16xi32>
        %and3A_1763 = arith.andi %get3A_1756, %and3A_1762 : vector<16xi32>
        %bitcast_convert_type3A_1764 = tpu.bitcast %and3A_1763 : vector<16xi32> -> vector<16xf32>
        %mul3A_1765 = arith.mulf %bitcast_convert_type3A_1760, %gather3A_1748 : vector<16xf32>
        %swap3A_1766 = arith.index_cast %add3A_1752 : i32 to index
        %swap3A_1767 = arith.constant 0 : index
        %swap3A_1768 = tpu.vector_load %arg15[%swap3A_1766, %swap3A_1767] {strides = array<i32>} : memref<32x128xf32, #tpu.memory_space<vmem>>, vector<1x16xf32>,
        %swap3A_1769 = vector.shape_cast %swap3A_1768 : vector<1x16xf32> to vector<16xf32>
        %swap3A_1770 = vector.shape_cast %mul3A_1765 : vector<16xf32> to vector<1x16xf32>
        tpu.vector_store %arg15[%swap3A_1766, %swap3A_1767], %swap3A_1770 {strides = array<i32>} : memref<32x128xf32, #tpu.memory_space<vmem>>, vector<1x16xf32>,
        %mul3A_1771 = arith.mulf %bitcast_convert_type3A_1764, %gather3A_1748 : vector<16xf32>
        %swap3A_1772 = arith.index_cast %add3A_1752 : i32 to index
        %swap3A_1773 = arith.constant 64 : index
        %swap3A_1774 = tpu.vector_load %arg15[%swap3A_1772, %swap3A_1773] {strides = array<i32>} : memref<32x128xf32, #tpu.memory_space<vmem>>, vector<1x16xf32>,
        %swap3A_1775 = vector.shape_cast %swap3A_1774 : vector<1x16xf32> to vector<16xf32>
        %swap3A_1776 = vector.shape_cast %mul3A_1771 : vector<16xf32> to vector<1x16xf32>
        tpu.vector_store %arg15[%swap3A_1772, %swap3A_1773], %swap3A_1776 {strides = array<i32>} : memref<32x128xf32, #tpu.memory_space<vmem>>, vector<1x16xf32>,
        %get3A_1777 = arith.index_cast %add3A_1752 : i32 to index
        %get3A_1778 = arith.constant 16 : index
        %get3A_1779 = tpu.vector_load %arg13[%get3A_1777, %get3A_1778] {strides = array<i32>} : memref<32x64xi32, #tpu.memory_space<vmem>>, vector<1x16xi32>,
        %get3A_1780 = vector.shape_cast %get3A_1779 : vector<1x16xi32> to vector<16xi32>
        %shift_left3A_1781 = arith.constant 16 : i32
        %shift_left3A_1782 = vector.broadcast %shift_left3A_1781 : i32 to vector<16xi32>
        %shift_left3A_1783 = arith.shli %get3A_1780, %shift_left3A_1782 : vector<16xi32>
        %bitcast_convert_type3A_1784 = tpu.bitcast %shift_left3A_1783 : vector<16xi32> -> vector<16xf32>
        %and3A_1785 = arith.constant -65536 : i32
        %and3A_1786 = vector.broadcast %and3A_1785 : i32 to vector<16xi32>
        %and3A_1787 = arith.andi %get3A_1780, %and3A_1786 : vector<16xi32>
        %bitcast_convert_type3A_1788 = tpu.bitcast %and3A_1787 : vector<16xi32> -> vector<16xf32>
        %mul3A_1789 = arith.mulf %bitcast_convert_type3A_1784, %gather3A_1748 : vector<16xf32>
        %swap3A_1790 = arith.index_cast %add3A_1752 : i32 to index
        %swap3A_1791 = arith.constant 16 : index
        %swap3A_1792 = tpu.vector_load %arg15[%swap3A_1790, %swap3A_1791] {strides = array<i32>} : memref<32x128xf32, #tpu.memory_space<vmem>>, vector<1x16xf32>,
        %swap3A_1793 = vector.shape_cast %swap3A_1792 : vector<1x16xf32> to vector<16xf32>
        %swap3A_1794 = vector.shape_cast %mul3A_1789 : vector<16xf32> to vector<1x16xf32>
        tpu.vector_store %arg15[%swap3A_1790, %swap3A_1791], %swap3A_1794 {strides = array<i32>} : memref<32x128xf32, #tpu.memory_space<vmem>>, vector<1x16xf32>,
        %mul3A_1795 = arith.mulf %bitcast_convert_type3A_1788, %gather3A_1748 : vector<16xf32>
        %swap3A_1796 = arith.index_cast %add3A_1752 : i32 to index
        %swap3A_1797 = arith.constant 80 : index
        %swap3A_1798 = tpu.vector_load %arg15[%swap3A_1796, %swap3A_1797] {strides = array<i32>} : memref<32x128xf32, #tpu.memory_space<vmem>>, vector<1x16xf32>,
        %swap3A_1799 = vector.shape_cast %swap3A_1798 : vector<1x16xf32> to vector<16xf32>
        %swap3A_1800 = vector.shape_cast %mul3A_1795 : vector<16xf32> to vector<1x16xf32>
        tpu.vector_store %arg15[%swap3A_1796, %swap3A_1797], %swap3A_1800 {strides = array<i32>} : memref<32x128xf32, #tpu.memory_space<vmem>>, vector<1x16xf32>,
        %get3A_1801 = arith.index_cast %add3A_1752 : i32 to index
        %get3A_1802 = arith.constant 32 : index
        %get3A_1803 = tpu.vector_load %arg13[%get3A_1801, %get3A_1802] {strides = array<i32>} : memref<32x64xi32, #tpu.memory_space<vmem>>, vector<1x16xi32>,
        %get3A_1804 = vector.shape_cast %get3A_1803 : vector<1x16xi32> to vector<16xi32>
        %shift_left3A_1805 = arith.constant 16 : i32
        %shift_left3A_1806 = vector.broadcast %shift_left3A_1805 : i32 to vector<16xi32>
        %shift_left3A_1807 = arith.shli %get3A_1804, %shift_left3A_1806 : vector<16xi32>
        %bitcast_convert_type3A_1808 = tpu.bitcast %shift_left3A_1807 : vector<16xi32> -> vector<16xf32>
        %and3A_1809 = arith.constant -65536 : i32
        %and3A_1810 = vector.broadcast %and3A_1809 : i32 to vector<16xi32>
        %and3A_1811 = arith.andi %get3A_1804, %and3A_1810 : vector<16xi32>
        %bitcast_convert_type3A_1812 = tpu.bitcast %and3A_1811 : vector<16xi32> -> vector<16xf32>
        %mul3A_1813 = arith.mulf %bitcast_convert_type3A_1808, %gather3A_1748 : vector<16xf32>
        %swap3A_1814 = arith.index_cast %add3A_1752 : i32 to index
        %swap3A_1815 = arith.constant 32 : index
        %swap3A_1816 = tpu.vector_load %arg15[%swap3A_1814, %swap3A_1815] {strides = array<i32>} : memref<32x128xf32, #tpu.memory_space<vmem>>, vector<1x16xf32>,
        %swap3A_1817 = vector.shape_cast %swap3A_1816 : vector<1x16xf32> to vector<16xf32>
        %swap3A_1818 = vector.shape_cast %mul3A_1813 : vector<16xf32> to vector<1x16xf32>
        tpu.vector_store %arg15[%swap3A_1814, %swap3A_1815], %swap3A_1818 {strides = array<i32>} : memref<32x128xf32, #tpu.memory_space<vmem>>, vector<1x16xf32>,
        %mul3A_1819 = arith.mulf %bitcast_convert_type3A_1812, %gather3A_1748 : vector<16xf32>
        %swap3A_1820 = arith.index_cast %add3A_1752 : i32 to index
        %swap3A_1821 = arith.constant 96 : index
        %swap3A_1822 = tpu.vector_load %arg15[%swap3A_1820, %swap3A_1821] {strides = array<i32>} : memref<32x128xf32, #tpu.memory_space<vmem>>, vector<1x16xf32>,
        %swap3A_1823 = vector.shape_cast %swap3A_1822 : vector<1x16xf32> to vector<16xf32>
        %swap3A_1824 = vector.shape_cast %mul3A_1819 : vector<16xf32> to vector<1x16xf32>
        tpu.vector_store %arg15[%swap3A_1820, %swap3A_1821], %swap3A_1824 {strides = array<i32>} : memref<32x128xf32, #tpu.memory_space<vmem>>, vector<1x16xf32>,
        %get3A_1825 = arith.index_cast %add3A_1752 : i32 to index
        %get3A_1826 = arith.constant 48 : index
        %get3A_1827 = tpu.vector_load %arg13[%get3A_1825, %get3A_1826] {strides = array<i32>} : memref<32x64xi32, #tpu.memory_space<vmem>>, vector<1x16xi32>,
        %get3A_1828 = vector.shape_cast %get3A_1827 : vector<1x16xi32> to vector<16xi32>
        %shift_left3A_1829 = arith.constant 16 : i32
        %shift_left3A_1830 = vector.broadcast %shift_left3A_1829 : i32 to vector<16xi32>
        %shift_left3A_1831 = arith.shli %get3A_1828, %shift_left3A_1830 : vector<16xi32>
        %bitcast_convert_type3A_1832 = tpu.bitcast %shift_left3A_1831 : vector<16xi32> -> vector<16xf32>
        %and3A_1833 = arith.constant -65536 : i32
        %and3A_1834 = vector.broadcast %and3A_1833 : i32 to vector<16xi32>
        %and3A_1835 = arith.andi %get3A_1828, %and3A_1834 : vector<16xi32>
        %bitcast_convert_type3A_1836 = tpu.bitcast %and3A_1835 : vector<16xi32> -> vector<16xf32>
        %mul3A_1837 = arith.mulf %bitcast_convert_type3A_1832, %gather3A_1748 : vector<16xf32>
        %swap3A_1838 = arith.index_cast %add3A_1752 : i32 to index
        %swap3A_1839 = arith.constant 48 : index
        %swap3A_1840 = tpu.vector_load %arg15[%swap3A_1838, %swap3A_1839] {strides = array<i32>} : memref<32x128xf32, #tpu.memory_space<vmem>>, vector<1x16xf32>,
        %swap3A_1841 = vector.shape_cast %swap3A_1840 : vector<1x16xf32> to vector<16xf32>
        %swap3A_1842 = vector.shape_cast %mul3A_1837 : vector<16xf32> to vector<1x16xf32>
        tpu.vector_store %arg15[%swap3A_1838, %swap3A_1839], %swap3A_1842 {strides = array<i32>} : memref<32x128xf32, #tpu.memory_space<vmem>>, vector<1x16xf32>,
        %mul3A_1843 = arith.mulf %bitcast_convert_type3A_1836, %gather3A_1748 : vector<16xf32>
        %swap3A_1844 = arith.index_cast %add3A_1752 : i32 to index
        %swap3A_1845 = arith.constant 112 : index
        %swap3A_1846 = tpu.vector_load %arg15[%swap3A_1844, %swap3A_1845] {strides = array<i32>} : memref<32x128xf32, #tpu.memory_space<vmem>>, vector<1x16xf32>,
        %swap3A_1847 = vector.shape_cast %swap3A_1846 : vector<1x16xf32> to vector<16xf32>
        %swap3A_1848 = vector.shape_cast %mul3A_1843 : vector<16xf32> to vector<1x16xf32>
        tpu.vector_store %arg15[%swap3A_1844, %swap3A_1845], %swap3A_1848 {strides = array<i32>} : memref<32x128xf32, #tpu.memory_space<vmem>>, vector<1x16xf32>,
        %broadcast_in_dim3A_1849 = arith.constant 15 : i32
        %broadcast_in_dim3A_1850 = vector.broadcast %broadcast_in_dim3A_1849 : i32 to vector<16xi32>
        %lt3A_1851 = arith.constant 0 : i32
        %lt3A_1852 = vector.broadcast %lt3A_1851 : i32 to vector<16xi32>
        %lt3A_1853 = arith.cmpi slt, %broadcast_in_dim3A_1850, %lt3A_1852 : vector<16xi32>
        %add3A_1854 = arith.constant 16 : i32
        %add3A_1855 = vector.broadcast %add3A_1854 : i32 to vector<16xi32>
        %add3A_1856 = arith.addi %broadcast_in_dim3A_1850, %add3A_1855 : vector<16xi32>
        %select_n3A_1857 = arith.select %lt3A_1853, %add3A_1856, %broadcast_in_dim3A_1850 : vector<16xi1>, vector<16xi32>
        %reshape3A_1858 = vector.shape_cast %select_n3A_1857 : vector<16xi32> to vector<16x1xi32>
        %gather3A_1859 = vector.shape_cast %reshape3A_1858 : vector<16x1xi32> to vector<16xi32>
        %gather3A_1860 = tpu.dynamic_gather %get3A_176[%gather3A_1859] in [0] : vector<16xf32>, vector<16xi32> -> vector<16xf32>
        %mul3A_1861 = arith.constant 16 : i32
        %mul3A_1862 = arith.muli %scan3A_171, %mul3A_1861 : i32
        %add3A_1863 = arith.constant 15 : i32
        %add3A_1864 = arith.addi %mul3A_1862, %add3A_1863 : i32
        %get3A_1865 = arith.index_cast %add3A_1864 : i32 to index
        %get3A_1866 = arith.constant 0 : index
        %get3A_1867 = tpu.vector_load %arg13[%get3A_1865, %get3A_1866] {strides = array<i32>} : memref<32x64xi32, #tpu.memory_space<vmem>>, vector<1x16xi32>,
        %get3A_1868 = vector.shape_cast %get3A_1867 : vector<1x16xi32> to vector<16xi32>
        %shift_left3A_1869 = arith.constant 16 : i32
        %shift_left3A_1870 = vector.broadcast %shift_left3A_1869 : i32 to vector<16xi32>
        %shift_left3A_1871 = arith.shli %get3A_1868, %shift_left3A_1870 : vector<16xi32>
        %bitcast_convert_type3A_1872 = tpu.bitcast %shift_left3A_1871 : vector<16xi32> -> vector<16xf32>
        %and3A_1873 = arith.constant -65536 : i32
        %and3A_1874 = vector.broadcast %and3A_1873 : i32 to vector<16xi32>
        %and3A_1875 = arith.andi %get3A_1868, %and3A_1874 : vector<16xi32>
        %bitcast_convert_type3A_1876 = tpu.bitcast %and3A_1875 : vector<16xi32> -> vector<16xf32>
        %mul3A_1877 = arith.mulf %bitcast_convert_type3A_1872, %gather3A_1860 : vector<16xf32>
        %swap3A_1878 = arith.index_cast %add3A_1864 : i32 to index
        %swap3A_1879 = arith.constant 0 : index
        %swap3A_1880 = tpu.vector_load %arg15[%swap3A_1878, %swap3A_1879] {strides = array<i32>} : memref<32x128xf32, #tpu.memory_space<vmem>>, vector<1x16xf32>,
        %swap3A_1881 = vector.shape_cast %swap3A_1880 : vector<1x16xf32> to vector<16xf32>
        %swap3A_1882 = vector.shape_cast %mul3A_1877 : vector<16xf32> to vector<1x16xf32>
        tpu.vector_store %arg15[%swap3A_1878, %swap3A_1879], %swap3A_1882 {strides = array<i32>} : memref<32x128xf32, #tpu.memory_space<vmem>>, vector<1x16xf32>,
        %mul3A_1883 = arith.mulf %bitcast_convert_type3A_1876, %gather3A_1860 : vector<16xf32>
        %swap3A_1884 = arith.index_cast %add3A_1864 : i32 to index
        %swap3A_1885 = arith.constant 64 : index
        %swap3A_1886 = tpu.vector_load %arg15[%swap3A_1884, %swap3A_1885] {strides = array<i32>} : memref<32x128xf32, #tpu.memory_space<vmem>>, vector<1x16xf32>,
        %swap3A_1887 = vector.shape_cast %swap3A_1886 : vector<1x16xf32> to vector<16xf32>
        %swap3A_1888 = vector.shape_cast %mul3A_1883 : vector<16xf32> to vector<1x16xf32>
        tpu.vector_store %arg15[%swap3A_1884, %swap3A_1885], %swap3A_1888 {strides = array<i32>} : memref<32x128xf32, #tpu.memory_space<vmem>>, vector<1x16xf32>,
        %get3A_1889 = arith.index_cast %add3A_1864 : i32 to index
        %get3A_1890 = arith.constant 16 : index
        %get3A_1891 = tpu.vector_load %arg13[%get3A_1889, %get3A_1890] {strides = array<i32>} : memref<32x64xi32, #tpu.memory_space<vmem>>, vector<1x16xi32>,
        %get3A_1892 = vector.shape_cast %get3A_1891 : vector<1x16xi32> to vector<16xi32>
        %shift_left3A_1893 = arith.constant 16 : i32
        %shift_left3A_1894 = vector.broadcast %shift_left3A_1893 : i32 to vector<16xi32>
        %shift_left3A_1895 = arith.shli %get3A_1892, %shift_left3A_1894 : vector<16xi32>
        %bitcast_convert_type3A_1896 = tpu.bitcast %shift_left3A_1895 : vector<16xi32> -> vector<16xf32>
        %and3A_1897 = arith.constant -65536 : i32
        %and3A_1898 = vector.broadcast %and3A_1897 : i32 to vector<16xi32>
        %and3A_1899 = arith.andi %get3A_1892, %and3A_1898 : vector<16xi32>
        %bitcast_convert_type3A_1900 = tpu.bitcast %and3A_1899 : vector<16xi32> -> vector<16xf32>
        %mul3A_1901 = arith.mulf %bitcast_convert_type3A_1896, %gather3A_1860 : vector<16xf32>
        %swap3A_1902 = arith.index_cast %add3A_1864 : i32 to index
        %swap3A_1903 = arith.constant 16 : index
        %swap3A_1904 = tpu.vector_load %arg15[%swap3A_1902, %swap3A_1903] {strides = array<i32>} : memref<32x128xf32, #tpu.memory_space<vmem>>, vector<1x16xf32>,
        %swap3A_1905 = vector.shape_cast %swap3A_1904 : vector<1x16xf32> to vector<16xf32>
        %swap3A_1906 = vector.shape_cast %mul3A_1901 : vector<16xf32> to vector<1x16xf32>
        tpu.vector_store %arg15[%swap3A_1902, %swap3A_1903], %swap3A_1906 {strides = array<i32>} : memref<32x128xf32, #tpu.memory_space<vmem>>, vector<1x16xf32>,
        %mul3A_1907 = arith.mulf %bitcast_convert_type3A_1900, %gather3A_1860 : vector<16xf32>
        %swap3A_1908 = arith.index_cast %add3A_1864 : i32 to index
        %swap3A_1909 = arith.constant 80 : index
        %swap3A_1910 = tpu.vector_load %arg15[%swap3A_1908, %swap3A_1909] {strides = array<i32>} : memref<32x128xf32, #tpu.memory_space<vmem>>, vector<1x16xf32>,
        %swap3A_1911 = vector.shape_cast %swap3A_1910 : vector<1x16xf32> to vector<16xf32>
        %swap3A_1912 = vector.shape_cast %mul3A_1907 : vector<16xf32> to vector<1x16xf32>
        tpu.vector_store %arg15[%swap3A_1908, %swap3A_1909], %swap3A_1912 {strides = array<i32>} : memref<32x128xf32, #tpu.memory_space<vmem>>, vector<1x16xf32>,
        %get3A_1913 = arith.index_cast %add3A_1864 : i32 to index
        %get3A_1914 = arith.constant 32 : index
        %get3A_1915 = tpu.vector_load %arg13[%get3A_1913, %get3A_1914] {strides = array<i32>} : memref<32x64xi32, #tpu.memory_space<vmem>>, vector<1x16xi32>,
        %get3A_1916 = vector.shape_cast %get3A_1915 : vector<1x16xi32> to vector<16xi32>
        %shift_left3A_1917 = arith.constant 16 : i32
        %shift_left3A_1918 = vector.broadcast %shift_left3A_1917 : i32 to vector<16xi32>
        %shift_left3A_1919 = arith.shli %get3A_1916, %shift_left3A_1918 : vector<16xi32>
        %bitcast_convert_type3A_1920 = tpu.bitcast %shift_left3A_1919 : vector<16xi32> -> vector<16xf32>
        %and3A_1921 = arith.constant -65536 : i32
        %and3A_1922 = vector.broadcast %and3A_1921 : i32 to vector<16xi32>
        %and3A_1923 = arith.andi %get3A_1916, %and3A_1922 : vector<16xi32>
        %bitcast_convert_type3A_1924 = tpu.bitcast %and3A_1923 : vector<16xi32> -> vector<16xf32>
        %mul3A_1925 = arith.mulf %bitcast_convert_type3A_1920, %gather3A_1860 : vector<16xf32>
        %swap3A_1926 = arith.index_cast %add3A_1864 : i32 to index
        %swap3A_1927 = arith.constant 32 : index
        %swap3A_1928 = tpu.vector_load %arg15[%swap3A_1926, %swap3A_1927] {strides = array<i32>} : memref<32x128xf32, #tpu.memory_space<vmem>>, vector<1x16xf32>,
        %swap3A_1929 = vector.shape_cast %swap3A_1928 : vector<1x16xf32> to vector<16xf32>
        %swap3A_1930 = vector.shape_cast %mul3A_1925 : vector<16xf32> to vector<1x16xf32>
        tpu.vector_store %arg15[%swap3A_1926, %swap3A_1927], %swap3A_1930 {strides = array<i32>} : memref<32x128xf32, #tpu.memory_space<vmem>>, vector<1x16xf32>,
        %mul3A_1931 = arith.mulf %bitcast_convert_type3A_1924, %gather3A_1860 : vector<16xf32>
        %swap3A_1932 = arith.index_cast %add3A_1864 : i32 to index
        %swap3A_1933 = arith.constant 96 : index
        %swap3A_1934 = tpu.vector_load %arg15[%swap3A_1932, %swap3A_1933] {strides = array<i32>} : memref<32x128xf32, #tpu.memory_space<vmem>>, vector<1x16xf32>,
        %swap3A_1935 = vector.shape_cast %swap3A_1934 : vector<1x16xf32> to vector<16xf32>
        %swap3A_1936 = vector.shape_cast %mul3A_1931 : vector<16xf32> to vector<1x16xf32>
        tpu.vector_store %arg15[%swap3A_1932, %swap3A_1933], %swap3A_1936 {strides = array<i32>} : memref<32x128xf32, #tpu.memory_space<vmem>>, vector<1x16xf32>,
        %get3A_1937 = arith.index_cast %add3A_1864 : i32 to index
        %get3A_1938 = arith.constant 48 : index
        %get3A_1939 = tpu.vector_load %arg13[%get3A_1937, %get3A_1938] {strides = array<i32>} : memref<32x64xi32, #tpu.memory_space<vmem>>, vector<1x16xi32>,
        %get3A_1940 = vector.shape_cast %get3A_1939 : vector<1x16xi32> to vector<16xi32>
        %shift_left3A_1941 = arith.constant 16 : i32
        %shift_left3A_1942 = vector.broadcast %shift_left3A_1941 : i32 to vector<16xi32>
        %shift_left3A_1943 = arith.shli %get3A_1940, %shift_left3A_1942 : vector<16xi32>
        %bitcast_convert_type3A_1944 = tpu.bitcast %shift_left3A_1943 : vector<16xi32> -> vector<16xf32>
        %and3A_1945 = arith.constant -65536 : i32
        %and3A_1946 = vector.broadcast %and3A_1945 : i32 to vector<16xi32>
        %and3A_1947 = arith.andi %get3A_1940, %and3A_1946 : vector<16xi32>
        %bitcast_convert_type3A_1948 = tpu.bitcast %and3A_1947 : vector<16xi32> -> vector<16xf32>
        %mul3A_1949 = arith.mulf %bitcast_convert_type3A_1944, %gather3A_1860 : vector<16xf32>
        %swap3A_1950 = arith.index_cast %add3A_1864 : i32 to index
        %swap3A_1951 = arith.constant 48 : index
        %swap3A_1952 = tpu.vector_load %arg15[%swap3A_1950, %swap3A_1951] {strides = array<i32>} : memref<32x128xf32, #tpu.memory_space<vmem>>, vector<1x16xf32>,
        %swap3A_1953 = vector.shape_cast %swap3A_1952 : vector<1x16xf32> to vector<16xf32>
        %swap3A_1954 = vector.shape_cast %mul3A_1949 : vector<16xf32> to vector<1x16xf32>
        tpu.vector_store %arg15[%swap3A_1950, %swap3A_1951], %swap3A_1954 {strides = array<i32>} : memref<32x128xf32, #tpu.memory_space<vmem>>, vector<1x16xf32>,
        %mul3A_1955 = arith.mulf %bitcast_convert_type3A_1948, %gather3A_1860 : vector<16xf32>
        %swap3A_1956 = arith.index_cast %add3A_1864 : i32 to index
        %swap3A_1957 = arith.constant 112 : index
        %swap3A_1958 = tpu.vector_load %arg15[%swap3A_1956, %swap3A_1957] {strides = array<i32>} : memref<32x128xf32, #tpu.memory_space<vmem>>, vector<1x16xf32>,
        %swap3A_1959 = vector.shape_cast %swap3A_1958 : vector<1x16xf32> to vector<16xf32>
        %swap3A_1960 = vector.shape_cast %mul3A_1955 : vector<16xf32> to vector<1x16xf32>
        tpu.vector_store %arg15[%swap3A_1956, %swap3A_1957], %swap3A_1960 {strides = array<i32>} : memref<32x128xf32, #tpu.memory_space<vmem>>, vector<1x16xf32>,
        %scan3A_1961 = arith.constant 0 : i32
        scf.yield %scan3A_1961 : i32
      }
      %scan3A_131 = arith.constant 2 : i32
      "tpu.region"() ({
        %run_scoped3A = tpu.sem_alloc : memref<!tpu.dma_semaphore, #tpu.memory_space<semaphore_mem>>
        %dma_start3A_171 = arith.constant 0 : i32
        %dma_start3A_172 = arith.constant 0 : i32
        %dma_start3A_173 = tpu.memref_slice %arg17[%dma_start3A_171, %dma_start3A_172] : memref<10000x128xf32, #tpu.memory_space<vmem_shared>> -> memref<10000x128xf32, #tpu.memory_space<vmem_shared>>
        tpu.enqueue_indirect_dma source(%arg15 : memref<32x128xf32, #tpu.memory_space<vmem>>) target(%dma_start3A_173 : memref<10000x128xf32, #tpu.memory_space<vmem_shared>>) offsets(%arg9 : memref<32xi32, #tpu.memory_space<vmem>>) semaphore(%run_scoped3A : memref<!tpu.dma_semaphore, #tpu.memory_space<semaphore_mem>>) {add = true}
        %dma_wait3A_174 = arith.constant 0 : i32
        %dma_wait3A_175 = arith.constant 0 : i32
        %dma_wait3A_176 = tpu.memref_slice %arg17[%dma_wait3A_174, %dma_wait3A_175] : memref<10000x128xf32, #tpu.memory_space<vmem_shared>> -> memref<10000x128xf32, #tpu.memory_space<vmem_shared>>
        tpu.wait_indirect_dma semaphore(%run_scoped3A : memref<!tpu.dma_semaphore, #tpu.memory_space<semaphore_mem>>) src(%arg15 : memref<32x128xf32, #tpu.memory_space<vmem>>) dst(%dma_wait3A_176 : memref<10000x128xf32, #tpu.memory_space<vmem_shared>>)
        tpu.yield
      }) : () -> ()
      %mul3A_132 = arith.constant 2 : i32
      %mul3A_133 = arith.muli %scan3A_93, %mul3A_132 : i32
      %add3A_134 = arith.constant 1 : i32
      %add3A_135 = arith.addi %mul3A_133, %add3A_134 : i32
      %dma_wait3A_136 = arith.constant 0 : i32
      %dma_wait3A_137 = arith.constant 0 : i32
      %dma_wait3A_138 = tpu.memref_slice %arg16[%dma_wait3A_136, %dma_wait3A_137] : memref<10000x64xi32, #tpu.memory_space<vmem_shared>> -> memref<10000x64xi32, #tpu.memory_space<vmem_shared>>
      tpu.wait_indirect_dma semaphore(%arg19 : memref<!tpu.dma_semaphore, #tpu.memory_space<semaphore_mem>>) src(%dma_wait3A_138 : memref<10000x64xi32, #tpu.memory_space<vmem_shared>>) dst(%arg14 : memref<32x64xi32, #tpu.memory_space<vmem>>)
      %mul3A_139 = arith.constant 32 : i32
      %mul3A_140 = arith.muli %add3A_135, %mul3A_139 : i32
      %add3A_141 = arith.addi %mul3A_2, %mul3A_140 : i32
      %dma_wait3A_142 = tpu.memref_slice %arg2[%add3A_141] : memref<321536xi32, #tpu.memory_space<hbm>> -> memref<32xi32, #tpu.memory_space<hbm>>
      %dma_wait3A_143 = tpu.memref_slice %arg2[%add3A_141] : memref<321536xi32, #tpu.memory_space<hbm>> -> memref<32xi32, #tpu.memory_space<hbm>>
      tpu.wait_dma2 semaphore(%arg21 : memref<!tpu.dma_semaphore, #tpu.memory_space<semaphore_mem>>) src(%dma_wait3A_143 : memref<32xi32, #tpu.memory_space<hbm>>) dst(%arg10 : memref<32xi32, #tpu.memory_space<vmem>>)
      %mul3A_144 = arith.constant 32 : i32
      %mul3A_145 = arith.muli %add3A_135, %mul3A_144 : i32
      %add3A_146 = arith.addi %mul3A_2, %mul3A_145 : i32
      %dma_wait3A_147 = tpu.memref_slice %arg4[%add3A_146] : memref<321536xf32, #tpu.memory_space<hbm>> -> memref<32xf32, #tpu.memory_space<hbm>>
      %dma_wait3A_148 = tpu.memref_slice %arg4[%add3A_146] : memref<321536xf32, #tpu.memory_space<hbm>> -> memref<32xf32, #tpu.memory_space<hbm>>
      tpu.wait_dma2 semaphore(%arg21 : memref<!tpu.dma_semaphore, #tpu.memory_space<semaphore_mem>>) src(%dma_wait3A_148 : memref<32xf32, #tpu.memory_space<hbm>>) dst(%arg12 : memref<32xf32, #tpu.memory_space<vmem>>)
      %add3A_149 = arith.constant 2 : i32
      %add3A_150 = arith.addi %add3A_135, %add3A_149 : i32
      %lt3A_151 = arith.constant 314 : i32
      %lt3A_152 = arith.cmpi slt, %add3A_150, %lt3A_151 : i32
      %convert_element_type3A_153 = arith.extui %lt3A_152 : i1 to i32
      %cond3A_154 = arith.constant 0 : i32
      %cond3A_155 = arith.cmpi ne, %convert_element_type3A_153, %cond3A_154 : i32
      scf.if %cond3A_155 {
        %add3A_171 = arith.constant 2 : i32
        %add3A_172 = arith.addi %add3A_135, %add3A_171 : i32
        %mul3A_173 = arith.constant 32 : i32
        %mul3A_174 = arith.muli %add3A_172, %mul3A_173 : i32
        %add3A_175 = arith.addi %mul3A_2, %mul3A_174 : i32
        %dma_start3A_176 = tpu.memref_slice %arg3[%add3A_175] : memref<321536xi32, #tpu.memory_space<hbm>> -> memref<32xi32, #tpu.memory_space<hbm>>
        %dma_start3A_177 = tpu.memref_slice %arg3[%add3A_175] : memref<321536xi32, #tpu.memory_space<hbm>> -> memref<32xi32, #tpu.memory_space<hbm>>
        tpu.enqueue_dma source(%dma_start3A_177 : memref<32xi32, #tpu.memory_space<hbm>>) target(%arg8 : memref<32xi32, #tpu.memory_space<vmem>>) target_semaphore(%arg23 : memref<!tpu.dma_semaphore, #tpu.memory_space<semaphore_mem>>)
      } else {
      }
      %add3A_156 = arith.constant 1 : i32
      %add3A_157 = arith.addi %add3A_135, %add3A_156 : i32
      %lt3A_158 = arith.constant 314 : i32
      %lt3A_159 = arith.cmpi slt, %add3A_157, %lt3A_158 : i32
      %convert_element_type3A_160 = arith.extui %lt3A_159 : i1 to i32
      %cond3A_161 = arith.constant 0 : i32
      %cond3A_162 = arith.cmpi ne, %convert_element_type3A_160, %cond3A_161 : i32
      scf.if %cond3A_162 {
        %add3A_171 = arith.constant 1 : i32
        %add3A_172 = arith.addi %add3A_135, %add3A_171 : i32
        %mul3A_173 = arith.constant 32 : i32
        %mul3A_174 = arith.muli %add3A_172, %mul3A_173 : i32
        %add3A_175 = arith.addi %mul3A_2, %mul3A_174 : i32
        %dma_wait3A_176 = tpu.memref_slice %arg3[%add3A_175] : memref<321536xi32, #tpu.memory_space<hbm>> -> memref<32xi32, #tpu.memory_space<hbm>>
        %dma_wait3A_177 = tpu.memref_slice %arg3[%add3A_175] : memref<321536xi32, #tpu.memory_space<hbm>> -> memref<32xi32, #tpu.memory_space<hbm>>
        tpu.wait_dma2 semaphore(%arg22 : memref<!tpu.dma_semaphore, #tpu.memory_space<semaphore_mem>>) src(%dma_wait3A_177 : memref<32xi32, #tpu.memory_space<hbm>>) dst(%arg7 : memref<32xi32, #tpu.memory_space<vmem>>)
        %add3A_178 = arith.constant 1 : i32
        %add3A_179 = arith.addi %add3A_135, %add3A_178 : i32
        %dma_start3A_180 = arith.constant 0 : i32
        %dma_start3A_181 = arith.constant 0 : i32
        %dma_start3A_182 = tpu.memref_slice %arg16[%dma_start3A_180, %dma_start3A_181] : memref<10000x64xi32, #tpu.memory_space<vmem_shared>> -> memref<10000x64xi32, #tpu.memory_space<vmem_shared>>
        tpu.enqueue_indirect_dma source(%dma_start3A_182 : memref<10000x64xi32, #tpu.memory_space<vmem_shared>>) target(%arg13 : memref<32x64xi32, #tpu.memory_space<vmem>>) offsets(%arg7 : memref<32xi32, #tpu.memory_space<vmem>>) semaphore(%arg18 : memref<!tpu.dma_semaphore, #tpu.memory_space<semaphore_mem>>)
        %mul3A_183 = arith.constant 32 : i32
        %mul3A_184 = arith.muli %add3A_179, %mul3A_183 : i32
        %add3A_185 = arith.addi %mul3A_2, %mul3A_184 : i32
        %dma_start3A_186 = tpu.memref_slice %arg2[%add3A_185] : memref<321536xi32, #tpu.memory_space<hbm>> -> memref<32xi32, #tpu.memory_space<hbm>>
        %dma_start3A_187 = tpu.memref_slice %arg2[%add3A_185] : memref<321536xi32, #tpu.memory_space<hbm>> -> memref<32xi32, #tpu.memory_space<hbm>>
        tpu.enqueue_dma source(%dma_start3A_187 : memref<32xi32, #tpu.memory_space<hbm>>) target(%arg9 : memref<32xi32, #tpu.memory_space<vmem>>) target_semaphore(%arg20 : memref<!tpu.dma_semaphore, #tpu.memory_space<semaphore_mem>>)
        %mul3A_188 = arith.constant 32 : i32
        %mul3A_189 = arith.muli %add3A_179, %mul3A_188 : i32
        %add3A_190 = arith.addi %mul3A_2, %mul3A_189 : i32
        %dma_start3A_191 = tpu.memref_slice %arg4[%add3A_190] : memref<321536xf32, #tpu.memory_space<hbm>> -> memref<32xf32, #tpu.memory_space<hbm>>
        %dma_start3A_192 = tpu.memref_slice %arg4[%add3A_190] : memref<321536xf32, #tpu.memory_space<hbm>> -> memref<32xf32, #tpu.memory_space<hbm>>
        tpu.enqueue_dma source(%dma_start3A_192 : memref<32xf32, #tpu.memory_space<hbm>>) target(%arg11 : memref<32xf32, #tpu.memory_space<vmem>>) target_semaphore(%arg20 : memref<!tpu.dma_semaphore, #tpu.memory_space<semaphore_mem>>)
      } else {
      }
      %scan3A_163 = arith.constant 0 : i32
      %scan3A_164 = arith.constant 0 : i32
      %scan3A_165 = arith.constant 2 : i32
      %scan3A_166 = arith.addi %scan3A_164, %scan3A_165 : i32
      %scan3A_167 = arith.constant 1 : i32
      %scan3A_168 = scf.for %scan3A_171 = %scan3A_164 to %scan3A_166 step %scan3A_167 iter_args(%scan3A_172 = %scan3A_163) -> (i32)  : i32 {
        %mul3A_173 = arith.constant 16 : i32
        %mul3A_174 = arith.muli %scan3A_171, %mul3A_173 : i32
        %get3A = arith.index_cast %mul3A_174 : i32 to index
        %get3A_175 = tpu.vector_load %arg12[%get3A] {strides = array<i32>} : memref<32xf32, #tpu.memory_space<vmem>>, vector<16xf32>,
        %get3A_176 = vector.shape_cast %get3A_175 : vector<16xf32> to vector<16xf32>
        %broadcast_in_dim3A = arith.constant 0 : i32
        %broadcast_in_dim3A_177 = vector.broadcast %broadcast_in_dim3A : i32 to vector<16xi32>
        %lt3A_178 = arith.constant 0 : i32
        %lt3A_179 = vector.broadcast %lt3A_178 : i32 to vector<16xi32>
        %lt3A_180 = arith.cmpi slt, %broadcast_in_dim3A_177, %lt3A_179 : vector<16xi32>
        %add3A_181 = arith.constant 16 : i32
        %add3A_182 = vector.broadcast %add3A_181 : i32 to vector<16xi32>
        %add3A_183 = arith.addi %broadcast_in_dim3A_177, %add3A_182 : vector<16xi32>
        %select_n3A = arith.select %lt3A_180, %add3A_183, %broadcast_in_dim3A_177 : vector<16xi1>, vector<16xi32>
        %reshape3A = vector.shape_cast %select_n3A : vector<16xi32> to vector<16x1xi32>
        %gather3A = vector.shape_cast %reshape3A : vector<16x1xi32> to vector<16xi32>
        %gather3A_184 = tpu.dynamic_gather %get3A_176[%gather3A] in [0] : vector<16xf32>, vector<16xi32> -> vector<16xf32>
        %mul3A_185 = arith.constant 16 : i32
        %mul3A_186 = arith.muli %scan3A_171, %mul3A_185 : i32
        %add3A_187 = arith.constant 0 : i32
        %add3A_188 = arith.addi %mul3A_186, %add3A_187 : i32
        %get3A_189 = arith.index_cast %add3A_188 : i32 to index
        %get3A_190 = arith.constant 0 : index
        %get3A_191 = tpu.vector_load %arg14[%get3A_189, %get3A_190] {strides = array<i32>} : memref<32x64xi32, #tpu.memory_space<vmem>>, vector<1x16xi32>,
        %get3A_192 = vector.shape_cast %get3A_191 : vector<1x16xi32> to vector<16xi32>
        %shift_left3A = arith.constant 16 : i32
        %shift_left3A_193 = vector.broadcast %shift_left3A : i32 to vector<16xi32>
        %shift_left3A_194 = arith.shli %get3A_192, %shift_left3A_193 : vector<16xi32>
        %bitcast_convert_type3A = tpu.bitcast %shift_left3A_194 : vector<16xi32> -> vector<16xf32>
        %and3A = arith.constant -65536 : i32
        %and3A_195 = vector.broadcast %and3A : i32 to vector<16xi32>
        %and3A_196 = arith.andi %get3A_192, %and3A_195 : vector<16xi32>
        %bitcast_convert_type3A_197 = tpu.bitcast %and3A_196 : vector<16xi32> -> vector<16xf32>
        %mul3A_198 = arith.mulf %bitcast_convert_type3A, %gather3A_184 : vector<16xf32>
        %swap3A = arith.index_cast %add3A_188 : i32 to index
        %swap3A_199 = arith.constant 0 : index
        %swap3A_200 = tpu.vector_load %arg15[%swap3A, %swap3A_199] {strides = array<i32>} : memref<32x128xf32, #tpu.memory_space<vmem>>, vector<1x16xf32>,
        %swap3A_201 = vector.shape_cast %swap3A_200 : vector<1x16xf32> to vector<16xf32>
        %swap3A_202 = vector.shape_cast %mul3A_198 : vector<16xf32> to vector<1x16xf32>
        tpu.vector_store %arg15[%swap3A, %swap3A_199], %swap3A_202 {strides = array<i32>} : memref<32x128xf32, #tpu.memory_space<vmem>>, vector<1x16xf32>,
        %mul3A_203 = arith.mulf %bitcast_convert_type3A_197, %gather3A_184 : vector<16xf32>
        %swap3A_204 = arith.index_cast %add3A_188 : i32 to index
        %swap3A_205 = arith.constant 64 : index
        %swap3A_206 = tpu.vector_load %arg15[%swap3A_204, %swap3A_205] {strides = array<i32>} : memref<32x128xf32, #tpu.memory_space<vmem>>, vector<1x16xf32>,
        %swap3A_207 = vector.shape_cast %swap3A_206 : vector<1x16xf32> to vector<16xf32>
        %swap3A_208 = vector.shape_cast %mul3A_203 : vector<16xf32> to vector<1x16xf32>
        tpu.vector_store %arg15[%swap3A_204, %swap3A_205], %swap3A_208 {strides = array<i32>} : memref<32x128xf32, #tpu.memory_space<vmem>>, vector<1x16xf32>,
        %get3A_209 = arith.index_cast %add3A_188 : i32 to index
        %get3A_210 = arith.constant 16 : index
        %get3A_211 = tpu.vector_load %arg14[%get3A_209, %get3A_210] {strides = array<i32>} : memref<32x64xi32, #tpu.memory_space<vmem>>, vector<1x16xi32>,
        %get3A_212 = vector.shape_cast %get3A_211 : vector<1x16xi32> to vector<16xi32>
        %shift_left3A_213 = arith.constant 16 : i32
        %shift_left3A_214 = vector.broadcast %shift_left3A_213 : i32 to vector<16xi32>
        %shift_left3A_215 = arith.shli %get3A_212, %shift_left3A_214 : vector<16xi32>
        %bitcast_convert_type3A_216 = tpu.bitcast %shift_left3A_215 : vector<16xi32> -> vector<16xf32>
        %and3A_217 = arith.constant -65536 : i32
        %and3A_218 = vector.broadcast %and3A_217 : i32 to vector<16xi32>
        %and3A_219 = arith.andi %get3A_212, %and3A_218 : vector<16xi32>
        %bitcast_convert_type3A_220 = tpu.bitcast %and3A_219 : vector<16xi32> -> vector<16xf32>
        %mul3A_221 = arith.mulf %bitcast_convert_type3A_216, %gather3A_184 : vector<16xf32>
        %swap3A_222 = arith.index_cast %add3A_188 : i32 to index
        %swap3A_223 = arith.constant 16 : index
        %swap3A_224 = tpu.vector_load %arg15[%swap3A_222, %swap3A_223] {strides = array<i32>} : memref<32x128xf32, #tpu.memory_space<vmem>>, vector<1x16xf32>,
        %swap3A_225 = vector.shape_cast %swap3A_224 : vector<1x16xf32> to vector<16xf32>
        %swap3A_226 = vector.shape_cast %mul3A_221 : vector<16xf32> to vector<1x16xf32>
        tpu.vector_store %arg15[%swap3A_222, %swap3A_223], %swap3A_226 {strides = array<i32>} : memref<32x128xf32, #tpu.memory_space<vmem>>, vector<1x16xf32>,
        %mul3A_227 = arith.mulf %bitcast_convert_type3A_220, %gather3A_184 : vector<16xf32>
        %swap3A_228 = arith.index_cast %add3A_188 : i32 to index
        %swap3A_229 = arith.constant 80 : index
        %swap3A_230 = tpu.vector_load %arg15[%swap3A_228, %swap3A_229] {strides = array<i32>} : memref<32x128xf32, #tpu.memory_space<vmem>>, vector<1x16xf32>,
        %swap3A_231 = vector.shape_cast %swap3A_230 : vector<1x16xf32> to vector<16xf32>
        %swap3A_232 = vector.shape_cast %mul3A_227 : vector<16xf32> to vector<1x16xf32>
        tpu.vector_store %arg15[%swap3A_228, %swap3A_229], %swap3A_232 {strides = array<i32>} : memref<32x128xf32, #tpu.memory_space<vmem>>, vector<1x16xf32>,
        %get3A_233 = arith.index_cast %add3A_188 : i32 to index
        %get3A_234 = arith.constant 32 : index
        %get3A_235 = tpu.vector_load %arg14[%get3A_233, %get3A_234] {strides = array<i32>} : memref<32x64xi32, #tpu.memory_space<vmem>>, vector<1x16xi32>,
        %get3A_236 = vector.shape_cast %get3A_235 : vector<1x16xi32> to vector<16xi32>
        %shift_left3A_237 = arith.constant 16 : i32
        %shift_left3A_238 = vector.broadcast %shift_left3A_237 : i32 to vector<16xi32>
        %shift_left3A_239 = arith.shli %get3A_236, %shift_left3A_238 : vector<16xi32>
        %bitcast_convert_type3A_240 = tpu.bitcast %shift_left3A_239 : vector<16xi32> -> vector<16xf32>
        %and3A_241 = arith.constant -65536 : i32
        %and3A_242 = vector.broadcast %and3A_241 : i32 to vector<16xi32>
        %and3A_243 = arith.andi %get3A_236, %and3A_242 : vector<16xi32>
        %bitcast_convert_type3A_244 = tpu.bitcast %and3A_243 : vector<16xi32> -> vector<16xf32>
        %mul3A_245 = arith.mulf %bitcast_convert_type3A_240, %gather3A_184 : vector<16xf32>
        %swap3A_246 = arith.index_cast %add3A_188 : i32 to index
        %swap3A_247 = arith.constant 32 : index
        %swap3A_248 = tpu.vector_load %arg15[%swap3A_246, %swap3A_247] {strides = array<i32>} : memref<32x128xf32, #tpu.memory_space<vmem>>, vector<1x16xf32>,
        %swap3A_249 = vector.shape_cast %swap3A_248 : vector<1x16xf32> to vector<16xf32>
        %swap3A_250 = vector.shape_cast %mul3A_245 : vector<16xf32> to vector<1x16xf32>
        tpu.vector_store %arg15[%swap3A_246, %swap3A_247], %swap3A_250 {strides = array<i32>} : memref<32x128xf32, #tpu.memory_space<vmem>>, vector<1x16xf32>,
        %mul3A_251 = arith.mulf %bitcast_convert_type3A_244, %gather3A_184 : vector<16xf32>
        %swap3A_252 = arith.index_cast %add3A_188 : i32 to index
        %swap3A_253 = arith.constant 96 : index
        %swap3A_254 = tpu.vector_load %arg15[%swap3A_252, %swap3A_253] {strides = array<i32>} : memref<32x128xf32, #tpu.memory_space<vmem>>, vector<1x16xf32>,
        %swap3A_255 = vector.shape_cast %swap3A_254 : vector<1x16xf32> to vector<16xf32>
        %swap3A_256 = vector.shape_cast %mul3A_251 : vector<16xf32> to vector<1x16xf32>
        tpu.vector_store %arg15[%swap3A_252, %swap3A_253], %swap3A_256 {strides = array<i32>} : memref<32x128xf32, #tpu.memory_space<vmem>>, vector<1x16xf32>,
        %get3A_257 = arith.index_cast %add3A_188 : i32 to index
        %get3A_258 = arith.constant 48 : index
        %get3A_259 = tpu.vector_load %arg14[%get3A_257, %get3A_258] {strides = array<i32>} : memref<32x64xi32, #tpu.memory_space<vmem>>, vector<1x16xi32>,
        %get3A_260 = vector.shape_cast %get3A_259 : vector<1x16xi32> to vector<16xi32>
        %shift_left3A_261 = arith.constant 16 : i32
        %shift_left3A_262 = vector.broadcast %shift_left3A_261 : i32 to vector<16xi32>
        %shift_left3A_263 = arith.shli %get3A_260, %shift_left3A_262 : vector<16xi32>
        %bitcast_convert_type3A_264 = tpu.bitcast %shift_left3A_263 : vector<16xi32> -> vector<16xf32>
        %and3A_265 = arith.constant -65536 : i32
        %and3A_266 = vector.broadcast %and3A_265 : i32 to vector<16xi32>
        %and3A_267 = arith.andi %get3A_260, %and3A_266 : vector<16xi32>
        %bitcast_convert_type3A_268 = tpu.bitcast %and3A_267 : vector<16xi32> -> vector<16xf32>
        %mul3A_269 = arith.mulf %bitcast_convert_type3A_264, %gather3A_184 : vector<16xf32>
        %swap3A_270 = arith.index_cast %add3A_188 : i32 to index
        %swap3A_271 = arith.constant 48 : index
        %swap3A_272 = tpu.vector_load %arg15[%swap3A_270, %swap3A_271] {strides = array<i32>} : memref<32x128xf32, #tpu.memory_space<vmem>>, vector<1x16xf32>,
        %swap3A_273 = vector.shape_cast %swap3A_272 : vector<1x16xf32> to vector<16xf32>
        %swap3A_274 = vector.shape_cast %mul3A_269 : vector<16xf32> to vector<1x16xf32>
        tpu.vector_store %arg15[%swap3A_270, %swap3A_271], %swap3A_274 {strides = array<i32>} : memref<32x128xf32, #tpu.memory_space<vmem>>, vector<1x16xf32>,
        %mul3A_275 = arith.mulf %bitcast_convert_type3A_268, %gather3A_184 : vector<16xf32>
        %swap3A_276 = arith.index_cast %add3A_188 : i32 to index
        %swap3A_277 = arith.constant 112 : index
        %swap3A_278 = tpu.vector_load %arg15[%swap3A_276, %swap3A_277] {strides = array<i32>} : memref<32x128xf32, #tpu.memory_space<vmem>>, vector<1x16xf32>,
        %swap3A_279 = vector.shape_cast %swap3A_278 : vector<1x16xf32> to vector<16xf32>
        %swap3A_280 = vector.shape_cast %mul3A_275 : vector<16xf32> to vector<1x16xf32>
        tpu.vector_store %arg15[%swap3A_276, %swap3A_277], %swap3A_280 {strides = array<i32>} : memref<32x128xf32, #tpu.memory_space<vmem>>, vector<1x16xf32>,
        %broadcast_in_dim3A_281 = arith.constant 1 : i32
        %broadcast_in_dim3A_282 = vector.broadcast %broadcast_in_dim3A_281 : i32 to vector<16xi32>
        %lt3A_283 = arith.constant 0 : i32
        %lt3A_284 = vector.broadcast %lt3A_283 : i32 to vector<16xi32>
        %lt3A_285 = arith.cmpi slt, %broadcast_in_dim3A_282, %lt3A_284 : vector<16xi32>
        %add3A_286 = arith.constant 16 : i32
        %add3A_287 = vector.broadcast %add3A_286 : i32 to vector<16xi32>
        %add3A_288 = arith.addi %broadcast_in_dim3A_282, %add3A_287 : vector<16xi32>
        %select_n3A_289 = arith.select %lt3A_285, %add3A_288, %broadcast_in_dim3A_282 : vector<16xi1>, vector<16xi32>
        %reshape3A_290 = vector.shape_cast %select_n3A_289 : vector<16xi32> to vector<16x1xi32>
        %gather3A_291 = vector.shape_cast %reshape3A_290 : vector<16x1xi32> to vector<16xi32>
        %gather3A_292 = tpu.dynamic_gather %get3A_176[%gather3A_291] in [0] : vector<16xf32>, vector<16xi32> -> vector<16xf32>
        %mul3A_293 = arith.constant 16 : i32
        %mul3A_294 = arith.muli %scan3A_171, %mul3A_293 : i32
        %add3A_295 = arith.constant 1 : i32
        %add3A_296 = arith.addi %mul3A_294, %add3A_295 : i32
        %get3A_297 = arith.index_cast %add3A_296 : i32 to index
        %get3A_298 = arith.constant 0 : index
        %get3A_299 = tpu.vector_load %arg14[%get3A_297, %get3A_298] {strides = array<i32>} : memref<32x64xi32, #tpu.memory_space<vmem>>, vector<1x16xi32>,
        %get3A_300 = vector.shape_cast %get3A_299 : vector<1x16xi32> to vector<16xi32>
        %shift_left3A_301 = arith.constant 16 : i32
        %shift_left3A_302 = vector.broadcast %shift_left3A_301 : i32 to vector<16xi32>
        %shift_left3A_303 = arith.shli %get3A_300, %shift_left3A_302 : vector<16xi32>
        %bitcast_convert_type3A_304 = tpu.bitcast %shift_left3A_303 : vector<16xi32> -> vector<16xf32>
        %and3A_305 = arith.constant -65536 : i32
        %and3A_306 = vector.broadcast %and3A_305 : i32 to vector<16xi32>
        %and3A_307 = arith.andi %get3A_300, %and3A_306 : vector<16xi32>
        %bitcast_convert_type3A_308 = tpu.bitcast %and3A_307 : vector<16xi32> -> vector<16xf32>
        %mul3A_309 = arith.mulf %bitcast_convert_type3A_304, %gather3A_292 : vector<16xf32>
        %swap3A_310 = arith.index_cast %add3A_296 : i32 to index
        %swap3A_311 = arith.constant 0 : index
        %swap3A_312 = tpu.vector_load %arg15[%swap3A_310, %swap3A_311] {strides = array<i32>} : memref<32x128xf32, #tpu.memory_space<vmem>>, vector<1x16xf32>,
        %swap3A_313 = vector.shape_cast %swap3A_312 : vector<1x16xf32> to vector<16xf32>
        %swap3A_314 = vector.shape_cast %mul3A_309 : vector<16xf32> to vector<1x16xf32>
        tpu.vector_store %arg15[%swap3A_310, %swap3A_311], %swap3A_314 {strides = array<i32>} : memref<32x128xf32, #tpu.memory_space<vmem>>, vector<1x16xf32>,
        %mul3A_315 = arith.mulf %bitcast_convert_type3A_308, %gather3A_292 : vector<16xf32>
        %swap3A_316 = arith.index_cast %add3A_296 : i32 to index
        %swap3A_317 = arith.constant 64 : index
        %swap3A_318 = tpu.vector_load %arg15[%swap3A_316, %swap3A_317] {strides = array<i32>} : memref<32x128xf32, #tpu.memory_space<vmem>>, vector<1x16xf32>,
        %swap3A_319 = vector.shape_cast %swap3A_318 : vector<1x16xf32> to vector<16xf32>
        %swap3A_320 = vector.shape_cast %mul3A_315 : vector<16xf32> to vector<1x16xf32>
        tpu.vector_store %arg15[%swap3A_316, %swap3A_317], %swap3A_320 {strides = array<i32>} : memref<32x128xf32, #tpu.memory_space<vmem>>, vector<1x16xf32>,
        %get3A_321 = arith.index_cast %add3A_296 : i32 to index
        %get3A_322 = arith.constant 16 : index
        %get3A_323 = tpu.vector_load %arg14[%get3A_321, %get3A_322] {strides = array<i32>} : memref<32x64xi32, #tpu.memory_space<vmem>>, vector<1x16xi32>,
        %get3A_324 = vector.shape_cast %get3A_323 : vector<1x16xi32> to vector<16xi32>
        %shift_left3A_325 = arith.constant 16 : i32
        %shift_left3A_326 = vector.broadcast %shift_left3A_325 : i32 to vector<16xi32>
        %shift_left3A_327 = arith.shli %get3A_324, %shift_left3A_326 : vector<16xi32>
        %bitcast_convert_type3A_328 = tpu.bitcast %shift_left3A_327 : vector<16xi32> -> vector<16xf32>
        %and3A_329 = arith.constant -65536 : i32
        %and3A_330 = vector.broadcast %and3A_329 : i32 to vector<16xi32>
        %and3A_331 = arith.andi %get3A_324, %and3A_330 : vector<16xi32>
        %bitcast_convert_type3A_332 = tpu.bitcast %and3A_331 : vector<16xi32> -> vector<16xf32>
        %mul3A_333 = arith.mulf %bitcast_convert_type3A_328, %gather3A_292 : vector<16xf32>
        %swap3A_334 = arith.index_cast %add3A_296 : i32 to index
        %swap3A_335 = arith.constant 16 : index
        %swap3A_336 = tpu.vector_load %arg15[%swap3A_334, %swap3A_335] {strides = array<i32>} : memref<32x128xf32, #tpu.memory_space<vmem>>, vector<1x16xf32>,
        %swap3A_337 = vector.shape_cast %swap3A_336 : vector<1x16xf32> to vector<16xf32>
        %swap3A_338 = vector.shape_cast %mul3A_333 : vector<16xf32> to vector<1x16xf32>
        tpu.vector_store %arg15[%swap3A_334, %swap3A_335], %swap3A_338 {strides = array<i32>} : memref<32x128xf32, #tpu.memory_space<vmem>>, vector<1x16xf32>,
        %mul3A_339 = arith.mulf %bitcast_convert_type3A_332, %gather3A_292 : vector<16xf32>
        %swap3A_340 = arith.index_cast %add3A_296 : i32 to index
        %swap3A_341 = arith.constant 80 : index
        %swap3A_342 = tpu.vector_load %arg15[%swap3A_340, %swap3A_341] {strides = array<i32>} : memref<32x128xf32, #tpu.memory_space<vmem>>, vector<1x16xf32>,
        %swap3A_343 = vector.shape_cast %swap3A_342 : vector<1x16xf32> to vector<16xf32>
        %swap3A_344 = vector.shape_cast %mul3A_339 : vector<16xf32> to vector<1x16xf32>
        tpu.vector_store %arg15[%swap3A_340, %swap3A_341], %swap3A_344 {strides = array<i32>} : memref<32x128xf32, #tpu.memory_space<vmem>>, vector<1x16xf32>,
        %get3A_345 = arith.index_cast %add3A_296 : i32 to index
        %get3A_346 = arith.constant 32 : index
        %get3A_347 = tpu.vector_load %arg14[%get3A_345, %get3A_346] {strides = array<i32>} : memref<32x64xi32, #tpu.memory_space<vmem>>, vector<1x16xi32>,
        %get3A_348 = vector.shape_cast %get3A_347 : vector<1x16xi32> to vector<16xi32>
        %shift_left3A_349 = arith.constant 16 : i32
        %shift_left3A_350 = vector.broadcast %shift_left3A_349 : i32 to vector<16xi32>
        %shift_left3A_351 = arith.shli %get3A_348, %shift_left3A_350 : vector<16xi32>
        %bitcast_convert_type3A_352 = tpu.bitcast %shift_left3A_351 : vector<16xi32> -> vector<16xf32>
        %and3A_353 = arith.constant -65536 : i32
        %and3A_354 = vector.broadcast %and3A_353 : i32 to vector<16xi32>
        %and3A_355 = arith.andi %get3A_348, %and3A_354 : vector<16xi32>
        %bitcast_convert_type3A_356 = tpu.bitcast %and3A_355 : vector<16xi32> -> vector<16xf32>
        %mul3A_357 = arith.mulf %bitcast_convert_type3A_352, %gather3A_292 : vector<16xf32>
        %swap3A_358 = arith.index_cast %add3A_296 : i32 to index
        %swap3A_359 = arith.constant 32 : index
        %swap3A_360 = tpu.vector_load %arg15[%swap3A_358, %swap3A_359] {strides = array<i32>} : memref<32x128xf32, #tpu.memory_space<vmem>>, vector<1x16xf32>,
        %swap3A_361 = vector.shape_cast %swap3A_360 : vector<1x16xf32> to vector<16xf32>
        %swap3A_362 = vector.shape_cast %mul3A_357 : vector<16xf32> to vector<1x16xf32>
        tpu.vector_store %arg15[%swap3A_358, %swap3A_359], %swap3A_362 {strides = array<i32>} : memref<32x128xf32, #tpu.memory_space<vmem>>, vector<1x16xf32>,
        %mul3A_363 = arith.mulf %bitcast_convert_type3A_356, %gather3A_292 : vector<16xf32>
        %swap3A_364 = arith.index_cast %add3A_296 : i32 to index
        %swap3A_365 = arith.constant 96 : index
        %swap3A_366 = tpu.vector_load %arg15[%swap3A_364, %swap3A_365] {strides = array<i32>} : memref<32x128xf32, #tpu.memory_space<vmem>>, vector<1x16xf32>,
        %swap3A_367 = vector.shape_cast %swap3A_366 : vector<1x16xf32> to vector<16xf32>
        %swap3A_368 = vector.shape_cast %mul3A_363 : vector<16xf32> to vector<1x16xf32>
        tpu.vector_store %arg15[%swap3A_364, %swap3A_365], %swap3A_368 {strides = array<i32>} : memref<32x128xf32, #tpu.memory_space<vmem>>, vector<1x16xf32>,
        %get3A_369 = arith.index_cast %add3A_296 : i32 to index
        %get3A_370 = arith.constant 48 : index
        %get3A_371 = tpu.vector_load %arg14[%get3A_369, %get3A_370] {strides = array<i32>} : memref<32x64xi32, #tpu.memory_space<vmem>>, vector<1x16xi32>,
        %get3A_372 = vector.shape_cast %get3A_371 : vector<1x16xi32> to vector<16xi32>
        %shift_left3A_373 = arith.constant 16 : i32
        %shift_left3A_374 = vector.broadcast %shift_left3A_373 : i32 to vector<16xi32>
        %shift_left3A_375 = arith.shli %get3A_372, %shift_left3A_374 : vector<16xi32>
        %bitcast_convert_type3A_376 = tpu.bitcast %shift_left3A_375 : vector<16xi32> -> vector<16xf32>
        %and3A_377 = arith.constant -65536 : i32
        %and3A_378 = vector.broadcast %and3A_377 : i32 to vector<16xi32>
        %and3A_379 = arith.andi %get3A_372, %and3A_378 : vector<16xi32>
        %bitcast_convert_type3A_380 = tpu.bitcast %and3A_379 : vector<16xi32> -> vector<16xf32>
        %mul3A_381 = arith.mulf %bitcast_convert_type3A_376, %gather3A_292 : vector<16xf32>
        %swap3A_382 = arith.index_cast %add3A_296 : i32 to index
        %swap3A_383 = arith.constant 48 : index
        %swap3A_384 = tpu.vector_load %arg15[%swap3A_382, %swap3A_383] {strides = array<i32>} : memref<32x128xf32, #tpu.memory_space<vmem>>, vector<1x16xf32>,
        %swap3A_385 = vector.shape_cast %swap3A_384 : vector<1x16xf32> to vector<16xf32>
        %swap3A_386 = vector.shape_cast %mul3A_381 : vector<16xf32> to vector<1x16xf32>
        tpu.vector_store %arg15[%swap3A_382, %swap3A_383], %swap3A_386 {strides = array<i32>} : memref<32x128xf32, #tpu.memory_space<vmem>>, vector<1x16xf32>,
        %mul3A_387 = arith.mulf %bitcast_convert_type3A_380, %gather3A_292 : vector<16xf32>
        %swap3A_388 = arith.index_cast %add3A_296 : i32 to index
        %swap3A_389 = arith.constant 112 : index
        %swap3A_390 = tpu.vector_load %arg15[%swap3A_388, %swap3A_389] {strides = array<i32>} : memref<32x128xf32, #tpu.memory_space<vmem>>, vector<1x16xf32>,
        %swap3A_391 = vector.shape_cast %swap3A_390 : vector<1x16xf32> to vector<16xf32>
        %swap3A_392 = vector.shape_cast %mul3A_387 : vector<16xf32> to vector<1x16xf32>
        tpu.vector_store %arg15[%swap3A_388, %swap3A_389], %swap3A_392 {strides = array<i32>} : memref<32x128xf32, #tpu.memory_space<vmem>>, vector<1x16xf32>,
        %broadcast_in_dim3A_393 = arith.constant 2 : i32
        %broadcast_in_dim3A_394 = vector.broadcast %broadcast_in_dim3A_393 : i32 to vector<16xi32>
        %lt3A_395 = arith.constant 0 : i32
        %lt3A_396 = vector.broadcast %lt3A_395 : i32 to vector<16xi32>
        %lt3A_397 = arith.cmpi slt, %broadcast_in_dim3A_394, %lt3A_396 : vector<16xi32>
        %add3A_398 = arith.constant 16 : i32
        %add3A_399 = vector.broadcast %add3A_398 : i32 to vector<16xi32>
        %add3A_400 = arith.addi %broadcast_in_dim3A_394, %add3A_399 : vector<16xi32>
        %select_n3A_401 = arith.select %lt3A_397, %add3A_400, %broadcast_in_dim3A_394 : vector<16xi1>, vector<16xi32>
        %reshape3A_402 = vector.shape_cast %select_n3A_401 : vector<16xi32> to vector<16x1xi32>
        %gather3A_403 = vector.shape_cast %reshape3A_402 : vector<16x1xi32> to vector<16xi32>
        %gather3A_404 = tpu.dynamic_gather %get3A_176[%gather3A_403] in [0] : vector<16xf32>, vector<16xi32> -> vector<16xf32>
        %mul3A_405 = arith.constant 16 : i32
        %mul3A_406 = arith.muli %scan3A_171, %mul3A_405 : i32
        %add3A_407 = arith.constant 2 : i32
        %add3A_408 = arith.addi %mul3A_406, %add3A_407 : i32
        %get3A_409 = arith.index_cast %add3A_408 : i32 to index
        %get3A_410 = arith.constant 0 : index
        %get3A_411 = tpu.vector_load %arg14[%get3A_409, %get3A_410] {strides = array<i32>} : memref<32x64xi32, #tpu.memory_space<vmem>>, vector<1x16xi32>,
        %get3A_412 = vector.shape_cast %get3A_411 : vector<1x16xi32> to vector<16xi32>
        %shift_left3A_413 = arith.constant 16 : i32
        %shift_left3A_414 = vector.broadcast %shift_left3A_413 : i32 to vector<16xi32>
        %shift_left3A_415 = arith.shli %get3A_412, %shift_left3A_414 : vector<16xi32>
        %bitcast_convert_type3A_416 = tpu.bitcast %shift_left3A_415 : vector<16xi32> -> vector<16xf32>
        %and3A_417 = arith.constant -65536 : i32
        %and3A_418 = vector.broadcast %and3A_417 : i32 to vector<16xi32>
        %and3A_419 = arith.andi %get3A_412, %and3A_418 : vector<16xi32>
        %bitcast_convert_type3A_420 = tpu.bitcast %and3A_419 : vector<16xi32> -> vector<16xf32>
        %mul3A_421 = arith.mulf %bitcast_convert_type3A_416, %gather3A_404 : vector<16xf32>
        %swap3A_422 = arith.index_cast %add3A_408 : i32 to index
        %swap3A_423 = arith.constant 0 : index
        %swap3A_424 = tpu.vector_load %arg15[%swap3A_422, %swap3A_423] {strides = array<i32>} : memref<32x128xf32, #tpu.memory_space<vmem>>, vector<1x16xf32>,
        %swap3A_425 = vector.shape_cast %swap3A_424 : vector<1x16xf32> to vector<16xf32>
        %swap3A_426 = vector.shape_cast %mul3A_421 : vector<16xf32> to vector<1x16xf32>
        tpu.vector_store %arg15[%swap3A_422, %swap3A_423], %swap3A_426 {strides = array<i32>} : memref<32x128xf32, #tpu.memory_space<vmem>>, vector<1x16xf32>,
        %mul3A_427 = arith.mulf %bitcast_convert_type3A_420, %gather3A_404 : vector<16xf32>
        %swap3A_428 = arith.index_cast %add3A_408 : i32 to index
        %swap3A_429 = arith.constant 64 : index
        %swap3A_430 = tpu.vector_load %arg15[%swap3A_428, %swap3A_429] {strides = array<i32>} : memref<32x128xf32, #tpu.memory_space<vmem>>, vector<1x16xf32>,
        %swap3A_431 = vector.shape_cast %swap3A_430 : vector<1x16xf32> to vector<16xf32>
        %swap3A_432 = vector.shape_cast %mul3A_427 : vector<16xf32> to vector<1x16xf32>
        tpu.vector_store %arg15[%swap3A_428, %swap3A_429], %swap3A_432 {strides = array<i32>} : memref<32x128xf32, #tpu.memory_space<vmem>>, vector<1x16xf32>,
        %get3A_433 = arith.index_cast %add3A_408 : i32 to index
        %get3A_434 = arith.constant 16 : index
        %get3A_435 = tpu.vector_load %arg14[%get3A_433, %get3A_434] {strides = array<i32>} : memref<32x64xi32, #tpu.memory_space<vmem>>, vector<1x16xi32>,
        %get3A_436 = vector.shape_cast %get3A_435 : vector<1x16xi32> to vector<16xi32>
        %shift_left3A_437 = arith.constant 16 : i32
        %shift_left3A_438 = vector.broadcast %shift_left3A_437 : i32 to vector<16xi32>
        %shift_left3A_439 = arith.shli %get3A_436, %shift_left3A_438 : vector<16xi32>
        %bitcast_convert_type3A_440 = tpu.bitcast %shift_left3A_439 : vector<16xi32> -> vector<16xf32>
        %and3A_441 = arith.constant -65536 : i32
        %and3A_442 = vector.broadcast %and3A_441 : i32 to vector<16xi32>
        %and3A_443 = arith.andi %get3A_436, %and3A_442 : vector<16xi32>
        %bitcast_convert_type3A_444 = tpu.bitcast %and3A_443 : vector<16xi32> -> vector<16xf32>
        %mul3A_445 = arith.mulf %bitcast_convert_type3A_440, %gather3A_404 : vector<16xf32>
        %swap3A_446 = arith.index_cast %add3A_408 : i32 to index
        %swap3A_447 = arith.constant 16 : index
        %swap3A_448 = tpu.vector_load %arg15[%swap3A_446, %swap3A_447] {strides = array<i32>} : memref<32x128xf32, #tpu.memory_space<vmem>>, vector<1x16xf32>,
        %swap3A_449 = vector.shape_cast %swap3A_448 : vector<1x16xf32> to vector<16xf32>
        %swap3A_450 = vector.shape_cast %mul3A_445 : vector<16xf32> to vector<1x16xf32>
        tpu.vector_store %arg15[%swap3A_446, %swap3A_447], %swap3A_450 {strides = array<i32>} : memref<32x128xf32, #tpu.memory_space<vmem>>, vector<1x16xf32>,
        %mul3A_451 = arith.mulf %bitcast_convert_type3A_444, %gather3A_404 : vector<16xf32>
        %swap3A_452 = arith.index_cast %add3A_408 : i32 to index
        %swap3A_453 = arith.constant 80 : index
        %swap3A_454 = tpu.vector_load %arg15[%swap3A_452, %swap3A_453] {strides = array<i32>} : memref<32x128xf32, #tpu.memory_space<vmem>>, vector<1x16xf32>,
        %swap3A_455 = vector.shape_cast %swap3A_454 : vector<1x16xf32> to vector<16xf32>
        %swap3A_456 = vector.shape_cast %mul3A_451 : vector<16xf32> to vector<1x16xf32>
        tpu.vector_store %arg15[%swap3A_452, %swap3A_453], %swap3A_456 {strides = array<i32>} : memref<32x128xf32, #tpu.memory_space<vmem>>, vector<1x16xf32>,
        %get3A_457 = arith.index_cast %add3A_408 : i32 to index
        %get3A_458 = arith.constant 32 : index
        %get3A_459 = tpu.vector_load %arg14[%get3A_457, %get3A_458] {strides = array<i32>} : memref<32x64xi32, #tpu.memory_space<vmem>>, vector<1x16xi32>,
        %get3A_460 = vector.shape_cast %get3A_459 : vector<1x16xi32> to vector<16xi32>
        %shift_left3A_461 = arith.constant 16 : i32
        %shift_left3A_462 = vector.broadcast %shift_left3A_461 : i32 to vector<16xi32>
        %shift_left3A_463 = arith.shli %get3A_460, %shift_left3A_462 : vector<16xi32>
        %bitcast_convert_type3A_464 = tpu.bitcast %shift_left3A_463 : vector<16xi32> -> vector<16xf32>
        %and3A_465 = arith.constant -65536 : i32
        %and3A_466 = vector.broadcast %and3A_465 : i32 to vector<16xi32>
        %and3A_467 = arith.andi %get3A_460, %and3A_466 : vector<16xi32>
        %bitcast_convert_type3A_468 = tpu.bitcast %and3A_467 : vector<16xi32> -> vector<16xf32>
        %mul3A_469 = arith.mulf %bitcast_convert_type3A_464, %gather3A_404 : vector<16xf32>
        %swap3A_470 = arith.index_cast %add3A_408 : i32 to index
        %swap3A_471 = arith.constant 32 : index
        %swap3A_472 = tpu.vector_load %arg15[%swap3A_470, %swap3A_471] {strides = array<i32>} : memref<32x128xf32, #tpu.memory_space<vmem>>, vector<1x16xf32>,
        %swap3A_473 = vector.shape_cast %swap3A_472 : vector<1x16xf32> to vector<16xf32>
        %swap3A_474 = vector.shape_cast %mul3A_469 : vector<16xf32> to vector<1x16xf32>
        tpu.vector_store %arg15[%swap3A_470, %swap3A_471], %swap3A_474 {strides = array<i32>} : memref<32x128xf32, #tpu.memory_space<vmem>>, vector<1x16xf32>,
        %mul3A_475 = arith.mulf %bitcast_convert_type3A_468, %gather3A_404 : vector<16xf32>
        %swap3A_476 = arith.index_cast %add3A_408 : i32 to index
        %swap3A_477 = arith.constant 96 : index
        %swap3A_478 = tpu.vector_load %arg15[%swap3A_476, %swap3A_477] {strides = array<i32>} : memref<32x128xf32, #tpu.memory_space<vmem>>, vector<1x16xf32>,
        %swap3A_479 = vector.shape_cast %swap3A_478 : vector<1x16xf32> to vector<16xf32>
        %swap3A_480 = vector.shape_cast %mul3A_475 : vector<16xf32> to vector<1x16xf32>
        tpu.vector_store %arg15[%swap3A_476, %swap3A_477], %swap3A_480 {strides = array<i32>} : memref<32x128xf32, #tpu.memory_space<vmem>>, vector<1x16xf32>,
        %get3A_481 = arith.index_cast %add3A_408 : i32 to index
        %get3A_482 = arith.constant 48 : index
        %get3A_483 = tpu.vector_load %arg14[%get3A_481, %get3A_482] {strides = array<i32>} : memref<32x64xi32, #tpu.memory_space<vmem>>, vector<1x16xi32>,
        %get3A_484 = vector.shape_cast %get3A_483 : vector<1x16xi32> to vector<16xi32>
        %shift_left3A_485 = arith.constant 16 : i32
        %shift_left3A_486 = vector.broadcast %shift_left3A_485 : i32 to vector<16xi32>
        %shift_left3A_487 = arith.shli %get3A_484, %shift_left3A_486 : vector<16xi32>
        %bitcast_convert_type3A_488 = tpu.bitcast %shift_left3A_487 : vector<16xi32> -> vector<16xf32>
        %and3A_489 = arith.constant -65536 : i32
        %and3A_490 = vector.broadcast %and3A_489 : i32 to vector<16xi32>
        %and3A_491 = arith.andi %get3A_484, %and3A_490 : vector<16xi32>
        %bitcast_convert_type3A_492 = tpu.bitcast %and3A_491 : vector<16xi32> -> vector<16xf32>
        %mul3A_493 = arith.mulf %bitcast_convert_type3A_488, %gather3A_404 : vector<16xf32>
        %swap3A_494 = arith.index_cast %add3A_408 : i32 to index
        %swap3A_495 = arith.constant 48 : index
        %swap3A_496 = tpu.vector_load %arg15[%swap3A_494, %swap3A_495] {strides = array<i32>} : memref<32x128xf32, #tpu.memory_space<vmem>>, vector<1x16xf32>,
        %swap3A_497 = vector.shape_cast %swap3A_496 : vector<1x16xf32> to vector<16xf32>
        %swap3A_498 = vector.shape_cast %mul3A_493 : vector<16xf32> to vector<1x16xf32>
        tpu.vector_store %arg15[%swap3A_494, %swap3A_495], %swap3A_498 {strides = array<i32>} : memref<32x128xf32, #tpu.memory_space<vmem>>, vector<1x16xf32>,
        %mul3A_499 = arith.mulf %bitcast_convert_type3A_492, %gather3A_404 : vector<16xf32>
        %swap3A_500 = arith.index_cast %add3A_408 : i32 to index
        %swap3A_501 = arith.constant 112 : index
        %swap3A_502 = tpu.vector_load %arg15[%swap3A_500, %swap3A_501] {strides = array<i32>} : memref<32x128xf32, #tpu.memory_space<vmem>>, vector<1x16xf32>,
        %swap3A_503 = vector.shape_cast %swap3A_502 : vector<1x16xf32> to vector<16xf32>
        %swap3A_504 = vector.shape_cast %mul3A_499 : vector<16xf32> to vector<1x16xf32>
        tpu.vector_store %arg15[%swap3A_500, %swap3A_501], %swap3A_504 {strides = array<i32>} : memref<32x128xf32, #tpu.memory_space<vmem>>, vector<1x16xf32>,
        %broadcast_in_dim3A_505 = arith.constant 3 : i32
        %broadcast_in_dim3A_506 = vector.broadcast %broadcast_in_dim3A_505 : i32 to vector<16xi32>
        %lt3A_507 = arith.constant 0 : i32
        %lt3A_508 = vector.broadcast %lt3A_507 : i32 to vector<16xi32>
        %lt3A_509 = arith.cmpi slt, %broadcast_in_dim3A_506, %lt3A_508 : vector<16xi32>
        %add3A_510 = arith.constant 16 : i32
        %add3A_511 = vector.broadcast %add3A_510 : i32 to vector<16xi32>
        %add3A_512 = arith.addi %broadcast_in_dim3A_506, %add3A_511 : vector<16xi32>
        %select_n3A_513 = arith.select %lt3A_509, %add3A_512, %broadcast_in_dim3A_506 : vector<16xi1>, vector<16xi32>
        %reshape3A_514 = vector.shape_cast %select_n3A_513 : vector<16xi32> to vector<16x1xi32>
        %gather3A_515 = vector.shape_cast %reshape3A_514 : vector<16x1xi32> to vector<16xi32>
        %gather3A_516 = tpu.dynamic_gather %get3A_176[%gather3A_515] in [0] : vector<16xf32>, vector<16xi32> -> vector<16xf32>
        %mul3A_517 = arith.constant 16 : i32
        %mul3A_518 = arith.muli %scan3A_171, %mul3A_517 : i32
        %add3A_519 = arith.constant 3 : i32
        %add3A_520 = arith.addi %mul3A_518, %add3A_519 : i32
        %get3A_521 = arith.index_cast %add3A_520 : i32 to index
        %get3A_522 = arith.constant 0 : index
        %get3A_523 = tpu.vector_load %arg14[%get3A_521, %get3A_522] {strides = array<i32>} : memref<32x64xi32, #tpu.memory_space<vmem>>, vector<1x16xi32>,
        %get3A_524 = vector.shape_cast %get3A_523 : vector<1x16xi32> to vector<16xi32>
        %shift_left3A_525 = arith.constant 16 : i32
        %shift_left3A_526 = vector.broadcast %shift_left3A_525 : i32 to vector<16xi32>
        %shift_left3A_527 = arith.shli %get3A_524, %shift_left3A_526 : vector<16xi32>
        %bitcast_convert_type3A_528 = tpu.bitcast %shift_left3A_527 : vector<16xi32> -> vector<16xf32>
        %and3A_529 = arith.constant -65536 : i32
        %and3A_530 = vector.broadcast %and3A_529 : i32 to vector<16xi32>
        %and3A_531 = arith.andi %get3A_524, %and3A_530 : vector<16xi32>
        %bitcast_convert_type3A_532 = tpu.bitcast %and3A_531 : vector<16xi32> -> vector<16xf32>
        %mul3A_533 = arith.mulf %bitcast_convert_type3A_528, %gather3A_516 : vector<16xf32>
        %swap3A_534 = arith.index_cast %add3A_520 : i32 to index
        %swap3A_535 = arith.constant 0 : index
        %swap3A_536 = tpu.vector_load %arg15[%swap3A_534, %swap3A_535] {strides = array<i32>} : memref<32x128xf32, #tpu.memory_space<vmem>>, vector<1x16xf32>,
        %swap3A_537 = vector.shape_cast %swap3A_536 : vector<1x16xf32> to vector<16xf32>
        %swap3A_538 = vector.shape_cast %mul3A_533 : vector<16xf32> to vector<1x16xf32>
        tpu.vector_store %arg15[%swap3A_534, %swap3A_535], %swap3A_538 {strides = array<i32>} : memref<32x128xf32, #tpu.memory_space<vmem>>, vector<1x16xf32>,
        %mul3A_539 = arith.mulf %bitcast_convert_type3A_532, %gather3A_516 : vector<16xf32>
        %swap3A_540 = arith.index_cast %add3A_520 : i32 to index
        %swap3A_541 = arith.constant 64 : index
        %swap3A_542 = tpu.vector_load %arg15[%swap3A_540, %swap3A_541] {strides = array<i32>} : memref<32x128xf32, #tpu.memory_space<vmem>>, vector<1x16xf32>,
        %swap3A_543 = vector.shape_cast %swap3A_542 : vector<1x16xf32> to vector<16xf32>
        %swap3A_544 = vector.shape_cast %mul3A_539 : vector<16xf32> to vector<1x16xf32>
        tpu.vector_store %arg15[%swap3A_540, %swap3A_541], %swap3A_544 {strides = array<i32>} : memref<32x128xf32, #tpu.memory_space<vmem>>, vector<1x16xf32>,
        %get3A_545 = arith.index_cast %add3A_520 : i32 to index
        %get3A_546 = arith.constant 16 : index
        %get3A_547 = tpu.vector_load %arg14[%get3A_545, %get3A_546] {strides = array<i32>} : memref<32x64xi32, #tpu.memory_space<vmem>>, vector<1x16xi32>,
        %get3A_548 = vector.shape_cast %get3A_547 : vector<1x16xi32> to vector<16xi32>
        %shift_left3A_549 = arith.constant 16 : i32
        %shift_left3A_550 = vector.broadcast %shift_left3A_549 : i32 to vector<16xi32>
        %shift_left3A_551 = arith.shli %get3A_548, %shift_left3A_550 : vector<16xi32>
        %bitcast_convert_type3A_552 = tpu.bitcast %shift_left3A_551 : vector<16xi32> -> vector<16xf32>
        %and3A_553 = arith.constant -65536 : i32
        %and3A_554 = vector.broadcast %and3A_553 : i32 to vector<16xi32>
        %and3A_555 = arith.andi %get3A_548, %and3A_554 : vector<16xi32>
        %bitcast_convert_type3A_556 = tpu.bitcast %and3A_555 : vector<16xi32> -> vector<16xf32>
        %mul3A_557 = arith.mulf %bitcast_convert_type3A_552, %gather3A_516 : vector<16xf32>
        %swap3A_558 = arith.index_cast %add3A_520 : i32 to index
        %swap3A_559 = arith.constant 16 : index
        %swap3A_560 = tpu.vector_load %arg15[%swap3A_558, %swap3A_559] {strides = array<i32>} : memref<32x128xf32, #tpu.memory_space<vmem>>, vector<1x16xf32>,
        %swap3A_561 = vector.shape_cast %swap3A_560 : vector<1x16xf32> to vector<16xf32>
        %swap3A_562 = vector.shape_cast %mul3A_557 : vector<16xf32> to vector<1x16xf32>
        tpu.vector_store %arg15[%swap3A_558, %swap3A_559], %swap3A_562 {strides = array<i32>} : memref<32x128xf32, #tpu.memory_space<vmem>>, vector<1x16xf32>,
        %mul3A_563 = arith.mulf %bitcast_convert_type3A_556, %gather3A_516 : vector<16xf32>
        %swap3A_564 = arith.index_cast %add3A_520 : i32 to index
        %swap3A_565 = arith.constant 80 : index
        %swap3A_566 = tpu.vector_load %arg15[%swap3A_564, %swap3A_565] {strides = array<i32>} : memref<32x128xf32, #tpu.memory_space<vmem>>, vector<1x16xf32>,
        %swap3A_567 = vector.shape_cast %swap3A_566 : vector<1x16xf32> to vector<16xf32>
        %swap3A_568 = vector.shape_cast %mul3A_563 : vector<16xf32> to vector<1x16xf32>
        tpu.vector_store %arg15[%swap3A_564, %swap3A_565], %swap3A_568 {strides = array<i32>} : memref<32x128xf32, #tpu.memory_space<vmem>>, vector<1x16xf32>,
        %get3A_569 = arith.index_cast %add3A_520 : i32 to index
        %get3A_570 = arith.constant 32 : index
        %get3A_571 = tpu.vector_load %arg14[%get3A_569, %get3A_570] {strides = array<i32>} : memref<32x64xi32, #tpu.memory_space<vmem>>, vector<1x16xi32>,
        %get3A_572 = vector.shape_cast %get3A_571 : vector<1x16xi32> to vector<16xi32>
        %shift_left3A_573 = arith.constant 16 : i32
        %shift_left3A_574 = vector.broadcast %shift_left3A_573 : i32 to vector<16xi32>
        %shift_left3A_575 = arith.shli %get3A_572, %shift_left3A_574 : vector<16xi32>
        %bitcast_convert_type3A_576 = tpu.bitcast %shift_left3A_575 : vector<16xi32> -> vector<16xf32>
        %and3A_577 = arith.constant -65536 : i32
        %and3A_578 = vector.broadcast %and3A_577 : i32 to vector<16xi32>
        %and3A_579 = arith.andi %get3A_572, %and3A_578 : vector<16xi32>
        %bitcast_convert_type3A_580 = tpu.bitcast %and3A_579 : vector<16xi32> -> vector<16xf32>
        %mul3A_581 = arith.mulf %bitcast_convert_type3A_576, %gather3A_516 : vector<16xf32>
        %swap3A_582 = arith.index_cast %add3A_520 : i32 to index
        %swap3A_583 = arith.constant 32 : index
        %swap3A_584 = tpu.vector_load %arg15[%swap3A_582, %swap3A_583] {strides = array<i32>} : memref<32x128xf32, #tpu.memory_space<vmem>>, vector<1x16xf32>,
        %swap3A_585 = vector.shape_cast %swap3A_584 : vector<1x16xf32> to vector<16xf32>
        %swap3A_586 = vector.shape_cast %mul3A_581 : vector<16xf32> to vector<1x16xf32>
        tpu.vector_store %arg15[%swap3A_582, %swap3A_583], %swap3A_586 {strides = array<i32>} : memref<32x128xf32, #tpu.memory_space<vmem>>, vector<1x16xf32>,
        %mul3A_587 = arith.mulf %bitcast_convert_type3A_580, %gather3A_516 : vector<16xf32>
        %swap3A_588 = arith.index_cast %add3A_520 : i32 to index
        %swap3A_589 = arith.constant 96 : index
        %swap3A_590 = tpu.vector_load %arg15[%swap3A_588, %swap3A_589] {strides = array<i32>} : memref<32x128xf32, #tpu.memory_space<vmem>>, vector<1x16xf32>,
        %swap3A_591 = vector.shape_cast %swap3A_590 : vector<1x16xf32> to vector<16xf32>
        %swap3A_592 = vector.shape_cast %mul3A_587 : vector<16xf32> to vector<1x16xf32>
        tpu.vector_store %arg15[%swap3A_588, %swap3A_589], %swap3A_592 {strides = array<i32>} : memref<32x128xf32, #tpu.memory_space<vmem>>, vector<1x16xf32>,
        %get3A_593 = arith.index_cast %add3A_520 : i32 to index
        %get3A_594 = arith.constant 48 : index
        %get3A_595 = tpu.vector_load %arg14[%get3A_593, %get3A_594] {strides = array<i32>} : memref<32x64xi32, #tpu.memory_space<vmem>>, vector<1x16xi32>,
        %get3A_596 = vector.shape_cast %get3A_595 : vector<1x16xi32> to vector<16xi32>
        %shift_left3A_597 = arith.constant 16 : i32
        %shift_left3A_598 = vector.broadcast %shift_left3A_597 : i32 to vector<16xi32>
        %shift_left3A_599 = arith.shli %get3A_596, %shift_left3A_598 : vector<16xi32>
        %bitcast_convert_type3A_600 = tpu.bitcast %shift_left3A_599 : vector<16xi32> -> vector<16xf32>
        %and3A_601 = arith.constant -65536 : i32
        %and3A_602 = vector.broadcast %and3A_601 : i32 to vector<16xi32>
        %and3A_603 = arith.andi %get3A_596, %and3A_602 : vector<16xi32>
        %bitcast_convert_type3A_604 = tpu.bitcast %and3A_603 : vector<16xi32> -> vector<16xf32>
        %mul3A_605 = arith.mulf %bitcast_convert_type3A_600, %gather3A_516 : vector<16xf32>
        %swap3A_606 = arith.index_cast %add3A_520 : i32 to index
        %swap3A_607 = arith.constant 48 : index
        %swap3A_608 = tpu.vector_load %arg15[%swap3A_606, %swap3A_607] {strides = array<i32>} : memref<32x128xf32, #tpu.memory_space<vmem>>, vector<1x16xf32>,
        %swap3A_609 = vector.shape_cast %swap3A_608 : vector<1x16xf32> to vector<16xf32>
        %swap3A_610 = vector.shape_cast %mul3A_605 : vector<16xf32> to vector<1x16xf32>
        tpu.vector_store %arg15[%swap3A_606, %swap3A_607], %swap3A_610 {strides = array<i32>} : memref<32x128xf32, #tpu.memory_space<vmem>>, vector<1x16xf32>,
        %mul3A_611 = arith.mulf %bitcast_convert_type3A_604, %gather3A_516 : vector<16xf32>
        %swap3A_612 = arith.index_cast %add3A_520 : i32 to index
        %swap3A_613 = arith.constant 112 : index
        %swap3A_614 = tpu.vector_load %arg15[%swap3A_612, %swap3A_613] {strides = array<i32>} : memref<32x128xf32, #tpu.memory_space<vmem>>, vector<1x16xf32>,
        %swap3A_615 = vector.shape_cast %swap3A_614 : vector<1x16xf32> to vector<16xf32>
        %swap3A_616 = vector.shape_cast %mul3A_611 : vector<16xf32> to vector<1x16xf32>
        tpu.vector_store %arg15[%swap3A_612, %swap3A_613], %swap3A_616 {strides = array<i32>} : memref<32x128xf32, #tpu.memory_space<vmem>>, vector<1x16xf32>,
        %broadcast_in_dim3A_617 = arith.constant 4 : i32
        %broadcast_in_dim3A_618 = vector.broadcast %broadcast_in_dim3A_617 : i32 to vector<16xi32>
        %lt3A_619 = arith.constant 0 : i32
        %lt3A_620 = vector.broadcast %lt3A_619 : i32 to vector<16xi32>
        %lt3A_621 = arith.cmpi slt, %broadcast_in_dim3A_618, %lt3A_620 : vector<16xi32>
        %add3A_622 = arith.constant 16 : i32
        %add3A_623 = vector.broadcast %add3A_622 : i32 to vector<16xi32>
        %add3A_624 = arith.addi %broadcast_in_dim3A_618, %add3A_623 : vector<16xi32>
        %select_n3A_625 = arith.select %lt3A_621, %add3A_624, %broadcast_in_dim3A_618 : vector<16xi1>, vector<16xi32>
        %reshape3A_626 = vector.shape_cast %select_n3A_625 : vector<16xi32> to vector<16x1xi32>
        %gather3A_627 = vector.shape_cast %reshape3A_626 : vector<16x1xi32> to vector<16xi32>
        %gather3A_628 = tpu.dynamic_gather %get3A_176[%gather3A_627] in [0] : vector<16xf32>, vector<16xi32> -> vector<16xf32>
        %mul3A_629 = arith.constant 16 : i32
        %mul3A_630 = arith.muli %scan3A_171, %mul3A_629 : i32
        %add3A_631 = arith.constant 4 : i32
        %add3A_632 = arith.addi %mul3A_630, %add3A_631 : i32
        %get3A_633 = arith.index_cast %add3A_632 : i32 to index
        %get3A_634 = arith.constant 0 : index
        %get3A_635 = tpu.vector_load %arg14[%get3A_633, %get3A_634] {strides = array<i32>} : memref<32x64xi32, #tpu.memory_space<vmem>>, vector<1x16xi32>,
        %get3A_636 = vector.shape_cast %get3A_635 : vector<1x16xi32> to vector<16xi32>
        %shift_left3A_637 = arith.constant 16 : i32
        %shift_left3A_638 = vector.broadcast %shift_left3A_637 : i32 to vector<16xi32>
        %shift_left3A_639 = arith.shli %get3A_636, %shift_left3A_638 : vector<16xi32>
        %bitcast_convert_type3A_640 = tpu.bitcast %shift_left3A_639 : vector<16xi32> -> vector<16xf32>
        %and3A_641 = arith.constant -65536 : i32
        %and3A_642 = vector.broadcast %and3A_641 : i32 to vector<16xi32>
        %and3A_643 = arith.andi %get3A_636, %and3A_642 : vector<16xi32>
        %bitcast_convert_type3A_644 = tpu.bitcast %and3A_643 : vector<16xi32> -> vector<16xf32>
        %mul3A_645 = arith.mulf %bitcast_convert_type3A_640, %gather3A_628 : vector<16xf32>
        %swap3A_646 = arith.index_cast %add3A_632 : i32 to index
        %swap3A_647 = arith.constant 0 : index
        %swap3A_648 = tpu.vector_load %arg15[%swap3A_646, %swap3A_647] {strides = array<i32>} : memref<32x128xf32, #tpu.memory_space<vmem>>, vector<1x16xf32>,
        %swap3A_649 = vector.shape_cast %swap3A_648 : vector<1x16xf32> to vector<16xf32>
        %swap3A_650 = vector.shape_cast %mul3A_645 : vector<16xf32> to vector<1x16xf32>
        tpu.vector_store %arg15[%swap3A_646, %swap3A_647], %swap3A_650 {strides = array<i32>} : memref<32x128xf32, #tpu.memory_space<vmem>>, vector<1x16xf32>,
        %mul3A_651 = arith.mulf %bitcast_convert_type3A_644, %gather3A_628 : vector<16xf32>
        %swap3A_652 = arith.index_cast %add3A_632 : i32 to index
        %swap3A_653 = arith.constant 64 : index
        %swap3A_654 = tpu.vector_load %arg15[%swap3A_652, %swap3A_653] {strides = array<i32>} : memref<32x128xf32, #tpu.memory_space<vmem>>, vector<1x16xf32>,
        %swap3A_655 = vector.shape_cast %swap3A_654 : vector<1x16xf32> to vector<16xf32>
        %swap3A_656 = vector.shape_cast %mul3A_651 : vector<16xf32> to vector<1x16xf32>
        tpu.vector_store %arg15[%swap3A_652, %swap3A_653], %swap3A_656 {strides = array<i32>} : memref<32x128xf32, #tpu.memory_space<vmem>>, vector<1x16xf32>,
        %get3A_657 = arith.index_cast %add3A_632 : i32 to index
        %get3A_658 = arith.constant 16 : index
        %get3A_659 = tpu.vector_load %arg14[%get3A_657, %get3A_658] {strides = array<i32>} : memref<32x64xi32, #tpu.memory_space<vmem>>, vector<1x16xi32>,
        %get3A_660 = vector.shape_cast %get3A_659 : vector<1x16xi32> to vector<16xi32>
        %shift_left3A_661 = arith.constant 16 : i32
        %shift_left3A_662 = vector.broadcast %shift_left3A_661 : i32 to vector<16xi32>
        %shift_left3A_663 = arith.shli %get3A_660, %shift_left3A_662 : vector<16xi32>
        %bitcast_convert_type3A_664 = tpu.bitcast %shift_left3A_663 : vector<16xi32> -> vector<16xf32>
        %and3A_665 = arith.constant -65536 : i32
        %and3A_666 = vector.broadcast %and3A_665 : i32 to vector<16xi32>
        %and3A_667 = arith.andi %get3A_660, %and3A_666 : vector<16xi32>
        %bitcast_convert_type3A_668 = tpu.bitcast %and3A_667 : vector<16xi32> -> vector<16xf32>
        %mul3A_669 = arith.mulf %bitcast_convert_type3A_664, %gather3A_628 : vector<16xf32>
        %swap3A_670 = arith.index_cast %add3A_632 : i32 to index
        %swap3A_671 = arith.constant 16 : index
        %swap3A_672 = tpu.vector_load %arg15[%swap3A_670, %swap3A_671] {strides = array<i32>} : memref<32x128xf32, #tpu.memory_space<vmem>>, vector<1x16xf32>,
        %swap3A_673 = vector.shape_cast %swap3A_672 : vector<1x16xf32> to vector<16xf32>
        %swap3A_674 = vector.shape_cast %mul3A_669 : vector<16xf32> to vector<1x16xf32>
        tpu.vector_store %arg15[%swap3A_670, %swap3A_671], %swap3A_674 {strides = array<i32>} : memref<32x128xf32, #tpu.memory_space<vmem>>, vector<1x16xf32>,
        %mul3A_675 = arith.mulf %bitcast_convert_type3A_668, %gather3A_628 : vector<16xf32>
        %swap3A_676 = arith.index_cast %add3A_632 : i32 to index
        %swap3A_677 = arith.constant 80 : index
        %swap3A_678 = tpu.vector_load %arg15[%swap3A_676, %swap3A_677] {strides = array<i32>} : memref<32x128xf32, #tpu.memory_space<vmem>>, vector<1x16xf32>,
        %swap3A_679 = vector.shape_cast %swap3A_678 : vector<1x16xf32> to vector<16xf32>
        %swap3A_680 = vector.shape_cast %mul3A_675 : vector<16xf32> to vector<1x16xf32>
        tpu.vector_store %arg15[%swap3A_676, %swap3A_677], %swap3A_680 {strides = array<i32>} : memref<32x128xf32, #tpu.memory_space<vmem>>, vector<1x16xf32>,
        %get3A_681 = arith.index_cast %add3A_632 : i32 to index
        %get3A_682 = arith.constant 32 : index
        %get3A_683 = tpu.vector_load %arg14[%get3A_681, %get3A_682] {strides = array<i32>} : memref<32x64xi32, #tpu.memory_space<vmem>>, vector<1x16xi32>,
        %get3A_684 = vector.shape_cast %get3A_683 : vector<1x16xi32> to vector<16xi32>
        %shift_left3A_685 = arith.constant 16 : i32
        %shift_left3A_686 = vector.broadcast %shift_left3A_685 : i32 to vector<16xi32>
        %shift_left3A_687 = arith.shli %get3A_684, %shift_left3A_686 : vector<16xi32>
        %bitcast_convert_type3A_688 = tpu.bitcast %shift_left3A_687 : vector<16xi32> -> vector<16xf32>
        %and3A_689 = arith.constant -65536 : i32
        %and3A_690 = vector.broadcast %and3A_689 : i32 to vector<16xi32>
        %and3A_691 = arith.andi %get3A_684, %and3A_690 : vector<16xi32>
        %bitcast_convert_type3A_692 = tpu.bitcast %and3A_691 : vector<16xi32> -> vector<16xf32>
        %mul3A_693 = arith.mulf %bitcast_convert_type3A_688, %gather3A_628 : vector<16xf32>
        %swap3A_694 = arith.index_cast %add3A_632 : i32 to index
        %swap3A_695 = arith.constant 32 : index
        %swap3A_696 = tpu.vector_load %arg15[%swap3A_694, %swap3A_695] {strides = array<i32>} : memref<32x128xf32, #tpu.memory_space<vmem>>, vector<1x16xf32>,
        %swap3A_697 = vector.shape_cast %swap3A_696 : vector<1x16xf32> to vector<16xf32>
        %swap3A_698 = vector.shape_cast %mul3A_693 : vector<16xf32> to vector<1x16xf32>
        tpu.vector_store %arg15[%swap3A_694, %swap3A_695], %swap3A_698 {strides = array<i32>} : memref<32x128xf32, #tpu.memory_space<vmem>>, vector<1x16xf32>,
        %mul3A_699 = arith.mulf %bitcast_convert_type3A_692, %gather3A_628 : vector<16xf32>
        %swap3A_700 = arith.index_cast %add3A_632 : i32 to index
        %swap3A_701 = arith.constant 96 : index
        %swap3A_702 = tpu.vector_load %arg15[%swap3A_700, %swap3A_701] {strides = array<i32>} : memref<32x128xf32, #tpu.memory_space<vmem>>, vector<1x16xf32>,
        %swap3A_703 = vector.shape_cast %swap3A_702 : vector<1x16xf32> to vector<16xf32>
        %swap3A_704 = vector.shape_cast %mul3A_699 : vector<16xf32> to vector<1x16xf32>
        tpu.vector_store %arg15[%swap3A_700, %swap3A_701], %swap3A_704 {strides = array<i32>} : memref<32x128xf32, #tpu.memory_space<vmem>>, vector<1x16xf32>,
        %get3A_705 = arith.index_cast %add3A_632 : i32 to index
        %get3A_706 = arith.constant 48 : index
        %get3A_707 = tpu.vector_load %arg14[%get3A_705, %get3A_706] {strides = array<i32>} : memref<32x64xi32, #tpu.memory_space<vmem>>, vector<1x16xi32>,
        %get3A_708 = vector.shape_cast %get3A_707 : vector<1x16xi32> to vector<16xi32>
        %shift_left3A_709 = arith.constant 16 : i32
        %shift_left3A_710 = vector.broadcast %shift_left3A_709 : i32 to vector<16xi32>
        %shift_left3A_711 = arith.shli %get3A_708, %shift_left3A_710 : vector<16xi32>
        %bitcast_convert_type3A_712 = tpu.bitcast %shift_left3A_711 : vector<16xi32> -> vector<16xf32>
        %and3A_713 = arith.constant -65536 : i32
        %and3A_714 = vector.broadcast %and3A_713 : i32 to vector<16xi32>
        %and3A_715 = arith.andi %get3A_708, %and3A_714 : vector<16xi32>
        %bitcast_convert_type3A_716 = tpu.bitcast %and3A_715 : vector<16xi32> -> vector<16xf32>
        %mul3A_717 = arith.mulf %bitcast_convert_type3A_712, %gather3A_628 : vector<16xf32>
        %swap3A_718 = arith.index_cast %add3A_632 : i32 to index
        %swap3A_719 = arith.constant 48 : index
        %swap3A_720 = tpu.vector_load %arg15[%swap3A_718, %swap3A_719] {strides = array<i32>} : memref<32x128xf32, #tpu.memory_space<vmem>>, vector<1x16xf32>,
        %swap3A_721 = vector.shape_cast %swap3A_720 : vector<1x16xf32> to vector<16xf32>
        %swap3A_722 = vector.shape_cast %mul3A_717 : vector<16xf32> to vector<1x16xf32>
        tpu.vector_store %arg15[%swap3A_718, %swap3A_719], %swap3A_722 {strides = array<i32>} : memref<32x128xf32, #tpu.memory_space<vmem>>, vector<1x16xf32>,
        %mul3A_723 = arith.mulf %bitcast_convert_type3A_716, %gather3A_628 : vector<16xf32>
        %swap3A_724 = arith.index_cast %add3A_632 : i32 to index
        %swap3A_725 = arith.constant 112 : index
        %swap3A_726 = tpu.vector_load %arg15[%swap3A_724, %swap3A_725] {strides = array<i32>} : memref<32x128xf32, #tpu.memory_space<vmem>>, vector<1x16xf32>,
        %swap3A_727 = vector.shape_cast %swap3A_726 : vector<1x16xf32> to vector<16xf32>
        %swap3A_728 = vector.shape_cast %mul3A_723 : vector<16xf32> to vector<1x16xf32>
        tpu.vector_store %arg15[%swap3A_724, %swap3A_725], %swap3A_728 {strides = array<i32>} : memref<32x128xf32, #tpu.memory_space<vmem>>, vector<1x16xf32>,
        %broadcast_in_dim3A_729 = arith.constant 5 : i32
        %broadcast_in_dim3A_730 = vector.broadcast %broadcast_in_dim3A_729 : i32 to vector<16xi32>
        %lt3A_731 = arith.constant 0 : i32
        %lt3A_732 = vector.broadcast %lt3A_731 : i32 to vector<16xi32>
        %lt3A_733 = arith.cmpi slt, %broadcast_in_dim3A_730, %lt3A_732 : vector<16xi32>
        %add3A_734 = arith.constant 16 : i32
        %add3A_735 = vector.broadcast %add3A_734 : i32 to vector<16xi32>
        %add3A_736 = arith.addi %broadcast_in_dim3A_730, %add3A_735 : vector<16xi32>
        %select_n3A_737 = arith.select %lt3A_733, %add3A_736, %broadcast_in_dim3A_730 : vector<16xi1>, vector<16xi32>
        %reshape3A_738 = vector.shape_cast %select_n3A_737 : vector<16xi32> to vector<16x1xi32>
        %gather3A_739 = vector.shape_cast %reshape3A_738 : vector<16x1xi32> to vector<16xi32>
        %gather3A_740 = tpu.dynamic_gather %get3A_176[%gather3A_739] in [0] : vector<16xf32>, vector<16xi32> -> vector<16xf32>
        %mul3A_741 = arith.constant 16 : i32
        %mul3A_742 = arith.muli %scan3A_171, %mul3A_741 : i32
        %add3A_743 = arith.constant 5 : i32
        %add3A_744 = arith.addi %mul3A_742, %add3A_743 : i32
        %get3A_745 = arith.index_cast %add3A_744 : i32 to index
        %get3A_746 = arith.constant 0 : index
        %get3A_747 = tpu.vector_load %arg14[%get3A_745, %get3A_746] {strides = array<i32>} : memref<32x64xi32, #tpu.memory_space<vmem>>, vector<1x16xi32>,
        %get3A_748 = vector.shape_cast %get3A_747 : vector<1x16xi32> to vector<16xi32>
        %shift_left3A_749 = arith.constant 16 : i32
        %shift_left3A_750 = vector.broadcast %shift_left3A_749 : i32 to vector<16xi32>
        %shift_left3A_751 = arith.shli %get3A_748, %shift_left3A_750 : vector<16xi32>
        %bitcast_convert_type3A_752 = tpu.bitcast %shift_left3A_751 : vector<16xi32> -> vector<16xf32>
        %and3A_753 = arith.constant -65536 : i32
        %and3A_754 = vector.broadcast %and3A_753 : i32 to vector<16xi32>
        %and3A_755 = arith.andi %get3A_748, %and3A_754 : vector<16xi32>
        %bitcast_convert_type3A_756 = tpu.bitcast %and3A_755 : vector<16xi32> -> vector<16xf32>
        %mul3A_757 = arith.mulf %bitcast_convert_type3A_752, %gather3A_740 : vector<16xf32>
        %swap3A_758 = arith.index_cast %add3A_744 : i32 to index
        %swap3A_759 = arith.constant 0 : index
        %swap3A_760 = tpu.vector_load %arg15[%swap3A_758, %swap3A_759] {strides = array<i32>} : memref<32x128xf32, #tpu.memory_space<vmem>>, vector<1x16xf32>,
        %swap3A_761 = vector.shape_cast %swap3A_760 : vector<1x16xf32> to vector<16xf32>
        %swap3A_762 = vector.shape_cast %mul3A_757 : vector<16xf32> to vector<1x16xf32>
        tpu.vector_store %arg15[%swap3A_758, %swap3A_759], %swap3A_762 {strides = array<i32>} : memref<32x128xf32, #tpu.memory_space<vmem>>, vector<1x16xf32>,
        %mul3A_763 = arith.mulf %bitcast_convert_type3A_756, %gather3A_740 : vector<16xf32>
        %swap3A_764 = arith.index_cast %add3A_744 : i32 to index
        %swap3A_765 = arith.constant 64 : index
        %swap3A_766 = tpu.vector_load %arg15[%swap3A_764, %swap3A_765] {strides = array<i32>} : memref<32x128xf32, #tpu.memory_space<vmem>>, vector<1x16xf32>,
        %swap3A_767 = vector.shape_cast %swap3A_766 : vector<1x16xf32> to vector<16xf32>
        %swap3A_768 = vector.shape_cast %mul3A_763 : vector<16xf32> to vector<1x16xf32>
        tpu.vector_store %arg15[%swap3A_764, %swap3A_765], %swap3A_768 {strides = array<i32>} : memref<32x128xf32, #tpu.memory_space<vmem>>, vector<1x16xf32>,
        %get3A_769 = arith.index_cast %add3A_744 : i32 to index
        %get3A_770 = arith.constant 16 : index
        %get3A_771 = tpu.vector_load %arg14[%get3A_769, %get3A_770] {strides = array<i32>} : memref<32x64xi32, #tpu.memory_space<vmem>>, vector<1x16xi32>,
        %get3A_772 = vector.shape_cast %get3A_771 : vector<1x16xi32> to vector<16xi32>
        %shift_left3A_773 = arith.constant 16 : i32
        %shift_left3A_774 = vector.broadcast %shift_left3A_773 : i32 to vector<16xi32>
        %shift_left3A_775 = arith.shli %get3A_772, %shift_left3A_774 : vector<16xi32>
        %bitcast_convert_type3A_776 = tpu.bitcast %shift_left3A_775 : vector<16xi32> -> vector<16xf32>
        %and3A_777 = arith.constant -65536 : i32
        %and3A_778 = vector.broadcast %and3A_777 : i32 to vector<16xi32>
        %and3A_779 = arith.andi %get3A_772, %and3A_778 : vector<16xi32>
        %bitcast_convert_type3A_780 = tpu.bitcast %and3A_779 : vector<16xi32> -> vector<16xf32>
        %mul3A_781 = arith.mulf %bitcast_convert_type3A_776, %gather3A_740 : vector<16xf32>
        %swap3A_782 = arith.index_cast %add3A_744 : i32 to index
        %swap3A_783 = arith.constant 16 : index
        %swap3A_784 = tpu.vector_load %arg15[%swap3A_782, %swap3A_783] {strides = array<i32>} : memref<32x128xf32, #tpu.memory_space<vmem>>, vector<1x16xf32>,
        %swap3A_785 = vector.shape_cast %swap3A_784 : vector<1x16xf32> to vector<16xf32>
        %swap3A_786 = vector.shape_cast %mul3A_781 : vector<16xf32> to vector<1x16xf32>
        tpu.vector_store %arg15[%swap3A_782, %swap3A_783], %swap3A_786 {strides = array<i32>} : memref<32x128xf32, #tpu.memory_space<vmem>>, vector<1x16xf32>,
        %mul3A_787 = arith.mulf %bitcast_convert_type3A_780, %gather3A_740 : vector<16xf32>
        %swap3A_788 = arith.index_cast %add3A_744 : i32 to index
        %swap3A_789 = arith.constant 80 : index
        %swap3A_790 = tpu.vector_load %arg15[%swap3A_788, %swap3A_789] {strides = array<i32>} : memref<32x128xf32, #tpu.memory_space<vmem>>, vector<1x16xf32>,
        %swap3A_791 = vector.shape_cast %swap3A_790 : vector<1x16xf32> to vector<16xf32>
        %swap3A_792 = vector.shape_cast %mul3A_787 : vector<16xf32> to vector<1x16xf32>
        tpu.vector_store %arg15[%swap3A_788, %swap3A_789], %swap3A_792 {strides = array<i32>} : memref<32x128xf32, #tpu.memory_space<vmem>>, vector<1x16xf32>,
        %get3A_793 = arith.index_cast %add3A_744 : i32 to index
        %get3A_794 = arith.constant 32 : index
        %get3A_795 = tpu.vector_load %arg14[%get3A_793, %get3A_794] {strides = array<i32>} : memref<32x64xi32, #tpu.memory_space<vmem>>, vector<1x16xi32>,
        %get3A_796 = vector.shape_cast %get3A_795 : vector<1x16xi32> to vector<16xi32>
        %shift_left3A_797 = arith.constant 16 : i32
        %shift_left3A_798 = vector.broadcast %shift_left3A_797 : i32 to vector<16xi32>
        %shift_left3A_799 = arith.shli %get3A_796, %shift_left3A_798 : vector<16xi32>
        %bitcast_convert_type3A_800 = tpu.bitcast %shift_left3A_799 : vector<16xi32> -> vector<16xf32>
        %and3A_801 = arith.constant -65536 : i32
        %and3A_802 = vector.broadcast %and3A_801 : i32 to vector<16xi32>
        %and3A_803 = arith.andi %get3A_796, %and3A_802 : vector<16xi32>
        %bitcast_convert_type3A_804 = tpu.bitcast %and3A_803 : vector<16xi32> -> vector<16xf32>
        %mul3A_805 = arith.mulf %bitcast_convert_type3A_800, %gather3A_740 : vector<16xf32>
        %swap3A_806 = arith.index_cast %add3A_744 : i32 to index
        %swap3A_807 = arith.constant 32 : index
        %swap3A_808 = tpu.vector_load %arg15[%swap3A_806, %swap3A_807] {strides = array<i32>} : memref<32x128xf32, #tpu.memory_space<vmem>>, vector<1x16xf32>,
        %swap3A_809 = vector.shape_cast %swap3A_808 : vector<1x16xf32> to vector<16xf32>
        %swap3A_810 = vector.shape_cast %mul3A_805 : vector<16xf32> to vector<1x16xf32>
        tpu.vector_store %arg15[%swap3A_806, %swap3A_807], %swap3A_810 {strides = array<i32>} : memref<32x128xf32, #tpu.memory_space<vmem>>, vector<1x16xf32>,
        %mul3A_811 = arith.mulf %bitcast_convert_type3A_804, %gather3A_740 : vector<16xf32>
        %swap3A_812 = arith.index_cast %add3A_744 : i32 to index
        %swap3A_813 = arith.constant 96 : index
        %swap3A_814 = tpu.vector_load %arg15[%swap3A_812, %swap3A_813] {strides = array<i32>} : memref<32x128xf32, #tpu.memory_space<vmem>>, vector<1x16xf32>,
        %swap3A_815 = vector.shape_cast %swap3A_814 : vector<1x16xf32> to vector<16xf32>
        %swap3A_816 = vector.shape_cast %mul3A_811 : vector<16xf32> to vector<1x16xf32>
        tpu.vector_store %arg15[%swap3A_812, %swap3A_813], %swap3A_816 {strides = array<i32>} : memref<32x128xf32, #tpu.memory_space<vmem>>, vector<1x16xf32>,
        %get3A_817 = arith.index_cast %add3A_744 : i32 to index
        %get3A_818 = arith.constant 48 : index
        %get3A_819 = tpu.vector_load %arg14[%get3A_817, %get3A_818] {strides = array<i32>} : memref<32x64xi32, #tpu.memory_space<vmem>>, vector<1x16xi32>,
        %get3A_820 = vector.shape_cast %get3A_819 : vector<1x16xi32> to vector<16xi32>
        %shift_left3A_821 = arith.constant 16 : i32
        %shift_left3A_822 = vector.broadcast %shift_left3A_821 : i32 to vector<16xi32>
        %shift_left3A_823 = arith.shli %get3A_820, %shift_left3A_822 : vector<16xi32>
        %bitcast_convert_type3A_824 = tpu.bitcast %shift_left3A_823 : vector<16xi32> -> vector<16xf32>
        %and3A_825 = arith.constant -65536 : i32
        %and3A_826 = vector.broadcast %and3A_825 : i32 to vector<16xi32>
        %and3A_827 = arith.andi %get3A_820, %and3A_826 : vector<16xi32>
        %bitcast_convert_type3A_828 = tpu.bitcast %and3A_827 : vector<16xi32> -> vector<16xf32>
        %mul3A_829 = arith.mulf %bitcast_convert_type3A_824, %gather3A_740 : vector<16xf32>
        %swap3A_830 = arith.index_cast %add3A_744 : i32 to index
        %swap3A_831 = arith.constant 48 : index
        %swap3A_832 = tpu.vector_load %arg15[%swap3A_830, %swap3A_831] {strides = array<i32>} : memref<32x128xf32, #tpu.memory_space<vmem>>, vector<1x16xf32>,
        %swap3A_833 = vector.shape_cast %swap3A_832 : vector<1x16xf32> to vector<16xf32>
        %swap3A_834 = vector.shape_cast %mul3A_829 : vector<16xf32> to vector<1x16xf32>
        tpu.vector_store %arg15[%swap3A_830, %swap3A_831], %swap3A_834 {strides = array<i32>} : memref<32x128xf32, #tpu.memory_space<vmem>>, vector<1x16xf32>,
        %mul3A_835 = arith.mulf %bitcast_convert_type3A_828, %gather3A_740 : vector<16xf32>
        %swap3A_836 = arith.index_cast %add3A_744 : i32 to index
        %swap3A_837 = arith.constant 112 : index
        %swap3A_838 = tpu.vector_load %arg15[%swap3A_836, %swap3A_837] {strides = array<i32>} : memref<32x128xf32, #tpu.memory_space<vmem>>, vector<1x16xf32>,
        %swap3A_839 = vector.shape_cast %swap3A_838 : vector<1x16xf32> to vector<16xf32>
        %swap3A_840 = vector.shape_cast %mul3A_835 : vector<16xf32> to vector<1x16xf32>
        tpu.vector_store %arg15[%swap3A_836, %swap3A_837], %swap3A_840 {strides = array<i32>} : memref<32x128xf32, #tpu.memory_space<vmem>>, vector<1x16xf32>,
        %broadcast_in_dim3A_841 = arith.constant 6 : i32
        %broadcast_in_dim3A_842 = vector.broadcast %broadcast_in_dim3A_841 : i32 to vector<16xi32>
        %lt3A_843 = arith.constant 0 : i32
        %lt3A_844 = vector.broadcast %lt3A_843 : i32 to vector<16xi32>
        %lt3A_845 = arith.cmpi slt, %broadcast_in_dim3A_842, %lt3A_844 : vector<16xi32>
        %add3A_846 = arith.constant 16 : i32
        %add3A_847 = vector.broadcast %add3A_846 : i32 to vector<16xi32>
        %add3A_848 = arith.addi %broadcast_in_dim3A_842, %add3A_847 : vector<16xi32>
        %select_n3A_849 = arith.select %lt3A_845, %add3A_848, %broadcast_in_dim3A_842 : vector<16xi1>, vector<16xi32>
        %reshape3A_850 = vector.shape_cast %select_n3A_849 : vector<16xi32> to vector<16x1xi32>
        %gather3A_851 = vector.shape_cast %reshape3A_850 : vector<16x1xi32> to vector<16xi32>
        %gather3A_852 = tpu.dynamic_gather %get3A_176[%gather3A_851] in [0] : vector<16xf32>, vector<16xi32> -> vector<16xf32>
        %mul3A_853 = arith.constant 16 : i32
        %mul3A_854 = arith.muli %scan3A_171, %mul3A_853 : i32
        %add3A_855 = arith.constant 6 : i32
        %add3A_856 = arith.addi %mul3A_854, %add3A_855 : i32
        %get3A_857 = arith.index_cast %add3A_856 : i32 to index
        %get3A_858 = arith.constant 0 : index
        %get3A_859 = tpu.vector_load %arg14[%get3A_857, %get3A_858] {strides = array<i32>} : memref<32x64xi32, #tpu.memory_space<vmem>>, vector<1x16xi32>,
        %get3A_860 = vector.shape_cast %get3A_859 : vector<1x16xi32> to vector<16xi32>
        %shift_left3A_861 = arith.constant 16 : i32
        %shift_left3A_862 = vector.broadcast %shift_left3A_861 : i32 to vector<16xi32>
        %shift_left3A_863 = arith.shli %get3A_860, %shift_left3A_862 : vector<16xi32>
        %bitcast_convert_type3A_864 = tpu.bitcast %shift_left3A_863 : vector<16xi32> -> vector<16xf32>
        %and3A_865 = arith.constant -65536 : i32
        %and3A_866 = vector.broadcast %and3A_865 : i32 to vector<16xi32>
        %and3A_867 = arith.andi %get3A_860, %and3A_866 : vector<16xi32>
        %bitcast_convert_type3A_868 = tpu.bitcast %and3A_867 : vector<16xi32> -> vector<16xf32>
        %mul3A_869 = arith.mulf %bitcast_convert_type3A_864, %gather3A_852 : vector<16xf32>
        %swap3A_870 = arith.index_cast %add3A_856 : i32 to index
        %swap3A_871 = arith.constant 0 : index
        %swap3A_872 = tpu.vector_load %arg15[%swap3A_870, %swap3A_871] {strides = array<i32>} : memref<32x128xf32, #tpu.memory_space<vmem>>, vector<1x16xf32>,
        %swap3A_873 = vector.shape_cast %swap3A_872 : vector<1x16xf32> to vector<16xf32>
        %swap3A_874 = vector.shape_cast %mul3A_869 : vector<16xf32> to vector<1x16xf32>
        tpu.vector_store %arg15[%swap3A_870, %swap3A_871], %swap3A_874 {strides = array<i32>} : memref<32x128xf32, #tpu.memory_space<vmem>>, vector<1x16xf32>,
        %mul3A_875 = arith.mulf %bitcast_convert_type3A_868, %gather3A_852 : vector<16xf32>
        %swap3A_876 = arith.index_cast %add3A_856 : i32 to index
        %swap3A_877 = arith.constant 64 : index
        %swap3A_878 = tpu.vector_load %arg15[%swap3A_876, %swap3A_877] {strides = array<i32>} : memref<32x128xf32, #tpu.memory_space<vmem>>, vector<1x16xf32>,
        %swap3A_879 = vector.shape_cast %swap3A_878 : vector<1x16xf32> to vector<16xf32>
        %swap3A_880 = vector.shape_cast %mul3A_875 : vector<16xf32> to vector<1x16xf32>
        tpu.vector_store %arg15[%swap3A_876, %swap3A_877], %swap3A_880 {strides = array<i32>} : memref<32x128xf32, #tpu.memory_space<vmem>>, vector<1x16xf32>,
        %get3A_881 = arith.index_cast %add3A_856 : i32 to index
        %get3A_882 = arith.constant 16 : index
        %get3A_883 = tpu.vector_load %arg14[%get3A_881, %get3A_882] {strides = array<i32>} : memref<32x64xi32, #tpu.memory_space<vmem>>, vector<1x16xi32>,
        %get3A_884 = vector.shape_cast %get3A_883 : vector<1x16xi32> to vector<16xi32>
        %shift_left3A_885 = arith.constant 16 : i32
        %shift_left3A_886 = vector.broadcast %shift_left3A_885 : i32 to vector<16xi32>
        %shift_left3A_887 = arith.shli %get3A_884, %shift_left3A_886 : vector<16xi32>
        %bitcast_convert_type3A_888 = tpu.bitcast %shift_left3A_887 : vector<16xi32> -> vector<16xf32>
        %and3A_889 = arith.constant -65536 : i32
        %and3A_890 = vector.broadcast %and3A_889 : i32 to vector<16xi32>
        %and3A_891 = arith.andi %get3A_884, %and3A_890 : vector<16xi32>
        %bitcast_convert_type3A_892 = tpu.bitcast %and3A_891 : vector<16xi32> -> vector<16xf32>
        %mul3A_893 = arith.mulf %bitcast_convert_type3A_888, %gather3A_852 : vector<16xf32>
        %swap3A_894 = arith.index_cast %add3A_856 : i32 to index
        %swap3A_895 = arith.constant 16 : index
        %swap3A_896 = tpu.vector_load %arg15[%swap3A_894, %swap3A_895] {strides = array<i32>} : memref<32x128xf32, #tpu.memory_space<vmem>>, vector<1x16xf32>,
        %swap3A_897 = vector.shape_cast %swap3A_896 : vector<1x16xf32> to vector<16xf32>
        %swap3A_898 = vector.shape_cast %mul3A_893 : vector<16xf32> to vector<1x16xf32>
        tpu.vector_store %arg15[%swap3A_894, %swap3A_895], %swap3A_898 {strides = array<i32>} : memref<32x128xf32, #tpu.memory_space<vmem>>, vector<1x16xf32>,
        %mul3A_899 = arith.mulf %bitcast_convert_type3A_892, %gather3A_852 : vector<16xf32>
        %swap3A_900 = arith.index_cast %add3A_856 : i32 to index
        %swap3A_901 = arith.constant 80 : index
        %swap3A_902 = tpu.vector_load %arg15[%swap3A_900, %swap3A_901] {strides = array<i32>} : memref<32x128xf32, #tpu.memory_space<vmem>>, vector<1x16xf32>,
        %swap3A_903 = vector.shape_cast %swap3A_902 : vector<1x16xf32> to vector<16xf32>
        %swap3A_904 = vector.shape_cast %mul3A_899 : vector<16xf32> to vector<1x16xf32>
        tpu.vector_store %arg15[%swap3A_900, %swap3A_901], %swap3A_904 {strides = array<i32>} : memref<32x128xf32, #tpu.memory_space<vmem>>, vector<1x16xf32>,
        %get3A_905 = arith.index_cast %add3A_856 : i32 to index
        %get3A_906 = arith.constant 32 : index
        %get3A_907 = tpu.vector_load %arg14[%get3A_905, %get3A_906] {strides = array<i32>} : memref<32x64xi32, #tpu.memory_space<vmem>>, vector<1x16xi32>,
        %get3A_908 = vector.shape_cast %get3A_907 : vector<1x16xi32> to vector<16xi32>
        %shift_left3A_909 = arith.constant 16 : i32
        %shift_left3A_910 = vector.broadcast %shift_left3A_909 : i32 to vector<16xi32>
        %shift_left3A_911 = arith.shli %get3A_908, %shift_left3A_910 : vector<16xi32>
        %bitcast_convert_type3A_912 = tpu.bitcast %shift_left3A_911 : vector<16xi32> -> vector<16xf32>
        %and3A_913 = arith.constant -65536 : i32
        %and3A_914 = vector.broadcast %and3A_913 : i32 to vector<16xi32>
        %and3A_915 = arith.andi %get3A_908, %and3A_914 : vector<16xi32>
        %bitcast_convert_type3A_916 = tpu.bitcast %and3A_915 : vector<16xi32> -> vector<16xf32>
        %mul3A_917 = arith.mulf %bitcast_convert_type3A_912, %gather3A_852 : vector<16xf32>
        %swap3A_918 = arith.index_cast %add3A_856 : i32 to index
        %swap3A_919 = arith.constant 32 : index
        %swap3A_920 = tpu.vector_load %arg15[%swap3A_918, %swap3A_919] {strides = array<i32>} : memref<32x128xf32, #tpu.memory_space<vmem>>, vector<1x16xf32>,
        %swap3A_921 = vector.shape_cast %swap3A_920 : vector<1x16xf32> to vector<16xf32>
        %swap3A_922 = vector.shape_cast %mul3A_917 : vector<16xf32> to vector<1x16xf32>
        tpu.vector_store %arg15[%swap3A_918, %swap3A_919], %swap3A_922 {strides = array<i32>} : memref<32x128xf32, #tpu.memory_space<vmem>>, vector<1x16xf32>,
        %mul3A_923 = arith.mulf %bitcast_convert_type3A_916, %gather3A_852 : vector<16xf32>
        %swap3A_924 = arith.index_cast %add3A_856 : i32 to index
        %swap3A_925 = arith.constant 96 : index
        %swap3A_926 = tpu.vector_load %arg15[%swap3A_924, %swap3A_925] {strides = array<i32>} : memref<32x128xf32, #tpu.memory_space<vmem>>, vector<1x16xf32>,
        %swap3A_927 = vector.shape_cast %swap3A_926 : vector<1x16xf32> to vector<16xf32>
        %swap3A_928 = vector.shape_cast %mul3A_923 : vector<16xf32> to vector<1x16xf32>
        tpu.vector_store %arg15[%swap3A_924, %swap3A_925], %swap3A_928 {strides = array<i32>} : memref<32x128xf32, #tpu.memory_space<vmem>>, vector<1x16xf32>,
        %get3A_929 = arith.index_cast %add3A_856 : i32 to index
        %get3A_930 = arith.constant 48 : index
        %get3A_931 = tpu.vector_load %arg14[%get3A_929, %get3A_930] {strides = array<i32>} : memref<32x64xi32, #tpu.memory_space<vmem>>, vector<1x16xi32>,
        %get3A_932 = vector.shape_cast %get3A_931 : vector<1x16xi32> to vector<16xi32>
        %shift_left3A_933 = arith.constant 16 : i32
        %shift_left3A_934 = vector.broadcast %shift_left3A_933 : i32 to vector<16xi32>
        %shift_left3A_935 = arith.shli %get3A_932, %shift_left3A_934 : vector<16xi32>
        %bitcast_convert_type3A_936 = tpu.bitcast %shift_left3A_935 : vector<16xi32> -> vector<16xf32>
        %and3A_937 = arith.constant -65536 : i32
        %and3A_938 = vector.broadcast %and3A_937 : i32 to vector<16xi32>
        %and3A_939 = arith.andi %get3A_932, %and3A_938 : vector<16xi32>
        %bitcast_convert_type3A_940 = tpu.bitcast %and3A_939 : vector<16xi32> -> vector<16xf32>
        %mul3A_941 = arith.mulf %bitcast_convert_type3A_936, %gather3A_852 : vector<16xf32>
        %swap3A_942 = arith.index_cast %add3A_856 : i32 to index
        %swap3A_943 = arith.constant 48 : index
        %swap3A_944 = tpu.vector_load %arg15[%swap3A_942, %swap3A_943] {strides = array<i32>} : memref<32x128xf32, #tpu.memory_space<vmem>>, vector<1x16xf32>,
        %swap3A_945 = vector.shape_cast %swap3A_944 : vector<1x16xf32> to vector<16xf32>
        %swap3A_946 = vector.shape_cast %mul3A_941 : vector<16xf32> to vector<1x16xf32>
        tpu.vector_store %arg15[%swap3A_942, %swap3A_943], %swap3A_946 {strides = array<i32>} : memref<32x128xf32, #tpu.memory_space<vmem>>, vector<1x16xf32>,
        %mul3A_947 = arith.mulf %bitcast_convert_type3A_940, %gather3A_852 : vector<16xf32>
        %swap3A_948 = arith.index_cast %add3A_856 : i32 to index
        %swap3A_949 = arith.constant 112 : index
        %swap3A_950 = tpu.vector_load %arg15[%swap3A_948, %swap3A_949] {strides = array<i32>} : memref<32x128xf32, #tpu.memory_space<vmem>>, vector<1x16xf32>,
        %swap3A_951 = vector.shape_cast %swap3A_950 : vector<1x16xf32> to vector<16xf32>
        %swap3A_952 = vector.shape_cast %mul3A_947 : vector<16xf32> to vector<1x16xf32>
        tpu.vector_store %arg15[%swap3A_948, %swap3A_949], %swap3A_952 {strides = array<i32>} : memref<32x128xf32, #tpu.memory_space<vmem>>, vector<1x16xf32>,
        %broadcast_in_dim3A_953 = arith.constant 7 : i32
        %broadcast_in_dim3A_954 = vector.broadcast %broadcast_in_dim3A_953 : i32 to vector<16xi32>
        %lt3A_955 = arith.constant 0 : i32
        %lt3A_956 = vector.broadcast %lt3A_955 : i32 to vector<16xi32>
        %lt3A_957 = arith.cmpi slt, %broadcast_in_dim3A_954, %lt3A_956 : vector<16xi32>
        %add3A_958 = arith.constant 16 : i32
        %add3A_959 = vector.broadcast %add3A_958 : i32 to vector<16xi32>
        %add3A_960 = arith.addi %broadcast_in_dim3A_954, %add3A_959 : vector<16xi32>
        %select_n3A_961 = arith.select %lt3A_957, %add3A_960, %broadcast_in_dim3A_954 : vector<16xi1>, vector<16xi32>
        %reshape3A_962 = vector.shape_cast %select_n3A_961 : vector<16xi32> to vector<16x1xi32>
        %gather3A_963 = vector.shape_cast %reshape3A_962 : vector<16x1xi32> to vector<16xi32>
        %gather3A_964 = tpu.dynamic_gather %get3A_176[%gather3A_963] in [0] : vector<16xf32>, vector<16xi32> -> vector<16xf32>
        %mul3A_965 = arith.constant 16 : i32
        %mul3A_966 = arith.muli %scan3A_171, %mul3A_965 : i32
        %add3A_967 = arith.constant 7 : i32
        %add3A_968 = arith.addi %mul3A_966, %add3A_967 : i32
        %get3A_969 = arith.index_cast %add3A_968 : i32 to index
        %get3A_970 = arith.constant 0 : index
        %get3A_971 = tpu.vector_load %arg14[%get3A_969, %get3A_970] {strides = array<i32>} : memref<32x64xi32, #tpu.memory_space<vmem>>, vector<1x16xi32>,
        %get3A_972 = vector.shape_cast %get3A_971 : vector<1x16xi32> to vector<16xi32>
        %shift_left3A_973 = arith.constant 16 : i32
        %shift_left3A_974 = vector.broadcast %shift_left3A_973 : i32 to vector<16xi32>
        %shift_left3A_975 = arith.shli %get3A_972, %shift_left3A_974 : vector<16xi32>
        %bitcast_convert_type3A_976 = tpu.bitcast %shift_left3A_975 : vector<16xi32> -> vector<16xf32>
        %and3A_977 = arith.constant -65536 : i32
        %and3A_978 = vector.broadcast %and3A_977 : i32 to vector<16xi32>
        %and3A_979 = arith.andi %get3A_972, %and3A_978 : vector<16xi32>
        %bitcast_convert_type3A_980 = tpu.bitcast %and3A_979 : vector<16xi32> -> vector<16xf32>
        %mul3A_981 = arith.mulf %bitcast_convert_type3A_976, %gather3A_964 : vector<16xf32>
        %swap3A_982 = arith.index_cast %add3A_968 : i32 to index
        %swap3A_983 = arith.constant 0 : index
        %swap3A_984 = tpu.vector_load %arg15[%swap3A_982, %swap3A_983] {strides = array<i32>} : memref<32x128xf32, #tpu.memory_space<vmem>>, vector<1x16xf32>,
        %swap3A_985 = vector.shape_cast %swap3A_984 : vector<1x16xf32> to vector<16xf32>
        %swap3A_986 = vector.shape_cast %mul3A_981 : vector<16xf32> to vector<1x16xf32>
        tpu.vector_store %arg15[%swap3A_982, %swap3A_983], %swap3A_986 {strides = array<i32>} : memref<32x128xf32, #tpu.memory_space<vmem>>, vector<1x16xf32>,
        %mul3A_987 = arith.mulf %bitcast_convert_type3A_980, %gather3A_964 : vector<16xf32>
        %swap3A_988 = arith.index_cast %add3A_968 : i32 to index
        %swap3A_989 = arith.constant 64 : index
        %swap3A_990 = tpu.vector_load %arg15[%swap3A_988, %swap3A_989] {strides = array<i32>} : memref<32x128xf32, #tpu.memory_space<vmem>>, vector<1x16xf32>,
        %swap3A_991 = vector.shape_cast %swap3A_990 : vector<1x16xf32> to vector<16xf32>
        %swap3A_992 = vector.shape_cast %mul3A_987 : vector<16xf32> to vector<1x16xf32>
        tpu.vector_store %arg15[%swap3A_988, %swap3A_989], %swap3A_992 {strides = array<i32>} : memref<32x128xf32, #tpu.memory_space<vmem>>, vector<1x16xf32>,
        %get3A_993 = arith.index_cast %add3A_968 : i32 to index
        %get3A_994 = arith.constant 16 : index
        %get3A_995 = tpu.vector_load %arg14[%get3A_993, %get3A_994] {strides = array<i32>} : memref<32x64xi32, #tpu.memory_space<vmem>>, vector<1x16xi32>,
        %get3A_996 = vector.shape_cast %get3A_995 : vector<1x16xi32> to vector<16xi32>
        %shift_left3A_997 = arith.constant 16 : i32
        %shift_left3A_998 = vector.broadcast %shift_left3A_997 : i32 to vector<16xi32>
        %shift_left3A_999 = arith.shli %get3A_996, %shift_left3A_998 : vector<16xi32>
        %bitcast_convert_type3A_1000 = tpu.bitcast %shift_left3A_999 : vector<16xi32> -> vector<16xf32>
        %and3A_1001 = arith.constant -65536 : i32
        %and3A_1002 = vector.broadcast %and3A_1001 : i32 to vector<16xi32>
        %and3A_1003 = arith.andi %get3A_996, %and3A_1002 : vector<16xi32>
        %bitcast_convert_type3A_1004 = tpu.bitcast %and3A_1003 : vector<16xi32> -> vector<16xf32>
        %mul3A_1005 = arith.mulf %bitcast_convert_type3A_1000, %gather3A_964 : vector<16xf32>
        %swap3A_1006 = arith.index_cast %add3A_968 : i32 to index
        %swap3A_1007 = arith.constant 16 : index
        %swap3A_1008 = tpu.vector_load %arg15[%swap3A_1006, %swap3A_1007] {strides = array<i32>} : memref<32x128xf32, #tpu.memory_space<vmem>>, vector<1x16xf32>,
        %swap3A_1009 = vector.shape_cast %swap3A_1008 : vector<1x16xf32> to vector<16xf32>
        %swap3A_1010 = vector.shape_cast %mul3A_1005 : vector<16xf32> to vector<1x16xf32>
        tpu.vector_store %arg15[%swap3A_1006, %swap3A_1007], %swap3A_1010 {strides = array<i32>} : memref<32x128xf32, #tpu.memory_space<vmem>>, vector<1x16xf32>,
        %mul3A_1011 = arith.mulf %bitcast_convert_type3A_1004, %gather3A_964 : vector<16xf32>
        %swap3A_1012 = arith.index_cast %add3A_968 : i32 to index
        %swap3A_1013 = arith.constant 80 : index
        %swap3A_1014 = tpu.vector_load %arg15[%swap3A_1012, %swap3A_1013] {strides = array<i32>} : memref<32x128xf32, #tpu.memory_space<vmem>>, vector<1x16xf32>,
        %swap3A_1015 = vector.shape_cast %swap3A_1014 : vector<1x16xf32> to vector<16xf32>
        %swap3A_1016 = vector.shape_cast %mul3A_1011 : vector<16xf32> to vector<1x16xf32>
        tpu.vector_store %arg15[%swap3A_1012, %swap3A_1013], %swap3A_1016 {strides = array<i32>} : memref<32x128xf32, #tpu.memory_space<vmem>>, vector<1x16xf32>,
        %get3A_1017 = arith.index_cast %add3A_968 : i32 to index
        %get3A_1018 = arith.constant 32 : index
        %get3A_1019 = tpu.vector_load %arg14[%get3A_1017, %get3A_1018] {strides = array<i32>} : memref<32x64xi32, #tpu.memory_space<vmem>>, vector<1x16xi32>,
        %get3A_1020 = vector.shape_cast %get3A_1019 : vector<1x16xi32> to vector<16xi32>
        %shift_left3A_1021 = arith.constant 16 : i32
        %shift_left3A_1022 = vector.broadcast %shift_left3A_1021 : i32 to vector<16xi32>
        %shift_left3A_1023 = arith.shli %get3A_1020, %shift_left3A_1022 : vector<16xi32>
        %bitcast_convert_type3A_1024 = tpu.bitcast %shift_left3A_1023 : vector<16xi32> -> vector<16xf32>
        %and3A_1025 = arith.constant -65536 : i32
        %and3A_1026 = vector.broadcast %and3A_1025 : i32 to vector<16xi32>
        %and3A_1027 = arith.andi %get3A_1020, %and3A_1026 : vector<16xi32>
        %bitcast_convert_type3A_1028 = tpu.bitcast %and3A_1027 : vector<16xi32> -> vector<16xf32>
        %mul3A_1029 = arith.mulf %bitcast_convert_type3A_1024, %gather3A_964 : vector<16xf32>
        %swap3A_1030 = arith.index_cast %add3A_968 : i32 to index
        %swap3A_1031 = arith.constant 32 : index
        %swap3A_1032 = tpu.vector_load %arg15[%swap3A_1030, %swap3A_1031] {strides = array<i32>} : memref<32x128xf32, #tpu.memory_space<vmem>>, vector<1x16xf32>,
        %swap3A_1033 = vector.shape_cast %swap3A_1032 : vector<1x16xf32> to vector<16xf32>
        %swap3A_1034 = vector.shape_cast %mul3A_1029 : vector<16xf32> to vector<1x16xf32>
        tpu.vector_store %arg15[%swap3A_1030, %swap3A_1031], %swap3A_1034 {strides = array<i32>} : memref<32x128xf32, #tpu.memory_space<vmem>>, vector<1x16xf32>,
        %mul3A_1035 = arith.mulf %bitcast_convert_type3A_1028, %gather3A_964 : vector<16xf32>
        %swap3A_1036 = arith.index_cast %add3A_968 : i32 to index
        %swap3A_1037 = arith.constant 96 : index
        %swap3A_1038 = tpu.vector_load %arg15[%swap3A_1036, %swap3A_1037] {strides = array<i32>} : memref<32x128xf32, #tpu.memory_space<vmem>>, vector<1x16xf32>,
        %swap3A_1039 = vector.shape_cast %swap3A_1038 : vector<1x16xf32> to vector<16xf32>
        %swap3A_1040 = vector.shape_cast %mul3A_1035 : vector<16xf32> to vector<1x16xf32>
        tpu.vector_store %arg15[%swap3A_1036, %swap3A_1037], %swap3A_1040 {strides = array<i32>} : memref<32x128xf32, #tpu.memory_space<vmem>>, vector<1x16xf32>,
        %get3A_1041 = arith.index_cast %add3A_968 : i32 to index
        %get3A_1042 = arith.constant 48 : index
        %get3A_1043 = tpu.vector_load %arg14[%get3A_1041, %get3A_1042] {strides = array<i32>} : memref<32x64xi32, #tpu.memory_space<vmem>>, vector<1x16xi32>,
        %get3A_1044 = vector.shape_cast %get3A_1043 : vector<1x16xi32> to vector<16xi32>
        %shift_left3A_1045 = arith.constant 16 : i32
        %shift_left3A_1046 = vector.broadcast %shift_left3A_1045 : i32 to vector<16xi32>
        %shift_left3A_1047 = arith.shli %get3A_1044, %shift_left3A_1046 : vector<16xi32>
        %bitcast_convert_type3A_1048 = tpu.bitcast %shift_left3A_1047 : vector<16xi32> -> vector<16xf32>
        %and3A_1049 = arith.constant -65536 : i32
        %and3A_1050 = vector.broadcast %and3A_1049 : i32 to vector<16xi32>
        %and3A_1051 = arith.andi %get3A_1044, %and3A_1050 : vector<16xi32>
        %bitcast_convert_type3A_1052 = tpu.bitcast %and3A_1051 : vector<16xi32> -> vector<16xf32>
        %mul3A_1053 = arith.mulf %bitcast_convert_type3A_1048, %gather3A_964 : vector<16xf32>
        %swap3A_1054 = arith.index_cast %add3A_968 : i32 to index
        %swap3A_1055 = arith.constant 48 : index
        %swap3A_1056 = tpu.vector_load %arg15[%swap3A_1054, %swap3A_1055] {strides = array<i32>} : memref<32x128xf32, #tpu.memory_space<vmem>>, vector<1x16xf32>,
        %swap3A_1057 = vector.shape_cast %swap3A_1056 : vector<1x16xf32> to vector<16xf32>
        %swap3A_1058 = vector.shape_cast %mul3A_1053 : vector<16xf32> to vector<1x16xf32>
        tpu.vector_store %arg15[%swap3A_1054, %swap3A_1055], %swap3A_1058 {strides = array<i32>} : memref<32x128xf32, #tpu.memory_space<vmem>>, vector<1x16xf32>,
        %mul3A_1059 = arith.mulf %bitcast_convert_type3A_1052, %gather3A_964 : vector<16xf32>
        %swap3A_1060 = arith.index_cast %add3A_968 : i32 to index
        %swap3A_1061 = arith.constant 112 : index
        %swap3A_1062 = tpu.vector_load %arg15[%swap3A_1060, %swap3A_1061] {strides = array<i32>} : memref<32x128xf32, #tpu.memory_space<vmem>>, vector<1x16xf32>,
        %swap3A_1063 = vector.shape_cast %swap3A_1062 : vector<1x16xf32> to vector<16xf32>
        %swap3A_1064 = vector.shape_cast %mul3A_1059 : vector<16xf32> to vector<1x16xf32>
        tpu.vector_store %arg15[%swap3A_1060, %swap3A_1061], %swap3A_1064 {strides = array<i32>} : memref<32x128xf32, #tpu.memory_space<vmem>>, vector<1x16xf32>,
        %broadcast_in_dim3A_1065 = arith.constant 8 : i32
        %broadcast_in_dim3A_1066 = vector.broadcast %broadcast_in_dim3A_1065 : i32 to vector<16xi32>
        %lt3A_1067 = arith.constant 0 : i32
        %lt3A_1068 = vector.broadcast %lt3A_1067 : i32 to vector<16xi32>
        %lt3A_1069 = arith.cmpi slt, %broadcast_in_dim3A_1066, %lt3A_1068 : vector<16xi32>
        %add3A_1070 = arith.constant 16 : i32
        %add3A_1071 = vector.broadcast %add3A_1070 : i32 to vector<16xi32>
        %add3A_1072 = arith.addi %broadcast_in_dim3A_1066, %add3A_1071 : vector<16xi32>
        %select_n3A_1073 = arith.select %lt3A_1069, %add3A_1072, %broadcast_in_dim3A_1066 : vector<16xi1>, vector<16xi32>
        %reshape3A_1074 = vector.shape_cast %select_n3A_1073 : vector<16xi32> to vector<16x1xi32>
        %gather3A_1075 = vector.shape_cast %reshape3A_1074 : vector<16x1xi32> to vector<16xi32>
        %gather3A_1076 = tpu.dynamic_gather %get3A_176[%gather3A_1075] in [0] : vector<16xf32>, vector<16xi32> -> vector<16xf32>
        %mul3A_1077 = arith.constant 16 : i32
        %mul3A_1078 = arith.muli %scan3A_171, %mul3A_1077 : i32
        %add3A_1079 = arith.constant 8 : i32
        %add3A_1080 = arith.addi %mul3A_1078, %add3A_1079 : i32
        %get3A_1081 = arith.index_cast %add3A_1080 : i32 to index
        %get3A_1082 = arith.constant 0 : index
        %get3A_1083 = tpu.vector_load %arg14[%get3A_1081, %get3A_1082] {strides = array<i32>} : memref<32x64xi32, #tpu.memory_space<vmem>>, vector<1x16xi32>,
        %get3A_1084 = vector.shape_cast %get3A_1083 : vector<1x16xi32> to vector<16xi32>
        %shift_left3A_1085 = arith.constant 16 : i32
        %shift_left3A_1086 = vector.broadcast %shift_left3A_1085 : i32 to vector<16xi32>
        %shift_left3A_1087 = arith.shli %get3A_1084, %shift_left3A_1086 : vector<16xi32>
        %bitcast_convert_type3A_1088 = tpu.bitcast %shift_left3A_1087 : vector<16xi32> -> vector<16xf32>
        %and3A_1089 = arith.constant -65536 : i32
        %and3A_1090 = vector.broadcast %and3A_1089 : i32 to vector<16xi32>
        %and3A_1091 = arith.andi %get3A_1084, %and3A_1090 : vector<16xi32>
        %bitcast_convert_type3A_1092 = tpu.bitcast %and3A_1091 : vector<16xi32> -> vector<16xf32>
        %mul3A_1093 = arith.mulf %bitcast_convert_type3A_1088, %gather3A_1076 : vector<16xf32>
        %swap3A_1094 = arith.index_cast %add3A_1080 : i32 to index
        %swap3A_1095 = arith.constant 0 : index
        %swap3A_1096 = tpu.vector_load %arg15[%swap3A_1094, %swap3A_1095] {strides = array<i32>} : memref<32x128xf32, #tpu.memory_space<vmem>>, vector<1x16xf32>,
        %swap3A_1097 = vector.shape_cast %swap3A_1096 : vector<1x16xf32> to vector<16xf32>
        %swap3A_1098 = vector.shape_cast %mul3A_1093 : vector<16xf32> to vector<1x16xf32>
        tpu.vector_store %arg15[%swap3A_1094, %swap3A_1095], %swap3A_1098 {strides = array<i32>} : memref<32x128xf32, #tpu.memory_space<vmem>>, vector<1x16xf32>,
        %mul3A_1099 = arith.mulf %bitcast_convert_type3A_1092, %gather3A_1076 : vector<16xf32>
        %swap3A_1100 = arith.index_cast %add3A_1080 : i32 to index
        %swap3A_1101 = arith.constant 64 : index
        %swap3A_1102 = tpu.vector_load %arg15[%swap3A_1100, %swap3A_1101] {strides = array<i32>} : memref<32x128xf32, #tpu.memory_space<vmem>>, vector<1x16xf32>,
        %swap3A_1103 = vector.shape_cast %swap3A_1102 : vector<1x16xf32> to vector<16xf32>
        %swap3A_1104 = vector.shape_cast %mul3A_1099 : vector<16xf32> to vector<1x16xf32>
        tpu.vector_store %arg15[%swap3A_1100, %swap3A_1101], %swap3A_1104 {strides = array<i32>} : memref<32x128xf32, #tpu.memory_space<vmem>>, vector<1x16xf32>,
        %get3A_1105 = arith.index_cast %add3A_1080 : i32 to index
        %get3A_1106 = arith.constant 16 : index
        %get3A_1107 = tpu.vector_load %arg14[%get3A_1105, %get3A_1106] {strides = array<i32>} : memref<32x64xi32, #tpu.memory_space<vmem>>, vector<1x16xi32>,
        %get3A_1108 = vector.shape_cast %get3A_1107 : vector<1x16xi32> to vector<16xi32>
        %shift_left3A_1109 = arith.constant 16 : i32
        %shift_left3A_1110 = vector.broadcast %shift_left3A_1109 : i32 to vector<16xi32>
        %shift_left3A_1111 = arith.shli %get3A_1108, %shift_left3A_1110 : vector<16xi32>
        %bitcast_convert_type3A_1112 = tpu.bitcast %shift_left3A_1111 : vector<16xi32> -> vector<16xf32>
        %and3A_1113 = arith.constant -65536 : i32
        %and3A_1114 = vector.broadcast %and3A_1113 : i32 to vector<16xi32>
        %and3A_1115 = arith.andi %get3A_1108, %and3A_1114 : vector<16xi32>
        %bitcast_convert_type3A_1116 = tpu.bitcast %and3A_1115 : vector<16xi32> -> vector<16xf32>
        %mul3A_1117 = arith.mulf %bitcast_convert_type3A_1112, %gather3A_1076 : vector<16xf32>
        %swap3A_1118 = arith.index_cast %add3A_1080 : i32 to index
        %swap3A_1119 = arith.constant 16 : index
        %swap3A_1120 = tpu.vector_load %arg15[%swap3A_1118, %swap3A_1119] {strides = array<i32>} : memref<32x128xf32, #tpu.memory_space<vmem>>, vector<1x16xf32>,
        %swap3A_1121 = vector.shape_cast %swap3A_1120 : vector<1x16xf32> to vector<16xf32>
        %swap3A_1122 = vector.shape_cast %mul3A_1117 : vector<16xf32> to vector<1x16xf32>
        tpu.vector_store %arg15[%swap3A_1118, %swap3A_1119], %swap3A_1122 {strides = array<i32>} : memref<32x128xf32, #tpu.memory_space<vmem>>, vector<1x16xf32>,
        %mul3A_1123 = arith.mulf %bitcast_convert_type3A_1116, %gather3A_1076 : vector<16xf32>
        %swap3A_1124 = arith.index_cast %add3A_1080 : i32 to index
        %swap3A_1125 = arith.constant 80 : index
        %swap3A_1126 = tpu.vector_load %arg15[%swap3A_1124, %swap3A_1125] {strides = array<i32>} : memref<32x128xf32, #tpu.memory_space<vmem>>, vector<1x16xf32>,
        %swap3A_1127 = vector.shape_cast %swap3A_1126 : vector<1x16xf32> to vector<16xf32>
        %swap3A_1128 = vector.shape_cast %mul3A_1123 : vector<16xf32> to vector<1x16xf32>
        tpu.vector_store %arg15[%swap3A_1124, %swap3A_1125], %swap3A_1128 {strides = array<i32>} : memref<32x128xf32, #tpu.memory_space<vmem>>, vector<1x16xf32>,
        %get3A_1129 = arith.index_cast %add3A_1080 : i32 to index
        %get3A_1130 = arith.constant 32 : index
        %get3A_1131 = tpu.vector_load %arg14[%get3A_1129, %get3A_1130] {strides = array<i32>} : memref<32x64xi32, #tpu.memory_space<vmem>>, vector<1x16xi32>,
        %get3A_1132 = vector.shape_cast %get3A_1131 : vector<1x16xi32> to vector<16xi32>
        %shift_left3A_1133 = arith.constant 16 : i32
        %shift_left3A_1134 = vector.broadcast %shift_left3A_1133 : i32 to vector<16xi32>
        %shift_left3A_1135 = arith.shli %get3A_1132, %shift_left3A_1134 : vector<16xi32>
        %bitcast_convert_type3A_1136 = tpu.bitcast %shift_left3A_1135 : vector<16xi32> -> vector<16xf32>
        %and3A_1137 = arith.constant -65536 : i32
        %and3A_1138 = vector.broadcast %and3A_1137 : i32 to vector<16xi32>
        %and3A_1139 = arith.andi %get3A_1132, %and3A_1138 : vector<16xi32>
        %bitcast_convert_type3A_1140 = tpu.bitcast %and3A_1139 : vector<16xi32> -> vector<16xf32>
        %mul3A_1141 = arith.mulf %bitcast_convert_type3A_1136, %gather3A_1076 : vector<16xf32>
        %swap3A_1142 = arith.index_cast %add3A_1080 : i32 to index
        %swap3A_1143 = arith.constant 32 : index
        %swap3A_1144 = tpu.vector_load %arg15[%swap3A_1142, %swap3A_1143] {strides = array<i32>} : memref<32x128xf32, #tpu.memory_space<vmem>>, vector<1x16xf32>,
        %swap3A_1145 = vector.shape_cast %swap3A_1144 : vector<1x16xf32> to vector<16xf32>
        %swap3A_1146 = vector.shape_cast %mul3A_1141 : vector<16xf32> to vector<1x16xf32>
        tpu.vector_store %arg15[%swap3A_1142, %swap3A_1143], %swap3A_1146 {strides = array<i32>} : memref<32x128xf32, #tpu.memory_space<vmem>>, vector<1x16xf32>,
        %mul3A_1147 = arith.mulf %bitcast_convert_type3A_1140, %gather3A_1076 : vector<16xf32>
        %swap3A_1148 = arith.index_cast %add3A_1080 : i32 to index
        %swap3A_1149 = arith.constant 96 : index
        %swap3A_1150 = tpu.vector_load %arg15[%swap3A_1148, %swap3A_1149] {strides = array<i32>} : memref<32x128xf32, #tpu.memory_space<vmem>>, vector<1x16xf32>,
        %swap3A_1151 = vector.shape_cast %swap3A_1150 : vector<1x16xf32> to vector<16xf32>
        %swap3A_1152 = vector.shape_cast %mul3A_1147 : vector<16xf32> to vector<1x16xf32>
        tpu.vector_store %arg15[%swap3A_1148, %swap3A_1149], %swap3A_1152 {strides = array<i32>} : memref<32x128xf32, #tpu.memory_space<vmem>>, vector<1x16xf32>,
        %get3A_1153 = arith.index_cast %add3A_1080 : i32 to index
        %get3A_1154 = arith.constant 48 : index
        %get3A_1155 = tpu.vector_load %arg14[%get3A_1153, %get3A_1154] {strides = array<i32>} : memref<32x64xi32, #tpu.memory_space<vmem>>, vector<1x16xi32>,
        %get3A_1156 = vector.shape_cast %get3A_1155 : vector<1x16xi32> to vector<16xi32>
        %shift_left3A_1157 = arith.constant 16 : i32
        %shift_left3A_1158 = vector.broadcast %shift_left3A_1157 : i32 to vector<16xi32>
        %shift_left3A_1159 = arith.shli %get3A_1156, %shift_left3A_1158 : vector<16xi32>
        %bitcast_convert_type3A_1160 = tpu.bitcast %shift_left3A_1159 : vector<16xi32> -> vector<16xf32>
        %and3A_1161 = arith.constant -65536 : i32
        %and3A_1162 = vector.broadcast %and3A_1161 : i32 to vector<16xi32>
        %and3A_1163 = arith.andi %get3A_1156, %and3A_1162 : vector<16xi32>
        %bitcast_convert_type3A_1164 = tpu.bitcast %and3A_1163 : vector<16xi32> -> vector<16xf32>
        %mul3A_1165 = arith.mulf %bitcast_convert_type3A_1160, %gather3A_1076 : vector<16xf32>
        %swap3A_1166 = arith.index_cast %add3A_1080 : i32 to index
        %swap3A_1167 = arith.constant 48 : index
        %swap3A_1168 = tpu.vector_load %arg15[%swap3A_1166, %swap3A_1167] {strides = array<i32>} : memref<32x128xf32, #tpu.memory_space<vmem>>, vector<1x16xf32>,
        %swap3A_1169 = vector.shape_cast %swap3A_1168 : vector<1x16xf32> to vector<16xf32>
        %swap3A_1170 = vector.shape_cast %mul3A_1165 : vector<16xf32> to vector<1x16xf32>
        tpu.vector_store %arg15[%swap3A_1166, %swap3A_1167], %swap3A_1170 {strides = array<i32>} : memref<32x128xf32, #tpu.memory_space<vmem>>, vector<1x16xf32>,
        %mul3A_1171 = arith.mulf %bitcast_convert_type3A_1164, %gather3A_1076 : vector<16xf32>
        %swap3A_1172 = arith.index_cast %add3A_1080 : i32 to index
        %swap3A_1173 = arith.constant 112 : index
        %swap3A_1174 = tpu.vector_load %arg15[%swap3A_1172, %swap3A_1173] {strides = array<i32>} : memref<32x128xf32, #tpu.memory_space<vmem>>, vector<1x16xf32>,
        %swap3A_1175 = vector.shape_cast %swap3A_1174 : vector<1x16xf32> to vector<16xf32>
        %swap3A_1176 = vector.shape_cast %mul3A_1171 : vector<16xf32> to vector<1x16xf32>
        tpu.vector_store %arg15[%swap3A_1172, %swap3A_1173], %swap3A_1176 {strides = array<i32>} : memref<32x128xf32, #tpu.memory_space<vmem>>, vector<1x16xf32>,
        %broadcast_in_dim3A_1177 = arith.constant 9 : i32
        %broadcast_in_dim3A_1178 = vector.broadcast %broadcast_in_dim3A_1177 : i32 to vector<16xi32>
        %lt3A_1179 = arith.constant 0 : i32
        %lt3A_1180 = vector.broadcast %lt3A_1179 : i32 to vector<16xi32>
        %lt3A_1181 = arith.cmpi slt, %broadcast_in_dim3A_1178, %lt3A_1180 : vector<16xi32>
        %add3A_1182 = arith.constant 16 : i32
        %add3A_1183 = vector.broadcast %add3A_1182 : i32 to vector<16xi32>
        %add3A_1184 = arith.addi %broadcast_in_dim3A_1178, %add3A_1183 : vector<16xi32>
        %select_n3A_1185 = arith.select %lt3A_1181, %add3A_1184, %broadcast_in_dim3A_1178 : vector<16xi1>, vector<16xi32>
        %reshape3A_1186 = vector.shape_cast %select_n3A_1185 : vector<16xi32> to vector<16x1xi32>
        %gather3A_1187 = vector.shape_cast %reshape3A_1186 : vector<16x1xi32> to vector<16xi32>
        %gather3A_1188 = tpu.dynamic_gather %get3A_176[%gather3A_1187] in [0] : vector<16xf32>, vector<16xi32> -> vector<16xf32>
        %mul3A_1189 = arith.constant 16 : i32
        %mul3A_1190 = arith.muli %scan3A_171, %mul3A_1189 : i32
        %add3A_1191 = arith.constant 9 : i32
        %add3A_1192 = arith.addi %mul3A_1190, %add3A_1191 : i32
        %get3A_1193 = arith.index_cast %add3A_1192 : i32 to index
        %get3A_1194 = arith.constant 0 : index
        %get3A_1195 = tpu.vector_load %arg14[%get3A_1193, %get3A_1194] {strides = array<i32>} : memref<32x64xi32, #tpu.memory_space<vmem>>, vector<1x16xi32>,
        %get3A_1196 = vector.shape_cast %get3A_1195 : vector<1x16xi32> to vector<16xi32>
        %shift_left3A_1197 = arith.constant 16 : i32
        %shift_left3A_1198 = vector.broadcast %shift_left3A_1197 : i32 to vector<16xi32>
        %shift_left3A_1199 = arith.shli %get3A_1196, %shift_left3A_1198 : vector<16xi32>
        %bitcast_convert_type3A_1200 = tpu.bitcast %shift_left3A_1199 : vector<16xi32> -> vector<16xf32>
        %and3A_1201 = arith.constant -65536 : i32
        %and3A_1202 = vector.broadcast %and3A_1201 : i32 to vector<16xi32>
        %and3A_1203 = arith.andi %get3A_1196, %and3A_1202 : vector<16xi32>
        %bitcast_convert_type3A_1204 = tpu.bitcast %and3A_1203 : vector<16xi32> -> vector<16xf32>
        %mul3A_1205 = arith.mulf %bitcast_convert_type3A_1200, %gather3A_1188 : vector<16xf32>
        %swap3A_1206 = arith.index_cast %add3A_1192 : i32 to index
        %swap3A_1207 = arith.constant 0 : index
        %swap3A_1208 = tpu.vector_load %arg15[%swap3A_1206, %swap3A_1207] {strides = array<i32>} : memref<32x128xf32, #tpu.memory_space<vmem>>, vector<1x16xf32>,
        %swap3A_1209 = vector.shape_cast %swap3A_1208 : vector<1x16xf32> to vector<16xf32>
        %swap3A_1210 = vector.shape_cast %mul3A_1205 : vector<16xf32> to vector<1x16xf32>
        tpu.vector_store %arg15[%swap3A_1206, %swap3A_1207], %swap3A_1210 {strides = array<i32>} : memref<32x128xf32, #tpu.memory_space<vmem>>, vector<1x16xf32>,
        %mul3A_1211 = arith.mulf %bitcast_convert_type3A_1204, %gather3A_1188 : vector<16xf32>
        %swap3A_1212 = arith.index_cast %add3A_1192 : i32 to index
        %swap3A_1213 = arith.constant 64 : index
        %swap3A_1214 = tpu.vector_load %arg15[%swap3A_1212, %swap3A_1213] {strides = array<i32>} : memref<32x128xf32, #tpu.memory_space<vmem>>, vector<1x16xf32>,
        %swap3A_1215 = vector.shape_cast %swap3A_1214 : vector<1x16xf32> to vector<16xf32>
        %swap3A_1216 = vector.shape_cast %mul3A_1211 : vector<16xf32> to vector<1x16xf32>
        tpu.vector_store %arg15[%swap3A_1212, %swap3A_1213], %swap3A_1216 {strides = array<i32>} : memref<32x128xf32, #tpu.memory_space<vmem>>, vector<1x16xf32>,
        %get3A_1217 = arith.index_cast %add3A_1192 : i32 to index
        %get3A_1218 = arith.constant 16 : index
        %get3A_1219 = tpu.vector_load %arg14[%get3A_1217, %get3A_1218] {strides = array<i32>} : memref<32x64xi32, #tpu.memory_space<vmem>>, vector<1x16xi32>,
        %get3A_1220 = vector.shape_cast %get3A_1219 : vector<1x16xi32> to vector<16xi32>
        %shift_left3A_1221 = arith.constant 16 : i32
        %shift_left3A_1222 = vector.broadcast %shift_left3A_1221 : i32 to vector<16xi32>
        %shift_left3A_1223 = arith.shli %get3A_1220, %shift_left3A_1222 : vector<16xi32>
        %bitcast_convert_type3A_1224 = tpu.bitcast %shift_left3A_1223 : vector<16xi32> -> vector<16xf32>
        %and3A_1225 = arith.constant -65536 : i32
        %and3A_1226 = vector.broadcast %and3A_1225 : i32 to vector<16xi32>
        %and3A_1227 = arith.andi %get3A_1220, %and3A_1226 : vector<16xi32>
        %bitcast_convert_type3A_1228 = tpu.bitcast %and3A_1227 : vector<16xi32> -> vector<16xf32>
        %mul3A_1229 = arith.mulf %bitcast_convert_type3A_1224, %gather3A_1188 : vector<16xf32>
        %swap3A_1230 = arith.index_cast %add3A_1192 : i32 to index
        %swap3A_1231 = arith.constant 16 : index
        %swap3A_1232 = tpu.vector_load %arg15[%swap3A_1230, %swap3A_1231] {strides = array<i32>} : memref<32x128xf32, #tpu.memory_space<vmem>>, vector<1x16xf32>,
        %swap3A_1233 = vector.shape_cast %swap3A_1232 : vector<1x16xf32> to vector<16xf32>
        %swap3A_1234 = vector.shape_cast %mul3A_1229 : vector<16xf32> to vector<1x16xf32>
        tpu.vector_store %arg15[%swap3A_1230, %swap3A_1231], %swap3A_1234 {strides = array<i32>} : memref<32x128xf32, #tpu.memory_space<vmem>>, vector<1x16xf32>,
        %mul3A_1235 = arith.mulf %bitcast_convert_type3A_1228, %gather3A_1188 : vector<16xf32>
        %swap3A_1236 = arith.index_cast %add3A_1192 : i32 to index
        %swap3A_1237 = arith.constant 80 : index
        %swap3A_1238 = tpu.vector_load %arg15[%swap3A_1236, %swap3A_1237] {strides = array<i32>} : memref<32x128xf32, #tpu.memory_space<vmem>>, vector<1x16xf32>,
        %swap3A_1239 = vector.shape_cast %swap3A_1238 : vector<1x16xf32> to vector<16xf32>
        %swap3A_1240 = vector.shape_cast %mul3A_1235 : vector<16xf32> to vector<1x16xf32>
        tpu.vector_store %arg15[%swap3A_1236, %swap3A_1237], %swap3A_1240 {strides = array<i32>} : memref<32x128xf32, #tpu.memory_space<vmem>>, vector<1x16xf32>,
        %get3A_1241 = arith.index_cast %add3A_1192 : i32 to index
        %get3A_1242 = arith.constant 32 : index
        %get3A_1243 = tpu.vector_load %arg14[%get3A_1241, %get3A_1242] {strides = array<i32>} : memref<32x64xi32, #tpu.memory_space<vmem>>, vector<1x16xi32>,
        %get3A_1244 = vector.shape_cast %get3A_1243 : vector<1x16xi32> to vector<16xi32>
        %shift_left3A_1245 = arith.constant 16 : i32
        %shift_left3A_1246 = vector.broadcast %shift_left3A_1245 : i32 to vector<16xi32>
        %shift_left3A_1247 = arith.shli %get3A_1244, %shift_left3A_1246 : vector<16xi32>
        %bitcast_convert_type3A_1248 = tpu.bitcast %shift_left3A_1247 : vector<16xi32> -> vector<16xf32>
        %and3A_1249 = arith.constant -65536 : i32
        %and3A_1250 = vector.broadcast %and3A_1249 : i32 to vector<16xi32>
        %and3A_1251 = arith.andi %get3A_1244, %and3A_1250 : vector<16xi32>
        %bitcast_convert_type3A_1252 = tpu.bitcast %and3A_1251 : vector<16xi32> -> vector<16xf32>
        %mul3A_1253 = arith.mulf %bitcast_convert_type3A_1248, %gather3A_1188 : vector<16xf32>
        %swap3A_1254 = arith.index_cast %add3A_1192 : i32 to index
        %swap3A_1255 = arith.constant 32 : index
        %swap3A_1256 = tpu.vector_load %arg15[%swap3A_1254, %swap3A_1255] {strides = array<i32>} : memref<32x128xf32, #tpu.memory_space<vmem>>, vector<1x16xf32>,
        %swap3A_1257 = vector.shape_cast %swap3A_1256 : vector<1x16xf32> to vector<16xf32>
        %swap3A_1258 = vector.shape_cast %mul3A_1253 : vector<16xf32> to vector<1x16xf32>
        tpu.vector_store %arg15[%swap3A_1254, %swap3A_1255], %swap3A_1258 {strides = array<i32>} : memref<32x128xf32, #tpu.memory_space<vmem>>, vector<1x16xf32>,
        %mul3A_1259 = arith.mulf %bitcast_convert_type3A_1252, %gather3A_1188 : vector<16xf32>
        %swap3A_1260 = arith.index_cast %add3A_1192 : i32 to index
        %swap3A_1261 = arith.constant 96 : index
        %swap3A_1262 = tpu.vector_load %arg15[%swap3A_1260, %swap3A_1261] {strides = array<i32>} : memref<32x128xf32, #tpu.memory_space<vmem>>, vector<1x16xf32>,
        %swap3A_1263 = vector.shape_cast %swap3A_1262 : vector<1x16xf32> to vector<16xf32>
        %swap3A_1264 = vector.shape_cast %mul3A_1259 : vector<16xf32> to vector<1x16xf32>
        tpu.vector_store %arg15[%swap3A_1260, %swap3A_1261], %swap3A_1264 {strides = array<i32>} : memref<32x128xf32, #tpu.memory_space<vmem>>, vector<1x16xf32>,
        %get3A_1265 = arith.index_cast %add3A_1192 : i32 to index
        %get3A_1266 = arith.constant 48 : index
        %get3A_1267 = tpu.vector_load %arg14[%get3A_1265, %get3A_1266] {strides = array<i32>} : memref<32x64xi32, #tpu.memory_space<vmem>>, vector<1x16xi32>,
        %get3A_1268 = vector.shape_cast %get3A_1267 : vector<1x16xi32> to vector<16xi32>
        %shift_left3A_1269 = arith.constant 16 : i32
        %shift_left3A_1270 = vector.broadcast %shift_left3A_1269 : i32 to vector<16xi32>
        %shift_left3A_1271 = arith.shli %get3A_1268, %shift_left3A_1270 : vector<16xi32>
        %bitcast_convert_type3A_1272 = tpu.bitcast %shift_left3A_1271 : vector<16xi32> -> vector<16xf32>
        %and3A_1273 = arith.constant -65536 : i32
        %and3A_1274 = vector.broadcast %and3A_1273 : i32 to vector<16xi32>
        %and3A_1275 = arith.andi %get3A_1268, %and3A_1274 : vector<16xi32>
        %bitcast_convert_type3A_1276 = tpu.bitcast %and3A_1275 : vector<16xi32> -> vector<16xf32>
        %mul3A_1277 = arith.mulf %bitcast_convert_type3A_1272, %gather3A_1188 : vector<16xf32>
        %swap3A_1278 = arith.index_cast %add3A_1192 : i32 to index
        %swap3A_1279 = arith.constant 48 : index
        %swap3A_1280 = tpu.vector_load %arg15[%swap3A_1278, %swap3A_1279] {strides = array<i32>} : memref<32x128xf32, #tpu.memory_space<vmem>>, vector<1x16xf32>,
        %swap3A_1281 = vector.shape_cast %swap3A_1280 : vector<1x16xf32> to vector<16xf32>
        %swap3A_1282 = vector.shape_cast %mul3A_1277 : vector<16xf32> to vector<1x16xf32>
        tpu.vector_store %arg15[%swap3A_1278, %swap3A_1279], %swap3A_1282 {strides = array<i32>} : memref<32x128xf32, #tpu.memory_space<vmem>>, vector<1x16xf32>,
        %mul3A_1283 = arith.mulf %bitcast_convert_type3A_1276, %gather3A_1188 : vector<16xf32>
        %swap3A_1284 = arith.index_cast %add3A_1192 : i32 to index
        %swap3A_1285 = arith.constant 112 : index
        %swap3A_1286 = tpu.vector_load %arg15[%swap3A_1284, %swap3A_1285] {strides = array<i32>} : memref<32x128xf32, #tpu.memory_space<vmem>>, vector<1x16xf32>,
        %swap3A_1287 = vector.shape_cast %swap3A_1286 : vector<1x16xf32> to vector<16xf32>
        %swap3A_1288 = vector.shape_cast %mul3A_1283 : vector<16xf32> to vector<1x16xf32>
        tpu.vector_store %arg15[%swap3A_1284, %swap3A_1285], %swap3A_1288 {strides = array<i32>} : memref<32x128xf32, #tpu.memory_space<vmem>>, vector<1x16xf32>,
        %broadcast_in_dim3A_1289 = arith.constant 10 : i32
        %broadcast_in_dim3A_1290 = vector.broadcast %broadcast_in_dim3A_1289 : i32 to vector<16xi32>
        %lt3A_1291 = arith.constant 0 : i32
        %lt3A_1292 = vector.broadcast %lt3A_1291 : i32 to vector<16xi32>
        %lt3A_1293 = arith.cmpi slt, %broadcast_in_dim3A_1290, %lt3A_1292 : vector<16xi32>
        %add3A_1294 = arith.constant 16 : i32
        %add3A_1295 = vector.broadcast %add3A_1294 : i32 to vector<16xi32>
        %add3A_1296 = arith.addi %broadcast_in_dim3A_1290, %add3A_1295 : vector<16xi32>
        %select_n3A_1297 = arith.select %lt3A_1293, %add3A_1296, %broadcast_in_dim3A_1290 : vector<16xi1>, vector<16xi32>
        %reshape3A_1298 = vector.shape_cast %select_n3A_1297 : vector<16xi32> to vector<16x1xi32>
        %gather3A_1299 = vector.shape_cast %reshape3A_1298 : vector<16x1xi32> to vector<16xi32>
        %gather3A_1300 = tpu.dynamic_gather %get3A_176[%gather3A_1299] in [0] : vector<16xf32>, vector<16xi32> -> vector<16xf32>
        %mul3A_1301 = arith.constant 16 : i32
        %mul3A_1302 = arith.muli %scan3A_171, %mul3A_1301 : i32
        %add3A_1303 = arith.constant 10 : i32
        %add3A_1304 = arith.addi %mul3A_1302, %add3A_1303 : i32
        %get3A_1305 = arith.index_cast %add3A_1304 : i32 to index
        %get3A_1306 = arith.constant 0 : index
        %get3A_1307 = tpu.vector_load %arg14[%get3A_1305, %get3A_1306] {strides = array<i32>} : memref<32x64xi32, #tpu.memory_space<vmem>>, vector<1x16xi32>,
        %get3A_1308 = vector.shape_cast %get3A_1307 : vector<1x16xi32> to vector<16xi32>
        %shift_left3A_1309 = arith.constant 16 : i32
        %shift_left3A_1310 = vector.broadcast %shift_left3A_1309 : i32 to vector<16xi32>
        %shift_left3A_1311 = arith.shli %get3A_1308, %shift_left3A_1310 : vector<16xi32>
        %bitcast_convert_type3A_1312 = tpu.bitcast %shift_left3A_1311 : vector<16xi32> -> vector<16xf32>
        %and3A_1313 = arith.constant -65536 : i32
        %and3A_1314 = vector.broadcast %and3A_1313 : i32 to vector<16xi32>
        %and3A_1315 = arith.andi %get3A_1308, %and3A_1314 : vector<16xi32>
        %bitcast_convert_type3A_1316 = tpu.bitcast %and3A_1315 : vector<16xi32> -> vector<16xf32>
        %mul3A_1317 = arith.mulf %bitcast_convert_type3A_1312, %gather3A_1300 : vector<16xf32>
        %swap3A_1318 = arith.index_cast %add3A_1304 : i32 to index
        %swap3A_1319 = arith.constant 0 : index
        %swap3A_1320 = tpu.vector_load %arg15[%swap3A_1318, %swap3A_1319] {strides = array<i32>} : memref<32x128xf32, #tpu.memory_space<vmem>>, vector<1x16xf32>,
        %swap3A_1321 = vector.shape_cast %swap3A_1320 : vector<1x16xf32> to vector<16xf32>
        %swap3A_1322 = vector.shape_cast %mul3A_1317 : vector<16xf32> to vector<1x16xf32>
        tpu.vector_store %arg15[%swap3A_1318, %swap3A_1319], %swap3A_1322 {strides = array<i32>} : memref<32x128xf32, #tpu.memory_space<vmem>>, vector<1x16xf32>,
        %mul3A_1323 = arith.mulf %bitcast_convert_type3A_1316, %gather3A_1300 : vector<16xf32>
        %swap3A_1324 = arith.index_cast %add3A_1304 : i32 to index
        %swap3A_1325 = arith.constant 64 : index
        %swap3A_1326 = tpu.vector_load %arg15[%swap3A_1324, %swap3A_1325] {strides = array<i32>} : memref<32x128xf32, #tpu.memory_space<vmem>>, vector<1x16xf32>,
        %swap3A_1327 = vector.shape_cast %swap3A_1326 : vector<1x16xf32> to vector<16xf32>
        %swap3A_1328 = vector.shape_cast %mul3A_1323 : vector<16xf32> to vector<1x16xf32>
        tpu.vector_store %arg15[%swap3A_1324, %swap3A_1325], %swap3A_1328 {strides = array<i32>} : memref<32x128xf32, #tpu.memory_space<vmem>>, vector<1x16xf32>,
        %get3A_1329 = arith.index_cast %add3A_1304 : i32 to index
        %get3A_1330 = arith.constant 16 : index
        %get3A_1331 = tpu.vector_load %arg14[%get3A_1329, %get3A_1330] {strides = array<i32>} : memref<32x64xi32, #tpu.memory_space<vmem>>, vector<1x16xi32>,
        %get3A_1332 = vector.shape_cast %get3A_1331 : vector<1x16xi32> to vector<16xi32>
        %shift_left3A_1333 = arith.constant 16 : i32
        %shift_left3A_1334 = vector.broadcast %shift_left3A_1333 : i32 to vector<16xi32>
        %shift_left3A_1335 = arith.shli %get3A_1332, %shift_left3A_1334 : vector<16xi32>
        %bitcast_convert_type3A_1336 = tpu.bitcast %shift_left3A_1335 : vector<16xi32> -> vector<16xf32>
        %and3A_1337 = arith.constant -65536 : i32
        %and3A_1338 = vector.broadcast %and3A_1337 : i32 to vector<16xi32>
        %and3A_1339 = arith.andi %get3A_1332, %and3A_1338 : vector<16xi32>
        %bitcast_convert_type3A_1340 = tpu.bitcast %and3A_1339 : vector<16xi32> -> vector<16xf32>
        %mul3A_1341 = arith.mulf %bitcast_convert_type3A_1336, %gather3A_1300 : vector<16xf32>
        %swap3A_1342 = arith.index_cast %add3A_1304 : i32 to index
        %swap3A_1343 = arith.constant 16 : index
        %swap3A_1344 = tpu.vector_load %arg15[%swap3A_1342, %swap3A_1343] {strides = array<i32>} : memref<32x128xf32, #tpu.memory_space<vmem>>, vector<1x16xf32>,
        %swap3A_1345 = vector.shape_cast %swap3A_1344 : vector<1x16xf32> to vector<16xf32>
        %swap3A_1346 = vector.shape_cast %mul3A_1341 : vector<16xf32> to vector<1x16xf32>
        tpu.vector_store %arg15[%swap3A_1342, %swap3A_1343], %swap3A_1346 {strides = array<i32>} : memref<32x128xf32, #tpu.memory_space<vmem>>, vector<1x16xf32>,
        %mul3A_1347 = arith.mulf %bitcast_convert_type3A_1340, %gather3A_1300 : vector<16xf32>
        %swap3A_1348 = arith.index_cast %add3A_1304 : i32 to index
        %swap3A_1349 = arith.constant 80 : index
        %swap3A_1350 = tpu.vector_load %arg15[%swap3A_1348, %swap3A_1349] {strides = array<i32>} : memref<32x128xf32, #tpu.memory_space<vmem>>, vector<1x16xf32>,
        %swap3A_1351 = vector.shape_cast %swap3A_1350 : vector<1x16xf32> to vector<16xf32>
        %swap3A_1352 = vector.shape_cast %mul3A_1347 : vector<16xf32> to vector<1x16xf32>
        tpu.vector_store %arg15[%swap3A_1348, %swap3A_1349], %swap3A_1352 {strides = array<i32>} : memref<32x128xf32, #tpu.memory_space<vmem>>, vector<1x16xf32>,
        %get3A_1353 = arith.index_cast %add3A_1304 : i32 to index
        %get3A_1354 = arith.constant 32 : index
        %get3A_1355 = tpu.vector_load %arg14[%get3A_1353, %get3A_1354] {strides = array<i32>} : memref<32x64xi32, #tpu.memory_space<vmem>>, vector<1x16xi32>,
        %get3A_1356 = vector.shape_cast %get3A_1355 : vector<1x16xi32> to vector<16xi32>
        %shift_left3A_1357 = arith.constant 16 : i32
        %shift_left3A_1358 = vector.broadcast %shift_left3A_1357 : i32 to vector<16xi32>
        %shift_left3A_1359 = arith.shli %get3A_1356, %shift_left3A_1358 : vector<16xi32>
        %bitcast_convert_type3A_1360 = tpu.bitcast %shift_left3A_1359 : vector<16xi32> -> vector<16xf32>
        %and3A_1361 = arith.constant -65536 : i32
        %and3A_1362 = vector.broadcast %and3A_1361 : i32 to vector<16xi32>
        %and3A_1363 = arith.andi %get3A_1356, %and3A_1362 : vector<16xi32>
        %bitcast_convert_type3A_1364 = tpu.bitcast %and3A_1363 : vector<16xi32> -> vector<16xf32>
        %mul3A_1365 = arith.mulf %bitcast_convert_type3A_1360, %gather3A_1300 : vector<16xf32>
        %swap3A_1366 = arith.index_cast %add3A_1304 : i32 to index
        %swap3A_1367 = arith.constant 32 : index
        %swap3A_1368 = tpu.vector_load %arg15[%swap3A_1366, %swap3A_1367] {strides = array<i32>} : memref<32x128xf32, #tpu.memory_space<vmem>>, vector<1x16xf32>,
        %swap3A_1369 = vector.shape_cast %swap3A_1368 : vector<1x16xf32> to vector<16xf32>
        %swap3A_1370 = vector.shape_cast %mul3A_1365 : vector<16xf32> to vector<1x16xf32>
        tpu.vector_store %arg15[%swap3A_1366, %swap3A_1367], %swap3A_1370 {strides = array<i32>} : memref<32x128xf32, #tpu.memory_space<vmem>>, vector<1x16xf32>,
        %mul3A_1371 = arith.mulf %bitcast_convert_type3A_1364, %gather3A_1300 : vector<16xf32>
        %swap3A_1372 = arith.index_cast %add3A_1304 : i32 to index
        %swap3A_1373 = arith.constant 96 : index
        %swap3A_1374 = tpu.vector_load %arg15[%swap3A_1372, %swap3A_1373] {strides = array<i32>} : memref<32x128xf32, #tpu.memory_space<vmem>>, vector<1x16xf32>,
        %swap3A_1375 = vector.shape_cast %swap3A_1374 : vector<1x16xf32> to vector<16xf32>
        %swap3A_1376 = vector.shape_cast %mul3A_1371 : vector<16xf32> to vector<1x16xf32>
        tpu.vector_store %arg15[%swap3A_1372, %swap3A_1373], %swap3A_1376 {strides = array<i32>} : memref<32x128xf32, #tpu.memory_space<vmem>>, vector<1x16xf32>,
        %get3A_1377 = arith.index_cast %add3A_1304 : i32 to index
        %get3A_1378 = arith.constant 48 : index
        %get3A_1379 = tpu.vector_load %arg14[%get3A_1377, %get3A_1378] {strides = array<i32>} : memref<32x64xi32, #tpu.memory_space<vmem>>, vector<1x16xi32>,
        %get3A_1380 = vector.shape_cast %get3A_1379 : vector<1x16xi32> to vector<16xi32>
        %shift_left3A_1381 = arith.constant 16 : i32
        %shift_left3A_1382 = vector.broadcast %shift_left3A_1381 : i32 to vector<16xi32>
        %shift_left3A_1383 = arith.shli %get3A_1380, %shift_left3A_1382 : vector<16xi32>
        %bitcast_convert_type3A_1384 = tpu.bitcast %shift_left3A_1383 : vector<16xi32> -> vector<16xf32>
        %and3A_1385 = arith.constant -65536 : i32
        %and3A_1386 = vector.broadcast %and3A_1385 : i32 to vector<16xi32>
        %and3A_1387 = arith.andi %get3A_1380, %and3A_1386 : vector<16xi32>
        %bitcast_convert_type3A_1388 = tpu.bitcast %and3A_1387 : vector<16xi32> -> vector<16xf32>
        %mul3A_1389 = arith.mulf %bitcast_convert_type3A_1384, %gather3A_1300 : vector<16xf32>
        %swap3A_1390 = arith.index_cast %add3A_1304 : i32 to index
        %swap3A_1391 = arith.constant 48 : index
        %swap3A_1392 = tpu.vector_load %arg15[%swap3A_1390, %swap3A_1391] {strides = array<i32>} : memref<32x128xf32, #tpu.memory_space<vmem>>, vector<1x16xf32>,
        %swap3A_1393 = vector.shape_cast %swap3A_1392 : vector<1x16xf32> to vector<16xf32>
        %swap3A_1394 = vector.shape_cast %mul3A_1389 : vector<16xf32> to vector<1x16xf32>
        tpu.vector_store %arg15[%swap3A_1390, %swap3A_1391], %swap3A_1394 {strides = array<i32>} : memref<32x128xf32, #tpu.memory_space<vmem>>, vector<1x16xf32>,
        %mul3A_1395 = arith.mulf %bitcast_convert_type3A_1388, %gather3A_1300 : vector<16xf32>
        %swap3A_1396 = arith.index_cast %add3A_1304 : i32 to index
        %swap3A_1397 = arith.constant 112 : index
        %swap3A_1398 = tpu.vector_load %arg15[%swap3A_1396, %swap3A_1397] {strides = array<i32>} : memref<32x128xf32, #tpu.memory_space<vmem>>, vector<1x16xf32>,
        %swap3A_1399 = vector.shape_cast %swap3A_1398 : vector<1x16xf32> to vector<16xf32>
        %swap3A_1400 = vector.shape_cast %mul3A_1395 : vector<16xf32> to vector<1x16xf32>
        tpu.vector_store %arg15[%swap3A_1396, %swap3A_1397], %swap3A_1400 {strides = array<i32>} : memref<32x128xf32, #tpu.memory_space<vmem>>, vector<1x16xf32>,
        %broadcast_in_dim3A_1401 = arith.constant 11 : i32
        %broadcast_in_dim3A_1402 = vector.broadcast %broadcast_in_dim3A_1401 : i32 to vector<16xi32>
        %lt3A_1403 = arith.constant 0 : i32
        %lt3A_1404 = vector.broadcast %lt3A_1403 : i32 to vector<16xi32>
        %lt3A_1405 = arith.cmpi slt, %broadcast_in_dim3A_1402, %lt3A_1404 : vector<16xi32>
        %add3A_1406 = arith.constant 16 : i32
        %add3A_1407 = vector.broadcast %add3A_1406 : i32 to vector<16xi32>
        %add3A_1408 = arith.addi %broadcast_in_dim3A_1402, %add3A_1407 : vector<16xi32>
        %select_n3A_1409 = arith.select %lt3A_1405, %add3A_1408, %broadcast_in_dim3A_1402 : vector<16xi1>, vector<16xi32>
        %reshape3A_1410 = vector.shape_cast %select_n3A_1409 : vector<16xi32> to vector<16x1xi32>
        %gather3A_1411 = vector.shape_cast %reshape3A_1410 : vector<16x1xi32> to vector<16xi32>
        %gather3A_1412 = tpu.dynamic_gather %get3A_176[%gather3A_1411] in [0] : vector<16xf32>, vector<16xi32> -> vector<16xf32>
        %mul3A_1413 = arith.constant 16 : i32
        %mul3A_1414 = arith.muli %scan3A_171, %mul3A_1413 : i32
        %add3A_1415 = arith.constant 11 : i32
        %add3A_1416 = arith.addi %mul3A_1414, %add3A_1415 : i32
        %get3A_1417 = arith.index_cast %add3A_1416 : i32 to index
        %get3A_1418 = arith.constant 0 : index
        %get3A_1419 = tpu.vector_load %arg14[%get3A_1417, %get3A_1418] {strides = array<i32>} : memref<32x64xi32, #tpu.memory_space<vmem>>, vector<1x16xi32>,
        %get3A_1420 = vector.shape_cast %get3A_1419 : vector<1x16xi32> to vector<16xi32>
        %shift_left3A_1421 = arith.constant 16 : i32
        %shift_left3A_1422 = vector.broadcast %shift_left3A_1421 : i32 to vector<16xi32>
        %shift_left3A_1423 = arith.shli %get3A_1420, %shift_left3A_1422 : vector<16xi32>
        %bitcast_convert_type3A_1424 = tpu.bitcast %shift_left3A_1423 : vector<16xi32> -> vector<16xf32>
        %and3A_1425 = arith.constant -65536 : i32
        %and3A_1426 = vector.broadcast %and3A_1425 : i32 to vector<16xi32>
        %and3A_1427 = arith.andi %get3A_1420, %and3A_1426 : vector<16xi32>
        %bitcast_convert_type3A_1428 = tpu.bitcast %and3A_1427 : vector<16xi32> -> vector<16xf32>
        %mul3A_1429 = arith.mulf %bitcast_convert_type3A_1424, %gather3A_1412 : vector<16xf32>
        %swap3A_1430 = arith.index_cast %add3A_1416 : i32 to index
        %swap3A_1431 = arith.constant 0 : index
        %swap3A_1432 = tpu.vector_load %arg15[%swap3A_1430, %swap3A_1431] {strides = array<i32>} : memref<32x128xf32, #tpu.memory_space<vmem>>, vector<1x16xf32>,
        %swap3A_1433 = vector.shape_cast %swap3A_1432 : vector<1x16xf32> to vector<16xf32>
        %swap3A_1434 = vector.shape_cast %mul3A_1429 : vector<16xf32> to vector<1x16xf32>
        tpu.vector_store %arg15[%swap3A_1430, %swap3A_1431], %swap3A_1434 {strides = array<i32>} : memref<32x128xf32, #tpu.memory_space<vmem>>, vector<1x16xf32>,
        %mul3A_1435 = arith.mulf %bitcast_convert_type3A_1428, %gather3A_1412 : vector<16xf32>
        %swap3A_1436 = arith.index_cast %add3A_1416 : i32 to index
        %swap3A_1437 = arith.constant 64 : index
        %swap3A_1438 = tpu.vector_load %arg15[%swap3A_1436, %swap3A_1437] {strides = array<i32>} : memref<32x128xf32, #tpu.memory_space<vmem>>, vector<1x16xf32>,
        %swap3A_1439 = vector.shape_cast %swap3A_1438 : vector<1x16xf32> to vector<16xf32>
        %swap3A_1440 = vector.shape_cast %mul3A_1435 : vector<16xf32> to vector<1x16xf32>
        tpu.vector_store %arg15[%swap3A_1436, %swap3A_1437], %swap3A_1440 {strides = array<i32>} : memref<32x128xf32, #tpu.memory_space<vmem>>, vector<1x16xf32>,
        %get3A_1441 = arith.index_cast %add3A_1416 : i32 to index
        %get3A_1442 = arith.constant 16 : index
        %get3A_1443 = tpu.vector_load %arg14[%get3A_1441, %get3A_1442] {strides = array<i32>} : memref<32x64xi32, #tpu.memory_space<vmem>>, vector<1x16xi32>,
        %get3A_1444 = vector.shape_cast %get3A_1443 : vector<1x16xi32> to vector<16xi32>
        %shift_left3A_1445 = arith.constant 16 : i32
        %shift_left3A_1446 = vector.broadcast %shift_left3A_1445 : i32 to vector<16xi32>
        %shift_left3A_1447 = arith.shli %get3A_1444, %shift_left3A_1446 : vector<16xi32>
        %bitcast_convert_type3A_1448 = tpu.bitcast %shift_left3A_1447 : vector<16xi32> -> vector<16xf32>
        %and3A_1449 = arith.constant -65536 : i32
        %and3A_1450 = vector.broadcast %and3A_1449 : i32 to vector<16xi32>
        %and3A_1451 = arith.andi %get3A_1444, %and3A_1450 : vector<16xi32>
        %bitcast_convert_type3A_1452 = tpu.bitcast %and3A_1451 : vector<16xi32> -> vector<16xf32>
        %mul3A_1453 = arith.mulf %bitcast_convert_type3A_1448, %gather3A_1412 : vector<16xf32>
        %swap3A_1454 = arith.index_cast %add3A_1416 : i32 to index
        %swap3A_1455 = arith.constant 16 : index
        %swap3A_1456 = tpu.vector_load %arg15[%swap3A_1454, %swap3A_1455] {strides = array<i32>} : memref<32x128xf32, #tpu.memory_space<vmem>>, vector<1x16xf32>,
        %swap3A_1457 = vector.shape_cast %swap3A_1456 : vector<1x16xf32> to vector<16xf32>
        %swap3A_1458 = vector.shape_cast %mul3A_1453 : vector<16xf32> to vector<1x16xf32>
        tpu.vector_store %arg15[%swap3A_1454, %swap3A_1455], %swap3A_1458 {strides = array<i32>} : memref<32x128xf32, #tpu.memory_space<vmem>>, vector<1x16xf32>,
        %mul3A_1459 = arith.mulf %bitcast_convert_type3A_1452, %gather3A_1412 : vector<16xf32>
        %swap3A_1460 = arith.index_cast %add3A_1416 : i32 to index
        %swap3A_1461 = arith.constant 80 : index
        %swap3A_1462 = tpu.vector_load %arg15[%swap3A_1460, %swap3A_1461] {strides = array<i32>} : memref<32x128xf32, #tpu.memory_space<vmem>>, vector<1x16xf32>,
        %swap3A_1463 = vector.shape_cast %swap3A_1462 : vector<1x16xf32> to vector<16xf32>
        %swap3A_1464 = vector.shape_cast %mul3A_1459 : vector<16xf32> to vector<1x16xf32>
        tpu.vector_store %arg15[%swap3A_1460, %swap3A_1461], %swap3A_1464 {strides = array<i32>} : memref<32x128xf32, #tpu.memory_space<vmem>>, vector<1x16xf32>,
        %get3A_1465 = arith.index_cast %add3A_1416 : i32 to index
        %get3A_1466 = arith.constant 32 : index
        %get3A_1467 = tpu.vector_load %arg14[%get3A_1465, %get3A_1466] {strides = array<i32>} : memref<32x64xi32, #tpu.memory_space<vmem>>, vector<1x16xi32>,
        %get3A_1468 = vector.shape_cast %get3A_1467 : vector<1x16xi32> to vector<16xi32>
        %shift_left3A_1469 = arith.constant 16 : i32
        %shift_left3A_1470 = vector.broadcast %shift_left3A_1469 : i32 to vector<16xi32>
        %shift_left3A_1471 = arith.shli %get3A_1468, %shift_left3A_1470 : vector<16xi32>
        %bitcast_convert_type3A_1472 = tpu.bitcast %shift_left3A_1471 : vector<16xi32> -> vector<16xf32>
        %and3A_1473 = arith.constant -65536 : i32
        %and3A_1474 = vector.broadcast %and3A_1473 : i32 to vector<16xi32>
        %and3A_1475 = arith.andi %get3A_1468, %and3A_1474 : vector<16xi32>
        %bitcast_convert_type3A_1476 = tpu.bitcast %and3A_1475 : vector<16xi32> -> vector<16xf32>
        %mul3A_1477 = arith.mulf %bitcast_convert_type3A_1472, %gather3A_1412 : vector<16xf32>
        %swap3A_1478 = arith.index_cast %add3A_1416 : i32 to index
        %swap3A_1479 = arith.constant 32 : index
        %swap3A_1480 = tpu.vector_load %arg15[%swap3A_1478, %swap3A_1479] {strides = array<i32>} : memref<32x128xf32, #tpu.memory_space<vmem>>, vector<1x16xf32>,
        %swap3A_1481 = vector.shape_cast %swap3A_1480 : vector<1x16xf32> to vector<16xf32>
        %swap3A_1482 = vector.shape_cast %mul3A_1477 : vector<16xf32> to vector<1x16xf32>
        tpu.vector_store %arg15[%swap3A_1478, %swap3A_1479], %swap3A_1482 {strides = array<i32>} : memref<32x128xf32, #tpu.memory_space<vmem>>, vector<1x16xf32>,
        %mul3A_1483 = arith.mulf %bitcast_convert_type3A_1476, %gather3A_1412 : vector<16xf32>
        %swap3A_1484 = arith.index_cast %add3A_1416 : i32 to index
        %swap3A_1485 = arith.constant 96 : index
        %swap3A_1486 = tpu.vector_load %arg15[%swap3A_1484, %swap3A_1485] {strides = array<i32>} : memref<32x128xf32, #tpu.memory_space<vmem>>, vector<1x16xf32>,
        %swap3A_1487 = vector.shape_cast %swap3A_1486 : vector<1x16xf32> to vector<16xf32>
        %swap3A_1488 = vector.shape_cast %mul3A_1483 : vector<16xf32> to vector<1x16xf32>
        tpu.vector_store %arg15[%swap3A_1484, %swap3A_1485], %swap3A_1488 {strides = array<i32>} : memref<32x128xf32, #tpu.memory_space<vmem>>, vector<1x16xf32>,
        %get3A_1489 = arith.index_cast %add3A_1416 : i32 to index
        %get3A_1490 = arith.constant 48 : index
        %get3A_1491 = tpu.vector_load %arg14[%get3A_1489, %get3A_1490] {strides = array<i32>} : memref<32x64xi32, #tpu.memory_space<vmem>>, vector<1x16xi32>,
        %get3A_1492 = vector.shape_cast %get3A_1491 : vector<1x16xi32> to vector<16xi32>
        %shift_left3A_1493 = arith.constant 16 : i32
        %shift_left3A_1494 = vector.broadcast %shift_left3A_1493 : i32 to vector<16xi32>
        %shift_left3A_1495 = arith.shli %get3A_1492, %shift_left3A_1494 : vector<16xi32>
        %bitcast_convert_type3A_1496 = tpu.bitcast %shift_left3A_1495 : vector<16xi32> -> vector<16xf32>
        %and3A_1497 = arith.constant -65536 : i32
        %and3A_1498 = vector.broadcast %and3A_1497 : i32 to vector<16xi32>
        %and3A_1499 = arith.andi %get3A_1492, %and3A_1498 : vector<16xi32>
        %bitcast_convert_type3A_1500 = tpu.bitcast %and3A_1499 : vector<16xi32> -> vector<16xf32>
        %mul3A_1501 = arith.mulf %bitcast_convert_type3A_1496, %gather3A_1412 : vector<16xf32>
        %swap3A_1502 = arith.index_cast %add3A_1416 : i32 to index
        %swap3A_1503 = arith.constant 48 : index
        %swap3A_1504 = tpu.vector_load %arg15[%swap3A_1502, %swap3A_1503] {strides = array<i32>} : memref<32x128xf32, #tpu.memory_space<vmem>>, vector<1x16xf32>,
        %swap3A_1505 = vector.shape_cast %swap3A_1504 : vector<1x16xf32> to vector<16xf32>
        %swap3A_1506 = vector.shape_cast %mul3A_1501 : vector<16xf32> to vector<1x16xf32>
        tpu.vector_store %arg15[%swap3A_1502, %swap3A_1503], %swap3A_1506 {strides = array<i32>} : memref<32x128xf32, #tpu.memory_space<vmem>>, vector<1x16xf32>,
        %mul3A_1507 = arith.mulf %bitcast_convert_type3A_1500, %gather3A_1412 : vector<16xf32>
        %swap3A_1508 = arith.index_cast %add3A_1416 : i32 to index
        %swap3A_1509 = arith.constant 112 : index
        %swap3A_1510 = tpu.vector_load %arg15[%swap3A_1508, %swap3A_1509] {strides = array<i32>} : memref<32x128xf32, #tpu.memory_space<vmem>>, vector<1x16xf32>,
        %swap3A_1511 = vector.shape_cast %swap3A_1510 : vector<1x16xf32> to vector<16xf32>
        %swap3A_1512 = vector.shape_cast %mul3A_1507 : vector<16xf32> to vector<1x16xf32>
        tpu.vector_store %arg15[%swap3A_1508, %swap3A_1509], %swap3A_1512 {strides = array<i32>} : memref<32x128xf32, #tpu.memory_space<vmem>>, vector<1x16xf32>,
        %broadcast_in_dim3A_1513 = arith.constant 12 : i32
        %broadcast_in_dim3A_1514 = vector.broadcast %broadcast_in_dim3A_1513 : i32 to vector<16xi32>
        %lt3A_1515 = arith.constant 0 : i32
        %lt3A_1516 = vector.broadcast %lt3A_1515 : i32 to vector<16xi32>
        %lt3A_1517 = arith.cmpi slt, %broadcast_in_dim3A_1514, %lt3A_1516 : vector<16xi32>
        %add3A_1518 = arith.constant 16 : i32
        %add3A_1519 = vector.broadcast %add3A_1518 : i32 to vector<16xi32>
        %add3A_1520 = arith.addi %broadcast_in_dim3A_1514, %add3A_1519 : vector<16xi32>
        %select_n3A_1521 = arith.select %lt3A_1517, %add3A_1520, %broadcast_in_dim3A_1514 : vector<16xi1>, vector<16xi32>
        %reshape3A_1522 = vector.shape_cast %select_n3A_1521 : vector<16xi32> to vector<16x1xi32>
        %gather3A_1523 = vector.shape_cast %reshape3A_1522 : vector<16x1xi32> to vector<16xi32>
        %gather3A_1524 = tpu.dynamic_gather %get3A_176[%gather3A_1523] in [0] : vector<16xf32>, vector<16xi32> -> vector<16xf32>
        %mul3A_1525 = arith.constant 16 : i32
        %mul3A_1526 = arith.muli %scan3A_171, %mul3A_1525 : i32
        %add3A_1527 = arith.constant 12 : i32
        %add3A_1528 = arith.addi %mul3A_1526, %add3A_1527 : i32
        %get3A_1529 = arith.index_cast %add3A_1528 : i32 to index
        %get3A_1530 = arith.constant 0 : index
        %get3A_1531 = tpu.vector_load %arg14[%get3A_1529, %get3A_1530] {strides = array<i32>} : memref<32x64xi32, #tpu.memory_space<vmem>>, vector<1x16xi32>,
        %get3A_1532 = vector.shape_cast %get3A_1531 : vector<1x16xi32> to vector<16xi32>
        %shift_left3A_1533 = arith.constant 16 : i32
        %shift_left3A_1534 = vector.broadcast %shift_left3A_1533 : i32 to vector<16xi32>
        %shift_left3A_1535 = arith.shli %get3A_1532, %shift_left3A_1534 : vector<16xi32>
        %bitcast_convert_type3A_1536 = tpu.bitcast %shift_left3A_1535 : vector<16xi32> -> vector<16xf32>
        %and3A_1537 = arith.constant -65536 : i32
        %and3A_1538 = vector.broadcast %and3A_1537 : i32 to vector<16xi32>
        %and3A_1539 = arith.andi %get3A_1532, %and3A_1538 : vector<16xi32>
        %bitcast_convert_type3A_1540 = tpu.bitcast %and3A_1539 : vector<16xi32> -> vector<16xf32>
        %mul3A_1541 = arith.mulf %bitcast_convert_type3A_1536, %gather3A_1524 : vector<16xf32>
        %swap3A_1542 = arith.index_cast %add3A_1528 : i32 to index
        %swap3A_1543 = arith.constant 0 : index
        %swap3A_1544 = tpu.vector_load %arg15[%swap3A_1542, %swap3A_1543] {strides = array<i32>} : memref<32x128xf32, #tpu.memory_space<vmem>>, vector<1x16xf32>,
        %swap3A_1545 = vector.shape_cast %swap3A_1544 : vector<1x16xf32> to vector<16xf32>
        %swap3A_1546 = vector.shape_cast %mul3A_1541 : vector<16xf32> to vector<1x16xf32>
        tpu.vector_store %arg15[%swap3A_1542, %swap3A_1543], %swap3A_1546 {strides = array<i32>} : memref<32x128xf32, #tpu.memory_space<vmem>>, vector<1x16xf32>,
        %mul3A_1547 = arith.mulf %bitcast_convert_type3A_1540, %gather3A_1524 : vector<16xf32>
        %swap3A_1548 = arith.index_cast %add3A_1528 : i32 to index
        %swap3A_1549 = arith.constant 64 : index
        %swap3A_1550 = tpu.vector_load %arg15[%swap3A_1548, %swap3A_1549] {strides = array<i32>} : memref<32x128xf32, #tpu.memory_space<vmem>>, vector<1x16xf32>,
        %swap3A_1551 = vector.shape_cast %swap3A_1550 : vector<1x16xf32> to vector<16xf32>
        %swap3A_1552 = vector.shape_cast %mul3A_1547 : vector<16xf32> to vector<1x16xf32>
        tpu.vector_store %arg15[%swap3A_1548, %swap3A_1549], %swap3A_1552 {strides = array<i32>} : memref<32x128xf32, #tpu.memory_space<vmem>>, vector<1x16xf32>,
        %get3A_1553 = arith.index_cast %add3A_1528 : i32 to index
        %get3A_1554 = arith.constant 16 : index
        %get3A_1555 = tpu.vector_load %arg14[%get3A_1553, %get3A_1554] {strides = array<i32>} : memref<32x64xi32, #tpu.memory_space<vmem>>, vector<1x16xi32>,
        %get3A_1556 = vector.shape_cast %get3A_1555 : vector<1x16xi32> to vector<16xi32>
        %shift_left3A_1557 = arith.constant 16 : i32
        %shift_left3A_1558 = vector.broadcast %shift_left3A_1557 : i32 to vector<16xi32>
        %shift_left3A_1559 = arith.shli %get3A_1556, %shift_left3A_1558 : vector<16xi32>
        %bitcast_convert_type3A_1560 = tpu.bitcast %shift_left3A_1559 : vector<16xi32> -> vector<16xf32>
        %and3A_1561 = arith.constant -65536 : i32
        %and3A_1562 = vector.broadcast %and3A_1561 : i32 to vector<16xi32>
        %and3A_1563 = arith.andi %get3A_1556, %and3A_1562 : vector<16xi32>
        %bitcast_convert_type3A_1564 = tpu.bitcast %and3A_1563 : vector<16xi32> -> vector<16xf32>
        %mul3A_1565 = arith.mulf %bitcast_convert_type3A_1560, %gather3A_1524 : vector<16xf32>
        %swap3A_1566 = arith.index_cast %add3A_1528 : i32 to index
        %swap3A_1567 = arith.constant 16 : index
        %swap3A_1568 = tpu.vector_load %arg15[%swap3A_1566, %swap3A_1567] {strides = array<i32>} : memref<32x128xf32, #tpu.memory_space<vmem>>, vector<1x16xf32>,
        %swap3A_1569 = vector.shape_cast %swap3A_1568 : vector<1x16xf32> to vector<16xf32>
        %swap3A_1570 = vector.shape_cast %mul3A_1565 : vector<16xf32> to vector<1x16xf32>
        tpu.vector_store %arg15[%swap3A_1566, %swap3A_1567], %swap3A_1570 {strides = array<i32>} : memref<32x128xf32, #tpu.memory_space<vmem>>, vector<1x16xf32>,
        %mul3A_1571 = arith.mulf %bitcast_convert_type3A_1564, %gather3A_1524 : vector<16xf32>
        %swap3A_1572 = arith.index_cast %add3A_1528 : i32 to index
        %swap3A_1573 = arith.constant 80 : index
        %swap3A_1574 = tpu.vector_load %arg15[%swap3A_1572, %swap3A_1573] {strides = array<i32>} : memref<32x128xf32, #tpu.memory_space<vmem>>, vector<1x16xf32>,
        %swap3A_1575 = vector.shape_cast %swap3A_1574 : vector<1x16xf32> to vector<16xf32>
        %swap3A_1576 = vector.shape_cast %mul3A_1571 : vector<16xf32> to vector<1x16xf32>
        tpu.vector_store %arg15[%swap3A_1572, %swap3A_1573], %swap3A_1576 {strides = array<i32>} : memref<32x128xf32, #tpu.memory_space<vmem>>, vector<1x16xf32>,
        %get3A_1577 = arith.index_cast %add3A_1528 : i32 to index
        %get3A_1578 = arith.constant 32 : index
        %get3A_1579 = tpu.vector_load %arg14[%get3A_1577, %get3A_1578] {strides = array<i32>} : memref<32x64xi32, #tpu.memory_space<vmem>>, vector<1x16xi32>,
        %get3A_1580 = vector.shape_cast %get3A_1579 : vector<1x16xi32> to vector<16xi32>
        %shift_left3A_1581 = arith.constant 16 : i32
        %shift_left3A_1582 = vector.broadcast %shift_left3A_1581 : i32 to vector<16xi32>
        %shift_left3A_1583 = arith.shli %get3A_1580, %shift_left3A_1582 : vector<16xi32>
        %bitcast_convert_type3A_1584 = tpu.bitcast %shift_left3A_1583 : vector<16xi32> -> vector<16xf32>
        %and3A_1585 = arith.constant -65536 : i32
        %and3A_1586 = vector.broadcast %and3A_1585 : i32 to vector<16xi32>
        %and3A_1587 = arith.andi %get3A_1580, %and3A_1586 : vector<16xi32>
        %bitcast_convert_type3A_1588 = tpu.bitcast %and3A_1587 : vector<16xi32> -> vector<16xf32>
        %mul3A_1589 = arith.mulf %bitcast_convert_type3A_1584, %gather3A_1524 : vector<16xf32>
        %swap3A_1590 = arith.index_cast %add3A_1528 : i32 to index
        %swap3A_1591 = arith.constant 32 : index
        %swap3A_1592 = tpu.vector_load %arg15[%swap3A_1590, %swap3A_1591] {strides = array<i32>} : memref<32x128xf32, #tpu.memory_space<vmem>>, vector<1x16xf32>,
        %swap3A_1593 = vector.shape_cast %swap3A_1592 : vector<1x16xf32> to vector<16xf32>
        %swap3A_1594 = vector.shape_cast %mul3A_1589 : vector<16xf32> to vector<1x16xf32>
        tpu.vector_store %arg15[%swap3A_1590, %swap3A_1591], %swap3A_1594 {strides = array<i32>} : memref<32x128xf32, #tpu.memory_space<vmem>>, vector<1x16xf32>,
        %mul3A_1595 = arith.mulf %bitcast_convert_type3A_1588, %gather3A_1524 : vector<16xf32>
        %swap3A_1596 = arith.index_cast %add3A_1528 : i32 to index
        %swap3A_1597 = arith.constant 96 : index
        %swap3A_1598 = tpu.vector_load %arg15[%swap3A_1596, %swap3A_1597] {strides = array<i32>} : memref<32x128xf32, #tpu.memory_space<vmem>>, vector<1x16xf32>,
        %swap3A_1599 = vector.shape_cast %swap3A_1598 : vector<1x16xf32> to vector<16xf32>
        %swap3A_1600 = vector.shape_cast %mul3A_1595 : vector<16xf32> to vector<1x16xf32>
        tpu.vector_store %arg15[%swap3A_1596, %swap3A_1597], %swap3A_1600 {strides = array<i32>} : memref<32x128xf32, #tpu.memory_space<vmem>>, vector<1x16xf32>,
        %get3A_1601 = arith.index_cast %add3A_1528 : i32 to index
        %get3A_1602 = arith.constant 48 : index
        %get3A_1603 = tpu.vector_load %arg14[%get3A_1601, %get3A_1602] {strides = array<i32>} : memref<32x64xi32, #tpu.memory_space<vmem>>, vector<1x16xi32>,
        %get3A_1604 = vector.shape_cast %get3A_1603 : vector<1x16xi32> to vector<16xi32>
        %shift_left3A_1605 = arith.constant 16 : i32
        %shift_left3A_1606 = vector.broadcast %shift_left3A_1605 : i32 to vector<16xi32>
        %shift_left3A_1607 = arith.shli %get3A_1604, %shift_left3A_1606 : vector<16xi32>
        %bitcast_convert_type3A_1608 = tpu.bitcast %shift_left3A_1607 : vector<16xi32> -> vector<16xf32>
        %and3A_1609 = arith.constant -65536 : i32
        %and3A_1610 = vector.broadcast %and3A_1609 : i32 to vector<16xi32>
        %and3A_1611 = arith.andi %get3A_1604, %and3A_1610 : vector<16xi32>
        %bitcast_convert_type3A_1612 = tpu.bitcast %and3A_1611 : vector<16xi32> -> vector<16xf32>
        %mul3A_1613 = arith.mulf %bitcast_convert_type3A_1608, %gather3A_1524 : vector<16xf32>
        %swap3A_1614 = arith.index_cast %add3A_1528 : i32 to index
        %swap3A_1615 = arith.constant 48 : index
        %swap3A_1616 = tpu.vector_load %arg15[%swap3A_1614, %swap3A_1615] {strides = array<i32>} : memref<32x128xf32, #tpu.memory_space<vmem>>, vector<1x16xf32>,
        %swap3A_1617 = vector.shape_cast %swap3A_1616 : vector<1x16xf32> to vector<16xf32>
        %swap3A_1618 = vector.shape_cast %mul3A_1613 : vector<16xf32> to vector<1x16xf32>
        tpu.vector_store %arg15[%swap3A_1614, %swap3A_1615], %swap3A_1618 {strides = array<i32>} : memref<32x128xf32, #tpu.memory_space<vmem>>, vector<1x16xf32>,
        %mul3A_1619 = arith.mulf %bitcast_convert_type3A_1612, %gather3A_1524 : vector<16xf32>
        %swap3A_1620 = arith.index_cast %add3A_1528 : i32 to index
        %swap3A_1621 = arith.constant 112 : index
        %swap3A_1622 = tpu.vector_load %arg15[%swap3A_1620, %swap3A_1621] {strides = array<i32>} : memref<32x128xf32, #tpu.memory_space<vmem>>, vector<1x16xf32>,
        %swap3A_1623 = vector.shape_cast %swap3A_1622 : vector<1x16xf32> to vector<16xf32>
        %swap3A_1624 = vector.shape_cast %mul3A_1619 : vector<16xf32> to vector<1x16xf32>
        tpu.vector_store %arg15[%swap3A_1620, %swap3A_1621], %swap3A_1624 {strides = array<i32>} : memref<32x128xf32, #tpu.memory_space<vmem>>, vector<1x16xf32>,
        %broadcast_in_dim3A_1625 = arith.constant 13 : i32
        %broadcast_in_dim3A_1626 = vector.broadcast %broadcast_in_dim3A_1625 : i32 to vector<16xi32>
        %lt3A_1627 = arith.constant 0 : i32
        %lt3A_1628 = vector.broadcast %lt3A_1627 : i32 to vector<16xi32>
        %lt3A_1629 = arith.cmpi slt, %broadcast_in_dim3A_1626, %lt3A_1628 : vector<16xi32>
        %add3A_1630 = arith.constant 16 : i32
        %add3A_1631 = vector.broadcast %add3A_1630 : i32 to vector<16xi32>
        %add3A_1632 = arith.addi %broadcast_in_dim3A_1626, %add3A_1631 : vector<16xi32>
        %select_n3A_1633 = arith.select %lt3A_1629, %add3A_1632, %broadcast_in_dim3A_1626 : vector<16xi1>, vector<16xi32>
        %reshape3A_1634 = vector.shape_cast %select_n3A_1633 : vector<16xi32> to vector<16x1xi32>
        %gather3A_1635 = vector.shape_cast %reshape3A_1634 : vector<16x1xi32> to vector<16xi32>
        %gather3A_1636 = tpu.dynamic_gather %get3A_176[%gather3A_1635] in [0] : vector<16xf32>, vector<16xi32> -> vector<16xf32>
        %mul3A_1637 = arith.constant 16 : i32
        %mul3A_1638 = arith.muli %scan3A_171, %mul3A_1637 : i32
        %add3A_1639 = arith.constant 13 : i32
        %add3A_1640 = arith.addi %mul3A_1638, %add3A_1639 : i32
        %get3A_1641 = arith.index_cast %add3A_1640 : i32 to index
        %get3A_1642 = arith.constant 0 : index
        %get3A_1643 = tpu.vector_load %arg14[%get3A_1641, %get3A_1642] {strides = array<i32>} : memref<32x64xi32, #tpu.memory_space<vmem>>, vector<1x16xi32>,
        %get3A_1644 = vector.shape_cast %get3A_1643 : vector<1x16xi32> to vector<16xi32>
        %shift_left3A_1645 = arith.constant 16 : i32
        %shift_left3A_1646 = vector.broadcast %shift_left3A_1645 : i32 to vector<16xi32>
        %shift_left3A_1647 = arith.shli %get3A_1644, %shift_left3A_1646 : vector<16xi32>
        %bitcast_convert_type3A_1648 = tpu.bitcast %shift_left3A_1647 : vector<16xi32> -> vector<16xf32>
        %and3A_1649 = arith.constant -65536 : i32
        %and3A_1650 = vector.broadcast %and3A_1649 : i32 to vector<16xi32>
        %and3A_1651 = arith.andi %get3A_1644, %and3A_1650 : vector<16xi32>
        %bitcast_convert_type3A_1652 = tpu.bitcast %and3A_1651 : vector<16xi32> -> vector<16xf32>
        %mul3A_1653 = arith.mulf %bitcast_convert_type3A_1648, %gather3A_1636 : vector<16xf32>
        %swap3A_1654 = arith.index_cast %add3A_1640 : i32 to index
        %swap3A_1655 = arith.constant 0 : index
        %swap3A_1656 = tpu.vector_load %arg15[%swap3A_1654, %swap3A_1655] {strides = array<i32>} : memref<32x128xf32, #tpu.memory_space<vmem>>, vector<1x16xf32>,
        %swap3A_1657 = vector.shape_cast %swap3A_1656 : vector<1x16xf32> to vector<16xf32>
        %swap3A_1658 = vector.shape_cast %mul3A_1653 : vector<16xf32> to vector<1x16xf32>
        tpu.vector_store %arg15[%swap3A_1654, %swap3A_1655], %swap3A_1658 {strides = array<i32>} : memref<32x128xf32, #tpu.memory_space<vmem>>, vector<1x16xf32>,
        %mul3A_1659 = arith.mulf %bitcast_convert_type3A_1652, %gather3A_1636 : vector<16xf32>
        %swap3A_1660 = arith.index_cast %add3A_1640 : i32 to index
        %swap3A_1661 = arith.constant 64 : index
        %swap3A_1662 = tpu.vector_load %arg15[%swap3A_1660, %swap3A_1661] {strides = array<i32>} : memref<32x128xf32, #tpu.memory_space<vmem>>, vector<1x16xf32>,
        %swap3A_1663 = vector.shape_cast %swap3A_1662 : vector<1x16xf32> to vector<16xf32>
        %swap3A_1664 = vector.shape_cast %mul3A_1659 : vector<16xf32> to vector<1x16xf32>
        tpu.vector_store %arg15[%swap3A_1660, %swap3A_1661], %swap3A_1664 {strides = array<i32>} : memref<32x128xf32, #tpu.memory_space<vmem>>, vector<1x16xf32>,
        %get3A_1665 = arith.index_cast %add3A_1640 : i32 to index
        %get3A_1666 = arith.constant 16 : index
        %get3A_1667 = tpu.vector_load %arg14[%get3A_1665, %get3A_1666] {strides = array<i32>} : memref<32x64xi32, #tpu.memory_space<vmem>>, vector<1x16xi32>,
        %get3A_1668 = vector.shape_cast %get3A_1667 : vector<1x16xi32> to vector<16xi32>
        %shift_left3A_1669 = arith.constant 16 : i32
        %shift_left3A_1670 = vector.broadcast %shift_left3A_1669 : i32 to vector<16xi32>
        %shift_left3A_1671 = arith.shli %get3A_1668, %shift_left3A_1670 : vector<16xi32>
        %bitcast_convert_type3A_1672 = tpu.bitcast %shift_left3A_1671 : vector<16xi32> -> vector<16xf32>
        %and3A_1673 = arith.constant -65536 : i32
        %and3A_1674 = vector.broadcast %and3A_1673 : i32 to vector<16xi32>
        %and3A_1675 = arith.andi %get3A_1668, %and3A_1674 : vector<16xi32>
        %bitcast_convert_type3A_1676 = tpu.bitcast %and3A_1675 : vector<16xi32> -> vector<16xf32>
        %mul3A_1677 = arith.mulf %bitcast_convert_type3A_1672, %gather3A_1636 : vector<16xf32>
        %swap3A_1678 = arith.index_cast %add3A_1640 : i32 to index
        %swap3A_1679 = arith.constant 16 : index
        %swap3A_1680 = tpu.vector_load %arg15[%swap3A_1678, %swap3A_1679] {strides = array<i32>} : memref<32x128xf32, #tpu.memory_space<vmem>>, vector<1x16xf32>,
        %swap3A_1681 = vector.shape_cast %swap3A_1680 : vector<1x16xf32> to vector<16xf32>
        %swap3A_1682 = vector.shape_cast %mul3A_1677 : vector<16xf32> to vector<1x16xf32>
        tpu.vector_store %arg15[%swap3A_1678, %swap3A_1679], %swap3A_1682 {strides = array<i32>} : memref<32x128xf32, #tpu.memory_space<vmem>>, vector<1x16xf32>,
        %mul3A_1683 = arith.mulf %bitcast_convert_type3A_1676, %gather3A_1636 : vector<16xf32>
        %swap3A_1684 = arith.index_cast %add3A_1640 : i32 to index
        %swap3A_1685 = arith.constant 80 : index
        %swap3A_1686 = tpu.vector_load %arg15[%swap3A_1684, %swap3A_1685] {strides = array<i32>} : memref<32x128xf32, #tpu.memory_space<vmem>>, vector<1x16xf32>,
        %swap3A_1687 = vector.shape_cast %swap3A_1686 : vector<1x16xf32> to vector<16xf32>
        %swap3A_1688 = vector.shape_cast %mul3A_1683 : vector<16xf32> to vector<1x16xf32>
        tpu.vector_store %arg15[%swap3A_1684, %swap3A_1685], %swap3A_1688 {strides = array<i32>} : memref<32x128xf32, #tpu.memory_space<vmem>>, vector<1x16xf32>,
        %get3A_1689 = arith.index_cast %add3A_1640 : i32 to index
        %get3A_1690 = arith.constant 32 : index
        %get3A_1691 = tpu.vector_load %arg14[%get3A_1689, %get3A_1690] {strides = array<i32>} : memref<32x64xi32, #tpu.memory_space<vmem>>, vector<1x16xi32>,
        %get3A_1692 = vector.shape_cast %get3A_1691 : vector<1x16xi32> to vector<16xi32>
        %shift_left3A_1693 = arith.constant 16 : i32
        %shift_left3A_1694 = vector.broadcast %shift_left3A_1693 : i32 to vector<16xi32>
        %shift_left3A_1695 = arith.shli %get3A_1692, %shift_left3A_1694 : vector<16xi32>
        %bitcast_convert_type3A_1696 = tpu.bitcast %shift_left3A_1695 : vector<16xi32> -> vector<16xf32>
        %and3A_1697 = arith.constant -65536 : i32
        %and3A_1698 = vector.broadcast %and3A_1697 : i32 to vector<16xi32>
        %and3A_1699 = arith.andi %get3A_1692, %and3A_1698 : vector<16xi32>
        %bitcast_convert_type3A_1700 = tpu.bitcast %and3A_1699 : vector<16xi32> -> vector<16xf32>
        %mul3A_1701 = arith.mulf %bitcast_convert_type3A_1696, %gather3A_1636 : vector<16xf32>
        %swap3A_1702 = arith.index_cast %add3A_1640 : i32 to index
        %swap3A_1703 = arith.constant 32 : index
        %swap3A_1704 = tpu.vector_load %arg15[%swap3A_1702, %swap3A_1703] {strides = array<i32>} : memref<32x128xf32, #tpu.memory_space<vmem>>, vector<1x16xf32>,
        %swap3A_1705 = vector.shape_cast %swap3A_1704 : vector<1x16xf32> to vector<16xf32>
        %swap3A_1706 = vector.shape_cast %mul3A_1701 : vector<16xf32> to vector<1x16xf32>
        tpu.vector_store %arg15[%swap3A_1702, %swap3A_1703], %swap3A_1706 {strides = array<i32>} : memref<32x128xf32, #tpu.memory_space<vmem>>, vector<1x16xf32>,
        %mul3A_1707 = arith.mulf %bitcast_convert_type3A_1700, %gather3A_1636 : vector<16xf32>
        %swap3A_1708 = arith.index_cast %add3A_1640 : i32 to index
        %swap3A_1709 = arith.constant 96 : index
        %swap3A_1710 = tpu.vector_load %arg15[%swap3A_1708, %swap3A_1709] {strides = array<i32>} : memref<32x128xf32, #tpu.memory_space<vmem>>, vector<1x16xf32>,
        %swap3A_1711 = vector.shape_cast %swap3A_1710 : vector<1x16xf32> to vector<16xf32>
        %swap3A_1712 = vector.shape_cast %mul3A_1707 : vector<16xf32> to vector<1x16xf32>
        tpu.vector_store %arg15[%swap3A_1708, %swap3A_1709], %swap3A_1712 {strides = array<i32>} : memref<32x128xf32, #tpu.memory_space<vmem>>, vector<1x16xf32>,
        %get3A_1713 = arith.index_cast %add3A_1640 : i32 to index
        %get3A_1714 = arith.constant 48 : index
        %get3A_1715 = tpu.vector_load %arg14[%get3A_1713, %get3A_1714] {strides = array<i32>} : memref<32x64xi32, #tpu.memory_space<vmem>>, vector<1x16xi32>,
        %get3A_1716 = vector.shape_cast %get3A_1715 : vector<1x16xi32> to vector<16xi32>
        %shift_left3A_1717 = arith.constant 16 : i32
        %shift_left3A_1718 = vector.broadcast %shift_left3A_1717 : i32 to vector<16xi32>
        %shift_left3A_1719 = arith.shli %get3A_1716, %shift_left3A_1718 : vector<16xi32>
        %bitcast_convert_type3A_1720 = tpu.bitcast %shift_left3A_1719 : vector<16xi32> -> vector<16xf32>
        %and3A_1721 = arith.constant -65536 : i32
        %and3A_1722 = vector.broadcast %and3A_1721 : i32 to vector<16xi32>
        %and3A_1723 = arith.andi %get3A_1716, %and3A_1722 : vector<16xi32>
        %bitcast_convert_type3A_1724 = tpu.bitcast %and3A_1723 : vector<16xi32> -> vector<16xf32>
        %mul3A_1725 = arith.mulf %bitcast_convert_type3A_1720, %gather3A_1636 : vector<16xf32>
        %swap3A_1726 = arith.index_cast %add3A_1640 : i32 to index
        %swap3A_1727 = arith.constant 48 : index
        %swap3A_1728 = tpu.vector_load %arg15[%swap3A_1726, %swap3A_1727] {strides = array<i32>} : memref<32x128xf32, #tpu.memory_space<vmem>>, vector<1x16xf32>,
        %swap3A_1729 = vector.shape_cast %swap3A_1728 : vector<1x16xf32> to vector<16xf32>
        %swap3A_1730 = vector.shape_cast %mul3A_1725 : vector<16xf32> to vector<1x16xf32>
        tpu.vector_store %arg15[%swap3A_1726, %swap3A_1727], %swap3A_1730 {strides = array<i32>} : memref<32x128xf32, #tpu.memory_space<vmem>>, vector<1x16xf32>,
        %mul3A_1731 = arith.mulf %bitcast_convert_type3A_1724, %gather3A_1636 : vector<16xf32>
        %swap3A_1732 = arith.index_cast %add3A_1640 : i32 to index
        %swap3A_1733 = arith.constant 112 : index
        %swap3A_1734 = tpu.vector_load %arg15[%swap3A_1732, %swap3A_1733] {strides = array<i32>} : memref<32x128xf32, #tpu.memory_space<vmem>>, vector<1x16xf32>,
        %swap3A_1735 = vector.shape_cast %swap3A_1734 : vector<1x16xf32> to vector<16xf32>
        %swap3A_1736 = vector.shape_cast %mul3A_1731 : vector<16xf32> to vector<1x16xf32>
        tpu.vector_store %arg15[%swap3A_1732, %swap3A_1733], %swap3A_1736 {strides = array<i32>} : memref<32x128xf32, #tpu.memory_space<vmem>>, vector<1x16xf32>,
        %broadcast_in_dim3A_1737 = arith.constant 14 : i32
        %broadcast_in_dim3A_1738 = vector.broadcast %broadcast_in_dim3A_1737 : i32 to vector<16xi32>
        %lt3A_1739 = arith.constant 0 : i32
        %lt3A_1740 = vector.broadcast %lt3A_1739 : i32 to vector<16xi32>
        %lt3A_1741 = arith.cmpi slt, %broadcast_in_dim3A_1738, %lt3A_1740 : vector<16xi32>
        %add3A_1742 = arith.constant 16 : i32
        %add3A_1743 = vector.broadcast %add3A_1742 : i32 to vector<16xi32>
        %add3A_1744 = arith.addi %broadcast_in_dim3A_1738, %add3A_1743 : vector<16xi32>
        %select_n3A_1745 = arith.select %lt3A_1741, %add3A_1744, %broadcast_in_dim3A_1738 : vector<16xi1>, vector<16xi32>
        %reshape3A_1746 = vector.shape_cast %select_n3A_1745 : vector<16xi32> to vector<16x1xi32>
        %gather3A_1747 = vector.shape_cast %reshape3A_1746 : vector<16x1xi32> to vector<16xi32>
        %gather3A_1748 = tpu.dynamic_gather %get3A_176[%gather3A_1747] in [0] : vector<16xf32>, vector<16xi32> -> vector<16xf32>
        %mul3A_1749 = arith.constant 16 : i32
        %mul3A_1750 = arith.muli %scan3A_171, %mul3A_1749 : i32
        %add3A_1751 = arith.constant 14 : i32
        %add3A_1752 = arith.addi %mul3A_1750, %add3A_1751 : i32
        %get3A_1753 = arith.index_cast %add3A_1752 : i32 to index
        %get3A_1754 = arith.constant 0 : index
        %get3A_1755 = tpu.vector_load %arg14[%get3A_1753, %get3A_1754] {strides = array<i32>} : memref<32x64xi32, #tpu.memory_space<vmem>>, vector<1x16xi32>,
        %get3A_1756 = vector.shape_cast %get3A_1755 : vector<1x16xi32> to vector<16xi32>
        %shift_left3A_1757 = arith.constant 16 : i32
        %shift_left3A_1758 = vector.broadcast %shift_left3A_1757 : i32 to vector<16xi32>
        %shift_left3A_1759 = arith.shli %get3A_1756, %shift_left3A_1758 : vector<16xi32>
        %bitcast_convert_type3A_1760 = tpu.bitcast %shift_left3A_1759 : vector<16xi32> -> vector<16xf32>
        %and3A_1761 = arith.constant -65536 : i32
        %and3A_1762 = vector.broadcast %and3A_1761 : i32 to vector<16xi32>
        %and3A_1763 = arith.andi %get3A_1756, %and3A_1762 : vector<16xi32>
        %bitcast_convert_type3A_1764 = tpu.bitcast %and3A_1763 : vector<16xi32> -> vector<16xf32>
        %mul3A_1765 = arith.mulf %bitcast_convert_type3A_1760, %gather3A_1748 : vector<16xf32>
        %swap3A_1766 = arith.index_cast %add3A_1752 : i32 to index
        %swap3A_1767 = arith.constant 0 : index
        %swap3A_1768 = tpu.vector_load %arg15[%swap3A_1766, %swap3A_1767] {strides = array<i32>} : memref<32x128xf32, #tpu.memory_space<vmem>>, vector<1x16xf32>,
        %swap3A_1769 = vector.shape_cast %swap3A_1768 : vector<1x16xf32> to vector<16xf32>
        %swap3A_1770 = vector.shape_cast %mul3A_1765 : vector<16xf32> to vector<1x16xf32>
        tpu.vector_store %arg15[%swap3A_1766, %swap3A_1767], %swap3A_1770 {strides = array<i32>} : memref<32x128xf32, #tpu.memory_space<vmem>>, vector<1x16xf32>,
        %mul3A_1771 = arith.mulf %bitcast_convert_type3A_1764, %gather3A_1748 : vector<16xf32>
        %swap3A_1772 = arith.index_cast %add3A_1752 : i32 to index
        %swap3A_1773 = arith.constant 64 : index
        %swap3A_1774 = tpu.vector_load %arg15[%swap3A_1772, %swap3A_1773] {strides = array<i32>} : memref<32x128xf32, #tpu.memory_space<vmem>>, vector<1x16xf32>,
        %swap3A_1775 = vector.shape_cast %swap3A_1774 : vector<1x16xf32> to vector<16xf32>
        %swap3A_1776 = vector.shape_cast %mul3A_1771 : vector<16xf32> to vector<1x16xf32>
        tpu.vector_store %arg15[%swap3A_1772, %swap3A_1773], %swap3A_1776 {strides = array<i32>} : memref<32x128xf32, #tpu.memory_space<vmem>>, vector<1x16xf32>,
        %get3A_1777 = arith.index_cast %add3A_1752 : i32 to index
        %get3A_1778 = arith.constant 16 : index
        %get3A_1779 = tpu.vector_load %arg14[%get3A_1777, %get3A_1778] {strides = array<i32>} : memref<32x64xi32, #tpu.memory_space<vmem>>, vector<1x16xi32>,
        %get3A_1780 = vector.shape_cast %get3A_1779 : vector<1x16xi32> to vector<16xi32>
        %shift_left3A_1781 = arith.constant 16 : i32
        %shift_left3A_1782 = vector.broadcast %shift_left3A_1781 : i32 to vector<16xi32>
        %shift_left3A_1783 = arith.shli %get3A_1780, %shift_left3A_1782 : vector<16xi32>
        %bitcast_convert_type3A_1784 = tpu.bitcast %shift_left3A_1783 : vector<16xi32> -> vector<16xf32>
        %and3A_1785 = arith.constant -65536 : i32
        %and3A_1786 = vector.broadcast %and3A_1785 : i32 to vector<16xi32>
        %and3A_1787 = arith.andi %get3A_1780, %and3A_1786 : vector<16xi32>
        %bitcast_convert_type3A_1788 = tpu.bitcast %and3A_1787 : vector<16xi32> -> vector<16xf32>
        %mul3A_1789 = arith.mulf %bitcast_convert_type3A_1784, %gather3A_1748 : vector<16xf32>
        %swap3A_1790 = arith.index_cast %add3A_1752 : i32 to index
        %swap3A_1791 = arith.constant 16 : index
        %swap3A_1792 = tpu.vector_load %arg15[%swap3A_1790, %swap3A_1791] {strides = array<i32>} : memref<32x128xf32, #tpu.memory_space<vmem>>, vector<1x16xf32>,
        %swap3A_1793 = vector.shape_cast %swap3A_1792 : vector<1x16xf32> to vector<16xf32>
        %swap3A_1794 = vector.shape_cast %mul3A_1789 : vector<16xf32> to vector<1x16xf32>
        tpu.vector_store %arg15[%swap3A_1790, %swap3A_1791], %swap3A_1794 {strides = array<i32>} : memref<32x128xf32, #tpu.memory_space<vmem>>, vector<1x16xf32>,
        %mul3A_1795 = arith.mulf %bitcast_convert_type3A_1788, %gather3A_1748 : vector<16xf32>
        %swap3A_1796 = arith.index_cast %add3A_1752 : i32 to index
        %swap3A_1797 = arith.constant 80 : index
        %swap3A_1798 = tpu.vector_load %arg15[%swap3A_1796, %swap3A_1797] {strides = array<i32>} : memref<32x128xf32, #tpu.memory_space<vmem>>, vector<1x16xf32>,
        %swap3A_1799 = vector.shape_cast %swap3A_1798 : vector<1x16xf32> to vector<16xf32>
        %swap3A_1800 = vector.shape_cast %mul3A_1795 : vector<16xf32> to vector<1x16xf32>
        tpu.vector_store %arg15[%swap3A_1796, %swap3A_1797], %swap3A_1800 {strides = array<i32>} : memref<32x128xf32, #tpu.memory_space<vmem>>, vector<1x16xf32>,
        %get3A_1801 = arith.index_cast %add3A_1752 : i32 to index
        %get3A_1802 = arith.constant 32 : index
        %get3A_1803 = tpu.vector_load %arg14[%get3A_1801, %get3A_1802] {strides = array<i32>} : memref<32x64xi32, #tpu.memory_space<vmem>>, vector<1x16xi32>,
        %get3A_1804 = vector.shape_cast %get3A_1803 : vector<1x16xi32> to vector<16xi32>
        %shift_left3A_1805 = arith.constant 16 : i32
        %shift_left3A_1806 = vector.broadcast %shift_left3A_1805 : i32 to vector<16xi32>
        %shift_left3A_1807 = arith.shli %get3A_1804, %shift_left3A_1806 : vector<16xi32>
        %bitcast_convert_type3A_1808 = tpu.bitcast %shift_left3A_1807 : vector<16xi32> -> vector<16xf32>
        %and3A_1809 = arith.constant -65536 : i32
        %and3A_1810 = vector.broadcast %and3A_1809 : i32 to vector<16xi32>
        %and3A_1811 = arith.andi %get3A_1804, %and3A_1810 : vector<16xi32>
        %bitcast_convert_type3A_1812 = tpu.bitcast %and3A_1811 : vector<16xi32> -> vector<16xf32>
        %mul3A_1813 = arith.mulf %bitcast_convert_type3A_1808, %gather3A_1748 : vector<16xf32>
        %swap3A_1814 = arith.index_cast %add3A_1752 : i32 to index
        %swap3A_1815 = arith.constant 32 : index
        %swap3A_1816 = tpu.vector_load %arg15[%swap3A_1814, %swap3A_1815] {strides = array<i32>} : memref<32x128xf32, #tpu.memory_space<vmem>>, vector<1x16xf32>,
        %swap3A_1817 = vector.shape_cast %swap3A_1816 : vector<1x16xf32> to vector<16xf32>
        %swap3A_1818 = vector.shape_cast %mul3A_1813 : vector<16xf32> to vector<1x16xf32>
        tpu.vector_store %arg15[%swap3A_1814, %swap3A_1815], %swap3A_1818 {strides = array<i32>} : memref<32x128xf32, #tpu.memory_space<vmem>>, vector<1x16xf32>,
        %mul3A_1819 = arith.mulf %bitcast_convert_type3A_1812, %gather3A_1748 : vector<16xf32>
        %swap3A_1820 = arith.index_cast %add3A_1752 : i32 to index
        %swap3A_1821 = arith.constant 96 : index
        %swap3A_1822 = tpu.vector_load %arg15[%swap3A_1820, %swap3A_1821] {strides = array<i32>} : memref<32x128xf32, #tpu.memory_space<vmem>>, vector<1x16xf32>,
        %swap3A_1823 = vector.shape_cast %swap3A_1822 : vector<1x16xf32> to vector<16xf32>
        %swap3A_1824 = vector.shape_cast %mul3A_1819 : vector<16xf32> to vector<1x16xf32>
        tpu.vector_store %arg15[%swap3A_1820, %swap3A_1821], %swap3A_1824 {strides = array<i32>} : memref<32x128xf32, #tpu.memory_space<vmem>>, vector<1x16xf32>,
        %get3A_1825 = arith.index_cast %add3A_1752 : i32 to index
        %get3A_1826 = arith.constant 48 : index
        %get3A_1827 = tpu.vector_load %arg14[%get3A_1825, %get3A_1826] {strides = array<i32>} : memref<32x64xi32, #tpu.memory_space<vmem>>, vector<1x16xi32>,
        %get3A_1828 = vector.shape_cast %get3A_1827 : vector<1x16xi32> to vector<16xi32>
        %shift_left3A_1829 = arith.constant 16 : i32
        %shift_left3A_1830 = vector.broadcast %shift_left3A_1829 : i32 to vector<16xi32>
        %shift_left3A_1831 = arith.shli %get3A_1828, %shift_left3A_1830 : vector<16xi32>
        %bitcast_convert_type3A_1832 = tpu.bitcast %shift_left3A_1831 : vector<16xi32> -> vector<16xf32>
        %and3A_1833 = arith.constant -65536 : i32
        %and3A_1834 = vector.broadcast %and3A_1833 : i32 to vector<16xi32>
        %and3A_1835 = arith.andi %get3A_1828, %and3A_1834 : vector<16xi32>
        %bitcast_convert_type3A_1836 = tpu.bitcast %and3A_1835 : vector<16xi32> -> vector<16xf32>
        %mul3A_1837 = arith.mulf %bitcast_convert_type3A_1832, %gather3A_1748 : vector<16xf32>
        %swap3A_1838 = arith.index_cast %add3A_1752 : i32 to index
        %swap3A_1839 = arith.constant 48 : index
        %swap3A_1840 = tpu.vector_load %arg15[%swap3A_1838, %swap3A_1839] {strides = array<i32>} : memref<32x128xf32, #tpu.memory_space<vmem>>, vector<1x16xf32>,
        %swap3A_1841 = vector.shape_cast %swap3A_1840 : vector<1x16xf32> to vector<16xf32>
        %swap3A_1842 = vector.shape_cast %mul3A_1837 : vector<16xf32> to vector<1x16xf32>
        tpu.vector_store %arg15[%swap3A_1838, %swap3A_1839], %swap3A_1842 {strides = array<i32>} : memref<32x128xf32, #tpu.memory_space<vmem>>, vector<1x16xf32>,
        %mul3A_1843 = arith.mulf %bitcast_convert_type3A_1836, %gather3A_1748 : vector<16xf32>
        %swap3A_1844 = arith.index_cast %add3A_1752 : i32 to index
        %swap3A_1845 = arith.constant 112 : index
        %swap3A_1846 = tpu.vector_load %arg15[%swap3A_1844, %swap3A_1845] {strides = array<i32>} : memref<32x128xf32, #tpu.memory_space<vmem>>, vector<1x16xf32>,
        %swap3A_1847 = vector.shape_cast %swap3A_1846 : vector<1x16xf32> to vector<16xf32>
        %swap3A_1848 = vector.shape_cast %mul3A_1843 : vector<16xf32> to vector<1x16xf32>
        tpu.vector_store %arg15[%swap3A_1844, %swap3A_1845], %swap3A_1848 {strides = array<i32>} : memref<32x128xf32, #tpu.memory_space<vmem>>, vector<1x16xf32>,
        %broadcast_in_dim3A_1849 = arith.constant 15 : i32
        %broadcast_in_dim3A_1850 = vector.broadcast %broadcast_in_dim3A_1849 : i32 to vector<16xi32>
        %lt3A_1851 = arith.constant 0 : i32
        %lt3A_1852 = vector.broadcast %lt3A_1851 : i32 to vector<16xi32>
        %lt3A_1853 = arith.cmpi slt, %broadcast_in_dim3A_1850, %lt3A_1852 : vector<16xi32>
        %add3A_1854 = arith.constant 16 : i32
        %add3A_1855 = vector.broadcast %add3A_1854 : i32 to vector<16xi32>
        %add3A_1856 = arith.addi %broadcast_in_dim3A_1850, %add3A_1855 : vector<16xi32>
        %select_n3A_1857 = arith.select %lt3A_1853, %add3A_1856, %broadcast_in_dim3A_1850 : vector<16xi1>, vector<16xi32>
        %reshape3A_1858 = vector.shape_cast %select_n3A_1857 : vector<16xi32> to vector<16x1xi32>
        %gather3A_1859 = vector.shape_cast %reshape3A_1858 : vector<16x1xi32> to vector<16xi32>
        %gather3A_1860 = tpu.dynamic_gather %get3A_176[%gather3A_1859] in [0] : vector<16xf32>, vector<16xi32> -> vector<16xf32>
        %mul3A_1861 = arith.constant 16 : i32
        %mul3A_1862 = arith.muli %scan3A_171, %mul3A_1861 : i32
        %add3A_1863 = arith.constant 15 : i32
        %add3A_1864 = arith.addi %mul3A_1862, %add3A_1863 : i32
        %get3A_1865 = arith.index_cast %add3A_1864 : i32 to index
        %get3A_1866 = arith.constant 0 : index
        %get3A_1867 = tpu.vector_load %arg14[%get3A_1865, %get3A_1866] {strides = array<i32>} : memref<32x64xi32, #tpu.memory_space<vmem>>, vector<1x16xi32>,
        %get3A_1868 = vector.shape_cast %get3A_1867 : vector<1x16xi32> to vector<16xi32>
        %shift_left3A_1869 = arith.constant 16 : i32
        %shift_left3A_1870 = vector.broadcast %shift_left3A_1869 : i32 to vector<16xi32>
        %shift_left3A_1871 = arith.shli %get3A_1868, %shift_left3A_1870 : vector<16xi32>
        %bitcast_convert_type3A_1872 = tpu.bitcast %shift_left3A_1871 : vector<16xi32> -> vector<16xf32>
        %and3A_1873 = arith.constant -65536 : i32
        %and3A_1874 = vector.broadcast %and3A_1873 : i32 to vector<16xi32>
        %and3A_1875 = arith.andi %get3A_1868, %and3A_1874 : vector<16xi32>
        %bitcast_convert_type3A_1876 = tpu.bitcast %and3A_1875 : vector<16xi32> -> vector<16xf32>
        %mul3A_1877 = arith.mulf %bitcast_convert_type3A_1872, %gather3A_1860 : vector<16xf32>
        %swap3A_1878 = arith.index_cast %add3A_1864 : i32 to index
        %swap3A_1879 = arith.constant 0 : index
        %swap3A_1880 = tpu.vector_load %arg15[%swap3A_1878, %swap3A_1879] {strides = array<i32>} : memref<32x128xf32, #tpu.memory_space<vmem>>, vector<1x16xf32>,
        %swap3A_1881 = vector.shape_cast %swap3A_1880 : vector<1x16xf32> to vector<16xf32>
        %swap3A_1882 = vector.shape_cast %mul3A_1877 : vector<16xf32> to vector<1x16xf32>
        tpu.vector_store %arg15[%swap3A_1878, %swap3A_1879], %swap3A_1882 {strides = array<i32>} : memref<32x128xf32, #tpu.memory_space<vmem>>, vector<1x16xf32>,
        %mul3A_1883 = arith.mulf %bitcast_convert_type3A_1876, %gather3A_1860 : vector<16xf32>
        %swap3A_1884 = arith.index_cast %add3A_1864 : i32 to index
        %swap3A_1885 = arith.constant 64 : index
        %swap3A_1886 = tpu.vector_load %arg15[%swap3A_1884, %swap3A_1885] {strides = array<i32>} : memref<32x128xf32, #tpu.memory_space<vmem>>, vector<1x16xf32>,
        %swap3A_1887 = vector.shape_cast %swap3A_1886 : vector<1x16xf32> to vector<16xf32>
        %swap3A_1888 = vector.shape_cast %mul3A_1883 : vector<16xf32> to vector<1x16xf32>
        tpu.vector_store %arg15[%swap3A_1884, %swap3A_1885], %swap3A_1888 {strides = array<i32>} : memref<32x128xf32, #tpu.memory_space<vmem>>, vector<1x16xf32>,
        %get3A_1889 = arith.index_cast %add3A_1864 : i32 to index
        %get3A_1890 = arith.constant 16 : index
        %get3A_1891 = tpu.vector_load %arg14[%get3A_1889, %get3A_1890] {strides = array<i32>} : memref<32x64xi32, #tpu.memory_space<vmem>>, vector<1x16xi32>,
        %get3A_1892 = vector.shape_cast %get3A_1891 : vector<1x16xi32> to vector<16xi32>
        %shift_left3A_1893 = arith.constant 16 : i32
        %shift_left3A_1894 = vector.broadcast %shift_left3A_1893 : i32 to vector<16xi32>
        %shift_left3A_1895 = arith.shli %get3A_1892, %shift_left3A_1894 : vector<16xi32>
        %bitcast_convert_type3A_1896 = tpu.bitcast %shift_left3A_1895 : vector<16xi32> -> vector<16xf32>
        %and3A_1897 = arith.constant -65536 : i32
        %and3A_1898 = vector.broadcast %and3A_1897 : i32 to vector<16xi32>
        %and3A_1899 = arith.andi %get3A_1892, %and3A_1898 : vector<16xi32>
        %bitcast_convert_type3A_1900 = tpu.bitcast %and3A_1899 : vector<16xi32> -> vector<16xf32>
        %mul3A_1901 = arith.mulf %bitcast_convert_type3A_1896, %gather3A_1860 : vector<16xf32>
        %swap3A_1902 = arith.index_cast %add3A_1864 : i32 to index
        %swap3A_1903 = arith.constant 16 : index
        %swap3A_1904 = tpu.vector_load %arg15[%swap3A_1902, %swap3A_1903] {strides = array<i32>} : memref<32x128xf32, #tpu.memory_space<vmem>>, vector<1x16xf32>,
        %swap3A_1905 = vector.shape_cast %swap3A_1904 : vector<1x16xf32> to vector<16xf32>
        %swap3A_1906 = vector.shape_cast %mul3A_1901 : vector<16xf32> to vector<1x16xf32>
        tpu.vector_store %arg15[%swap3A_1902, %swap3A_1903], %swap3A_1906 {strides = array<i32>} : memref<32x128xf32, #tpu.memory_space<vmem>>, vector<1x16xf32>,
        %mul3A_1907 = arith.mulf %bitcast_convert_type3A_1900, %gather3A_1860 : vector<16xf32>
        %swap3A_1908 = arith.index_cast %add3A_1864 : i32 to index
        %swap3A_1909 = arith.constant 80 : index
        %swap3A_1910 = tpu.vector_load %arg15[%swap3A_1908, %swap3A_1909] {strides = array<i32>} : memref<32x128xf32, #tpu.memory_space<vmem>>, vector<1x16xf32>,
        %swap3A_1911 = vector.shape_cast %swap3A_1910 : vector<1x16xf32> to vector<16xf32>
        %swap3A_1912 = vector.shape_cast %mul3A_1907 : vector<16xf32> to vector<1x16xf32>
        tpu.vector_store %arg15[%swap3A_1908, %swap3A_1909], %swap3A_1912 {strides = array<i32>} : memref<32x128xf32, #tpu.memory_space<vmem>>, vector<1x16xf32>,
        %get3A_1913 = arith.index_cast %add3A_1864 : i32 to index
        %get3A_1914 = arith.constant 32 : index
        %get3A_1915 = tpu.vector_load %arg14[%get3A_1913, %get3A_1914] {strides = array<i32>} : memref<32x64xi32, #tpu.memory_space<vmem>>, vector<1x16xi32>,
        %get3A_1916 = vector.shape_cast %get3A_1915 : vector<1x16xi32> to vector<16xi32>
        %shift_left3A_1917 = arith.constant 16 : i32
        %shift_left3A_1918 = vector.broadcast %shift_left3A_1917 : i32 to vector<16xi32>
        %shift_left3A_1919 = arith.shli %get3A_1916, %shift_left3A_1918 : vector<16xi32>
        %bitcast_convert_type3A_1920 = tpu.bitcast %shift_left3A_1919 : vector<16xi32> -> vector<16xf32>
        %and3A_1921 = arith.constant -65536 : i32
        %and3A_1922 = vector.broadcast %and3A_1921 : i32 to vector<16xi32>
        %and3A_1923 = arith.andi %get3A_1916, %and3A_1922 : vector<16xi32>
        %bitcast_convert_type3A_1924 = tpu.bitcast %and3A_1923 : vector<16xi32> -> vector<16xf32>
        %mul3A_1925 = arith.mulf %bitcast_convert_type3A_1920, %gather3A_1860 : vector<16xf32>
        %swap3A_1926 = arith.index_cast %add3A_1864 : i32 to index
        %swap3A_1927 = arith.constant 32 : index
        %swap3A_1928 = tpu.vector_load %arg15[%swap3A_1926, %swap3A_1927] {strides = array<i32>} : memref<32x128xf32, #tpu.memory_space<vmem>>, vector<1x16xf32>,
        %swap3A_1929 = vector.shape_cast %swap3A_1928 : vector<1x16xf32> to vector<16xf32>
        %swap3A_1930 = vector.shape_cast %mul3A_1925 : vector<16xf32> to vector<1x16xf32>
        tpu.vector_store %arg15[%swap3A_1926, %swap3A_1927], %swap3A_1930 {strides = array<i32>} : memref<32x128xf32, #tpu.memory_space<vmem>>, vector<1x16xf32>,
        %mul3A_1931 = arith.mulf %bitcast_convert_type3A_1924, %gather3A_1860 : vector<16xf32>
        %swap3A_1932 = arith.index_cast %add3A_1864 : i32 to index
        %swap3A_1933 = arith.constant 96 : index
        %swap3A_1934 = tpu.vector_load %arg15[%swap3A_1932, %swap3A_1933] {strides = array<i32>} : memref<32x128xf32, #tpu.memory_space<vmem>>, vector<1x16xf32>,
        %swap3A_1935 = vector.shape_cast %swap3A_1934 : vector<1x16xf32> to vector<16xf32>
        %swap3A_1936 = vector.shape_cast %mul3A_1931 : vector<16xf32> to vector<1x16xf32>
        tpu.vector_store %arg15[%swap3A_1932, %swap3A_1933], %swap3A_1936 {strides = array<i32>} : memref<32x128xf32, #tpu.memory_space<vmem>>, vector<1x16xf32>,
        %get3A_1937 = arith.index_cast %add3A_1864 : i32 to index
        %get3A_1938 = arith.constant 48 : index
        %get3A_1939 = tpu.vector_load %arg14[%get3A_1937, %get3A_1938] {strides = array<i32>} : memref<32x64xi32, #tpu.memory_space<vmem>>, vector<1x16xi32>,
        %get3A_1940 = vector.shape_cast %get3A_1939 : vector<1x16xi32> to vector<16xi32>
        %shift_left3A_1941 = arith.constant 16 : i32
        %shift_left3A_1942 = vector.broadcast %shift_left3A_1941 : i32 to vector<16xi32>
        %shift_left3A_1943 = arith.shli %get3A_1940, %shift_left3A_1942 : vector<16xi32>
        %bitcast_convert_type3A_1944 = tpu.bitcast %shift_left3A_1943 : vector<16xi32> -> vector<16xf32>
        %and3A_1945 = arith.constant -65536 : i32
        %and3A_1946 = vector.broadcast %and3A_1945 : i32 to vector<16xi32>
        %and3A_1947 = arith.andi %get3A_1940, %and3A_1946 : vector<16xi32>
        %bitcast_convert_type3A_1948 = tpu.bitcast %and3A_1947 : vector<16xi32> -> vector<16xf32>
        %mul3A_1949 = arith.mulf %bitcast_convert_type3A_1944, %gather3A_1860 : vector<16xf32>
        %swap3A_1950 = arith.index_cast %add3A_1864 : i32 to index
        %swap3A_1951 = arith.constant 48 : index
        %swap3A_1952 = tpu.vector_load %arg15[%swap3A_1950, %swap3A_1951] {strides = array<i32>} : memref<32x128xf32, #tpu.memory_space<vmem>>, vector<1x16xf32>,
        %swap3A_1953 = vector.shape_cast %swap3A_1952 : vector<1x16xf32> to vector<16xf32>
        %swap3A_1954 = vector.shape_cast %mul3A_1949 : vector<16xf32> to vector<1x16xf32>
        tpu.vector_store %arg15[%swap3A_1950, %swap3A_1951], %swap3A_1954 {strides = array<i32>} : memref<32x128xf32, #tpu.memory_space<vmem>>, vector<1x16xf32>,
        %mul3A_1955 = arith.mulf %bitcast_convert_type3A_1948, %gather3A_1860 : vector<16xf32>
        %swap3A_1956 = arith.index_cast %add3A_1864 : i32 to index
        %swap3A_1957 = arith.constant 112 : index
        %swap3A_1958 = tpu.vector_load %arg15[%swap3A_1956, %swap3A_1957] {strides = array<i32>} : memref<32x128xf32, #tpu.memory_space<vmem>>, vector<1x16xf32>,
        %swap3A_1959 = vector.shape_cast %swap3A_1958 : vector<1x16xf32> to vector<16xf32>
        %swap3A_1960 = vector.shape_cast %mul3A_1955 : vector<16xf32> to vector<1x16xf32>
        tpu.vector_store %arg15[%swap3A_1956, %swap3A_1957], %swap3A_1960 {strides = array<i32>} : memref<32x128xf32, #tpu.memory_space<vmem>>, vector<1x16xf32>,
        %scan3A_1961 = arith.constant 0 : i32
        scf.yield %scan3A_1961 : i32
      }
      %scan3A_169 = arith.constant 2 : i32
      "tpu.region"() ({
        %run_scoped3A = tpu.sem_alloc : memref<!tpu.dma_semaphore, #tpu.memory_space<semaphore_mem>>
        %dma_start3A_171 = arith.constant 0 : i32
        %dma_start3A_172 = arith.constant 0 : i32
        %dma_start3A_173 = tpu.memref_slice %arg17[%dma_start3A_171, %dma_start3A_172] : memref<10000x128xf32, #tpu.memory_space<vmem_shared>> -> memref<10000x128xf32, #tpu.memory_space<vmem_shared>>
        tpu.enqueue_indirect_dma source(%arg15 : memref<32x128xf32, #tpu.memory_space<vmem>>) target(%dma_start3A_173 : memref<10000x128xf32, #tpu.memory_space<vmem_shared>>) offsets(%arg10 : memref<32xi32, #tpu.memory_space<vmem>>) semaphore(%run_scoped3A : memref<!tpu.dma_semaphore, #tpu.memory_space<semaphore_mem>>) {add = true}
        %dma_wait3A_174 = arith.constant 0 : i32
        %dma_wait3A_175 = arith.constant 0 : i32
        %dma_wait3A_176 = tpu.memref_slice %arg17[%dma_wait3A_174, %dma_wait3A_175] : memref<10000x128xf32, #tpu.memory_space<vmem_shared>> -> memref<10000x128xf32, #tpu.memory_space<vmem_shared>>
        tpu.wait_indirect_dma semaphore(%run_scoped3A : memref<!tpu.dma_semaphore, #tpu.memory_space<semaphore_mem>>) src(%arg15 : memref<32x128xf32, #tpu.memory_space<vmem>>) dst(%dma_wait3A_176 : memref<10000x128xf32, #tpu.memory_space<vmem_shared>>)
        tpu.yield
      }) : () -> ()
      %scan3A_170 = arith.constant 0 : i32
      scf.yield %scan3A_170 : i32
    }
    %scan3A_86 = arith.constant 157 : i32
    %barrier3A_87 = arith.constant 0 : index
    tpu.barrier barrier_id(%barrier3A_87)
    "tpu.region"() ({
      %run_scoped3A = tpu.sem_alloc : memref<!tpu.dma_semaphore, #tpu.memory_space<semaphore_mem>>
      %dma_start3A_93 = arith.constant 0 : i32
      %dma_start3A_94 = tpu.memref_slice %arg6[%arg0, %mul3A_4, %dma_start3A_93] : memref<2x10000x128xf32, #tpu.memory_space<hbm>> -> memref<1x624x128xf32, #tpu.memory_space<hbm>>
      %dma_start3A_95 = tpu.memref_squeeze %dma_start3A_94 : memref<1x624x128xf32, #tpu.memory_space<hbm>> -> memref<624x128xf32, #tpu.memory_space<hbm>>
      %dma_start3A_96 = arith.constant 0 : i32
      %dma_start3A_97 = tpu.memref_slice %arg17[%mul3A_4, %dma_start3A_96] : memref<10000x128xf32, #tpu.memory_space<vmem_shared>> -> memref<624x128xf32, #tpu.memory_space<vmem_shared>>
      tpu.enqueue_dma source(%dma_start3A_97 : memref<624x128xf32, #tpu.memory_space<vmem_shared>>) target(%dma_start3A_95 : memref<624x128xf32, #tpu.memory_space<hbm>>) target_semaphore(%run_scoped3A : memref<!tpu.dma_semaphore, #tpu.memory_space<semaphore_mem>>)
      %dma_wait3A_98 = arith.constant 0 : i32
      %dma_wait3A_99 = tpu.memref_slice %arg6[%arg0, %mul3A_4, %dma_wait3A_98] : memref<2x10000x128xf32, #tpu.memory_space<hbm>> -> memref<1x624x128xf32, #tpu.memory_space<hbm>>
      %dma_wait3A_100 = tpu.memref_squeeze %dma_wait3A_99 : memref<1x624x128xf32, #tpu.memory_space<hbm>> -> memref<624x128xf32, #tpu.memory_space<hbm>>
      %dma_wait3A_101 = arith.constant 0 : i32
      %dma_wait3A_102 = tpu.memref_slice %arg17[%mul3A_4, %dma_wait3A_101] : memref<10000x128xf32, #tpu.memory_space<vmem_shared>> -> memref<624x128xf32, #tpu.memory_space<vmem_shared>>
      tpu.wait_dma2 semaphore(%run_scoped3A : memref<!tpu.dma_semaphore, #tpu.memory_space<semaphore_mem>>) src(%dma_wait3A_102 : memref<624x128xf32, #tpu.memory_space<vmem_shared>>) dst(%dma_wait3A_100 : memref<624x128xf32, #tpu.memory_space<hbm>>)
      tpu.yield
    }) : () -> ()
    %eq3A_88 = arith.constant 15 : i32
    %eq3A_89 = arith.cmpi eq, %arg1, %eq3A_88 : i32
    %convert_element_type3A_90 = arith.extui %eq3A_89 : i1 to i32
    %cond3A_91 = arith.constant 0 : i32
    %cond3A_92 = arith.cmpi ne, %convert_element_type3A_90, %cond3A_91 : i32
    scf.if %cond3A_92 {
      "tpu.region"() ({
        %run_scoped3A = tpu.sem_alloc : memref<!tpu.dma_semaphore, #tpu.memory_space<semaphore_mem>>
        %dma_start3A_93 = arith.constant 9984 : i32
        %dma_start3A_94 = arith.constant 0 : i32
        %dma_start3A_95 = tpu.memref_slice %arg6[%arg0, %dma_start3A_93, %dma_start3A_94] : memref<2x10000x128xf32, #tpu.memory_space<hbm>> -> memref<1x16x128xf32, #tpu.memory_space<hbm>>
        %dma_start3A_96 = tpu.memref_squeeze %dma_start3A_95 : memref<1x16x128xf32, #tpu.memory_space<hbm>> -> memref<16x128xf32, #tpu.memory_space<hbm>>
        %dma_start3A_97 = arith.constant 9984 : i32
        %dma_start3A_98 = arith.constant 0 : i32
        %dma_start3A_99 = tpu.memref_slice %arg17[%dma_start3A_97, %dma_start3A_98] : memref<10000x128xf32, #tpu.memory_space<vmem_shared>> -> memref<16x128xf32, #tpu.memory_space<vmem_shared>>
        tpu.enqueue_dma source(%dma_start3A_99 : memref<16x128xf32, #tpu.memory_space<vmem_shared>>) target(%dma_start3A_96 : memref<16x128xf32, #tpu.memory_space<hbm>>) target_semaphore(%run_scoped3A : memref<!tpu.dma_semaphore, #tpu.memory_space<semaphore_mem>>)
        %dma_wait3A_100 = arith.constant 9984 : i32
        %dma_wait3A_101 = arith.constant 0 : i32
        %dma_wait3A_102 = tpu.memref_slice %arg6[%arg0, %dma_wait3A_100, %dma_wait3A_101] : memref<2x10000x128xf32, #tpu.memory_space<hbm>> -> memref<1x16x128xf32, #tpu.memory_space<hbm>>
        %dma_wait3A_103 = tpu.memref_squeeze %dma_wait3A_102 : memref<1x16x128xf32, #tpu.memory_space<hbm>> -> memref<16x128xf32, #tpu.memory_space<hbm>>
        %dma_wait3A_104 = arith.constant 9984 : i32
        %dma_wait3A_105 = arith.constant 0 : i32
        %dma_wait3A_106 = tpu.memref_slice %arg17[%dma_wait3A_104, %dma_wait3A_105] : memref<10000x128xf32, #tpu.memory_space<vmem_shared>> -> memref<16x128xf32, #tpu.memory_space<vmem_shared>>
        tpu.wait_dma2 semaphore(%run_scoped3A : memref<!tpu.dma_semaphore, #tpu.memory_space<semaphore_mem>>) src(%dma_wait3A_106 : memref<16x128xf32, #tpu.memory_space<vmem_shared>>) dst(%dma_wait3A_103 : memref<16x128xf32, #tpu.memory_space<hbm>>)
        tpu.yield
      }) : () -> ()
    } else {
    }
    return
  }
}

module attributes {stable_mosaic.version = 14 : i64} {
  func.func @_combine_body(%arg0: i32, %arg1: memref<2x1000x128xf32, #tpu.memory_space<vmem>>, %arg2: memref<1000x128xf32, #tpu.memory_space<vmem>>) attributes {dimension_semantics = [#tpu.dimension_semantics<arbitrary>], iteration_bounds = array<i64: 10>, scalar_prefetch = 0 : i64, scratch_operands = 0 : i64, tpu.core_type = #tpu.core_type<tc>, window_params = [{transform_indices = @transform_0, window_bounds = array<i64: 2, 1000, 128>}, {transform_indices = @transform_1, window_bounds = array<i64: 1000, 128>}]} {
    %get3A = arith.constant 0 : index
    %get3A_0 = arith.constant 0 : index
    %get3A_1 = arith.constant 0 : index
    %get3A_2 = vector.load %arg1[%get3A, %get3A_0, %get3A_1] : memref<2x1000x128xf32, #tpu.memory_space<vmem>>, vector<1x1000x128xf32>
    %get3A_3 = vector.shape_cast %get3A_2 : vector<1x1000x128xf32> to vector<1000x128xf32>
    %get3A_4 = arith.constant 1 : index
    %get3A_5 = arith.constant 0 : index
    %get3A_6 = arith.constant 0 : index
    %get3A_7 = vector.load %arg1[%get3A_4, %get3A_5, %get3A_6] : memref<2x1000x128xf32, #tpu.memory_space<vmem>>, vector<1x1000x128xf32>
    %get3A_8 = vector.shape_cast %get3A_7 : vector<1x1000x128xf32> to vector<1000x128xf32>
    %add3A = arith.addf %get3A_3, %get3A_8 : vector<1000x128xf32>
    %ge3A = arith.constant 0.000000e+00 : f32
    %ge3A_9 = vector.broadcast %ge3A : f32 to vector<1000x128xf32>
    %ge3A_10 = arith.cmpf oge, %add3A, %ge3A_9 : vector<1000x128xf32>
    %mul3A = arith.constant 5.000000e-01 : f32
    %mul3A_11 = vector.broadcast %mul3A : f32 to vector<1000x128xf32>
    %mul3A_12 = arith.mulf %mul3A_11, %add3A : vector<1000x128xf32>
    %select_n3A = arith.select %ge3A_10, %add3A, %mul3A_12 : vector<1000x128xi1>, vector<1000x128xf32>
    %swap3A = arith.constant 0 : index
    %swap3A_13 = arith.constant 0 : index
    %swap3A_14 = vector.load %arg2[%swap3A, %swap3A_13] : memref<1000x128xf32, #tpu.memory_space<vmem>>, vector<1000x128xf32>
    tpu.vector_store %arg2[%swap3A, %swap3A_13], %select_n3A {strides = array<i32>} : memref<1000x128xf32, #tpu.memory_space<vmem>>, vector<1000x128xf32>,
    return
  }
  func.func @transform_0(%arg0: i32) -> (i32, i32, i32) {
    %c0_i32 = arith.constant 0 : i32
    %c0_i32_0 = arith.constant 0 : i32
    %c0_i32_1 = arith.constant 0 : i32
    return %c0_i32, %arg0, %c0_i32_0 : i32, i32, i32
  }
  func.func @transform_1(%arg0: i32) -> (i32, i32) {
    %c0_i32 = arith.constant 0 : i32
    %c0_i32_0 = arith.constant 0 : i32
    return %arg0, %c0_i32 : i32, i32
  }
}

</mosaic_0001>

<sc_bundles>
// kernel: kernel.4.cloned.1.call-start
scs
__scs_entry_jumppad:
0x0: {  	(pc) =	sbr.rel $0x88, $3  }
0x1: {  	(tag) =	ssettag $0x0;
	lr =	simm.s32 $0x1  }
0x2: {  	[smem:$0x3F9E] =	sst lr;
	_ =	strace $0xD0000000  }
0x3: {  	_ = 	snop  }
0x4: {  	_ = 	snop  }
0x5: {  	_ = 	snop  }
0x6: {  	_ = 	snop  }
0x7: {  	_ = 	snop  }
__scs_overlays_trampoline_lowered:
0x8: {  	[smem:$0x3FAD] =	sst s0  }
0x9: {  	[smem:$0x3FAE] =	sst s1  }
0xa: {  	[smem:$0x3FAF] =	sst s2  }
0xb: {  	[smem:$0x3FB0] =	sst s3  }
0xc: {  	[smem:$0x3FB1] =	sst s4  }
0xd: {  	[smem:$0x3FB2] =	sst s5  }
0xe: {  	[smem:$0x3FB3] =	sst s6  }
0xf: {  	[smem:$0x3FB4] =	sst s7  }
0x10: {  	[smem:$0x3FB5] =	sst s8  }
0x11: {  	[smem:$0x3FB6] =	sst s9;
	s0 =	simm.s32 @!p0 $0x0  }
0x12: {  	s1 =	sld [smem:$0x3F9C];
	s0 =	simm.s32 @p0 $0x1  }
0x13: {  	[smem:$0x3FB7] =	sst s0;
	s0 =	simm.s32 @!p1 $0x0  }
0x14: {  	s2 =	sld [smem:$0x3F9B];
	s0 =	simm.s32 @p1 $0x1  }
0x15: {  	[smem:$0x3FB8] =	sst s0;
	s0 =	simm.s32 @!p2 $0x0  }
0x16: {  	s3 =	sld [smem:$0x3FDB];
	s0 =	simm.s32 @p2 $0x1  }
0x17: {  	s4 =	simm.s32 $0x1BF5;
	[smem:$0x3FBA] =	sst s0  }
0x18: {  	s0 =	sld [smem:$0x3F9D];
	_ =	swait.ge [sflag:s4], $0x0  }
0x19: {  	s7 =	sld [smem:$0x3F9E]  }
0x1a: {  	s8 =	sadd.s32 $0xFFFFE003, lr  }
0x1b: {  	s9 =	sadd.s32 $0xFFFFFEF7, lr;
	s5 =	simm.s32 $0xFFFFFFFF;
	p2 =	slt.u32 s8, $0xFFFFF086  }
0x1c: {  	p1 =	slt.u32 s9, $0xF7A;
	s5 =	simm.s32 @!p2 $0x0  }
0x1d: {  	s5 =	simm.s32 @p1 $0x1;
	p0 =	seq.s32 s7, s2  }
0x1e: {  	s7 =	smul.u32 @!p0 $0xF7A, s2;
	p2 =	seq.s32 @!p0 s5, $0x0  }
0x1f: {  	s9 =	smul.u32 $0xF7A, s1;
	s8 =	simm.s32 @!p0 $0x1BF5;
	p2 =	por !p2, p0  }
0x20: {  	[sflag:s8] =	ssyncset.s32 @!p0 $0xFFFFF086;
	s6 =	sadd.s32 @!p0 s3, s7;
	s7 =	simm.s32 @!p0 $0x108  }
0x21: {  	s3 =	sadd.s32 s3, s9;
	s6 =	sadd.s32 @!p0 $0x88, s6;
	s7 =	simm.s32 @p2 $0x1082  }
0x22: {  	[simem:s7], [sflag:s8] =	dma.local @!p0 [hbm:s6], $0xF7A  }
0x23: {  	s9 =	sor.u32 $0xD0000000, s2;
	s6 =	simm.s32 $0x108;
	_ =	swait.ge @!p0 [sflag:s8], $0x0  }
0x24: {  	s3 =	sadd.s32 $0x88, s3;
	s6 =	simm.s32 @!p1 $0x1082;
	[sflag:s4] =	ssyncset.s32 $0xFFFFF086  }
0x25: {  	[simem:s6], [sflag:s4] =	dma.local [hbm:s3], $0xF7A  }
0x26: {  	[smem:$0x3F9E] =	sst s1;
	(tag) =	ssettag s2;
	_ =	strace s9  }
0x27: {  	s1 =	sld [smem:$0x3FAE]  }
0x28: {  	s2 =	sld [smem:$0x3FAF]  }
0x29: {  	s4 =	sld [smem:$0x3FB1]  }
0x2a: {  	p0 =	seq.s32 s5, $0x0;
	s5 =	sld [smem:$0x3FB2]  }
0x2b: {  	s6 =	sld [smem:$0x3FB3]  }
0x2c: {  	s7 =	sld [smem:$0x3FB4]  }
0x2d: {  	s3 =	simm.s32 $0x108;
	s8 =	sld [smem:$0x3FB5]  }
0x2e: {  	s3 =	simm.s32 @!p0 $0x1082;
	s9 =	sld [smem:$0x3FB6]  }
0x2f: {  	lr =	sadd.s32 s0, s3;
	s0 =	sld [smem:$0x3FAD]  }
0x30: {  	s3 =	sld [smem:$0x3FB0]  }
0x31: {  	[smem:$0x3FB9] =	sst s10  }
0x32: {  	s10 =	sld [smem:$0x3FB7];
	_ =	sdelay $0x3  }
0x33: {  	p0 =	seq.s32 s10, $0x1;
	s10 =	sld [smem:$0x3FB9];
	_ =	sdelay $0x3  }
0x34: {  	[smem:$0x3FB9] =	sst s10  }
0x35: {  	s10 =	sld [smem:$0x3FB8];
	_ =	sdelay $0x3  }
0x36: {  	p1 =	seq.s32 s10, $0x1;
	s10 =	sld [smem:$0x3FB9];
	_ =	sdelay $0x3  }
0x37: {  	[smem:$0x3FB9] =	sst s10  }
0x38: {  	s10 =	sld [smem:$0x3FBA]  }
0x39: {  	_ = 	snop;
	(pc) =	sbr.ind lr, $3  }
0x3a: {  	_ = 	snop  }
0x3b: {  	_ = 	snop  }
0x3c: {  	p2 =	seq.s32 s10, $0x1;
	s10 =	sld [smem:$0x3FB9]  }
0x3d: {  	_ =	shalt  }
0x3e: {  	_ =	shalt  }
0x3f: {  	_ =	shalt  }
0x40: {  	_ =	shalt  }
0x41: {  	_ =	shalt  }
0x42: {  	_ =	shalt  }
0x43: {  	_ =	shalt  }
0x44: {  	_ =	shalt  }
0x45: {  	_ =	shalt  }
0x46: {  	_ =	shalt  }
0x47: {  	_ =	shalt  }
0x48: {  	_ =	shalt  }
0x49: {  	_ =	shalt  }
0x4a: {  	_ =	shalt  }
0x4b: {  	_ =	shalt  }
0x4c: {  	_ =	shalt  }
0x4d: {  	_ =	shalt  }
0x4e: {  	_ =	shalt  }
0x4f: {  	_ =	shalt  }
0x50: {  	_ =	shalt  }
0x51: {  	_ =	shalt  }
0x52: {  	_ =	shalt  }
0x53: {  	_ =	shalt  }
0x54: {  	_ =	shalt  }
0x55: {  	_ =	shalt  }
0x56: {  	_ =	shalt  }
0x57: {  	_ =	shalt  }
0x58: {  	_ =	shalt  }
0x59: {  	_ =	shalt  }
0x5a: {  	_ =	shalt  }
0x5b: {  	_ =	shalt  }
0x5c: {  	_ =	shalt  }
0x5d: {  	_ =	shalt  }
0x5e: {  	_ =	shalt  }
0x5f: {  	_ =	shalt  }
0x60: {  	_ =	shalt  }
0x61: {  	_ =	shalt  }
0x62: {  	_ =	shalt  }
0x63: {  	_ =	shalt  }
0x64: {  	_ =	shalt  }
0x65: {  	_ =	shalt  }
0x66: {  	_ =	shalt  }
0x67: {  	_ =	shalt  }
0x68: {  	_ =	shalt  }
0x69: {  	_ =	shalt  }
0x6a: {  	_ =	shalt  }
0x6b: {  	_ =	shalt  }
0x6c: {  	_ =	shalt  }
0x6d: {  	_ =	shalt  }
0x6e: {  	_ =	shalt  }
0x6f: {  	_ =	shalt  }
0x70: {  	_ =	shalt  }
0x71: {  	_ =	shalt  }
0x72: {  	_ =	shalt  }
0x73: {  	_ =	shalt  }
0x74: {  	_ =	shalt  }
0x75: {  	_ =	shalt  }
0x76: {  	_ =	shalt  }
0x77: {  	_ =	shalt  }
0x78: {  	_ =	shalt  }
0x79: {  	_ =	shalt  }
0x7a: {  	_ =	shalt  }
0x7b: {  	_ =	shalt  }
0x7c: {  	_ =	shalt  }
0x7d: {  	_ =	shalt  }
0x7e: {  	_ =	shalt  }
0x7f: {  	_ =	shalt  }
0x80: {  	_ =	shalt  }
0x81: {  	_ =	shalt  }
0x82: {  	_ =	shalt  }
0x83: {  	_ =	shalt  }
0x84: {  	_ =	shalt  }
0x85: {  	_ =	shalt  }
0x86: {  	_ =	shalt  }
0x87: {  	_ =	shalt  }
.Lfunc_end0:
.L_simem_size_0:
called_computation_lowered:
.L_overlay_start_0:
0x88: {  	s2 =	sld [smem:$0x3FD9]  }
0x89: {  	s3 =	sld [smem:$0x3FFE];
	_ =	sdelay $0x1  }
0x8a: {  	s1 =	srdreg.scid  }
0x8b: {  	s0 =	sand.u32 $0x1, s1  }
0x8c: {  	s17 =	sshll.u32 s0, $0xA;
	s2 =	sadd.s32 s3, s2  }
0x8d: {  	s2 =	sadd.s32 s2, s17  }
0x8e: {  	[smem:$0x3FC5] =	sst s2  }
0x8f: {  	_ = 	snop  }
0x90: {  	s2 =	sld [smem:$0x3FD0];
	(tm) =	ssettm $0x1  }
0x91: {  	s18 =	sld [smem:$0x3FFB];
	_ =	sdelay $0x3  }
0x92: {  	_ =	strace s18  }
0x93: {  	s3 =	sld [smem:$0x3FFC];
	_ =	sdelay $0x3  }
0x94: {  	_ =	strace s3  }
0x95: {  	s3 =	sld [smem:$0x3FFD];
	_ =	sdelay $0x3  }
0x96: {  	_ =	strace s3  }
0x97: {  	_ =	strace $0x8FFFFFFF  }
0x98: {  	s19 =	sld [smem:$0x3FDB];
	_ =	sdelay $0x1  }
0x99: {  	s4 =	simm.s32 $_scs_section_size  }
0x9a: {  	s5 =	simm.s32 $_size__tile_overlayer_lowered;
	s6 =	simm.s32 $_tile_overlayer_lowered  }
0x9b: {  	s22 =	simm.s32 $0x1BFF;
	s21 =	sshll.u32 s6, $0x1;
	s3 =	sadd.s32 s4, s19  }
0x9c: {  	s7 =	simm.s32 $0x0;
	s20 =	sshll.u32 s5, $0x1;
	s5 =	sadd.s32 s21, s3  }
0x9d: {  	[timem:s7], [sflag:s22] =	dma.local [hbm:s5], s20  }
0x9e: {  	_ =	swait.ge [sflag:s22], s20  }
0x9f: {  	s4 =	ssub.s32 $0x0, s20;
	[sflag:s22] =	ssyncset.done $0x0  }
0xa0: {  	[sflag:s22] =	ssyncadd.s32 s4;
	_ =	sdelay $0x1  }
0xa1: {  	s23 =	simm.s32 $0x1B8B  }
0xa2: {  	_ =	swait.ge [sflag:s23], $0x1  }
0xa3: {  	[sflag:s23] =	ssyncset.done $0x0  }
0xa4: {  	s25 =	simm.s32 $0x1B8E;
	s24 =	sld [smem:$0x3FFE];
	[sflag:s23] =	ssyncadd.s32 $0xFFFFFFFF  }
0xa5: {  	s26 =	simm.s32 $execute0_lowered;
	[smem:$0x3FD2] =	sst s25  }
0xa6: {  	s5 =	sshll.u32 s26, $0x1;
	_ =	strace $0x80000046;
	[dreg:$0x1] =	wrdreg $0xFFFFFFFF  }
0xa7: {  	s28 =	simm.s32 $_size_execute0_lowered;
	s3 =	sadd.s32 s3, s5;
	[dreg:$0x0] =	wrdreg $0x0  }
0xa8: {  	s5 =	sshll.u32 s28, $0x1;
	[dreg:$0x2] =	wrdreg s3  }
0xa9: {  	[dreg:$0x3] =	wrdreg s5  }
0xaa: {  	[dreg:$0x4] =	wrdreg $0xC0  }
0xab: {  	_ =	task [dreg:s7], $0x5FFFF  }
0xac: {  	[dreg:$0x1] =	wrdreg $0xFFFFFFFF  }
0xad: {  	[dreg:$0x0] =	wrdreg $0x60  }
0xae: {  	[dreg:$0x2] =	wrdreg s24  }
0xaf: {  	[dreg:$0x3] =	wrdreg s2  }
0xb0: {  	[dreg:$0x4] =	wrdreg $0x20C00  }
0xb1: {  	[dreg:$0x5] =	wrdreg $0xBD000  }
0xb2: {  	[dreg:$0x6] =	wrdreg $0x9  }
0xb3: {  	_ =	task.clear_ibuf [dreg:s7], $0x7FFFF;
	_ =	strace $0x90000046  }
0xb4: {  	s29 =	simm.s32 $0x9;
	_ =	strace $0x80000048  }
0xb5: {  	_ =	swait.ge [sflag:s29], $0x1  }
0xb6: {  	[sflag:s29] =	ssyncadd.s32 $0xFFFFFFFF  }
0xb7: {  	_ =	strace $0x90000048  }
0xb8: {  	_ =	sfence  }
0xb9: {  	s30 =	sld [smem:$0x0];
	_ =	sdelay $0x2  }
0xba: {  	s31 =	sshll.u32 s1, $0xD;
	s1 =	sshrl.u32 s1, $0x2  }
0xbb: {  	s3 =	sand.u32 $0x4000, s31;
	s1 =	sadd.s32 s1, s30  }
0xbc: {  	s0 =	sor.u32 s3, s0;
	s1 =	sshll.u32 s1, $0x11  }
0xbd: {  	s0 =	sor.u32 s1, s0  }
0xbe: {  	s0 =	sadd.s32 $0x8F2B, s0  }
0xbf: {  	[sflag:s0] =	ssyncadd.remote.s32 $0x1  }
0xc0: {  	_ =	sfence.sel $0xFFFF  }
0xc1: {  	[dreg:$0x0] =	wrdreg $0xFFFFFFFF;
	(pc) =	sbr.abs _section_cstart, $3  }
0xc2: {  	[dreg:$0x1] =	wrdreg $0xFFFFFFFF  }
0xc3: {  	_ =	task.clear_ibuf [dreg:s7], $0x2FFFF;
	_ =	strace $0x9FFFFFFF  }
0xc4: {  	(tm) =	ssettm $0x7FFFFFFF  }
0xc5: {  	_ =	shalt  }
tec
execute0_lowered:
.L_overlay_start_1:
0x0: {  	(tag) =	ssettag $0x1  }
0x1: {  	s0 =	rddreg [dreg:$0x0]  }
0x2: {  	s4 =	rddreg [dreg:$0x1]  }
0x3: {  	s1 =	rddreg [dreg:$0x2]  }
0x4: {  	s2 =	rddreg [dreg:$0x3]  }
0x5: {  	s3 =	simm.s32 $0x0;
	s7 =	srdreg.scid;
	s15 =	stileid.u32  }
0x6: {  	[smem:$0x7FF] =	sst s3;
	s11 =	smul.u32 $0x9C00, s15  }
0x7: {  	s9 =	sand.u32 $0x1, s7;
	s24 =	smul.u32 $0x4E000, s15;
	s25 =	sshll.u32 s15, $0x6  }
0x8: {  	s14 =	smul.u32 $0x13800, s15;
	p0 =	sne.s32 s15, $0xF;
	s8 =	sshll.u32 s9, $0x4  }
0x9: {  	_ =	strace $0x80000047;
	s10 =	ssub.s32 $0x2, s9;
	s8 =	sor.u32 s15, s8  }
0xa: {  	s12 =	sshrl.u32 s10, $0x1;
	s23 =	sshrl.u32 s11, $0x3;
	s15 =	sadd.s32 $0x138000, s2  }
0xb: {  	s13 =	ssub.s32 s10, s12;
	s10 =	sadd.s32 s4, s23;
	[smem:$0x7FD] =	sst s15  }
0xc: {  	s12 =	sshrl.u32 s24, $0x2;
	s4 =	sadd.s32 $0x13800, s4;
	[dreg:$0x5] =	wrdreg s10  }
0xd: {  	[dreg:$0x6] =	wrdreg s4;
	s4 =	sadd.s32 s12, s2;
	s12 =	sadd.s32 s14, s2  }
0xe: {  	s16 =	sadd.s32 $0x1000, s4;
	[dreg:$0x7] =	wrdreg s12  }
0xf: {  	s26 =	sadd.s32 $0x2000, s4;
	[dreg:$0x8] =	wrdreg s16  }
0x10: {  	s17 =	sadd.s32 $0x3000, s4;
	[dreg:$0x9] =	wrdreg s26  }
0x11: {  	s5 =	sadd.s32 $0x13E00, s0;
	s18 =	sadd.s32 $0x4000, s4;
	[dreg:$0xa] =	wrdreg s17  }
0x12: {  	s6 =	sadd.s32 $0xA000, s0;
	s19 =	sadd.s32 $0x5000, s4;
	[dreg:$0xb] =	wrdreg s18  }
0x13: {  	s7 =	sadd.s32 $0x200, s0;
	s20 =	sadd.s32 $0x6000, s4;
	[dreg:$0xc] =	wrdreg s19  }
0x14: {  	s0 =	sadd.s32 $0x1DC00, s0;
	s21 =	sadd.s32 $0x7000, s4;
	[dreg:$0xd] =	wrdreg s20  }
0x15: {  	s9 =	smul.u32 $0x138800, s9;
	s22 =	sadd.s32 $0x8000, s4;
	[dreg:$0xe] =	wrdreg s21  }
0x16: {  	s10 =	sor.u32 $0x1C07, s25;
	s23 =	sadd.s32 $0x9000, s4;
	[dreg:$0x10] =	wrdreg s22  }
0x17: {  	s14 =	sadd.s32 s14, s9;
	s24 =	sadd.s32 $0xA000, s4;
	[dreg:$0x11] =	wrdreg s23  }
0x18: {  	s14 =	sshrl.u32 s14, $0x3;
	s25 =	sadd.s32 $0xB000, s4;
	[dreg:$0x12] =	wrdreg s24  }
0x19: {  	s14 =	sadd.s32 s0, s14;
	[dreg:$0x13] =	wrdreg s25  }
0x1a: {  	s26 =	sadd.s32 $0xC000, s4;
	[dreg:$0xf] =	wrdreg s14  }
0x1b: {  	s28 =	simm.s32 $0x1;
	s16 =	sadd.s32 $0xE000, s4;
	[dreg:$0x14] =	wrdreg s26  }
0x1c: {  	s29 =	simm.s32 $0x3;
	s17 =	sadd.s32 $0xF000, s4;
	[dreg:$0x16] =	wrdreg s16  }
0x1d: {  	s30 =	simm.s32 $0x6;
	s18 =	sadd.s32 $0x10000, s4;
	[dreg:$0x17] =	wrdreg s17  }
0x1e: {  	s31 =	simm.s32 $0x8C0;
	s19 =	sadd.s32 $0x11000, s4;
	[dreg:$0x18] =	wrdreg s18  }
0x1f: {  	s11 =	sadd.s32 s11, s1;
	s21 =	sadd.s32 $0x12000, s4;
	[dreg:$0x19] =	wrdreg s19  }
0x20: {  	s8 =	smul.u32 $0x2740, s8;
	s24 =	smax.u32 s13, $0x1;
	[dreg:$0x1a] =	wrdreg s21  }
0x21: {  	s9 =	sshrl.u32 s9, $0x3;
	s25 =	sshrl.u32 s11, $0x3;
	[smem:$0x7F9] =	sst s24  }
0x22: {  	s0 =	sadd.s32 s0, s9;
	s14 =	sadd.s32 $0xD000, s4;
	[smem:$0x7FA] =	sst s25  }
0x23: {  	s20 =	sshrl.u32 s8, $0x3;
	s4 =	sadd.s32 $0x13000, s4;
	[dreg:$0x15] =	wrdreg s14  }
0x24: {  	s11 =	simm.s32 $0x2;
	s23 =	sadd.s32 s5, s20;
	[dreg:$0x1b] =	wrdreg s4  }
0x25: {  	s13 =	simm.s32 $0x4;
	s9 =	sadd.s32 s7, s20;
	[dreg:$0x1d] =	wrdreg s23  }
0x26: {  	v0 =	vimm.f32 $0.0e+00;
	v1 =	vimm.s32 $0x0;
	s22 =	sadd.s32 s6, s20;
	s0 =	sadd.s32 $0x27000, s0;
	[dreg:$0x1e] =	wrdreg s9  }
0x27: {  	v2 =	vimm.s32 $0x1;
	v3 =	vimm.s32 $0x2;
	v4 =	vimm.s32 $0x3;
	s20 =	sor.u32 $0x20, s8;
	s21 =	sadd.s32 $0x60, s8;
	[dreg:$0x1f] =	wrdreg s0  }
0x28: {  	v5 =	vimm.s32 $0x4;
	v6 =	vimm.s32 $0x5;
	v7 =	vimm.s32 $0x6;
	s24 =	simm.s32 $0x20;
	s0 =	sadd.s32 $0x9C000, s1;
	[dreg:$0x1c] =	wrdreg s22  }
0x29: {  	v8 =	vimm.s32 $0x7;
	v9 =	vimm.s32 $0x8;
	v10 =	vimm.s32 $0x9;
	s26 =	sadd.s32 $0x4, s22;
	s22 =	simm.s32 $0x7;
	s23 =	simm.s32 $0x10C0  }
0x2a: {  	v11 =	vimm.s32 $0xA;
	v12 =	vimm.s32 $0xB;
	v13 =	vimm.s32 $0xC;
	s4 =	simm.s32 $0xA0;
	s0 =	sshrl.u32 @!p0 s0, $0x3;
	[smem:$0x7FC] =	sst s26  }
0x2b: {  	v14 =	vimm.s32 $0xD;
	v15 =	vimm.s32 $0xE;
	v16 =	vimm.s32 $0xF;
	s26 =	simm.s32 $0x40;
	[smem:$0x7FB] =	sst s0;
	s0 =	simm.s32 $0x60  }
.LBB2_1:
0x2c: {  	s14 =	sld [smem:$0x7FA];
	_ =	sdelay $0x1  }
0x2d: {  	s9 =	rddreg [dreg:$0x5]  }
0x2e: {  	[spmem:s14], [sflag:s10] =	dma.local [hbm:s9], $0x1380  }
0x2f: {  	_ =	swait.ge [sflag:s22], $0x1380  }
0x30: {  	s14 =	sld [smem:$0x7FB]  }
0x31: {  	[sflag:s22] =	ssyncset.done $0x0  }
0x32: {  	s9 =	rddreg [dreg:$0x6];
	[sflag:s22] =	ssyncadd.s32 $0xFFFFEC80  }
0x33: {  	[spmem:s14], [sflag:s10] =	dma.local @!p0 [hbm:s9], $0x80  }
0x34: {  	s9 =	simm.s32 @!p0 $0x7  }
0x35: {  	_ =	swait.ge @!p0 [sflag:s9], $0x80  }
0x36: {  	[sflag:s9] =	ssyncset.done @!p0 $0x0  }
0x37: {  	s14 =	simm.s32 $0x200;
	[sflag:s9] =	ssyncadd.s32 @!p0 $0xFFFFFF80;
	s9 =	simm.s32 $0x0  }
.LBB2_2:
0x38: {  	p1 =	sne.s32 s14, $0x3E00;
	[tilespmem:s9+$0x1130] =	vst v0  }
0x39: {  	[tilespmem:s9+$0x10C0] =	vst v0  }
0x3a: {  	[tilespmem:s9+$0x10D0] =	vst v0  }
.Ltmp0:
0x3b: {  	[tilespmem:s9+$0x10E0] =	vst v0;
	(pc) =	sbr.rel @p1 .LBB2_2-.Ltmp0, $4  }
0x3c: {  	[tilespmem:s9+$0x10F0] =	vst v0  }
0x3d: {  	[tilespmem:s9+$0x1100] =	vst v0  }
0x3e: {  	[tilespmem:s9+$0x1110] =	vst v0  }
0x3f: {  	[tilespmem:s9+$0x1120] =	vst v0;
	s9 =	sshra.s32 s14, $0x2;
	s14 =	sadd.s32 $0x200, s14  }
0x40: {  	[tilespmem:s9+$0x1130] =	vst v0  }
0x41: {  	[tilespmem:s9+$0x10C0] =	vst v0  }
0x42: {  	[tilespmem:s9+$0x10D0] =	vst v0  }
0x43: {  	[tilespmem:s9+$0x10E0] =	vst v0  }
0x44: {  	[tilespmem:s9+$0x10F0] =	vst v0  }
0x45: {  	[tilespmem:s9+$0x1100] =	vst v0  }
0x46: {  	[tilespmem:s9+$0x1110] =	vst v0  }
0x47: {  	[tilespmem:s9+$0x1120] =	vst v0  }
0x48: {  	[spmem:s12] =	stream.linear.scatter [tilespmem:s23], [sflag:$0x7], $0x1000, $0x38;
	[tilespmem:$0x1F580] =	vst v63  }
0x49: {  	_ =	swait.ge [sflag:s22], $0x1000  }
0x4a: {  	[sflag:s22] =	ssyncset.done $0x0  }
0x4b: {  	s16 =	rddreg [dreg:$0x8];
	[sflag:s22] =	ssyncadd.s32 $0xFFFFF000  }
0x4c: {  	[spmem:s16] =	stream.linear.scatter [tilespmem:s23], [sflag:$0x7], $0x1000, $0x38;
	[tilespmem:$0x1F580] =	vst v63  }
0x4d: {  	_ =	swait.ge [sflag:s22], $0x1000  }
0x4e: {  	[sflag:s22] =	ssyncset.done $0x0  }
0x4f: {  	s17 =	rddreg [dreg:$0x9];
	[sflag:s22] =	ssyncadd.s32 $0xFFFFF000  }
0x50: {  	[spmem:s17] =	stream.linear.scatter [tilespmem:s23], [sflag:$0x7], $0x1000, $0x38;
	[tilespmem:$0x1F580] =	vst v63  }
0x51: {  	_ =	swait.ge [sflag:s22], $0x1000  }
0x52: {  	[sflag:s22] =	ssyncset.done $0x0  }
0x53: {  	s18 =	rddreg [dreg:$0xa];
	[sflag:s22] =	ssyncadd.s32 $0xFFFFF000  }
0x54: {  	[spmem:s18] =	stream.linear.scatter [tilespmem:s23], [sflag:$0x7], $0x1000, $0x38;
	[tilespmem:$0x1F580] =	vst v63  }
0x55: {  	_ =	swait.ge [sflag:s22], $0x1000  }
0x56: {  	[sflag:s22] =	ssyncset.done $0x0  }
0x57: {  	s19 =	rddreg [dreg:$0xb];
	[sflag:s22] =	ssyncadd.s32 $0xFFFFF000  }
0x58: {  	[spmem:s19] =	stream.linear.scatter [tilespmem:s23], [sflag:$0x7], $0x1000, $0x38;
	[tilespmem:$0x1F580] =	vst v63  }
0x59: {  	_ =	swait.ge [sflag:s22], $0x1000  }
0x5a: {  	[sflag:s22] =	ssyncset.done $0x0  }
0x5b: {  	s25 =	rddreg [dreg:$0xc];
	[sflag:s22] =	ssyncadd.s32 $0xFFFFF000  }
0x5c: {  	[spmem:s25] =	stream.linear.scatter [tilespmem:s23], [sflag:$0x7], $0x1000, $0x38;
	[tilespmem:$0x1F580] =	vst v63  }
0x5d: {  	_ =	swait.ge [sflag:s22], $0x1000  }
0x5e: {  	[sflag:s22] =	ssyncset.done $0x0  }
0x5f: {  	s12 =	rddreg [dreg:$0xd];
	[sflag:s22] =	ssyncadd.s32 $0xFFFFF000  }
0x60: {  	[spmem:s12] =	stream.linear.scatter [tilespmem:s23], [sflag:$0x7], $0x1000, $0x38;
	[tilespmem:$0x1F580] =	vst v63  }
0x61: {  	_ =	swait.ge [sflag:s22], $0x1000  }
0x62: {  	[sflag:s22] =	ssyncset.done $0x0  }
0x63: {  	s14 =	rddreg [dreg:$0xe];
	[sflag:s22] =	ssyncadd.s32 $0xFFFFF000  }
0x64: {  	[spmem:s14] =	stream.linear.scatter [tilespmem:s23], [sflag:$0x7], $0x1000, $0x38;
	[tilespmem:$0x1F580] =	vst v63  }
0x65: {  	_ =	swait.ge [sflag:s22], $0x1000  }
0x66: {  	[sflag:s22] =	ssyncset.done $0x0  }
0x67: {  	s16 =	rddreg [dreg:$0x10];
	[sflag:s22] =	ssyncadd.s32 $0xFFFFF000  }
0x68: {  	[spmem:s16] =	stream.linear.scatter [tilespmem:s23], [sflag:$0x7], $0x1000, $0x38;
	[tilespmem:$0x1F580] =	vst v63  }
0x69: {  	_ =	swait.ge [sflag:s22], $0x1000  }
0x6a: {  	[sflag:s22] =	ssyncset.done $0x0  }
0x6b: {  	s17 =	rddreg [dreg:$0x11];
	[sflag:s22] =	ssyncadd.s32 $0xFFFFF000  }
0x6c: {  	[spmem:s17] =	stream.linear.scatter [tilespmem:s23], [sflag:$0x7], $0x1000, $0x38;
	[tilespmem:$0x1F580] =	vst v63  }
0x6d: {  	_ =	swait.ge [sflag:s22], $0x1000  }
0x6e: {  	[sflag:s22] =	ssyncset.done $0x0  }
0x6f: {  	s18 =	rddreg [dreg:$0x12];
	[sflag:s22] =	ssyncadd.s32 $0xFFFFF000  }
0x70: {  	[spmem:s18] =	stream.linear.scatter [tilespmem:s23], [sflag:$0x7], $0x1000, $0x38;
	[tilespmem:$0x1F580] =	vst v63  }
0x71: {  	_ =	swait.ge [sflag:s22], $0x1000  }
0x72: {  	[sflag:s22] =	ssyncset.done $0x0  }
0x73: {  	s19 =	rddreg [dreg:$0x13];
	[sflag:s22] =	ssyncadd.s32 $0xFFFFF000  }
0x74: {  	[spmem:s19] =	stream.linear.scatter [tilespmem:s23], [sflag:$0x7], $0x1000, $0x38;
	[tilespmem:$0x1F580] =	vst v63  }
0x75: {  	_ =	swait.ge [sflag:s22], $0x1000  }
0x76: {  	[sflag:s22] =	ssyncset.done $0x0  }
0x77: {  	s25 =	rddreg [dreg:$0x14];
	[sflag:s22] =	ssyncadd.s32 $0xFFFFF000  }
0x78: {  	[spmem:s25] =	stream.linear.scatter [tilespmem:s23], [sflag:$0x7], $0x1000, $0x38;
	[tilespmem:$0x1F580] =	vst v63  }
0x79: {  	_ =	swait.ge [sflag:s22], $0x1000  }
0x7a: {  	[sflag:s22] =	ssyncset.done $0x0  }
0x7b: {  	s12 =	rddreg [dreg:$0x15];
	[sflag:s22] =	ssyncadd.s32 $0xFFFFF000  }
0x7c: {  	[spmem:s12] =	stream.linear.scatter [tilespmem:s23], [sflag:$0x7], $0x1000, $0x38;
	[tilespmem:$0x1F580] =	vst v63  }
0x7d: {  	_ =	swait.ge [sflag:s22], $0x1000  }
0x7e: {  	[sflag:s22] =	ssyncset.done $0x0  }
0x7f: {  	s14 =	rddreg [dreg:$0x16];
	[sflag:s22] =	ssyncadd.s32 $0xFFFFF000  }
0x80: {  	[spmem:s14] =	stream.linear.scatter [tilespmem:s23], [sflag:$0x7], $0x1000, $0x38;
	[tilespmem:$0x1F580] =	vst v63  }
0x81: {  	_ =	swait.ge [sflag:s22], $0x1000  }
0x82: {  	[sflag:s22] =	ssyncset.done $0x0  }
0x83: {  	s16 =	rddreg [dreg:$0x17];
	[sflag:s22] =	ssyncadd.s32 $0xFFFFF000  }
0x84: {  	[spmem:s16] =	stream.linear.scatter [tilespmem:s23], [sflag:$0x7], $0x1000, $0x38;
	[tilespmem:$0x1F580] =	vst v63  }
0x85: {  	_ =	swait.ge [sflag:s22], $0x1000  }
0x86: {  	[sflag:s22] =	ssyncset.done $0x0  }
0x87: {  	s17 =	rddreg [dreg:$0x18];
	[sflag:s22] =	ssyncadd.s32 $0xFFFFF000  }
0x88: {  	[spmem:s17] =	stream.linear.scatter [tilespmem:s23], [sflag:$0x7], $0x1000, $0x38;
	[tilespmem:$0x1F580] =	vst v63  }
0x89: {  	_ =	swait.ge [sflag:s22], $0x1000  }
0x8a: {  	[sflag:s22] =	ssyncset.done $0x0  }
0x8b: {  	s18 =	rddreg [dreg:$0x19];
	[sflag:s22] =	ssyncadd.s32 $0xFFFFF000  }
0x8c: {  	[spmem:s18] =	stream.linear.scatter [tilespmem:s23], [sflag:$0x7], $0x1000, $0x38;
	[tilespmem:$0x1F580] =	vst v63  }
0x8d: {  	_ =	swait.ge [sflag:s22], $0x1000  }
0x8e: {  	[sflag:s22] =	ssyncset.done $0x0  }
0x8f: {  	s19 =	rddreg [dreg:$0x1a];
	[sflag:s22] =	ssyncadd.s32 $0xFFFFF000  }
0x90: {  	[spmem:s19] =	stream.linear.scatter [tilespmem:s23], [sflag:$0x7], $0x1000, $0x38;
	[tilespmem:$0x1F580] =	vst v63  }
0x91: {  	_ =	swait.ge [sflag:s22], $0x1000  }
0x92: {  	[sflag:s22] =	ssyncset.done $0x0  }
0x93: {  	s25 =	rddreg [dreg:$0x1b];
	[sflag:s22] =	ssyncadd.s32 $0xFFFFF000  }
0x94: {  	[spmem:s25] =	stream.linear.scatter [tilespmem:s23], [sflag:$0x7], $0x800, $0x38;
	[tilespmem:$0x1F580] =	vst v63  }
0x95: {  	_ =	swait.ge [sflag:s22], $0x800  }
0x96: {  	[sflag:s22] =	ssyncset.done $0x0  }
0x97: {  	s9 =	simm.s32 @!p0 $0x10C0;
	[sflag:s22] =	ssyncadd.s32 $0xFFFFF800  }
0x98: {  	[spmem:s15] =	stream.linear.scatter @!p0 [tilespmem:s9], [sflag:$0x7], $0x800, $0x38;
	[tilespmem:$0x1F580] =	vst v63  }
0x99: {  	s9 =	simm.s32 @!p0 $0x7  }
0x9a: {  	_ =	swait.ge @!p0 [sflag:s9], $0x800  }
0x9b: {  	[sflag:s9] =	ssyncset.done @!p0 $0x0  }
0x9c: {  	[sflag:s9] =	ssyncadd.s32 @!p0 $0xFFFFF800  }
0x9d: {  	[bflag:$0x0] =	sbarrier.arrive $0xFFFF  }
0x9e: {  	s12 =	rddreg [dreg:$0x1c]  }
0x9f: {  	s14 =	simm.s32 $0x0;
	s15 =	sld [smem:$0x7FC]  }
0xa0: {  	[tilespmem:s14], [sflag:$0x5] =	stream.linear.gather [hbm4b:s12+s14], $0x20, $0x38;
	[tilespmem:$0x1F580] =	vst v63  }
0xa1: {  	s16 =	simm.s32 $0x5  }
0xa2: {  	[tilespmem:s24], [sflag:$0x6] =	stream.linear.gather [hbm4b:s15+s14], $0x20, $0x38;
	[tilespmem:$0x1F580] =	vst v63  }
0xa3: {  	_ =	swait.ge [sflag:s16], $0x20  }
0xa4: {  	[sflag:s16] =	ssyncset.done $0x0  }
0xa5: {  	s17 =	simm.s32 $0xC0;
	[sflag:s16] =	ssyncadd.s32 $0xFFFFFFE0  }
0xa6: {  	[tilespmem:s17], [sflag:$0x1] =	stream.indirect.gather [spmem:s1], $0x40, s14, s24, $0xb8;
	[tilespmem:$0x1F580] =	vst v63  }
0xa7: {  	s18 =	rddreg [dreg:$0x1d]  }
0xa8: {  	[tilespmem:s26], [sflag:$0x3] =	stream.linear.gather [hbm4b:s18+s14], $0x20, $0x38;
	[tilespmem:$0x1F580] =	vst v63  }
0xa9: {  	s25 =	simm.s32 $0x80;
	s15 =	simm.s32 $0x0;
	s19 =	rddreg [dreg:$0x1e]  }
0xaa: {  	[tilespmem:s25], [sflag:$0x3] =	stream.linear.gather [hbm4b:s19+s14], $0x20, $0x38;
	[tilespmem:$0x1F580] =	vst v63  }
.LBB2_4:
0xab: {  	_ =	swait.ge [sflag:s28], $0x800  }
0xac: {  	[sflag:s28] =	ssyncset.done $0x0  }
0xad: {  	[sflag:s28] =	ssyncadd.s32 $0xFFFFF800  }
0xae: {  	s9 =	sshll.u32 s15, $0x1;
	_ =	swait.ge [sflag:s29], $0x20  }
0xaf: {  	p1 =	seq.s32 s15, $0x9C;
	s9 =	sadd.s32 $0x2, s9;
	[sflag:s29] =	ssyncset.done $0x0  }
0xb0: {  	s9 =	sshll.u32 @!p1 s9, $0x5;
	[sflag:s29] =	ssyncadd.s32 $0xFFFFFFE0  }
0xb1: {  	s9 =	sadd.s32 @!p1 s8, s9;
	_ =	swait.ge [sflag:s29], $0x20  }
0xb2: {  	s16 =	sshrl.u32 @!p1 s9, $0x3;
	[sflag:s29] =	ssyncset.done $0x0  }
0xb3: {  	s17 =	simm.s32 @!p1 $0x0;
	s9 =	sadd.s32 @!p1 s6, s16;
	[sflag:s29] =	ssyncadd.s32 $0xFFFFFFE0  }
0xb4: {  	[tilespmem:s17], [sflag:$0x5] =	stream.linear.gather @!p1 [hbm4b:s9+s17], $0x20, $0x38;
	[tilespmem:$0x1F580] =	vst v63  }
0xb5: {  	s17 =	sshll.u32 s15, $0x6;
	_ =	swait.ge [sflag:s30], $0x20  }
0xb6: {  	s25 =	sadd.s32 s17, s20;
	[sflag:s30] =	ssyncset.done $0x0  }
0xb7: {  	s9 =	sshrl.u32 s25, $0x3;
	[sflag:s30] =	ssyncadd.s32 $0xFFFFFFE0  }
0xb8: {  	[tilespmem:s31], [sflag:$0x2] =	stream.indirect.gather [spmem:s1], $0x40, s24, s24, $0xb8;
	[tilespmem:$0x1F580] =	vst v63  }
0xb9: {  	s19 =	sadd.s32 s5, s9  }
0xba: {  	[tilespmem:s0], [sflag:$0x4] =	stream.linear.gather [hbm4b:s19+s14], $0x20, $0x38;
	[tilespmem:$0x1F580] =	vst v63  }
0xbb: {  	p2 =	por $0x1, $0x1;
	s9 =	sadd.s32 s7, s9;
	s19 =	simm.s32 $0x0  }
0xbc: {  	[tilespmem:s4], [sflag:$0x4] =	stream.linear.gather [hbm4b:s9+s14], $0x20, $0x38;
	[tilespmem:$0x1F580] =	vst v63  }
.LBB2_5:
0xbd: {  	s9 =	sshll.u32 s19, $0x4;
	s25 =	sshll.u32 s19, $0xA  }
0xbe: {  	v17 =	vld [tilespmem:s9+$0x80];
	s25 =	sand.u32 $0x3FFFFC00, s25  }
0xbf: {  	v18 =	vld [tilespmem:s25+$0xC0];
	_ =	sdelay $0x3  }
0xc0: {  	v19 =	vperm.xlane v17, v1  }
0xc1: {  	v20 =	vshll.u32 v18, $0x10  }
0xc2: {  	s12 =	sshll.u32 s19, $0xB;
	v18 =	vand.u32 $0xFFFF0000, v18;
	v20 =	vmul.f32 v20, v19  }
0xc3: {  	s12 =	sand.u32 $0x3FFFF800, s12;
	v18 =	vmul.f32 v18, v19  }
0xc4: {  	[tilespmem:s12+$0x10C0] =	vst v20  }
0xc5: {  	[tilespmem:s12+$0x1100] =	vst v18  }
0xc6: {  	v18 =	vld [tilespmem:s25+$0xD0];
	_ =	sdelay $0x4  }
0xc7: {  	v45 =	vshll.u32 v18, $0x10  }
0xc8: {  	v18 =	vand.u32 $0xFFFF0000, v18;
	v20 =	vmul.f32 v45, v19  }
0xc9: {  	v18 =	vmul.f32 v18, v19  }
0xca: {  	[tilespmem:s12+$0x10D0] =	vst v20  }
0xcb: {  	[tilespmem:s12+$0x1110] =	vst v18  }
0xcc: {  	v18 =	vld [tilespmem:s25+$0xE0];
	_ =	sdelay $0x4  }
0xcd: {  	v46 =	vshll.u32 v18, $0x10  }
0xce: {  	v18 =	vand.u32 $0xFFFF0000, v18;
	v20 =	vmul.f32 v46, v19  }
0xcf: {  	v18 =	vmul.f32 v18, v19  }
0xd0: {  	[tilespmem:s12+$0x10E0] =	vst v20  }
0xd1: {  	[tilespmem:s12+$0x1120] =	vst v18  }
0xd2: {  	v18 =	vld [tilespmem:s25+$0xF0];
	_ =	sdelay $0x4  }
0xd3: {  	v47 =	vshll.u32 v18, $0x10  }
0xd4: {  	v18 =	vand.u32 $0xFFFF0000, v18;
	v20 =	vmul.f32 v47, v19  }
0xd5: {  	s25 =	sor.u32 $0x1, s9;
	v18 =	vmul.f32 v18, v19  }
0xd6: {  	s18 =	sshll.u32 s25, $0x6;
	[tilespmem:s12+$0x10F0] =	vst v20  }
0xd7: {  	[tilespmem:s12+$0x1130] =	vst v18;
	s12 =	sand.u32 $0x3FFFFC40, s18  }
0xd8: {  	v18 =	vld [tilespmem:s12+$0xC0];
	_ =	sdelay $0x3  }
0xd9: {  	v19 =	vperm.xlane v17, v2  }
0xda: {  	v48 =	vshll.u32 v18, $0x10  }
0xdb: {  	s25 =	sshll.u32 s25, $0x7;
	v18 =	vand.u32 $0xFFFF0000, v18;
	v20 =	vmul.f32 v48, v19  }
0xdc: {  	s18 =	sand.u32 $0x3FFFF880, s25;
	v18 =	vmul.f32 v18, v19  }
0xdd: {  	[tilespmem:s18+$0x10C0] =	vst v20  }
0xde: {  	[tilespmem:s18+$0x1100] =	vst v18  }
0xdf: {  	v18 =	vld [tilespmem:s12+$0xD0];
	_ =	sdelay $0x4  }
0xe0: {  	v49 =	vshll.u32 v18, $0x10  }
0xe1: {  	v18 =	vand.u32 $0xFFFF0000, v18;
	v20 =	vmul.f32 v49, v19  }
0xe2: {  	v18 =	vmul.f32 v18, v19  }
0xe3: {  	[tilespmem:s18+$0x10D0] =	vst v20  }
0xe4: {  	[tilespmem:s18+$0x1110] =	vst v18  }
0xe5: {  	v18 =	vld [tilespmem:s12+$0xE0];
	_ =	sdelay $0x4  }
0xe6: {  	v50 =	vshll.u32 v18, $0x10  }
0xe7: {  	v18 =	vand.u32 $0xFFFF0000, v18;
	v20 =	vmul.f32 v50, v19  }
0xe8: {  	v18 =	vmul.f32 v18, v19  }
0xe9: {  	[tilespmem:s18+$0x10E0] =	vst v20  }
0xea: {  	[tilespmem:s18+$0x1120] =	vst v18  }
0xeb: {  	v18 =	vld [tilespmem:s12+$0xF0];
	_ =	sdelay $0x4  }
0xec: {  	v51 =	vshll.u32 v18, $0x10  }
0xed: {  	v18 =	vand.u32 $0xFFFF0000, v18;
	v20 =	vmul.f32 v51, v19  }
0xee: {  	s12 =	sor.u32 $0x2, s9;
	v18 =	vmul.f32 v18, v19  }
0xef: {  	s25 =	sshll.u32 s12, $0x6;
	[tilespmem:s18+$0x10F0] =	vst v20  }
0xf0: {  	s25 =	sand.u32 $0x3FFFFC80, s25;
	[tilespmem:s18+$0x1130] =	vst v18  }
0xf1: {  	v18 =	vld [tilespmem:s25+$0xC0];
	_ =	sdelay $0x3  }
0xf2: {  	v19 =	vperm.xlane v17, v3  }
0xf3: {  	v52 =	vshll.u32 v18, $0x10  }
0xf4: {  	s12 =	sshll.u32 s12, $0x7;
	v18 =	vand.u32 $0xFFFF0000, v18;
	v20 =	vmul.f32 v52, v19  }
0xf5: {  	s12 =	sand.u32 $0x3FFFF900, s12;
	v18 =	vmul.f32 v18, v19  }
0xf6: {  	[tilespmem:s12+$0x10C0] =	vst v20  }
0xf7: {  	[tilespmem:s12+$0x1100] =	vst v18  }
0xf8: {  	v18 =	vld [tilespmem:s25+$0xD0];
	_ =	sdelay $0x4  }
0xf9: {  	v53 =	vshll.u32 v18, $0x10  }
0xfa: {  	v18 =	vand.u32 $0xFFFF0000, v18;
	v20 =	vmul.f32 v53, v19  }
0xfb: {  	v18 =	vmul.f32 v18, v19  }
0xfc: {  	[tilespmem:s12+$0x10D0] =	vst v20  }
0xfd: {  	[tilespmem:s12+$0x1110] =	vst v18  }
0xfe: {  	v18 =	vld [tilespmem:s25+$0xE0];
	_ =	sdelay $0x4  }
0xff: {  	v54 =	vshll.u32 v18, $0x10  }
0x100: {  	v18 =	vand.u32 $0xFFFF0000, v18;
	v20 =	vmul.f32 v54, v19  }
0x101: {  	v18 =	vmul.f32 v18, v19  }
0x102: {  	[tilespmem:s12+$0x10E0] =	vst v20  }
0x103: {  	[tilespmem:s12+$0x1120] =	vst v18  }
0x104: {  	v18 =	vld [tilespmem:s25+$0xF0];
	_ =	sdelay $0x4  }
0x105: {  	v55 =	vshll.u32 v18, $0x10  }
0x106: {  	v18 =	vand.u32 $0xFFFF0000, v18;
	v20 =	vmul.f32 v55, v19  }
0x107: {  	s18 =	sor.u32 $0x3, s9;
	v18 =	vmul.f32 v18, v19  }
0x108: {  	s25 =	sshll.u32 s18, $0x6;
	[tilespmem:s12+$0x10F0] =	vst v20  }
0x109: {  	s25 =	sand.u32 $0x3FFFFCC0, s25;
	[tilespmem:s12+$0x1130] =	vst v18  }
0x10a: {  	v18 =	vld [tilespmem:s25+$0xC0];
	_ =	sdelay $0x3  }
0x10b: {  	v19 =	vperm.xlane v17, v4  }
0x10c: {  	v56 =	vshll.u32 v18, $0x10  }
0x10d: {  	s18 =	sshll.u32 s18, $0x7;
	v18 =	vand.u32 $0xFFFF0000, v18;
	v20 =	vmul.f32 v56, v19  }
0x10e: {  	s18 =	sand.u32 $0x3FFFF980, s18;
	v18 =	vmul.f32 v18, v19  }
0x10f: {  	[tilespmem:s18+$0x10C0] =	vst v20  }
0x110: {  	[tilespmem:s18+$0x1100] =	vst v18  }
0x111: {  	v18 =	vld [tilespmem:s25+$0xD0];
	_ =	sdelay $0x4  }
0x112: {  	v57 =	vshll.u32 v18, $0x10  }
0x113: {  	v18 =	vand.u32 $0xFFFF0000, v18;
	v20 =	vmul.f32 v57, v19  }
0x114: {  	v18 =	vmul.f32 v18, v19  }
0x115: {  	[tilespmem:s18+$0x10D0] =	vst v20  }
0x116: {  	[tilespmem:s18+$0x1110] =	vst v18  }
0x117: {  	v18 =	vld [tilespmem:s25+$0xE0];
	_ =	sdelay $0x4  }
0x118: {  	v58 =	vshll.u32 v18, $0x10  }
0x119: {  	v18 =	vand.u32 $0xFFFF0000, v18;
	v20 =	vmul.f32 v58, v19  }
0x11a: {  	v18 =	vmul.f32 v18, v19  }
0x11b: {  	[tilespmem:s18+$0x10E0] =	vst v20  }
0x11c: {  	[tilespmem:s18+$0x1120] =	vst v18  }
0x11d: {  	v18 =	vld [tilespmem:s25+$0xF0];
	_ =	sdelay $0x4  }
0x11e: {  	v59 =	vshll.u32 v18, $0x10  }
0x11f: {  	v18 =	vand.u32 $0xFFFF0000, v18;
	v20 =	vmul.f32 v59, v19  }
0x120: {  	s12 =	sor.u32 $0x4, s9;
	v18 =	vmul.f32 v18, v19  }
0x121: {  	s25 =	sshll.u32 s12, $0x6;
	[tilespmem:s18+$0x10F0] =	vst v20  }
0x122: {  	s25 =	sand.u32 $0x3FFFFD00, s25;
	[tilespmem:s18+$0x1130] =	vst v18  }
0x123: {  	v18 =	vld [tilespmem:s25+$0xC0];
	_ =	sdelay $0x3  }
0x124: {  	v19 =	vperm.xlane v17, v5  }
0x125: {  	v60 =	vshll.u32 v18, $0x10  }
0x126: {  	s12 =	sshll.u32 s12, $0x7;
	v18 =	vand.u32 $0xFFFF0000, v18;
	v20 =	vmul.f32 v60, v19  }
0x127: {  	s12 =	sand.u32 $0x3FFFFA00, s12;
	v18 =	vmul.f32 v18, v19  }
0x128: {  	[tilespmem:s12+$0x10C0] =	vst v20  }
0x129: {  	[tilespmem:s12+$0x1100] =	vst v18  }
0x12a: {  	v18 =	vld [tilespmem:s25+$0xD0];
	_ =	sdelay $0x4  }
0x12b: {  	v61 =	vshll.u32 v18, $0x10  }
0x12c: {  	v18 =	vand.u32 $0xFFFF0000, v18;
	v20 =	vmul.f32 v61, v19  }
0x12d: {  	v18 =	vmul.f32 v18, v19  }
0x12e: {  	[tilespmem:s12+$0x10D0] =	vst v20  }
0x12f: {  	[tilespmem:s12+$0x1110] =	vst v18  }
0x130: {  	v18 =	vld [tilespmem:s25+$0xE0];
	_ =	sdelay $0x4  }
0x131: {  	v62 =	vshll.u32 v18, $0x10  }
0x132: {  	v18 =	vand.u32 $0xFFFF0000, v18;
	v20 =	vmul.f32 v62, v19  }
0x133: {  	v18 =	vmul.f32 v18, v19  }
0x134: {  	[tilespmem:s12+$0x10E0] =	vst v20  }
0x135: {  	[tilespmem:s12+$0x1120] =	vst v18  }
0x136: {  	v18 =	vld [tilespmem:s25+$0xF0];
	_ =	sdelay $0x4  }
0x137: {  	v63 =	vshll.u32 v18, $0x10  }
0x138: {  	v18 =	vand.u32 $0xFFFF0000, v18;
	v20 =	vmul.f32 v63, v19  }
0x139: {  	s18 =	sor.u32 $0x5, s9;
	v18 =	vmul.f32 v18, v19  }
0x13a: {  	s25 =	sshll.u32 s18, $0x6;
	[tilespmem:s12+$0x10F0] =	vst v20  }
0x13b: {  	s25 =	sand.u32 $0x3FFFFD40, s25;
	[tilespmem:s12+$0x1130] =	vst v18  }
0x13c: {  	v18 =	vld [tilespmem:s25+$0xC0];
	_ =	sdelay $0x3  }
0x13d: {  	v19 =	vperm.xlane v17, v6  }
0x13e: {  	v24 =	vshll.u32 v18, $0x10  }
0x13f: {  	s18 =	sshll.u32 s18, $0x7;
	v18 =	vand.u32 $0xFFFF0000, v18;
	v20 =	vmul.f32 v24, v19  }
0x140: {  	s18 =	sand.u32 $0x3FFFFA80, s18;
	v18 =	vmul.f32 v18, v19  }
0x141: {  	[tilespmem:s18+$0x10C0] =	vst v20  }
0x142: {  	[tilespmem:s18+$0x1100] =	vst v18  }
0x143: {  	v18 =	vld [tilespmem:s25+$0xD0];
	_ =	sdelay $0x4  }
0x144: {  	v25 =	vshll.u32 v18, $0x10  }
0x145: {  	v18 =	vand.u32 $0xFFFF0000, v18;
	v20 =	vmul.f32 v25, v19  }
0x146: {  	v18 =	vmul.f32 v18, v19  }
0x147: {  	[tilespmem:s18+$0x10D0] =	vst v20  }
0x148: {  	[tilespmem:s18+$0x1110] =	vst v18  }
0x149: {  	v18 =	vld [tilespmem:s25+$0xE0];
	_ =	sdelay $0x4  }
0x14a: {  	v26 =	vshll.u32 v18, $0x10  }
0x14b: {  	v18 =	vand.u32 $0xFFFF0000, v18;
	v20 =	vmul.f32 v26, v19  }
0x14c: {  	v18 =	vmul.f32 v18, v19  }
0x14d: {  	[tilespmem:s18+$0x10E0] =	vst v20  }
0x14e: {  	[tilespmem:s18+$0x1120] =	vst v18  }
0x14f: {  	v18 =	vld [tilespmem:s25+$0xF0];
	_ =	sdelay $0x4  }
0x150: {  	v27 =	vshll.u32 v18, $0x10  }
0x151: {  	v18 =	vand.u32 $0xFFFF0000, v18;
	v20 =	vmul.f32 v27, v19  }
0x152: {  	s12 =	sor.u32 $0x6, s9;
	v18 =	vmul.f32 v18, v19  }
0x153: {  	s25 =	sshll.u32 s12, $0x6;
	[tilespmem:s18+$0x10F0] =	vst v20  }
0x154: {  	s25 =	sand.u32 $0x3FFFFD80, s25;
	[tilespmem:s18+$0x1130] =	vst v18  }
0x155: {  	v18 =	vld [tilespmem:s25+$0xC0];
	_ =	sdelay $0x3  }
0x156: {  	v19 =	vperm.xlane v17, v7  }
0x157: {  	v28 =	vshll.u32 v18, $0x10  }
0x158: {  	s12 =	sshll.u32 s12, $0x7;
	v18 =	vand.u32 $0xFFFF0000, v18;
	v20 =	vmul.f32 v28, v19  }
0x159: {  	s12 =	sand.u32 $0x3FFFFB00, s12;
	v18 =	vmul.f32 v18, v19  }
0x15a: {  	[tilespmem:s12+$0x10C0] =	vst v20  }
0x15b: {  	[tilespmem:s12+$0x1100] =	vst v18  }
0x15c: {  	v18 =	vld [tilespmem:s25+$0xD0];
	_ =	sdelay $0x4  }
0x15d: {  	v29 =	vshll.u32 v18, $0x10  }
0x15e: {  	v18 =	vand.u32 $0xFFFF0000, v18;
	v20 =	vmul.f32 v29, v19  }
0x15f: {  	v18 =	vmul.f32 v18, v19  }
0x160: {  	[tilespmem:s12+$0x10D0] =	vst v20  }
0x161: {  	[tilespmem:s12+$0x1110] =	vst v18  }
0x162: {  	v18 =	vld [tilespmem:s25+$0xE0];
	_ =	sdelay $0x4  }
0x163: {  	v30 =	vshll.u32 v18, $0x10  }
0x164: {  	v18 =	vand.u32 $0xFFFF0000, v18;
	v20 =	vmul.f32 v30, v19  }
0x165: {  	v18 =	vmul.f32 v18, v19  }
0x166: {  	[tilespmem:s12+$0x10E0] =	vst v20  }
0x167: {  	[tilespmem:s12+$0x1120] =	vst v18  }
0x168: {  	v18 =	vld [tilespmem:s25+$0xF0];
	_ =	sdelay $0x4  }
0x169: {  	v31 =	vshll.u32 v18, $0x10  }
0x16a: {  	v18 =	vand.u32 $0xFFFF0000, v18;
	v20 =	vmul.f32 v31, v19  }
0x16b: {  	s18 =	sor.u32 $0x7, s9;
	v18 =	vmul.f32 v18, v19  }
0x16c: {  	s25 =	sshll.u32 s18, $0x6;
	[tilespmem:s12+$0x10F0] =	vst v20  }
0x16d: {  	s25 =	sand.u32 $0x3FFFFDC0, s25;
	[tilespmem:s12+$0x1130] =	vst v18  }
0x16e: {  	v18 =	vld [tilespmem:s25+$0xC0];
	_ =	sdelay $0x3  }
0x16f: {  	v19 =	vperm.xlane v17, v8  }
0x170: {  	v32 =	vshll.u32 v18, $0x10  }
0x171: {  	s18 =	sshll.u32 s18, $0x7;
	v18 =	vand.u32 $0xFFFF0000, v18;
	v20 =	vmul.f32 v32, v19  }
0x172: {  	s18 =	sand.u32 $0x3FFFFB80, s18;
	v18 =	vmul.f32 v18, v19  }
0x173: {  	[tilespmem:s18+$0x10C0] =	vst v20  }
0x174: {  	[tilespmem:s18+$0x1100] =	vst v18  }
0x175: {  	v18 =	vld [tilespmem:s25+$0xD0];
	_ =	sdelay $0x4  }
0x176: {  	v33 =	vshll.u32 v18, $0x10  }
0x177: {  	v18 =	vand.u32 $0xFFFF0000, v18;
	v20 =	vmul.f32 v33, v19  }
0x178: {  	v18 =	vmul.f32 v18, v19  }
0x179: {  	[tilespmem:s18+$0x10D0] =	vst v20  }
0x17a: {  	[tilespmem:s18+$0x1110] =	vst v18  }
0x17b: {  	v18 =	vld [tilespmem:s25+$0xE0];
	_ =	sdelay $0x4  }
0x17c: {  	v34 =	vshll.u32 v18, $0x10  }
0x17d: {  	v18 =	vand.u32 $0xFFFF0000, v18;
	v20 =	vmul.f32 v34, v19  }
0x17e: {  	v18 =	vmul.f32 v18, v19  }
0x17f: {  	[tilespmem:s18+$0x10E0] =	vst v20  }
0x180: {  	[tilespmem:s18+$0x1120] =	vst v18  }
0x181: {  	v18 =	vld [tilespmem:s25+$0xF0];
	_ =	sdelay $0x4  }
0x182: {  	v35 =	vshll.u32 v18, $0x10  }
0x183: {  	v18 =	vand.u32 $0xFFFF0000, v18;
	v20 =	vmul.f32 v35, v19  }
0x184: {  	s12 =	sor.u32 $0x8, s9;
	v18 =	vmul.f32 v18, v19  }
0x185: {  	s25 =	sshll.u32 s12, $0x6;
	[tilespmem:s18+$0x10F0] =	vst v20  }
0x186: {  	s25 =	sand.u32 $0x3FFFFE00, s25;
	[tilespmem:s18+$0x1130] =	vst v18  }
0x187: {  	v18 =	vld [tilespmem:s25+$0xC0];
	_ =	sdelay $0x3  }
0x188: {  	v19 =	vperm.xlane v17, v9  }
0x189: {  	v36 =	vshll.u32 v18, $0x10  }
0x18a: {  	s12 =	sshll.u32 s12, $0x7;
	v18 =	vand.u32 $0xFFFF0000, v18;
	v20 =	vmul.f32 v36, v19  }
0x18b: {  	s12 =	sand.u32 $0x3FFFFC00, s12;
	v18 =	vmul.f32 v18, v19  }
0x18c: {  	[tilespmem:s12+$0x10C0] =	vst v20  }
0x18d: {  	[tilespmem:s12+$0x1100] =	vst v18  }
0x18e: {  	v18 =	vld [tilespmem:s25+$0xD0];
	_ =	sdelay $0x4  }
0x18f: {  	v37 =	vshll.u32 v18, $0x10  }
0x190: {  	v18 =	vand.u32 $0xFFFF0000, v18;
	v20 =	vmul.f32 v37, v19  }
0x191: {  	v18 =	vmul.f32 v18, v19  }
0x192: {  	[tilespmem:s12+$0x10D0] =	vst v20  }
0x193: {  	[tilespmem:s12+$0x1110] =	vst v18  }
0x194: {  	v18 =	vld [tilespmem:s25+$0xE0];
	_ =	sdelay $0x4  }
0x195: {  	v38 =	vshll.u32 v18, $0x10  }
0x196: {  	v18 =	vand.u32 $0xFFFF0000, v18;
	v20 =	vmul.f32 v38, v19  }
0x197: {  	v18 =	vmul.f32 v18, v19  }
0x198: {  	[tilespmem:s12+$0x10E0] =	vst v20  }
0x199: {  	[tilespmem:s12+$0x1120] =	vst v18  }
0x19a: {  	v18 =	vld [tilespmem:s25+$0xF0];
	_ =	sdelay $0x4  }
0x19b: {  	v39 =	vshll.u32 v18, $0x10  }
0x19c: {  	v18 =	vand.u32 $0xFFFF0000, v18;
	v20 =	vmul.f32 v39, v19  }
0x19d: {  	s18 =	sor.u32 $0x9, s9;
	v18 =	vmul.f32 v18, v19  }
0x19e: {  	s25 =	sshll.u32 s18, $0x6;
	[tilespmem:s12+$0x10F0] =	vst v20  }
0x19f: {  	s25 =	sand.u32 $0x3FFFFE40, s25;
	[tilespmem:s12+$0x1130] =	vst v18  }
0x1a0: {  	v18 =	vld [tilespmem:s25+$0xC0];
	_ =	sdelay $0x3  }
0x1a1: {  	v19 =	vperm.xlane v17, v10  }
0x1a2: {  	v40 =	vshll.u32 v18, $0x10  }
0x1a3: {  	s18 =	sshll.u32 s18, $0x7;
	v18 =	vand.u32 $0xFFFF0000, v18;
	v20 =	vmul.f32 v40, v19  }
0x1a4: {  	s18 =	sand.u32 $0x3FFFFC80, s18;
	v18 =	vmul.f32 v18, v19  }
0x1a5: {  	[tilespmem:s18+$0x10C0] =	vst v20  }
0x1a6: {  	[tilespmem:s18+$0x1100] =	vst v18  }
0x1a7: {  	v18 =	vld [tilespmem:s25+$0xD0];
	_ =	sdelay $0x4  }
0x1a8: {  	v41 =	vshll.u32 v18, $0x10  }
0x1a9: {  	v18 =	vand.u32 $0xFFFF0000, v18;
	v20 =	vmul.f32 v41, v19  }
0x1aa: {  	v18 =	vmul.f32 v18, v19  }
0x1ab: {  	[tilespmem:s18+$0x10D0] =	vst v20  }
0x1ac: {  	[tilespmem:s18+$0x1110] =	vst v18  }
0x1ad: {  	v18 =	vld [tilespmem:s25+$0xE0];
	_ =	sdelay $0x4  }
0x1ae: {  	v42 =	vshll.u32 v18, $0x10  }
0x1af: {  	v18 =	vand.u32 $0xFFFF0000, v18;
	v20 =	vmul.f32 v42, v19  }
0x1b0: {  	v18 =	vmul.f32 v18, v19  }
0x1b1: {  	[tilespmem:s18+$0x10E0] =	vst v20  }
0x1b2: {  	[tilespmem:s18+$0x1120] =	vst v18  }
0x1b3: {  	v18 =	vld [tilespmem:s25+$0xF0];
	_ =	sdelay $0x4  }
0x1b4: {  	v43 =	vshll.u32 v18, $0x10  }
0x1b5: {  	v18 =	vand.u32 $0xFFFF0000, v18;
	v20 =	vmul.f32 v43, v19  }
0x1b6: {  	s12 =	sor.u32 $0xA, s9;
	v18 =	vmul.f32 v18, v19  }
0x1b7: {  	s25 =	sshll.u32 s12, $0x6;
	[tilespmem:s18+$0x10F0] =	vst v20  }
0x1b8: {  	s25 =	sand.u32 $0x3FFFFE80, s25;
	[tilespmem:s18+$0x1130] =	vst v18  }
0x1b9: {  	v18 =	vld [tilespmem:s25+$0xC0];
	_ =	sdelay $0x3  }
0x1ba: {  	v19 =	vperm.xlane v17, v11  }
0x1bb: {  	v44 =	vshll.u32 v18, $0x10  }
0x1bc: {  	s12 =	sshll.u32 s12, $0x7;
	v18 =	vand.u32 $0xFFFF0000, v18;
	v20 =	vmul.f32 v44, v19  }
0x1bd: {  	s12 =	sand.u32 $0x3FFFFD00, s12;
	v18 =	vmul.f32 v18, v19  }
0x1be: {  	[tilespmem:s12+$0x10C0] =	vst v20  }
0x1bf: {  	[tilespmem:s12+$0x1100] =	vst v18  }
0x1c0: {  	v18 =	vld [tilespmem:s25+$0xD0];
	_ =	sdelay $0x4  }
0x1c1: {  	v45 =	vshll.u32 v18, $0x10  }
0x1c2: {  	v18 =	vand.u32 $0xFFFF0000, v18;
	v20 =	vmul.f32 v45, v19  }
0x1c3: {  	v18 =	vmul.f32 v18, v19  }
0x1c4: {  	[tilespmem:s12+$0x10D0] =	vst v20  }
0x1c5: {  	[tilespmem:s12+$0x1110] =	vst v18  }
0x1c6: {  	v18 =	vld [tilespmem:s25+$0xE0];
	_ =	sdelay $0x4  }
0x1c7: {  	v46 =	vshll.u32 v18, $0x10  }
0x1c8: {  	v18 =	vand.u32 $0xFFFF0000, v18;
	v20 =	vmul.f32 v46, v19  }
0x1c9: {  	v18 =	vmul.f32 v18, v19  }
0x1ca: {  	[tilespmem:s12+$0x10E0] =	vst v20  }
0x1cb: {  	[tilespmem:s12+$0x1120] =	vst v18  }
0x1cc: {  	v18 =	vld [tilespmem:s25+$0xF0];
	_ =	sdelay $0x4  }
0x1cd: {  	v47 =	vshll.u32 v18, $0x10  }
0x1ce: {  	v18 =	vand.u32 $0xFFFF0000, v18;
	v20 =	vmul.f32 v47, v19  }
0x1cf: {  	s18 =	sor.u32 $0xB, s9;
	v18 =	vmul.f32 v18, v19  }
0x1d0: {  	s25 =	sshll.u32 s18, $0x6;
	[tilespmem:s12+$0x10F0] =	vst v20  }
0x1d1: {  	s25 =	sand.u32 $0x3FFFFEC0, s25;
	[tilespmem:s12+$0x1130] =	vst v18  }
0x1d2: {  	v18 =	vld [tilespmem:s25+$0xC0];
	_ =	sdelay $0x3  }
0x1d3: {  	v19 =	vperm.xlane v17, v12  }
0x1d4: {  	v48 =	vshll.u32 v18, $0x10  }
0x1d5: {  	s18 =	sshll.u32 s18, $0x7;
	v18 =	vand.u32 $0xFFFF0000, v18;
	v20 =	vmul.f32 v48, v19  }
0x1d6: {  	s18 =	sand.u32 $0x3FFFFD80, s18;
	v18 =	vmul.f32 v18, v19  }
0x1d7: {  	[tilespmem:s18+$0x10C0] =	vst v20  }
0x1d8: {  	[tilespmem:s18+$0x1100] =	vst v18  }
0x1d9: {  	v18 =	vld [tilespmem:s25+$0xD0];
	_ =	sdelay $0x4  }
0x1da: {  	v49 =	vshll.u32 v18, $0x10  }
0x1db: {  	v18 =	vand.u32 $0xFFFF0000, v18;
	v20 =	vmul.f32 v49, v19  }
0x1dc: {  	v18 =	vmul.f32 v18, v19  }
0x1dd: {  	[tilespmem:s18+$0x10D0] =	vst v20  }
0x1de: {  	[tilespmem:s18+$0x1110] =	vst v18  }
0x1df: {  	v18 =	vld [tilespmem:s25+$0xE0];
	_ =	sdelay $0x4  }
0x1e0: {  	v50 =	vshll.u32 v18, $0x10  }
0x1e1: {  	v18 =	vand.u32 $0xFFFF0000, v18;
	v20 =	vmul.f32 v50, v19  }
0x1e2: {  	v18 =	vmul.f32 v18, v19  }
0x1e3: {  	[tilespmem:s18+$0x10E0] =	vst v20  }
0x1e4: {  	[tilespmem:s18+$0x1120] =	vst v18  }
0x1e5: {  	v18 =	vld [tilespmem:s25+$0xF0];
	_ =	sdelay $0x4  }
0x1e6: {  	v51 =	vshll.u32 v18, $0x10  }
0x1e7: {  	v18 =	vand.u32 $0xFFFF0000, v18;
	v20 =	vmul.f32 v51, v19  }
0x1e8: {  	s12 =	sor.u32 $0xC, s9;
	v18 =	vmul.f32 v18, v19  }
0x1e9: {  	s25 =	sshll.u32 s12, $0x6;
	[tilespmem:s18+$0x10F0] =	vst v20  }
0x1ea: {  	s25 =	sand.u32 $0x3FFFFF00, s25;
	[tilespmem:s18+$0x1130] =	vst v18  }
0x1eb: {  	v18 =	vld [tilespmem:s25+$0xC0];
	_ =	sdelay $0x3  }
0x1ec: {  	v19 =	vperm.xlane v17, v13  }
0x1ed: {  	v52 =	vshll.u32 v18, $0x10  }
0x1ee: {  	s12 =	sshll.u32 s12, $0x7;
	v18 =	vand.u32 $0xFFFF0000, v18;
	v20 =	vmul.f32 v52, v19  }
0x1ef: {  	s12 =	sand.u32 $0x3FFFFE00, s12;
	v18 =	vmul.f32 v18, v19  }
0x1f0: {  	[tilespmem:s12+$0x10C0] =	vst v20  }
0x1f1: {  	[tilespmem:s12+$0x1100] =	vst v18  }
0x1f2: {  	v18 =	vld [tilespmem:s25+$0xD0];
	_ =	sdelay $0x4  }
0x1f3: {  	v53 =	vshll.u32 v18, $0x10  }
0x1f4: {  	v18 =	vand.u32 $0xFFFF0000, v18;
	v20 =	vmul.f32 v53, v19  }
0x1f5: {  	v18 =	vmul.f32 v18, v19  }
0x1f6: {  	[tilespmem:s12+$0x10D0] =	vst v20  }
0x1f7: {  	[tilespmem:s12+$0x1110] =	vst v18  }
0x1f8: {  	v18 =	vld [tilespmem:s25+$0xE0];
	_ =	sdelay $0x4  }
0x1f9: {  	v54 =	vshll.u32 v18, $0x10  }
0x1fa: {  	v18 =	vand.u32 $0xFFFF0000, v18;
	v20 =	vmul.f32 v54, v19  }
0x1fb: {  	v18 =	vmul.f32 v18, v19  }
0x1fc: {  	[tilespmem:s12+$0x10E0] =	vst v20  }
0x1fd: {  	[tilespmem:s12+$0x1120] =	vst v18  }
0x1fe: {  	v18 =	vld [tilespmem:s25+$0xF0];
	_ =	sdelay $0x4  }
0x1ff: {  	v55 =	vshll.u32 v18, $0x10  }
0x200: {  	v18 =	vand.u32 $0xFFFF0000, v18;
	v20 =	vmul.f32 v55, v19  }
0x201: {  	s18 =	sor.u32 $0xD, s9;
	v18 =	vmul.f32 v18, v19  }
0x202: {  	s25 =	sshll.u32 s18, $0x6;
	[tilespmem:s12+$0x10F0] =	vst v20  }
0x203: {  	s25 =	sand.u32 $0x3FFFFF40, s25;
	[tilespmem:s12+$0x1130] =	vst v18  }
0x204: {  	v18 =	vld [tilespmem:s25+$0xC0];
	_ =	sdelay $0x3  }
0x205: {  	v19 =	vperm.xlane v17, v14  }
0x206: {  	v56 =	vshll.u32 v18, $0x10  }
0x207: {  	s18 =	sshll.u32 s18, $0x7;
	v18 =	vand.u32 $0xFFFF0000, v18;
	v20 =	vmul.f32 v56, v19  }
0x208: {  	s18 =	sand.u32 $0x3FFFFE80, s18;
	v18 =	vmul.f32 v18, v19  }
0x209: {  	[tilespmem:s18+$0x10C0] =	vst v20  }
0x20a: {  	[tilespmem:s18+$0x1100] =	vst v18  }
0x20b: {  	v18 =	vld [tilespmem:s25+$0xD0];
	_ =	sdelay $0x4  }
0x20c: {  	v57 =	vshll.u32 v18, $0x10  }
0x20d: {  	v18 =	vand.u32 $0xFFFF0000, v18;
	v20 =	vmul.f32 v57, v19  }
0x20e: {  	v18 =	vmul.f32 v18, v19  }
0x20f: {  	[tilespmem:s18+$0x10D0] =	vst v20  }
0x210: {  	[tilespmem:s18+$0x1110] =	vst v18  }
0x211: {  	v18 =	vld [tilespmem:s25+$0xE0];
	_ =	sdelay $0x4  }
0x212: {  	v58 =	vshll.u32 v18, $0x10  }
0x213: {  	v18 =	vand.u32 $0xFFFF0000, v18;
	v20 =	vmul.f32 v58, v19  }
0x214: {  	v18 =	vmul.f32 v18, v19  }
0x215: {  	[tilespmem:s18+$0x10E0] =	vst v20  }
0x216: {  	[tilespmem:s18+$0x1120] =	vst v18  }
0x217: {  	v18 =	vld [tilespmem:s25+$0xF0];
	_ =	sdelay $0x4  }
0x218: {  	v59 =	vshll.u32 v18, $0x10  }
0x219: {  	v18 =	vand.u32 $0xFFFF0000, v18;
	v20 =	vmul.f32 v59, v19  }
0x21a: {  	s9 =	sor.u32 $0xE, s9;
	v18 =	vmul.f32 v18, v19  }
0x21b: {  	s25 =	sshll.u32 s9, $0x6;
	[tilespmem:s18+$0x10F0] =	vst v20  }
0x21c: {  	s12 =	sand.u32 $0x3FFFFF80, s25;
	[tilespmem:s18+$0x1130] =	vst v18  }
0x21d: {  	v18 =	vld [tilespmem:s12+$0xC0];
	_ =	sdelay $0x3  }
0x21e: {  	v19 =	vperm.xlane v17, v15  }
0x21f: {  	v60 =	vshll.u32 v18, $0x10  }
0x220: {  	s9 =	sshll.u32 s9, $0x7;
	v18 =	vand.u32 $0xFFFF0000, v18;
	v20 =	vmul.f32 v60, v19  }
0x221: {  	s9 =	sand.u32 $0x3FFFFF00, s9;
	v18 =	vmul.f32 v18, v19  }
0x222: {  	[tilespmem:s9+$0x10C0] =	vst v20  }
0x223: {  	[tilespmem:s9+$0x1100] =	vst v18  }
0x224: {  	v18 =	vld [tilespmem:s12+$0xD0];
	_ =	sdelay $0x4  }
0x225: {  	v61 =	vshll.u32 v18, $0x10  }
0x226: {  	v18 =	vand.u32 $0xFFFF0000, v18;
	v20 =	vmul.f32 v61, v19  }
0x227: {  	v18 =	vmul.f32 v18, v19  }
0x228: {  	[tilespmem:s9+$0x10D0] =	vst v20  }
0x229: {  	[tilespmem:s9+$0x1110] =	vst v18  }
0x22a: {  	v18 =	vld [tilespmem:s12+$0xE0];
	_ =	sdelay $0x4  }
0x22b: {  	v62 =	vshll.u32 v18, $0x10  }
0x22c: {  	v18 =	vand.u32 $0xFFFF0000, v18;
	v20 =	vmul.f32 v62, v19  }
0x22d: {  	v18 =	vmul.f32 v18, v19  }
0x22e: {  	[tilespmem:s9+$0x10E0] =	vst v20  }
0x22f: {  	[tilespmem:s9+$0x1120] =	vst v18  }
0x230: {  	v18 =	vld [tilespmem:s12+$0xF0];
	_ =	sdelay $0x4  }
0x231: {  	v63 =	vshll.u32 v18, $0x10  }
0x232: {  	v18 =	vand.u32 $0xFFFF0000, v18;
	v20 =	vmul.f32 v63, v19  }
0x233: {  	s12 =	sshllo.u32 s19, $0x4;
	v18 =	vmul.f32 v18, v19  }
0x234: {  	s19 =	sshll.u32 s12, $0x6;
	[tilespmem:s9+$0x10F0] =	vst v20  }
0x235: {  	s25 =	sand.u32 $0x3FFFFFC0, s19;
	[tilespmem:s9+$0x1130] =	vst v18  }
0x236: {  	v18 =	vld [tilespmem:s25+$0xC0];
	_ =	sdelay $0x3  }
0x237: {  	v17 =	vperm.xlane v17, v16  }
0x238: {  	v19 =	vshll.u32 v18, $0x10  }
0x239: {  	s12 =	sshll.u32 s12, $0x7;
	v18 =	vand.u32 $0xFFFF0000, v18;
	v19 =	vmul.f32 v19, v17  }
0x23a: {  	s12 =	sand.u32 $0x3FFFFF80, s12;
	v18 =	vmul.f32 v18, v17  }
0x23b: {  	[tilespmem:s12+$0x10C0] =	vst v19  }
0x23c: {  	[tilespmem:s12+$0x1100] =	vst v18  }
0x23d: {  	v18 =	vld [tilespmem:s25+$0xD0];
	_ =	sdelay $0x4  }
0x23e: {  	v19 =	vshll.u32 v18, $0x10  }
0x23f: {  	v18 =	vand.u32 $0xFFFF0000, v18;
	v19 =	vmul.f32 v19, v17  }
0x240: {  	v18 =	vmul.f32 v18, v17  }
0x241: {  	[tilespmem:s12+$0x10D0] =	vst v19  }
0x242: {  	[tilespmem:s12+$0x1110] =	vst v18  }
0x243: {  	v18 =	vld [tilespmem:s25+$0xE0];
	_ =	sdelay $0x4  }
0x244: {  	v19 =	vshll.u32 v18, $0x10  }
0x245: {  	v18 =	vand.u32 $0xFFFF0000, v18;
	v19 =	vmul.f32 v19, v17  }
0x246: {  	v18 =	vmul.f32 v18, v17  }
0x247: {  	[tilespmem:s12+$0x10E0] =	vst v19  }
0x248: {  	[tilespmem:s12+$0x1120] =	vst v18  }
0x249: {  	v18 =	vld [tilespmem:s25+$0xF0];
	_ =	sdelay $0x3  }
0x24a: {  	p3 =	por p2, p2  }
.Ltmp1:
0x24b: {  	v19 =	vshll.u32 v18, $0x10;
	(pc) =	sbr.rel @p3 .LBB2_5-.Ltmp1, $4  }
0x24c: {  	v18 =	vand.u32 $0xFFFF0000, v18;
	v19 =	vmul.f32 v19, v17  }
0x24d: {  	v17 =	vmul.f32 v18, v17  }
0x24e: {  	[tilespmem:s12+$0x10F0] =	vst v19  }
0x24f: {  	p2 =	por $0x0, $0x0;
	s19 =	simm.s32 $0x1;
	[tilespmem:s12+$0x1130] =	vst v17  }
0x250: {  	[spmem:s2] =	stream.indirect.scatter.add.f32 [tilespmem:s23], [sflag:$0x7], $0x80, s26, s24, $0xb8;
	[tilespmem:$0x1F580] =	vst v63  }
0x251: {  	_ =	swait.ge [sflag:s22], $0x1000  }
0x252: {  	[sflag:s22] =	ssyncset.done $0x0  }
0x253: {  	[sflag:s22] =	ssyncadd.s32 $0xFFFFF000  }
0x254: {  	_ =	swait.ge [sflag:s11], $0x800  }
0x255: {  	[sflag:s11] =	ssyncset.done $0x0  }
0x256: {  	[sflag:s11] =	ssyncadd.s32 $0xFFFFF800  }
0x257: {  	_ =	swait.ge [sflag:s13], $0x20  }
0x258: {  	[sflag:s13] =	ssyncset.done $0x0  }
0x259: {  	[sflag:s13] =	ssyncadd.s32 $0xFFFFFFE0  }
0x25a: {  	s9 =	sadd.s32 @!p1 s17, s21;
	_ =	swait.ge [sflag:s13], $0x20  }
0x25b: {  	s12 =	simm.s32 @!p1 $0x0;
	s9 =	sshrl.u32 @!p1 s9, $0x3;
	[sflag:s13] =	ssyncset.done $0x0  }
0x25c: {  	s17 =	simm.s32 @!p1 $0x20;
	s9 =	sadd.s32 @!p1 s6, s9;
	[sflag:s13] =	ssyncadd.s32 $0xFFFFFFE0  }
0x25d: {  	[tilespmem:s17], [sflag:$0x6] =	stream.linear.gather @!p1 [hbm4b:s9+s12], $0x20, $0x38;
	[tilespmem:$0x1F580] =	vst v63  }
0x25e: {  	s9 =	simm.s32 @!p1 $0x5  }
0x25f: {  	_ =	swait.ge @!p1 [sflag:s9], $0x20  }
0x260: {  	[sflag:s9] =	ssyncset.done @!p1 $0x0  }
0x261: {  	[sflag:s9] =	ssyncadd.s32 @!p1 $0xFFFFFFE0;
	s9 =	simm.s32 @!p1 $0xC0  }
0x262: {  	[tilespmem:s9], [sflag:$0x1] =	stream.indirect.gather @!p1 [spmem:s1], $0x40, s12, s17, $0xb8;
	[tilespmem:$0x1F580] =	vst v63  }
0x263: {  	s9 =	sadd.s32 @!p1 s5, s16;
	s17 =	simm.s32 @!p1 $0x40  }
0x264: {  	[tilespmem:s17], [sflag:$0x3] =	stream.linear.gather @!p1 [hbm4b:s9+s12], $0x20, $0x38;
	[tilespmem:$0x1F580] =	vst v63  }
0x265: {  	s9 =	sadd.s32 @!p1 s7, s16;
	s16 =	simm.s32 @!p1 $0x80  }
0x266: {  	[tilespmem:s16], [sflag:$0x3] =	stream.linear.gather @!p1 [hbm4b:s9+s12], $0x20, $0x38;
	[tilespmem:$0x1F580] =	vst v63  }
0x267: {  	s16 =	simm.s32 $0x0;
	p1 =	por $0x1, $0x1  }
.LBB2_7:
0x268: {  	s9 =	sshll.u32 s16, $0x4;
	s12 =	sshll.u32 s16, $0xA  }
0x269: {  	v17 =	vld [tilespmem:s9+$0xA0];
	s12 =	sand.u32 $0x3FFFFC00, s12  }
0x26a: {  	v18 =	vld [tilespmem:s12+$0x8C0];
	_ =	sdelay $0x3  }
0x26b: {  	v19 =	vperm.xlane v17, v1  }
0x26c: {  	v20 =	vshll.u32 v18, $0x10  }
0x26d: {  	s17 =	sshll.u32 s16, $0xB;
	v18 =	vand.u32 $0xFFFF0000, v18;
	v20 =	vmul.f32 v20, v19  }
0x26e: {  	s17 =	sand.u32 $0x3FFFF800, s17;
	v18 =	vmul.f32 v18, v19  }
0x26f: {  	[tilespmem:s17+$0x10C0] =	vst v20  }
0x270: {  	[tilespmem:s17+$0x1100] =	vst v18  }
0x271: {  	v18 =	vld [tilespmem:s12+$0x8D0];
	_ =	sdelay $0x4  }
0x272: {  	v45 =	vshll.u32 v18, $0x10  }
0x273: {  	v18 =	vand.u32 $0xFFFF0000, v18;
	v20 =	vmul.f32 v45, v19  }
0x274: {  	v18 =	vmul.f32 v18, v19  }
0x275: {  	[tilespmem:s17+$0x10D0] =	vst v20  }
0x276: {  	[tilespmem:s17+$0x1110] =	vst v18  }
0x277: {  	v18 =	vld [tilespmem:s12+$0x8E0];
	_ =	sdelay $0x4  }
0x278: {  	v46 =	vshll.u32 v18, $0x10  }
0x279: {  	v18 =	vand.u32 $0xFFFF0000, v18;
	v20 =	vmul.f32 v46, v19  }
0x27a: {  	v18 =	vmul.f32 v18, v19  }
0x27b: {  	[tilespmem:s17+$0x10E0] =	vst v20  }
0x27c: {  	[tilespmem:s17+$0x1120] =	vst v18  }
0x27d: {  	v18 =	vld [tilespmem:s12+$0x8F0];
	_ =	sdelay $0x4  }
0x27e: {  	v47 =	vshll.u32 v18, $0x10  }
0x27f: {  	v18 =	vand.u32 $0xFFFF0000, v18;
	v20 =	vmul.f32 v47, v19  }
0x280: {  	s25 =	sor.u32 $0x1, s9;
	v18 =	vmul.f32 v18, v19  }
0x281: {  	s18 =	sshll.u32 s25, $0x6;
	[tilespmem:s17+$0x10F0] =	vst v20  }
0x282: {  	s19 =	sand.u32 $0x3FFFFC40, s18;
	[tilespmem:s17+$0x1130] =	vst v18  }
0x283: {  	v18 =	vld [tilespmem:s19+$0x8C0];
	_ =	sdelay $0x3  }
0x284: {  	v19 =	vperm.xlane v17, v2  }
0x285: {  	v48 =	vshll.u32 v18, $0x10  }
0x286: {  	s12 =	sshll.u32 s25, $0x7;
	v18 =	vand.u32 $0xFFFF0000, v18;
	v20 =	vmul.f32 v48, v19  }
0x287: {  	s12 =	sand.u32 $0x3FFFF880, s12;
	v18 =	vmul.f32 v18, v19  }
0x288: {  	[tilespmem:s12+$0x10C0] =	vst v20  }
0x289: {  	[tilespmem:s12+$0x1100] =	vst v18  }
0x28a: {  	v18 =	vld [tilespmem:s19+$0x8D0];
	_ =	sdelay $0x4  }
0x28b: {  	v49 =	vshll.u32 v18, $0x10  }
0x28c: {  	v18 =	vand.u32 $0xFFFF0000, v18;
	v20 =	vmul.f32 v49, v19  }
0x28d: {  	v18 =	vmul.f32 v18, v19  }
0x28e: {  	[tilespmem:s12+$0x10D0] =	vst v20  }
0x28f: {  	[tilespmem:s12+$0x1110] =	vst v18  }
0x290: {  	v18 =	vld [tilespmem:s19+$0x8E0];
	_ =	sdelay $0x4  }
0x291: {  	v50 =	vshll.u32 v18, $0x10  }
0x292: {  	v18 =	vand.u32 $0xFFFF0000, v18;
	v20 =	vmul.f32 v50, v19  }
0x293: {  	v18 =	vmul.f32 v18, v19  }
0x294: {  	[tilespmem:s12+$0x10E0] =	vst v20  }
0x295: {  	[tilespmem:s12+$0x1120] =	vst v18  }
0x296: {  	v18 =	vld [tilespmem:s19+$0x8F0];
	_ =	sdelay $0x4  }
0x297: {  	v51 =	vshll.u32 v18, $0x10  }
0x298: {  	v18 =	vand.u32 $0xFFFF0000, v18;
	v20 =	vmul.f32 v51, v19  }
0x299: {  	s17 =	sor.u32 $0x2, s9;
	v18 =	vmul.f32 v18, v19  }
0x29a: {  	s25 =	sshll.u32 s17, $0x6;
	[tilespmem:s12+$0x10F0] =	vst v20  }
0x29b: {  	s19 =	sand.u32 $0x3FFFFC80, s25;
	[tilespmem:s12+$0x1130] =	vst v18  }
0x29c: {  	v18 =	vld [tilespmem:s19+$0x8C0];
	_ =	sdelay $0x3  }
0x29d: {  	v19 =	vperm.xlane v17, v3  }
0x29e: {  	v52 =	vshll.u32 v18, $0x10  }
0x29f: {  	s17 =	sshll.u32 s17, $0x7;
	v18 =	vand.u32 $0xFFFF0000, v18;
	v20 =	vmul.f32 v52, v19  }
0x2a0: {  	s17 =	sand.u32 $0x3FFFF900, s17;
	v18 =	vmul.f32 v18, v19  }
0x2a1: {  	[tilespmem:s17+$0x10C0] =	vst v20  }
0x2a2: {  	[tilespmem:s17+$0x1100] =	vst v18  }
0x2a3: {  	v18 =	vld [tilespmem:s19+$0x8D0];
	_ =	sdelay $0x4  }
0x2a4: {  	v53 =	vshll.u32 v18, $0x10  }
0x2a5: {  	v18 =	vand.u32 $0xFFFF0000, v18;
	v20 =	vmul.f32 v53, v19  }
0x2a6: {  	v18 =	vmul.f32 v18, v19  }
0x2a7: {  	[tilespmem:s17+$0x10D0] =	vst v20  }
0x2a8: {  	[tilespmem:s17+$0x1110] =	vst v18  }
0x2a9: {  	v18 =	vld [tilespmem:s19+$0x8E0];
	_ =	sdelay $0x4  }
0x2aa: {  	v54 =	vshll.u32 v18, $0x10  }
0x2ab: {  	v18 =	vand.u32 $0xFFFF0000, v18;
	v20 =	vmul.f32 v54, v19  }
0x2ac: {  	v18 =	vmul.f32 v18, v19  }
0x2ad: {  	[tilespmem:s17+$0x10E0] =	vst v20  }
0x2ae: {  	[tilespmem:s17+$0x1120] =	vst v18  }
0x2af: {  	v18 =	vld [tilespmem:s19+$0x8F0];
	_ =	sdelay $0x4  }
0x2b0: {  	v55 =	vshll.u32 v18, $0x10  }
0x2b1: {  	v18 =	vand.u32 $0xFFFF0000, v18;
	v20 =	vmul.f32 v55, v19  }
0x2b2: {  	s12 =	sor.u32 $0x3, s9;
	v18 =	vmul.f32 v18, v19  }
0x2b3: {  	s25 =	sshll.u32 s12, $0x6;
	[tilespmem:s17+$0x10F0] =	vst v20  }
0x2b4: {  	s19 =	sand.u32 $0x3FFFFCC0, s25;
	[tilespmem:s17+$0x1130] =	vst v18  }
0x2b5: {  	v18 =	vld [tilespmem:s19+$0x8C0];
	_ =	sdelay $0x3  }
0x2b6: {  	v19 =	vperm.xlane v17, v4  }
0x2b7: {  	v56 =	vshll.u32 v18, $0x10  }
0x2b8: {  	s12 =	sshll.u32 s12, $0x7;
	v18 =	vand.u32 $0xFFFF0000, v18;
	v20 =	vmul.f32 v56, v19  }
0x2b9: {  	s12 =	sand.u32 $0x3FFFF980, s12;
	v18 =	vmul.f32 v18, v19  }
0x2ba: {  	[tilespmem:s12+$0x10C0] =	vst v20  }
0x2bb: {  	[tilespmem:s12+$0x1100] =	vst v18  }
0x2bc: {  	v18 =	vld [tilespmem:s19+$0x8D0];
	_ =	sdelay $0x4  }
0x2bd: {  	v57 =	vshll.u32 v18, $0x10  }
0x2be: {  	v18 =	vand.u32 $0xFFFF0000, v18;
	v20 =	vmul.f32 v57, v19  }
0x2bf: {  	v18 =	vmul.f32 v18, v19  }
0x2c0: {  	[tilespmem:s12+$0x10D0] =	vst v20  }
0x2c1: {  	[tilespmem:s12+$0x1110] =	vst v18  }
0x2c2: {  	v18 =	vld [tilespmem:s19+$0x8E0];
	_ =	sdelay $0x4  }
0x2c3: {  	v58 =	vshll.u32 v18, $0x10  }
0x2c4: {  	v18 =	vand.u32 $0xFFFF0000, v18;
	v20 =	vmul.f32 v58, v19  }
0x2c5: {  	v18 =	vmul.f32 v18, v19  }
0x2c6: {  	[tilespmem:s12+$0x10E0] =	vst v20  }
0x2c7: {  	[tilespmem:s12+$0x1120] =	vst v18  }
0x2c8: {  	v18 =	vld [tilespmem:s19+$0x8F0];
	_ =	sdelay $0x4  }
0x2c9: {  	v59 =	vshll.u32 v18, $0x10  }
0x2ca: {  	v18 =	vand.u32 $0xFFFF0000, v18;
	v20 =	vmul.f32 v59, v19  }
0x2cb: {  	s17 =	sor.u32 $0x4, s9;
	v18 =	vmul.f32 v18, v19  }
0x2cc: {  	s25 =	sshll.u32 s17, $0x6;
	[tilespmem:s12+$0x10F0] =	vst v20  }
0x2cd: {  	s19 =	sand.u32 $0x3FFFFD00, s25;
	[tilespmem:s12+$0x1130] =	vst v18  }
0x2ce: {  	v18 =	vld [tilespmem:s19+$0x8C0];
	_ =	sdelay $0x3  }
0x2cf: {  	v19 =	vperm.xlane v17, v5  }
0x2d0: {  	v60 =	vshll.u32 v18, $0x10  }
0x2d1: {  	s17 =	sshll.u32 s17, $0x7;
	v18 =	vand.u32 $0xFFFF0000, v18;
	v20 =	vmul.f32 v60, v19  }
0x2d2: {  	s17 =	sand.u32 $0x3FFFFA00, s17;
	v18 =	vmul.f32 v18, v19  }
0x2d3: {  	[tilespmem:s17+$0x10C0] =	vst v20  }
0x2d4: {  	[tilespmem:s17+$0x1100] =	vst v18  }
0x2d5: {  	v18 =	vld [tilespmem:s19+$0x8D0];
	_ =	sdelay $0x4  }
0x2d6: {  	v61 =	vshll.u32 v18, $0x10  }
0x2d7: {  	v18 =	vand.u32 $0xFFFF0000, v18;
	v20 =	vmul.f32 v61, v19  }
0x2d8: {  	v18 =	vmul.f32 v18, v19  }
0x2d9: {  	[tilespmem:s17+$0x10D0] =	vst v20  }
0x2da: {  	[tilespmem:s17+$0x1110] =	vst v18  }
0x2db: {  	v18 =	vld [tilespmem:s19+$0x8E0];
	_ =	sdelay $0x4  }
0x2dc: {  	v62 =	vshll.u32 v18, $0x10  }
0x2dd: {  	v18 =	vand.u32 $0xFFFF0000, v18;
	v20 =	vmul.f32 v62, v19  }
0x2de: {  	v18 =	vmul.f32 v18, v19  }
0x2df: {  	[tilespmem:s17+$0x10E0] =	vst v20  }
0x2e0: {  	[tilespmem:s17+$0x1120] =	vst v18  }
0x2e1: {  	v18 =	vld [tilespmem:s19+$0x8F0];
	_ =	sdelay $0x4  }
0x2e2: {  	v63 =	vshll.u32 v18, $0x10  }
0x2e3: {  	v18 =	vand.u32 $0xFFFF0000, v18;
	v20 =	vmul.f32 v63, v19  }
0x2e4: {  	s12 =	sor.u32 $0x5, s9;
	v18 =	vmul.f32 v18, v19  }
0x2e5: {  	s25 =	sshll.u32 s12, $0x6;
	[tilespmem:s17+$0x10F0] =	vst v20  }
0x2e6: {  	s19 =	sand.u32 $0x3FFFFD40, s25;
	[tilespmem:s17+$0x1130] =	vst v18  }
0x2e7: {  	v18 =	vld [tilespmem:s19+$0x8C0];
	_ =	sdelay $0x3  }
0x2e8: {  	v19 =	vperm.xlane v17, v6  }
0x2e9: {  	v24 =	vshll.u32 v18, $0x10  }
0x2ea: {  	s12 =	sshll.u32 s12, $0x7;
	v18 =	vand.u32 $0xFFFF0000, v18;
	v20 =	vmul.f32 v24, v19  }
0x2eb: {  	s12 =	sand.u32 $0x3FFFFA80, s12;
	v18 =	vmul.f32 v18, v19  }
0x2ec: {  	[tilespmem:s12+$0x10C0] =	vst v20  }
0x2ed: {  	[tilespmem:s12+$0x1100] =	vst v18  }
0x2ee: {  	v18 =	vld [tilespmem:s19+$0x8D0];
	_ =	sdelay $0x4  }
0x2ef: {  	v25 =	vshll.u32 v18, $0x10  }
0x2f0: {  	v18 =	vand.u32 $0xFFFF0000, v18;
	v20 =	vmul.f32 v25, v19  }
0x2f1: {  	v18 =	vmul.f32 v18, v19  }
0x2f2: {  	[tilespmem:s12+$0x10D0] =	vst v20  }
0x2f3: {  	[tilespmem:s12+$0x1110] =	vst v18  }
0x2f4: {  	v18 =	vld [tilespmem:s19+$0x8E0];
	_ =	sdelay $0x4  }
0x2f5: {  	v26 =	vshll.u32 v18, $0x10  }
0x2f6: {  	v18 =	vand.u32 $0xFFFF0000, v18;
	v20 =	vmul.f32 v26, v19  }
0x2f7: {  	v18 =	vmul.f32 v18, v19  }
0x2f8: {  	[tilespmem:s12+$0x10E0] =	vst v20  }
0x2f9: {  	[tilespmem:s12+$0x1120] =	vst v18  }
0x2fa: {  	v18 =	vld [tilespmem:s19+$0x8F0];
	_ =	sdelay $0x4  }
0x2fb: {  	v27 =	vshll.u32 v18, $0x10  }
0x2fc: {  	v18 =	vand.u32 $0xFFFF0000, v18;
	v20 =	vmul.f32 v27, v19  }
0x2fd: {  	s17 =	sor.u32 $0x6, s9;
	v18 =	vmul.f32 v18, v19  }
0x2fe: {  	s25 =	sshll.u32 s17, $0x6;
	[tilespmem:s12+$0x10F0] =	vst v20  }
0x2ff: {  	s19 =	sand.u32 $0x3FFFFD80, s25;
	[tilespmem:s12+$0x1130] =	vst v18  }
0x300: {  	v18 =	vld [tilespmem:s19+$0x8C0];
	_ =	sdelay $0x3  }
0x301: {  	v19 =	vperm.xlane v17, v7  }
0x302: {  	v28 =	vshll.u32 v18, $0x10  }
0x303: {  	s17 =	sshll.u32 s17, $0x7;
	v18 =	vand.u32 $0xFFFF0000, v18;
	v20 =	vmul.f32 v28, v19  }
0x304: {  	s17 =	sand.u32 $0x3FFFFB00, s17;
	v18 =	vmul.f32 v18, v19  }
0x305: {  	[tilespmem:s17+$0x10C0] =	vst v20  }
0x306: {  	[tilespmem:s17+$0x1100] =	vst v18  }
0x307: {  	v18 =	vld [tilespmem:s19+$0x8D0];
	_ =	sdelay $0x4  }
0x308: {  	v29 =	vshll.u32 v18, $0x10  }
0x309: {  	v18 =	vand.u32 $0xFFFF0000, v18;
	v20 =	vmul.f32 v29, v19  }
0x30a: {  	v18 =	vmul.f32 v18, v19  }
0x30b: {  	[tilespmem:s17+$0x10D0] =	vst v20  }
0x30c: {  	[tilespmem:s17+$0x1110] =	vst v18  }
0x30d: {  	v18 =	vld [tilespmem:s19+$0x8E0];
	_ =	sdelay $0x4  }
0x30e: {  	v30 =	vshll.u32 v18, $0x10  }
0x30f: {  	v18 =	vand.u32 $0xFFFF0000, v18;
	v20 =	vmul.f32 v30, v19  }
0x310: {  	v18 =	vmul.f32 v18, v19  }
0x311: {  	[tilespmem:s17+$0x10E0] =	vst v20  }
0x312: {  	[tilespmem:s17+$0x1120] =	vst v18  }
0x313: {  	v18 =	vld [tilespmem:s19+$0x8F0];
	_ =	sdelay $0x4  }
0x314: {  	v31 =	vshll.u32 v18, $0x10  }
0x315: {  	v18 =	vand.u32 $0xFFFF0000, v18;
	v20 =	vmul.f32 v31, v19  }
0x316: {  	s12 =	sor.u32 $0x7, s9;
	v18 =	vmul.f32 v18, v19  }
0x317: {  	s25 =	sshll.u32 s12, $0x6;
	[tilespmem:s17+$0x10F0] =	vst v20  }
0x318: {  	s19 =	sand.u32 $0x3FFFFDC0, s25;
	[tilespmem:s17+$0x1130] =	vst v18  }
0x319: {  	v18 =	vld [tilespmem:s19+$0x8C0];
	_ =	sdelay $0x3  }
0x31a: {  	v19 =	vperm.xlane v17, v8  }
0x31b: {  	v32 =	vshll.u32 v18, $0x10  }
0x31c: {  	s12 =	sshll.u32 s12, $0x7;
	v18 =	vand.u32 $0xFFFF0000, v18;
	v20 =	vmul.f32 v32, v19  }
0x31d: {  	s12 =	sand.u32 $0x3FFFFB80, s12;
	v18 =	vmul.f32 v18, v19  }
0x31e: {  	[tilespmem:s12+$0x10C0] =	vst v20  }
0x31f: {  	[tilespmem:s12+$0x1100] =	vst v18  }
0x320: {  	v18 =	vld [tilespmem:s19+$0x8D0];
	_ =	sdelay $0x4  }
0x321: {  	v33 =	vshll.u32 v18, $0x10  }
0x322: {  	v18 =	vand.u32 $0xFFFF0000, v18;
	v20 =	vmul.f32 v33, v19  }
0x323: {  	v18 =	vmul.f32 v18, v19  }
0x324: {  	[tilespmem:s12+$0x10D0] =	vst v20  }
0x325: {  	[tilespmem:s12+$0x1110] =	vst v18  }
0x326: {  	v18 =	vld [tilespmem:s19+$0x8E0];
	_ =	sdelay $0x4  }
0x327: {  	v34 =	vshll.u32 v18, $0x10  }
0x328: {  	v18 =	vand.u32 $0xFFFF0000, v18;
	v20 =	vmul.f32 v34, v19  }
0x329: {  	v18 =	vmul.f32 v18, v19  }
0x32a: {  	[tilespmem:s12+$0x10E0] =	vst v20  }
0x32b: {  	[tilespmem:s12+$0x1120] =	vst v18  }
0x32c: {  	v18 =	vld [tilespmem:s19+$0x8F0];
	_ =	sdelay $0x4  }
0x32d: {  	v35 =	vshll.u32 v18, $0x10  }
0x32e: {  	v18 =	vand.u32 $0xFFFF0000, v18;
	v20 =	vmul.f32 v35, v19  }
0x32f: {  	s17 =	sor.u32 $0x8, s9;
	v18 =	vmul.f32 v18, v19  }
0x330: {  	s25 =	sshll.u32 s17, $0x6;
	[tilespmem:s12+$0x10F0] =	vst v20  }
0x331: {  	s19 =	sand.u32 $0x3FFFFE00, s25;
	[tilespmem:s12+$0x1130] =	vst v18  }
0x332: {  	v18 =	vld [tilespmem:s19+$0x8C0];
	_ =	sdelay $0x3  }
0x333: {  	v19 =	vperm.xlane v17, v9  }
0x334: {  	v36 =	vshll.u32 v18, $0x10  }
0x335: {  	s17 =	sshll.u32 s17, $0x7;
	v18 =	vand.u32 $0xFFFF0000, v18;
	v20 =	vmul.f32 v36, v19  }
0x336: {  	s17 =	sand.u32 $0x3FFFFC00, s17;
	v18 =	vmul.f32 v18, v19  }
0x337: {  	[tilespmem:s17+$0x10C0] =	vst v20  }
0x338: {  	[tilespmem:s17+$0x1100] =	vst v18  }
0x339: {  	v18 =	vld [tilespmem:s19+$0x8D0];
	_ =	sdelay $0x4  }
0x33a: {  	v37 =	vshll.u32 v18, $0x10  }
0x33b: {  	v18 =	vand.u32 $0xFFFF0000, v18;
	v20 =	vmul.f32 v37, v19  }
0x33c: {  	v18 =	vmul.f32 v18, v19  }
0x33d: {  	[tilespmem:s17+$0x10D0] =	vst v20  }
0x33e: {  	[tilespmem:s17+$0x1110] =	vst v18  }
0x33f: {  	v18 =	vld [tilespmem:s19+$0x8E0];
	_ =	sdelay $0x4  }
0x340: {  	v38 =	vshll.u32 v18, $0x10  }
0x341: {  	v18 =	vand.u32 $0xFFFF0000, v18;
	v20 =	vmul.f32 v38, v19  }
0x342: {  	v18 =	vmul.f32 v18, v19  }
0x343: {  	[tilespmem:s17+$0x10E0] =	vst v20  }
0x344: {  	[tilespmem:s17+$0x1120] =	vst v18  }
0x345: {  	v18 =	vld [tilespmem:s19+$0x8F0];
	_ =	sdelay $0x4  }
0x346: {  	v39 =	vshll.u32 v18, $0x10  }
0x347: {  	v18 =	vand.u32 $0xFFFF0000, v18;
	v20 =	vmul.f32 v39, v19  }
0x348: {  	s12 =	sor.u32 $0x9, s9;
	v18 =	vmul.f32 v18, v19  }
0x349: {  	s25 =	sshll.u32 s12, $0x6;
	[tilespmem:s17+$0x10F0] =	vst v20  }
0x34a: {  	s19 =	sand.u32 $0x3FFFFE40, s25;
	[tilespmem:s17+$0x1130] =	vst v18  }
0x34b: {  	v18 =	vld [tilespmem:s19+$0x8C0];
	_ =	sdelay $0x3  }
0x34c: {  	v19 =	vperm.xlane v17, v10  }
0x34d: {  	v40 =	vshll.u32 v18, $0x10  }
0x34e: {  	s12 =	sshll.u32 s12, $0x7;
	v18 =	vand.u32 $0xFFFF0000, v18;
	v20 =	vmul.f32 v40, v19  }
0x34f: {  	s12 =	sand.u32 $0x3FFFFC80, s12;
	v18 =	vmul.f32 v18, v19  }
0x350: {  	[tilespmem:s12+$0x10C0] =	vst v20  }
0x351: {  	[tilespmem:s12+$0x1100] =	vst v18  }
0x352: {  	v18 =	vld [tilespmem:s19+$0x8D0];
	_ =	sdelay $0x4  }
0x353: {  	v41 =	vshll.u32 v18, $0x10  }
0x354: {  	v18 =	vand.u32 $0xFFFF0000, v18;
	v20 =	vmul.f32 v41, v19  }
0x355: {  	v18 =	vmul.f32 v18, v19  }
0x356: {  	[tilespmem:s12+$0x10D0] =	vst v20  }
0x357: {  	[tilespmem:s12+$0x1110] =	vst v18  }
0x358: {  	v18 =	vld [tilespmem:s19+$0x8E0];
	_ =	sdelay $0x4  }
0x359: {  	v42 =	vshll.u32 v18, $0x10  }
0x35a: {  	v18 =	vand.u32 $0xFFFF0000, v18;
	v20 =	vmul.f32 v42, v19  }
0x35b: {  	v18 =	vmul.f32 v18, v19  }
0x35c: {  	[tilespmem:s12+$0x10E0] =	vst v20  }
0x35d: {  	[tilespmem:s12+$0x1120] =	vst v18  }
0x35e: {  	v18 =	vld [tilespmem:s19+$0x8F0];
	_ =	sdelay $0x4  }
0x35f: {  	v43 =	vshll.u32 v18, $0x10  }
0x360: {  	v18 =	vand.u32 $0xFFFF0000, v18;
	v20 =	vmul.f32 v43, v19  }
0x361: {  	s17 =	sor.u32 $0xA, s9;
	v18 =	vmul.f32 v18, v19  }
0x362: {  	s25 =	sshll.u32 s17, $0x6;
	[tilespmem:s12+$0x10F0] =	vst v20  }
0x363: {  	s19 =	sand.u32 $0x3FFFFE80, s25;
	[tilespmem:s12+$0x1130] =	vst v18  }
0x364: {  	v18 =	vld [tilespmem:s19+$0x8C0];
	_ =	sdelay $0x3  }
0x365: {  	v19 =	vperm.xlane v17, v11  }
0x366: {  	v44 =	vshll.u32 v18, $0x10  }
0x367: {  	s17 =	sshll.u32 s17, $0x7;
	v18 =	vand.u32 $0xFFFF0000, v18;
	v20 =	vmul.f32 v44, v19  }
0x368: {  	s17 =	sand.u32 $0x3FFFFD00, s17;
	v18 =	vmul.f32 v18, v19  }
0x369: {  	[tilespmem:s17+$0x10C0] =	vst v20  }
0x36a: {  	[tilespmem:s17+$0x1100] =	vst v18  }
0x36b: {  	v18 =	vld [tilespmem:s19+$0x8D0];
	_ =	sdelay $0x4  }
0x36c: {  	v45 =	vshll.u32 v18, $0x10  }
0x36d: {  	v18 =	vand.u32 $0xFFFF0000, v18;
	v20 =	vmul.f32 v45, v19  }
0x36e: {  	v18 =	vmul.f32 v18, v19  }
0x36f: {  	[tilespmem:s17+$0x10D0] =	vst v20  }
0x370: {  	[tilespmem:s17+$0x1110] =	vst v18  }
0x371: {  	v18 =	vld [tilespmem:s19+$0x8E0];
	_ =	sdelay $0x4  }
0x372: {  	v46 =	vshll.u32 v18, $0x10  }
0x373: {  	v18 =	vand.u32 $0xFFFF0000, v18;
	v20 =	vmul.f32 v46, v19  }
0x374: {  	v18 =	vmul.f32 v18, v19  }
0x375: {  	[tilespmem:s17+$0x10E0] =	vst v20  }
0x376: {  	[tilespmem:s17+$0x1120] =	vst v18  }
0x377: {  	v18 =	vld [tilespmem:s19+$0x8F0];
	_ =	sdelay $0x4  }
0x378: {  	v47 =	vshll.u32 v18, $0x10  }
0x379: {  	v18 =	vand.u32 $0xFFFF0000, v18;
	v20 =	vmul.f32 v47, v19  }
0x37a: {  	s12 =	sor.u32 $0xB, s9;
	v18 =	vmul.f32 v18, v19  }
0x37b: {  	s25 =	sshll.u32 s12, $0x6;
	[tilespmem:s17+$0x10F0] =	vst v20  }
0x37c: {  	s19 =	sand.u32 $0x3FFFFEC0, s25;
	[tilespmem:s17+$0x1130] =	vst v18  }
0x37d: {  	v18 =	vld [tilespmem:s19+$0x8C0];
	_ =	sdelay $0x3  }
0x37e: {  	v19 =	vperm.xlane v17, v12  }
0x37f: {  	v48 =	vshll.u32 v18, $0x10  }
0x380: {  	s12 =	sshll.u32 s12, $0x7;
	v18 =	vand.u32 $0xFFFF0000, v18;
	v20 =	vmul.f32 v48, v19  }
0x381: {  	s12 =	sand.u32 $0x3FFFFD80, s12;
	v18 =	vmul.f32 v18, v19  }
0x382: {  	[tilespmem:s12+$0x10C0] =	vst v20  }
0x383: {  	[tilespmem:s12+$0x1100] =	vst v18  }
0x384: {  	v18 =	vld [tilespmem:s19+$0x8D0];
	_ =	sdelay $0x4  }
0x385: {  	v49 =	vshll.u32 v18, $0x10  }
0x386: {  	v18 =	vand.u32 $0xFFFF0000, v18;
	v20 =	vmul.f32 v49, v19  }
0x387: {  	v18 =	vmul.f32 v18, v19  }
0x388: {  	[tilespmem:s12+$0x10D0] =	vst v20  }
0x389: {  	[tilespmem:s12+$0x1110] =	vst v18  }
0x38a: {  	v18 =	vld [tilespmem:s19+$0x8E0];
	_ =	sdelay $0x4  }
0x38b: {  	v50 =	vshll.u32 v18, $0x10  }
0x38c: {  	v18 =	vand.u32 $0xFFFF0000, v18;
	v20 =	vmul.f32 v50, v19  }
0x38d: {  	v18 =	vmul.f32 v18, v19  }
0x38e: {  	[tilespmem:s12+$0x10E0] =	vst v20  }
0x38f: {  	[tilespmem:s12+$0x1120] =	vst v18  }
0x390: {  	v18 =	vld [tilespmem:s19+$0x8F0];
	_ =	sdelay $0x4  }
0x391: {  	v51 =	vshll.u32 v18, $0x10  }
0x392: {  	v18 =	vand.u32 $0xFFFF0000, v18;
	v20 =	vmul.f32 v51, v19  }
0x393: {  	s17 =	sor.u32 $0xC, s9;
	v18 =	vmul.f32 v18, v19  }
0x394: {  	s25 =	sshll.u32 s17, $0x6;
	[tilespmem:s12+$0x10F0] =	vst v20  }
0x395: {  	s19 =	sand.u32 $0x3FFFFF00, s25;
	[tilespmem:s12+$0x1130] =	vst v18  }
0x396: {  	v18 =	vld [tilespmem:s19+$0x8C0];
	_ =	sdelay $0x3  }
0x397: {  	v19 =	vperm.xlane v17, v13  }
0x398: {  	v52 =	vshll.u32 v18, $0x10  }
0x399: {  	s17 =	sshll.u32 s17, $0x7;
	v18 =	vand.u32 $0xFFFF0000, v18;
	v20 =	vmul.f32 v52, v19  }
0x39a: {  	s17 =	sand.u32 $0x3FFFFE00, s17;
	v18 =	vmul.f32 v18, v19  }
0x39b: {  	[tilespmem:s17+$0x10C0] =	vst v20  }
0x39c: {  	[tilespmem:s17+$0x1100] =	vst v18  }
0x39d: {  	v18 =	vld [tilespmem:s19+$0x8D0];
	_ =	sdelay $0x4  }
0x39e: {  	v53 =	vshll.u32 v18, $0x10  }
0x39f: {  	v18 =	vand.u32 $0xFFFF0000, v18;
	v20 =	vmul.f32 v53, v19  }
0x3a0: {  	v18 =	vmul.f32 v18, v19  }
0x3a1: {  	[tilespmem:s17+$0x10D0] =	vst v20  }
0x3a2: {  	[tilespmem:s17+$0x1110] =	vst v18  }
0x3a3: {  	v18 =	vld [tilespmem:s19+$0x8E0];
	_ =	sdelay $0x4  }
0x3a4: {  	v54 =	vshll.u32 v18, $0x10  }
0x3a5: {  	v18 =	vand.u32 $0xFFFF0000, v18;
	v20 =	vmul.f32 v54, v19  }
0x3a6: {  	v18 =	vmul.f32 v18, v19  }
0x3a7: {  	[tilespmem:s17+$0x10E0] =	vst v20  }
0x3a8: {  	[tilespmem:s17+$0x1120] =	vst v18  }
0x3a9: {  	v18 =	vld [tilespmem:s19+$0x8F0];
	_ =	sdelay $0x4  }
0x3aa: {  	v55 =	vshll.u32 v18, $0x10  }
0x3ab: {  	v18 =	vand.u32 $0xFFFF0000, v18;
	v20 =	vmul.f32 v55, v19  }
0x3ac: {  	s12 =	sor.u32 $0xD, s9;
	v18 =	vmul.f32 v18, v19  }
0x3ad: {  	s25 =	sshll.u32 s12, $0x6;
	[tilespmem:s17+$0x10F0] =	vst v20  }
0x3ae: {  	s19 =	sand.u32 $0x3FFFFF40, s25;
	[tilespmem:s17+$0x1130] =	vst v18  }
0x3af: {  	v18 =	vld [tilespmem:s19+$0x8C0];
	_ =	sdelay $0x3  }
0x3b0: {  	v19 =	vperm.xlane v17, v14  }
0x3b1: {  	v56 =	vshll.u32 v18, $0x10  }
0x3b2: {  	s12 =	sshll.u32 s12, $0x7;
	v18 =	vand.u32 $0xFFFF0000, v18;
	v20 =	vmul.f32 v56, v19  }
0x3b3: {  	s12 =	sand.u32 $0x3FFFFE80, s12;
	v18 =	vmul.f32 v18, v19  }
0x3b4: {  	[tilespmem:s12+$0x10C0] =	vst v20  }
0x3b5: {  	[tilespmem:s12+$0x1100] =	vst v18  }
0x3b6: {  	v18 =	vld [tilespmem:s19+$0x8D0];
	_ =	sdelay $0x4  }
0x3b7: {  	v57 =	vshll.u32 v18, $0x10  }
0x3b8: {  	v18 =	vand.u32 $0xFFFF0000, v18;
	v20 =	vmul.f32 v57, v19  }
0x3b9: {  	v18 =	vmul.f32 v18, v19  }
0x3ba: {  	[tilespmem:s12+$0x10D0] =	vst v20  }
0x3bb: {  	[tilespmem:s12+$0x1110] =	vst v18  }
0x3bc: {  	v18 =	vld [tilespmem:s19+$0x8E0];
	_ =	sdelay $0x4  }
0x3bd: {  	v58 =	vshll.u32 v18, $0x10  }
0x3be: {  	v18 =	vand.u32 $0xFFFF0000, v18;
	v20 =	vmul.f32 v58, v19  }
0x3bf: {  	v18 =	vmul.f32 v18, v19  }
0x3c0: {  	[tilespmem:s12+$0x10E0] =	vst v20  }
0x3c1: {  	[tilespmem:s12+$0x1120] =	vst v18  }
0x3c2: {  	v18 =	vld [tilespmem:s19+$0x8F0];
	_ =	sdelay $0x4  }
0x3c3: {  	v59 =	vshll.u32 v18, $0x10  }
0x3c4: {  	v18 =	vand.u32 $0xFFFF0000, v18;
	v20 =	vmul.f32 v59, v19  }
0x3c5: {  	s9 =	sor.u32 $0xE, s9;
	v18 =	vmul.f32 v18, v19  }
0x3c6: {  	s25 =	sshll.u32 s9, $0x6;
	[tilespmem:s12+$0x10F0] =	vst v20  }
0x3c7: {  	s18 =	sand.u32 $0x3FFFFF80, s25;
	[tilespmem:s12+$0x1130] =	vst v18  }
0x3c8: {  	v18 =	vld [tilespmem:s18+$0x8C0];
	_ =	sdelay $0x3  }
0x3c9: {  	v19 =	vperm.xlane v17, v15  }
0x3ca: {  	v60 =	vshll.u32 v18, $0x10  }
0x3cb: {  	s9 =	sshll.u32 s9, $0x7;
	v18 =	vand.u32 $0xFFFF0000, v18;
	v20 =	vmul.f32 v60, v19  }
0x3cc: {  	s9 =	sand.u32 $0x3FFFFF00, s9;
	v18 =	vmul.f32 v18, v19  }
0x3cd: {  	[tilespmem:s9+$0x10C0] =	vst v20  }
0x3ce: {  	[tilespmem:s9+$0x1100] =	vst v18  }
0x3cf: {  	v18 =	vld [tilespmem:s18+$0x8D0];
	_ =	sdelay $0x4  }
0x3d0: {  	v61 =	vshll.u32 v18, $0x10  }
0x3d1: {  	v18 =	vand.u32 $0xFFFF0000, v18;
	v20 =	vmul.f32 v61, v19  }
0x3d2: {  	v18 =	vmul.f32 v18, v19  }
0x3d3: {  	[tilespmem:s9+$0x10D0] =	vst v20  }
0x3d4: {  	[tilespmem:s9+$0x1110] =	vst v18  }
0x3d5: {  	v18 =	vld [tilespmem:s18+$0x8E0];
	_ =	sdelay $0x4  }
0x3d6: {  	v62 =	vshll.u32 v18, $0x10  }
0x3d7: {  	v18 =	vand.u32 $0xFFFF0000, v18;
	v20 =	vmul.f32 v62, v19  }
0x3d8: {  	v18 =	vmul.f32 v18, v19  }
0x3d9: {  	[tilespmem:s9+$0x10E0] =	vst v20  }
0x3da: {  	[tilespmem:s9+$0x1120] =	vst v18  }
0x3db: {  	v18 =	vld [tilespmem:s18+$0x8F0];
	_ =	sdelay $0x4  }
0x3dc: {  	v63 =	vshll.u32 v18, $0x10  }
0x3dd: {  	v18 =	vand.u32 $0xFFFF0000, v18;
	v20 =	vmul.f32 v63, v19  }
0x3de: {  	s19 =	sshllo.u32 s16, $0x4;
	v18 =	vmul.f32 v18, v19  }
0x3df: {  	s16 =	sshll.u32 s19, $0x6;
	[tilespmem:s9+$0x10F0] =	vst v20  }
0x3e0: {  	s25 =	sand.u32 $0x3FFFFFC0, s16;
	[tilespmem:s9+$0x1130] =	vst v18  }
0x3e1: {  	v18 =	vld [tilespmem:s25+$0x8C0];
	_ =	sdelay $0x3  }
0x3e2: {  	v17 =	vperm.xlane v17, v16  }
0x3e3: {  	v19 =	vshll.u32 v18, $0x10  }
0x3e4: {  	s12 =	sshll.u32 s19, $0x7;
	v18 =	vand.u32 $0xFFFF0000, v18;
	v19 =	vmul.f32 v19, v17  }
0x3e5: {  	s12 =	sand.u32 $0x3FFFFF80, s12;
	v18 =	vmul.f32 v18, v17  }
0x3e6: {  	[tilespmem:s12+$0x10C0] =	vst v19  }
0x3e7: {  	[tilespmem:s12+$0x1100] =	vst v18  }
0x3e8: {  	v18 =	vld [tilespmem:s25+$0x8D0];
	_ =	sdelay $0x4  }
0x3e9: {  	v19 =	vshll.u32 v18, $0x10  }
0x3ea: {  	v18 =	vand.u32 $0xFFFF0000, v18;
	v19 =	vmul.f32 v19, v17  }
0x3eb: {  	v18 =	vmul.f32 v18, v17  }
0x3ec: {  	[tilespmem:s12+$0x10D0] =	vst v19  }
0x3ed: {  	[tilespmem:s12+$0x1110] =	vst v18  }
0x3ee: {  	v18 =	vld [tilespmem:s25+$0x8E0];
	_ =	sdelay $0x4  }
0x3ef: {  	v19 =	vshll.u32 v18, $0x10  }
0x3f0: {  	v18 =	vand.u32 $0xFFFF0000, v18;
	v19 =	vmul.f32 v19, v17  }
0x3f1: {  	v18 =	vmul.f32 v18, v17  }
0x3f2: {  	[tilespmem:s12+$0x10E0] =	vst v19  }
0x3f3: {  	[tilespmem:s12+$0x1120] =	vst v18  }
0x3f4: {  	v18 =	vld [tilespmem:s25+$0x8F0];
	_ =	sdelay $0x3  }
0x3f5: {  	p2 =	por p1, p1  }
.Ltmp2:
0x3f6: {  	v19 =	vshll.u32 v18, $0x10;
	(pc) =	sbr.rel @p2 .LBB2_7-.Ltmp2, $4  }
0x3f7: {  	v18 =	vand.u32 $0xFFFF0000, v18;
	v19 =	vmul.f32 v19, v17  }
0x3f8: {  	v17 =	vmul.f32 v18, v17  }
0x3f9: {  	[tilespmem:s12+$0x10F0] =	vst v19  }
0x3fa: {  	p1 =	por $0x0, $0x0;
	s16 =	simm.s32 $0x1;
	[tilespmem:s12+$0x1130] =	vst v17  }
0x3fb: {  	s15 =	sadd.s32 $0x1, s15  }
0x3fc: {  	p1 =	sne.s32 s15, $0x9D  }
.Ltmp3:
0x3fd: {  	_ = 	snop;
	(pc) =	sbr.rel @p1 .LBB2_4-.Ltmp3, $4  }
0x3fe: {  	[spmem:s2] =	stream.indirect.scatter.add.f32 [tilespmem:s23], [sflag:$0x7], $0x80, s0, s24, $0xb8;
	[tilespmem:$0x1F580] =	vst v63  }
0x3ff: {  	_ =	swait.ge [sflag:s22], $0x1000  }
0x400: {  	[sflag:s22] =	ssyncset.done $0x0  }
0x401: {  	[sflag:s22] =	ssyncadd.s32 $0xFFFFF000  }
0x402: {  	[bflag:$0x0] =	sbarrier.arrive $0xFFFF  }
0x403: {  	s12 =	rddreg [dreg:$0x7]  }
0x404: {  	s14 =	rddreg [dreg:$0xf];
	s9 =	sshrl.u32 s12, $0x3  }
0x405: {  	[hbm:s14], [sflag:s10] =	dma.local [spmem:s9], $0x2700  }
0x406: {  	_ =	swait.ge [sflag:s22], $0x2700  }
0x407: {  	s15 =	sld [smem:$0x7FD];
	_ =	sdelay $0x1  }
0x408: {  	[sflag:s22] =	ssyncset.done $0x0  }
0x409: {  	s14 =	rddreg [dreg:$0x1f];
	[sflag:s22] =	ssyncadd.s32 $0xFFFFD900;
	s9 =	sshrl.u32 @!p0 s15, $0x3  }
0x40a: {  	[hbm:s14], [sflag:s10] =	dma.local @!p0 [spmem:s9], $0x100  }
0x40b: {  	s9 =	simm.s32 @!p0 $0x7  }
0x40c: {  	_ =	swait.ge @!p0 [sflag:s9], $0x100  }
0x40d: {  	s25 =	sld [smem:$0x7F9];
	_ =	sdelay $0x1  }
0x40e: {  	s3 =	sadd.s32 $0x1, s3  }
0x40f: {  	p1 =	sne.s32 s3, s25  }
.Ltmp4:
0x410: {  	_ = 	snop;
	(pc) =	sbr.rel @p1 .LBB2_1-.Ltmp4, $3  }
0x411: {  	_ =	sdelay $0x1  }
0x412: {  	[sflag:s9] =	ssyncset.done @!p0 $0x0  }
0x413: {  	[sflag:s9] =	ssyncadd.s32 @!p0 $0xFFFFFF00  }
0x414: {  	_ =	sfence.sel $0x180000  }
0x415: {  	[bflag:$0x0] =	sbarrier.arrive $0xFFFF  }
0x416: {  	_ =	strace $0x90000047  }
0x417: {  	s0 =	stileid.u32;
	[bflag:$0x2] =	sbarrier.arrive $0xFFFF  }
0x418: {  	p0 =	sne.s32 s0, $0x0;
	s0 =	rddreg [dreg:$0x4]  }
0x419: {  	s0 =	sadd.s32 @!p0 $0x100000, s0  }
0x41a: {  	[sflag:s0] =	ssyncadd.tile.s32 @!p0 $0x1;
	_ =	shalt  }
.Lfunc_end2:
_tile_overlayer_lowered:
.L_overlay_start_2:
0x41b: {  	(tag) =	ssettag $0x2  }
0x41c: {  	s0 =	rddreg [dreg:$0x0];
	s2 =	stileid.u32  }
0x41d: {  	s1 =	rddreg [dreg:$0x1];
	p0 =	sne.s32 s2, $0x0  }
0x41e: {  	s3 =	rddreg [dreg:$0x2];
	[bflag:$0x3] =	sbarrier.arrive $0xFFFF;
	s2 =	simm.s32 @!p0 $0x1C07  }
0x41f: {  	[timem:s3], [sflag:s2] =	dma.local @!p0 [hbm:s0], s1  }
0x420: {  	s0 =	simm.s32 @!p0 $0x7  }
0x421: {  	_ =	swait.ge @!p0 [sflag:s0], s1  }
0x422: {  	s1 =	ssub.s32 @!p0 $0x0, s1;
	[sflag:s0] =	ssyncset.done @!p0 $0x0  }
0x423: {  	[sflag:s0] =	ssyncadd.s32 @!p0 s1  }
0x424: {  	[bflag:$0x3] =	sbarrier.arrive $0xFFFF  }
0x425: {  	_ =	shalt  }

</sc_bundles>
